<compile_context>
chip_gen: v7x
topology: tpu7x:2x2x1
jax: 0.10.2.dev20260603
libtpu: 0.0.44.dev20260713+nightly
codegen_flags: <defaults>
</compile_context>

<pallas_src>
import functools

import jax
import jax.numpy as jnp
from jax import lax
from jax.experimental import pallas as pl
from jax.experimental.pallas import tpu as pltpu
from jax.experimental.pallas import tpu_sc as plsc

N = 10000
D = 128
E = 320000

_NC = 2
_NS = 16
_NW = _NC * _NS
_EPW = E // _NW
_C = 128
_FULL = _EPW // _C
_TAIL = _EPW - _FULL * _C

_RPT_MAIN = 632
_RPT_LAST = N - 15 * _RPT_MAIN


def _bcast_lane(vec16, l):
    dnums = lax.GatherDimensionNumbers(
        offset_dims=(), collapsed_slice_dims=(0,), start_index_map=(0,))
    idx = jnp.full((16, 1), l, jnp.int32)
    return lax.gather(vec16, idx, dnums, slice_sizes=(1,),
                      mode=lax.GatherScatterMode.PROMISE_IN_BOUNDS)


def _sc_scatter(x, src, dst, wgt):
    mesh = plsc.VectorSubcoreMesh(core_axis_name="c", subcore_axis_name="s")

    @functools.partial(
        pl.kernel,
        mesh=mesh,
        out_type=jax.ShapeDtypeStruct((_NC, N, D), jnp.float32),
        scratch_types=[
            pltpu.VMEM((_C,), jnp.int32),
            pltpu.VMEM((_C,), jnp.int32),
            pltpu.VMEM((_C,), jnp.float32),
            pltpu.VMEM((_C, D), jnp.float32),
            pltpu.VMEM((_TAIL,), jnp.int32),
            pltpu.VMEM((_TAIL,), jnp.int32),
            pltpu.VMEM((_TAIL,), jnp.float32),
            pltpu.VMEM((_TAIL, D), jnp.float32),
            pltpu.VMEM_SHARED((N, D), jnp.float32),
            pltpu.SemaphoreType.DMA,
        ],
    )
    def k(x_hbm, src_hbm, dst_hbm, wgt_hbm, out_hbm,
          src_v, dst_v, wgt_v, rows_v, src_t, dst_t, wgt_t, rows_t, acc, sem):
        c = lax.axis_index("c")
        s = lax.axis_index("s")
        wid = c * _NS + s
        lane = lax.iota(jnp.int32, 16)
        zero16 = jnp.zeros((16,), jnp.float32)

        def zrow(i, _):
            for j in range(D // 16):
                rows_v[i, 16 * j:16 * (j + 1)] = zero16
            return 0
        lax.fori_loop(0, _C, zrow, 0)
        row0 = s * _RPT_MAIN

        def zero_span(cnt):
            nblk = cnt // _C
            for b in range(nblk):
                pltpu.sync_copy(rows_v, acc.at[pl.ds(row0 + b * _C, _C)])
            rem = cnt - nblk * _C
            if rem:
                pltpu.sync_copy(rows_v.at[pl.ds(0, rem)],
                                acc.at[pl.ds(row0 + nblk * _C, rem)])

        @pl.when(s < _NS - 1)
        def _():
            zero_span(_RPT_MAIN)

        @pl.when(s == _NS - 1)
        def _():
            zero_span(_RPT_LAST)
        plsc.subcore_barrier()

        ebase = wid * _EPW

        def do_chunk(base, cc, src_r, dst_r, wgt_r, rows_r):
            pltpu.sync_copy(src_hbm.at[pl.ds(base, cc)], src_r)
            pltpu.sync_copy(dst_hbm.at[pl.ds(base, cc)], dst_r)
            pltpu.sync_copy(wgt_hbm.at[pl.ds(base, cc)], wgt_r)
            pltpu.async_copy(x_hbm.at[src_r], rows_r, sem).wait()

            def group(g, _):
                wv16 = wgt_r[pl.ds(g * 16, 16)]
                for l in range(16):
                    wv = _bcast_lane(wv16, l)
                    e = g * 16 + l
                    for jj in range(D // 16):
                        v = rows_r[e, 16 * jj:16 * (jj + 1)]
                        rows_r[e, 16 * jj:16 * (jj + 1)] = v * wv
                return 0
            lax.fori_loop(0, cc // 16, group, 0)
            pltpu.sync_copy(rows_r, acc.at[dst_r], add=True)

        def chunk(kk, _):
            do_chunk(ebase + kk * _C, _C, src_v, dst_v, wgt_v, rows_v)
            return 0
        lax.fori_loop(0, _FULL, chunk, 0)
        if _TAIL:
            do_chunk(ebase + _FULL * _C, _TAIL, src_t, dst_t, wgt_t, rows_t)
        plsc.subcore_barrier()

        @pl.when(s < _NS - 1)
        def _():
            pltpu.sync_copy(acc.at[pl.ds(row0, _RPT_MAIN)],
                            out_hbm.at[c, pl.ds(row0, _RPT_MAIN)])

        @pl.when(s == _NS - 1)
        def _():
            pltpu.sync_copy(acc.at[pl.ds(row0, _RPT_LAST)],
                            out_hbm.at[c, pl.ds(row0, _RPT_LAST)])

    return k(x, src, dst, wgt)


def _tc_finish(p0, p1, W):
    B = 1000

    def body(p0_ref, p1_ref, w_ref, o_ref):
        acc = p0_ref[...] + p1_ref[...]
        o_ref[...] = jnp.maximum(
            jnp.dot(acc, w_ref[...], preferred_element_type=jnp.float32), 0.0)

    return pl.pallas_call(
        body,
        grid=(N // B,),
        in_specs=[
            pl.BlockSpec((B, D), lambda i: (i, 0)),
            pl.BlockSpec((B, D), lambda i: (i, 0)),
            pl.BlockSpec((D, D), lambda i: (0, 0)),
        ],
        out_specs=pl.BlockSpec((B, D), lambda i: (i, 0)),
        out_shape=jax.ShapeDtypeStruct((N, D), jnp.float32),
    )(p0, p1, W)


def kernel(x, edge_index, edge_weight, W):
    src = edge_index[1]
    dst = edge_index[0]
    partials = _sc_scatter(x, src, dst, edge_weight)
    return _tc_finish(partials[0], partials[1], W)

# --- scband reference (transcript-rebuilt; emitter-appended) ---
"""Pipeline reference for scband-convolution-sparse-layer-17437567222235 (READ-ONLY COPY).

The authoritative reference and input builder live on the scoring server;
editing this copy changes nothing except your own understanding.
"""

import jax, jax.numpy as jnp
import numpy as np

N = 10000
E = 320000
D_IN = 128
D_OUT = 128

def setup_inputs(seed: int = 0) -> dict:
    key = jax.random.key(seed)
    k1, k2, k3, k4 = jax.random.split(key, 4)
    # Node features (the original uses a sparse feature tensor; the sparse-dense
    # matmul x @ W is mathematically identical with a dense x).
    x = jax.random.normal(k1, (N, D_IN), dtype=jnp.float32)
    # Adjacency in COO form: row = dst (output row of spmm), col = src.
    # int64 requested; jax canonicalizes to int32 without x64 enabled, which is fine.
    edge_index = jax.random.randint(k2, (2, E), 0, N, dtype=jnp.int32)
    edge_weight = jax.random.uniform(k3, (E,), dtype=jnp.float32)
    # Glorot-uniform kernel per add_weight(shape=(input_dim, output_dim)).
    limit = np.sqrt(6.0 / (D_IN + D_OUT)).astype(np.float32)
    W = jax.random.uniform(k4, (D_IN, D_OUT), dtype=jnp.float32, minval=-limit, maxval=limit)
    return {"x": x, "edge_index": edge_index, "edge_weight": edge_weight, "W": W}

def reference(x, edge_index, edge_weight, W):
    # x = tf.sparse.sparse_dense_matmul(x, kernel)
    h = x @ W
    # x = tf.sparse.sparse_dense_matmul(adj, x) -- COO spmm as gather + scatter-add.
    # (tf.sparse.reorder only canonicalizes index order; segment_sum over dst rows
    # with duplicate accumulation is the exact same math.)
    src = edge_index[1]
    dst = edge_index[0]
    msgs = h[src] * edge_weight[:, None]
    out = jax.ops.segment_sum(msgs, dst, num_segments=N)
    # activation('relu')
    return jax.nn.relu(out)

if __name__ == "__main__":
    import jax
    _d = setup_inputs()
    print(jax.jit(kernel)(*tuple(_d.values())))

</pallas_src>

<mosaic_0001>
#map = affine_map<(d0, d1) -> (0, 0)>
#map1 = affine_map<(d0, d1) -> (0)>
#map2 = affine_map<(d0, d1) -> (0, 0, 0)>
module attributes {stable_mosaic.version = 14 : i64} {
  func.func @k(%arg0: i32, %arg1: i32, %arg2: memref<10000x128xf32, #tpu.memory_space<hbm>>, %arg3: memref<320000xi32, #tpu.memory_space<hbm>>, %arg4: memref<320000xi32, #tpu.memory_space<hbm>>, %arg5: memref<320000xf32, #tpu.memory_space<hbm>>, %arg6: memref<2x10000x128xf32, #tpu.memory_space<hbm>>, %arg7: memref<128xi32, #tpu.memory_space<vmem>>, %arg8: memref<128xi32, #tpu.memory_space<vmem>>, %arg9: memref<128xf32, #tpu.memory_space<vmem>>, %arg10: memref<128x128xf32, #tpu.memory_space<vmem>>, %arg11: memref<16xi32, #tpu.memory_space<vmem>>, %arg12: memref<16xi32, #tpu.memory_space<vmem>>, %arg13: memref<16xf32, #tpu.memory_space<vmem>>, %arg14: memref<16x128xf32, #tpu.memory_space<vmem>>, %arg15: memref<10000x128xf32, #tpu.memory_space<vmem_shared>>, %arg16: memref<!tpu.dma_semaphore, #tpu.memory_space<semaphore_mem>>) attributes {dimension_semantics = [#tpu.dimension_semantics<core_parallel>, #tpu.dimension_semantics<subcore_parallel>], iteration_bounds = array<i64: 2, 16>, scalar_prefetch = 0 : i64, scratch_operands = 10 : i64, tpu.core_type = #tpu.core_type<sc_vector_subcore>, window_params = [{transform_indices = #map}, {transform_indices = #map1}, {transform_indices = #map1}, {transform_indices = #map1}, {transform_indices = #map2}]} {
    %mul3A = arith.constant 16 : i32
    %mul3A_0 = arith.muli %arg0, %mul3A : i32
    %add3A = arith.addi %mul3A_0, %arg1 : i32
    %iota3A = tpu.iota {dimensions = array<i32: 0>} : vector<16xi32>
    %broadcast_in_dim3A = arith.constant 0.000000e+00 : f32
    %broadcast_in_dim3A_1 = vector.broadcast %broadcast_in_dim3A : f32 to vector<16xf32>
    %scan3A = arith.constant 0 : i32
    %scan3A_2 = arith.constant 0 : i32
    %scan3A_3 = arith.constant 128 : i32
    %scan3A_4 = arith.addi %scan3A_2, %scan3A_3 : i32
    %scan3A_5 = arith.constant 1 : i32
    %scan3A_6 = scf.for %scan3A_1456 = %scan3A_2 to %scan3A_4 step %scan3A_5 iter_args(%scan3A_1457 = %scan3A) -> (i32)  : i32 {
      %swap3A_1458 = arith.index_cast %scan3A_1456 : i32 to index
      %swap3A_1459 = arith.constant 0 : index
      %swap3A_1460 = tpu.vector_load %arg10[%swap3A_1458, %swap3A_1459] {strides = array<i32>} : memref<128x128xf32, #tpu.memory_space<vmem>>, vector<1x16xf32>,
      %swap3A_1461 = vector.shape_cast %swap3A_1460 : vector<1x16xf32> to vector<16xf32>
      %swap3A_1462 = vector.shape_cast %broadcast_in_dim3A_1 : vector<16xf32> to vector<1x16xf32>
      tpu.vector_store %arg10[%swap3A_1458, %swap3A_1459], %swap3A_1462 {strides = array<i32>} : memref<128x128xf32, #tpu.memory_space<vmem>>, vector<1x16xf32>,
      %swap3A_1463 = arith.index_cast %scan3A_1456 : i32 to index
      %swap3A_1464 = arith.constant 16 : index
      %swap3A_1465 = tpu.vector_load %arg10[%swap3A_1463, %swap3A_1464] {strides = array<i32>} : memref<128x128xf32, #tpu.memory_space<vmem>>, vector<1x16xf32>,
      %swap3A_1466 = vector.shape_cast %swap3A_1465 : vector<1x16xf32> to vector<16xf32>
      %swap3A_1467 = vector.shape_cast %broadcast_in_dim3A_1 : vector<16xf32> to vector<1x16xf32>
      tpu.vector_store %arg10[%swap3A_1463, %swap3A_1464], %swap3A_1467 {strides = array<i32>} : memref<128x128xf32, #tpu.memory_space<vmem>>, vector<1x16xf32>,
      %swap3A_1468 = arith.index_cast %scan3A_1456 : i32 to index
      %swap3A_1469 = arith.constant 32 : index
      %swap3A_1470 = tpu.vector_load %arg10[%swap3A_1468, %swap3A_1469] {strides = array<i32>} : memref<128x128xf32, #tpu.memory_space<vmem>>, vector<1x16xf32>,
      %swap3A_1471 = vector.shape_cast %swap3A_1470 : vector<1x16xf32> to vector<16xf32>
      %swap3A_1472 = vector.shape_cast %broadcast_in_dim3A_1 : vector<16xf32> to vector<1x16xf32>
      tpu.vector_store %arg10[%swap3A_1468, %swap3A_1469], %swap3A_1472 {strides = array<i32>} : memref<128x128xf32, #tpu.memory_space<vmem>>, vector<1x16xf32>,
      %swap3A_1473 = arith.index_cast %scan3A_1456 : i32 to index
      %swap3A_1474 = arith.constant 48 : index
      %swap3A_1475 = tpu.vector_load %arg10[%swap3A_1473, %swap3A_1474] {strides = array<i32>} : memref<128x128xf32, #tpu.memory_space<vmem>>, vector<1x16xf32>,
      %swap3A_1476 = vector.shape_cast %swap3A_1475 : vector<1x16xf32> to vector<16xf32>
      %swap3A_1477 = vector.shape_cast %broadcast_in_dim3A_1 : vector<16xf32> to vector<1x16xf32>
      tpu.vector_store %arg10[%swap3A_1473, %swap3A_1474], %swap3A_1477 {strides = array<i32>} : memref<128x128xf32, #tpu.memory_space<vmem>>, vector<1x16xf32>,
      %swap3A_1478 = arith.index_cast %scan3A_1456 : i32 to index
      %swap3A_1479 = arith.constant 64 : index
      %swap3A_1480 = tpu.vector_load %arg10[%swap3A_1478, %swap3A_1479] {strides = array<i32>} : memref<128x128xf32, #tpu.memory_space<vmem>>, vector<1x16xf32>,
      %swap3A_1481 = vector.shape_cast %swap3A_1480 : vector<1x16xf32> to vector<16xf32>
      %swap3A_1482 = vector.shape_cast %broadcast_in_dim3A_1 : vector<16xf32> to vector<1x16xf32>
      tpu.vector_store %arg10[%swap3A_1478, %swap3A_1479], %swap3A_1482 {strides = array<i32>} : memref<128x128xf32, #tpu.memory_space<vmem>>, vector<1x16xf32>,
      %swap3A_1483 = arith.index_cast %scan3A_1456 : i32 to index
      %swap3A_1484 = arith.constant 80 : index
      %swap3A_1485 = tpu.vector_load %arg10[%swap3A_1483, %swap3A_1484] {strides = array<i32>} : memref<128x128xf32, #tpu.memory_space<vmem>>, vector<1x16xf32>,
      %swap3A_1486 = vector.shape_cast %swap3A_1485 : vector<1x16xf32> to vector<16xf32>
      %swap3A_1487 = vector.shape_cast %broadcast_in_dim3A_1 : vector<16xf32> to vector<1x16xf32>
      tpu.vector_store %arg10[%swap3A_1483, %swap3A_1484], %swap3A_1487 {strides = array<i32>} : memref<128x128xf32, #tpu.memory_space<vmem>>, vector<1x16xf32>,
      %swap3A_1488 = arith.index_cast %scan3A_1456 : i32 to index
      %swap3A_1489 = arith.constant 96 : index
      %swap3A_1490 = tpu.vector_load %arg10[%swap3A_1488, %swap3A_1489] {strides = array<i32>} : memref<128x128xf32, #tpu.memory_space<vmem>>, vector<1x16xf32>,
      %swap3A_1491 = vector.shape_cast %swap3A_1490 : vector<1x16xf32> to vector<16xf32>
      %swap3A_1492 = vector.shape_cast %broadcast_in_dim3A_1 : vector<16xf32> to vector<1x16xf32>
      tpu.vector_store %arg10[%swap3A_1488, %swap3A_1489], %swap3A_1492 {strides = array<i32>} : memref<128x128xf32, #tpu.memory_space<vmem>>, vector<1x16xf32>,
      %swap3A_1493 = arith.index_cast %scan3A_1456 : i32 to index
      %swap3A_1494 = arith.constant 112 : index
      %swap3A_1495 = tpu.vector_load %arg10[%swap3A_1493, %swap3A_1494] {strides = array<i32>} : memref<128x128xf32, #tpu.memory_space<vmem>>, vector<1x16xf32>,
      %swap3A_1496 = vector.shape_cast %swap3A_1495 : vector<1x16xf32> to vector<16xf32>
      %swap3A_1497 = vector.shape_cast %broadcast_in_dim3A_1 : vector<16xf32> to vector<1x16xf32>
      tpu.vector_store %arg10[%swap3A_1493, %swap3A_1494], %swap3A_1497 {strides = array<i32>} : memref<128x128xf32, #tpu.memory_space<vmem>>, vector<1x16xf32>,
      %scan3A_1498 = arith.constant 0 : i32
      scf.yield %scan3A_1498 : i32
    }
    %scan3A_7 = arith.constant 128 : i32
    %mul3A_8 = arith.constant 632 : i32
    %mul3A_9 = arith.muli %arg1, %mul3A_8 : i32
    %lt3A = arith.constant 15 : i32
    %lt3A_10 = arith.cmpi slt, %arg1, %lt3A : i32
    %convert_element_type3A = arith.extui %lt3A_10 : i1 to i32
    %cond3A = arith.constant 0 : i32
    %cond3A_11 = arith.cmpi ne, %convert_element_type3A, %cond3A : i32
    scf.if %cond3A_11 {
      %add3A_1456 = arith.constant 0 : i32
      %add3A_1457 = arith.addi %mul3A_9, %add3A_1456 : i32
      "tpu.region"() ({
        %run_scoped3A = tpu.sem_alloc : memref<!tpu.dma_semaphore, #tpu.memory_space<semaphore_mem>>
        %dma_start3A_1466 = arith.constant 0 : i32
        %dma_start3A_1467 = tpu.memref_slice %arg15[%add3A_1457, %dma_start3A_1466] : memref<10000x128xf32, #tpu.memory_space<vmem_shared>> -> memref<128x128xf32, #tpu.memory_space<vmem_shared>>
        %dma_start3A_1468 = arith.constant 0 : i32
        %dma_start3A_1469 = tpu.memref_slice %arg15[%add3A_1457, %dma_start3A_1468] : memref<10000x128xf32, #tpu.memory_space<vmem_shared>> -> memref<128x128xf32, #tpu.memory_space<vmem_shared>>
        tpu.enqueue_dma source(%arg10 : memref<128x128xf32, #tpu.memory_space<vmem>>) target(%dma_start3A_1469 : memref<128x128xf32, #tpu.memory_space<vmem_shared>>) target_semaphore(%run_scoped3A : memref<!tpu.dma_semaphore, #tpu.memory_space<semaphore_mem>>)
        %dma_wait3A_1470 = arith.constant 0 : i32
        %dma_wait3A_1471 = tpu.memref_slice %arg15[%add3A_1457, %dma_wait3A_1470] : memref<10000x128xf32, #tpu.memory_space<vmem_shared>> -> memref<128x128xf32, #tpu.memory_space<vmem_shared>>
        %dma_wait3A_1472 = arith.constant 0 : i32
        %dma_wait3A_1473 = tpu.memref_slice %arg15[%add3A_1457, %dma_wait3A_1472] : memref<10000x128xf32, #tpu.memory_space<vmem_shared>> -> memref<128x128xf32, #tpu.memory_space<vmem_shared>>
        tpu.wait_dma2 semaphore(%run_scoped3A : memref<!tpu.dma_semaphore, #tpu.memory_space<semaphore_mem>>) src(%arg10 : memref<128x128xf32, #tpu.memory_space<vmem>>) dst(%dma_wait3A_1473 : memref<128x128xf32, #tpu.memory_space<vmem_shared>>)
        tpu.yield
      }) : () -> ()
      %add3A_1458 = arith.constant 128 : i32
      %add3A_1459 = arith.addi %mul3A_9, %add3A_1458 : i32
      "tpu.region"() ({
        %run_scoped3A = tpu.sem_alloc : memref<!tpu.dma_semaphore, #tpu.memory_space<semaphore_mem>>
        %dma_start3A_1466 = arith.constant 0 : i32
        %dma_start3A_1467 = tpu.memref_slice %arg15[%add3A_1459, %dma_start3A_1466] : memref<10000x128xf32, #tpu.memory_space<vmem_shared>> -> memref<128x128xf32, #tpu.memory_space<vmem_shared>>
        %dma_start3A_1468 = arith.constant 0 : i32
        %dma_start3A_1469 = tpu.memref_slice %arg15[%add3A_1459, %dma_start3A_1468] : memref<10000x128xf32, #tpu.memory_space<vmem_shared>> -> memref<128x128xf32, #tpu.memory_space<vmem_shared>>
        tpu.enqueue_dma source(%arg10 : memref<128x128xf32, #tpu.memory_space<vmem>>) target(%dma_start3A_1469 : memref<128x128xf32, #tpu.memory_space<vmem_shared>>) target_semaphore(%run_scoped3A : memref<!tpu.dma_semaphore, #tpu.memory_space<semaphore_mem>>)
        %dma_wait3A_1470 = arith.constant 0 : i32
        %dma_wait3A_1471 = tpu.memref_slice %arg15[%add3A_1459, %dma_wait3A_1470] : memref<10000x128xf32, #tpu.memory_space<vmem_shared>> -> memref<128x128xf32, #tpu.memory_space<vmem_shared>>
        %dma_wait3A_1472 = arith.constant 0 : i32
        %dma_wait3A_1473 = tpu.memref_slice %arg15[%add3A_1459, %dma_wait3A_1472] : memref<10000x128xf32, #tpu.memory_space<vmem_shared>> -> memref<128x128xf32, #tpu.memory_space<vmem_shared>>
        tpu.wait_dma2 semaphore(%run_scoped3A : memref<!tpu.dma_semaphore, #tpu.memory_space<semaphore_mem>>) src(%arg10 : memref<128x128xf32, #tpu.memory_space<vmem>>) dst(%dma_wait3A_1473 : memref<128x128xf32, #tpu.memory_space<vmem_shared>>)
        tpu.yield
      }) : () -> ()
      %add3A_1460 = arith.constant 256 : i32
      %add3A_1461 = arith.addi %mul3A_9, %add3A_1460 : i32
      "tpu.region"() ({
        %run_scoped3A = tpu.sem_alloc : memref<!tpu.dma_semaphore, #tpu.memory_space<semaphore_mem>>
        %dma_start3A_1466 = arith.constant 0 : i32
        %dma_start3A_1467 = tpu.memref_slice %arg15[%add3A_1461, %dma_start3A_1466] : memref<10000x128xf32, #tpu.memory_space<vmem_shared>> -> memref<128x128xf32, #tpu.memory_space<vmem_shared>>
        %dma_start3A_1468 = arith.constant 0 : i32
        %dma_start3A_1469 = tpu.memref_slice %arg15[%add3A_1461, %dma_start3A_1468] : memref<10000x128xf32, #tpu.memory_space<vmem_shared>> -> memref<128x128xf32, #tpu.memory_space<vmem_shared>>
        tpu.enqueue_dma source(%arg10 : memref<128x128xf32, #tpu.memory_space<vmem>>) target(%dma_start3A_1469 : memref<128x128xf32, #tpu.memory_space<vmem_shared>>) target_semaphore(%run_scoped3A : memref<!tpu.dma_semaphore, #tpu.memory_space<semaphore_mem>>)
        %dma_wait3A_1470 = arith.constant 0 : i32
        %dma_wait3A_1471 = tpu.memref_slice %arg15[%add3A_1461, %dma_wait3A_1470] : memref<10000x128xf32, #tpu.memory_space<vmem_shared>> -> memref<128x128xf32, #tpu.memory_space<vmem_shared>>
        %dma_wait3A_1472 = arith.constant 0 : i32
        %dma_wait3A_1473 = tpu.memref_slice %arg15[%add3A_1461, %dma_wait3A_1472] : memref<10000x128xf32, #tpu.memory_space<vmem_shared>> -> memref<128x128xf32, #tpu.memory_space<vmem_shared>>
        tpu.wait_dma2 semaphore(%run_scoped3A : memref<!tpu.dma_semaphore, #tpu.memory_space<semaphore_mem>>) src(%arg10 : memref<128x128xf32, #tpu.memory_space<vmem>>) dst(%dma_wait3A_1473 : memref<128x128xf32, #tpu.memory_space<vmem_shared>>)
        tpu.yield
      }) : () -> ()
      %add3A_1462 = arith.constant 384 : i32
      %add3A_1463 = arith.addi %mul3A_9, %add3A_1462 : i32
      "tpu.region"() ({
        %run_scoped3A = tpu.sem_alloc : memref<!tpu.dma_semaphore, #tpu.memory_space<semaphore_mem>>
        %dma_start3A_1466 = arith.constant 0 : i32
        %dma_start3A_1467 = tpu.memref_slice %arg15[%add3A_1463, %dma_start3A_1466] : memref<10000x128xf32, #tpu.memory_space<vmem_shared>> -> memref<128x128xf32, #tpu.memory_space<vmem_shared>>
        %dma_start3A_1468 = arith.constant 0 : i32
        %dma_start3A_1469 = tpu.memref_slice %arg15[%add3A_1463, %dma_start3A_1468] : memref<10000x128xf32, #tpu.memory_space<vmem_shared>> -> memref<128x128xf32, #tpu.memory_space<vmem_shared>>
        tpu.enqueue_dma source(%arg10 : memref<128x128xf32, #tpu.memory_space<vmem>>) target(%dma_start3A_1469 : memref<128x128xf32, #tpu.memory_space<vmem_shared>>) target_semaphore(%run_scoped3A : memref<!tpu.dma_semaphore, #tpu.memory_space<semaphore_mem>>)
        %dma_wait3A_1470 = arith.constant 0 : i32
        %dma_wait3A_1471 = tpu.memref_slice %arg15[%add3A_1463, %dma_wait3A_1470] : memref<10000x128xf32, #tpu.memory_space<vmem_shared>> -> memref<128x128xf32, #tpu.memory_space<vmem_shared>>
        %dma_wait3A_1472 = arith.constant 0 : i32
        %dma_wait3A_1473 = tpu.memref_slice %arg15[%add3A_1463, %dma_wait3A_1472] : memref<10000x128xf32, #tpu.memory_space<vmem_shared>> -> memref<128x128xf32, #tpu.memory_space<vmem_shared>>
        tpu.wait_dma2 semaphore(%run_scoped3A : memref<!tpu.dma_semaphore, #tpu.memory_space<semaphore_mem>>) src(%arg10 : memref<128x128xf32, #tpu.memory_space<vmem>>) dst(%dma_wait3A_1473 : memref<128x128xf32, #tpu.memory_space<vmem_shared>>)
        tpu.yield
      }) : () -> ()
      %add3A_1464 = arith.constant 512 : i32
      %add3A_1465 = arith.addi %mul3A_9, %add3A_1464 : i32
      "tpu.region"() ({
        %run_scoped3A = tpu.sem_alloc : memref<!tpu.dma_semaphore, #tpu.memory_space<semaphore_mem>>
        %dma_start3A_1466 = arith.constant 0 : i32
        %dma_start3A_1467 = arith.constant 0 : i32
        %dma_start3A_1468 = tpu.memref_slice %arg10[%dma_start3A_1466, %dma_start3A_1467] : memref<128x128xf32, #tpu.memory_space<vmem>> -> memref<120x128xf32, #tpu.memory_space<vmem>>
        %dma_start3A_1469 = arith.constant 0 : i32
        %dma_start3A_1470 = tpu.memref_slice %arg15[%add3A_1465, %dma_start3A_1469] : memref<10000x128xf32, #tpu.memory_space<vmem_shared>> -> memref<120x128xf32, #tpu.memory_space<vmem_shared>>
        %dma_start3A_1471 = arith.constant 0 : i32
        %dma_start3A_1472 = tpu.memref_slice %arg15[%add3A_1465, %dma_start3A_1471] : memref<10000x128xf32, #tpu.memory_space<vmem_shared>> -> memref<120x128xf32, #tpu.memory_space<vmem_shared>>
        %dma_start3A_1473 = arith.constant 0 : i32
        %dma_start3A_1474 = arith.constant 0 : i32
        %dma_start3A_1475 = tpu.memref_slice %arg10[%dma_start3A_1473, %dma_start3A_1474] : memref<128x128xf32, #tpu.memory_space<vmem>> -> memref<120x128xf32, #tpu.memory_space<vmem>>
        tpu.enqueue_dma source(%dma_start3A_1475 : memref<120x128xf32, #tpu.memory_space<vmem>>) target(%dma_start3A_1472 : memref<120x128xf32, #tpu.memory_space<vmem_shared>>) target_semaphore(%run_scoped3A : memref<!tpu.dma_semaphore, #tpu.memory_space<semaphore_mem>>)
        %dma_wait3A_1476 = arith.constant 0 : i32
        %dma_wait3A_1477 = arith.constant 0 : i32
        %dma_wait3A_1478 = tpu.memref_slice %arg10[%dma_wait3A_1476, %dma_wait3A_1477] : memref<128x128xf32, #tpu.memory_space<vmem>> -> memref<120x128xf32, #tpu.memory_space<vmem>>
        %dma_wait3A_1479 = arith.constant 0 : i32
        %dma_wait3A_1480 = tpu.memref_slice %arg15[%add3A_1465, %dma_wait3A_1479] : memref<10000x128xf32, #tpu.memory_space<vmem_shared>> -> memref<120x128xf32, #tpu.memory_space<vmem_shared>>
        %dma_wait3A_1481 = arith.constant 0 : i32
        %dma_wait3A_1482 = tpu.memref_slice %arg15[%add3A_1465, %dma_wait3A_1481] : memref<10000x128xf32, #tpu.memory_space<vmem_shared>> -> memref<120x128xf32, #tpu.memory_space<vmem_shared>>
        %dma_wait3A_1483 = arith.constant 0 : i32
        %dma_wait3A_1484 = arith.constant 0 : i32
        %dma_wait3A_1485 = tpu.memref_slice %arg10[%dma_wait3A_1483, %dma_wait3A_1484] : memref<128x128xf32, #tpu.memory_space<vmem>> -> memref<120x128xf32, #tpu.memory_space<vmem>>
        tpu.wait_dma2 semaphore(%run_scoped3A : memref<!tpu.dma_semaphore, #tpu.memory_space<semaphore_mem>>) src(%dma_wait3A_1485 : memref<120x128xf32, #tpu.memory_space<vmem>>) dst(%dma_wait3A_1482 : memref<120x128xf32, #tpu.memory_space<vmem_shared>>)
        tpu.yield
      }) : () -> ()
    } else {
    }
    %eq3A = arith.constant 15 : i32
    %eq3A_12 = arith.cmpi eq, %arg1, %eq3A : i32
    %convert_element_type3A_13 = arith.extui %eq3A_12 : i1 to i32
    %cond3A_14 = arith.constant 0 : i32
    %cond3A_15 = arith.cmpi ne, %convert_element_type3A_13, %cond3A_14 : i32
    scf.if %cond3A_15 {
      %add3A_1456 = arith.constant 0 : i32
      %add3A_1457 = arith.addi %mul3A_9, %add3A_1456 : i32
      "tpu.region"() ({
        %run_scoped3A = tpu.sem_alloc : memref<!tpu.dma_semaphore, #tpu.memory_space<semaphore_mem>>
        %dma_start3A_1466 = arith.constant 0 : i32
        %dma_start3A_1467 = tpu.memref_slice %arg15[%add3A_1457, %dma_start3A_1466] : memref<10000x128xf32, #tpu.memory_space<vmem_shared>> -> memref<128x128xf32, #tpu.memory_space<vmem_shared>>
        %dma_start3A_1468 = arith.constant 0 : i32
        %dma_start3A_1469 = tpu.memref_slice %arg15[%add3A_1457, %dma_start3A_1468] : memref<10000x128xf32, #tpu.memory_space<vmem_shared>> -> memref<128x128xf32, #tpu.memory_space<vmem_shared>>
        tpu.enqueue_dma source(%arg10 : memref<128x128xf32, #tpu.memory_space<vmem>>) target(%dma_start3A_1469 : memref<128x128xf32, #tpu.memory_space<vmem_shared>>) target_semaphore(%run_scoped3A : memref<!tpu.dma_semaphore, #tpu.memory_space<semaphore_mem>>)
        %dma_wait3A_1470 = arith.constant 0 : i32
        %dma_wait3A_1471 = tpu.memref_slice %arg15[%add3A_1457, %dma_wait3A_1470] : memref<10000x128xf32, #tpu.memory_space<vmem_shared>> -> memref<128x128xf32, #tpu.memory_space<vmem_shared>>
        %dma_wait3A_1472 = arith.constant 0 : i32
        %dma_wait3A_1473 = tpu.memref_slice %arg15[%add3A_1457, %dma_wait3A_1472] : memref<10000x128xf32, #tpu.memory_space<vmem_shared>> -> memref<128x128xf32, #tpu.memory_space<vmem_shared>>
        tpu.wait_dma2 semaphore(%run_scoped3A : memref<!tpu.dma_semaphore, #tpu.memory_space<semaphore_mem>>) src(%arg10 : memref<128x128xf32, #tpu.memory_space<vmem>>) dst(%dma_wait3A_1473 : memref<128x128xf32, #tpu.memory_space<vmem_shared>>)
        tpu.yield
      }) : () -> ()
      %add3A_1458 = arith.constant 128 : i32
      %add3A_1459 = arith.addi %mul3A_9, %add3A_1458 : i32
      "tpu.region"() ({
        %run_scoped3A = tpu.sem_alloc : memref<!tpu.dma_semaphore, #tpu.memory_space<semaphore_mem>>
        %dma_start3A_1466 = arith.constant 0 : i32
        %dma_start3A_1467 = tpu.memref_slice %arg15[%add3A_1459, %dma_start3A_1466] : memref<10000x128xf32, #tpu.memory_space<vmem_shared>> -> memref<128x128xf32, #tpu.memory_space<vmem_shared>>
        %dma_start3A_1468 = arith.constant 0 : i32
        %dma_start3A_1469 = tpu.memref_slice %arg15[%add3A_1459, %dma_start3A_1468] : memref<10000x128xf32, #tpu.memory_space<vmem_shared>> -> memref<128x128xf32, #tpu.memory_space<vmem_shared>>
        tpu.enqueue_dma source(%arg10 : memref<128x128xf32, #tpu.memory_space<vmem>>) target(%dma_start3A_1469 : memref<128x128xf32, #tpu.memory_space<vmem_shared>>) target_semaphore(%run_scoped3A : memref<!tpu.dma_semaphore, #tpu.memory_space<semaphore_mem>>)
        %dma_wait3A_1470 = arith.constant 0 : i32
        %dma_wait3A_1471 = tpu.memref_slice %arg15[%add3A_1459, %dma_wait3A_1470] : memref<10000x128xf32, #tpu.memory_space<vmem_shared>> -> memref<128x128xf32, #tpu.memory_space<vmem_shared>>
        %dma_wait3A_1472 = arith.constant 0 : i32
        %dma_wait3A_1473 = tpu.memref_slice %arg15[%add3A_1459, %dma_wait3A_1472] : memref<10000x128xf32, #tpu.memory_space<vmem_shared>> -> memref<128x128xf32, #tpu.memory_space<vmem_shared>>
        tpu.wait_dma2 semaphore(%run_scoped3A : memref<!tpu.dma_semaphore, #tpu.memory_space<semaphore_mem>>) src(%arg10 : memref<128x128xf32, #tpu.memory_space<vmem>>) dst(%dma_wait3A_1473 : memref<128x128xf32, #tpu.memory_space<vmem_shared>>)
        tpu.yield
      }) : () -> ()
      %add3A_1460 = arith.constant 256 : i32
      %add3A_1461 = arith.addi %mul3A_9, %add3A_1460 : i32
      "tpu.region"() ({
        %run_scoped3A = tpu.sem_alloc : memref<!tpu.dma_semaphore, #tpu.memory_space<semaphore_mem>>
        %dma_start3A_1466 = arith.constant 0 : i32
        %dma_start3A_1467 = tpu.memref_slice %arg15[%add3A_1461, %dma_start3A_1466] : memref<10000x128xf32, #tpu.memory_space<vmem_shared>> -> memref<128x128xf32, #tpu.memory_space<vmem_shared>>
        %dma_start3A_1468 = arith.constant 0 : i32
        %dma_start3A_1469 = tpu.memref_slice %arg15[%add3A_1461, %dma_start3A_1468] : memref<10000x128xf32, #tpu.memory_space<vmem_shared>> -> memref<128x128xf32, #tpu.memory_space<vmem_shared>>
        tpu.enqueue_dma source(%arg10 : memref<128x128xf32, #tpu.memory_space<vmem>>) target(%dma_start3A_1469 : memref<128x128xf32, #tpu.memory_space<vmem_shared>>) target_semaphore(%run_scoped3A : memref<!tpu.dma_semaphore, #tpu.memory_space<semaphore_mem>>)
        %dma_wait3A_1470 = arith.constant 0 : i32
        %dma_wait3A_1471 = tpu.memref_slice %arg15[%add3A_1461, %dma_wait3A_1470] : memref<10000x128xf32, #tpu.memory_space<vmem_shared>> -> memref<128x128xf32, #tpu.memory_space<vmem_shared>>
        %dma_wait3A_1472 = arith.constant 0 : i32
        %dma_wait3A_1473 = tpu.memref_slice %arg15[%add3A_1461, %dma_wait3A_1472] : memref<10000x128xf32, #tpu.memory_space<vmem_shared>> -> memref<128x128xf32, #tpu.memory_space<vmem_shared>>
        tpu.wait_dma2 semaphore(%run_scoped3A : memref<!tpu.dma_semaphore, #tpu.memory_space<semaphore_mem>>) src(%arg10 : memref<128x128xf32, #tpu.memory_space<vmem>>) dst(%dma_wait3A_1473 : memref<128x128xf32, #tpu.memory_space<vmem_shared>>)
        tpu.yield
      }) : () -> ()
      %add3A_1462 = arith.constant 384 : i32
      %add3A_1463 = arith.addi %mul3A_9, %add3A_1462 : i32
      "tpu.region"() ({
        %run_scoped3A = tpu.sem_alloc : memref<!tpu.dma_semaphore, #tpu.memory_space<semaphore_mem>>
        %dma_start3A_1466 = arith.constant 0 : i32
        %dma_start3A_1467 = tpu.memref_slice %arg15[%add3A_1463, %dma_start3A_1466] : memref<10000x128xf32, #tpu.memory_space<vmem_shared>> -> memref<128x128xf32, #tpu.memory_space<vmem_shared>>
        %dma_start3A_1468 = arith.constant 0 : i32
        %dma_start3A_1469 = tpu.memref_slice %arg15[%add3A_1463, %dma_start3A_1468] : memref<10000x128xf32, #tpu.memory_space<vmem_shared>> -> memref<128x128xf32, #tpu.memory_space<vmem_shared>>
        tpu.enqueue_dma source(%arg10 : memref<128x128xf32, #tpu.memory_space<vmem>>) target(%dma_start3A_1469 : memref<128x128xf32, #tpu.memory_space<vmem_shared>>) target_semaphore(%run_scoped3A : memref<!tpu.dma_semaphore, #tpu.memory_space<semaphore_mem>>)
        %dma_wait3A_1470 = arith.constant 0 : i32
        %dma_wait3A_1471 = tpu.memref_slice %arg15[%add3A_1463, %dma_wait3A_1470] : memref<10000x128xf32, #tpu.memory_space<vmem_shared>> -> memref<128x128xf32, #tpu.memory_space<vmem_shared>>
        %dma_wait3A_1472 = arith.constant 0 : i32
        %dma_wait3A_1473 = tpu.memref_slice %arg15[%add3A_1463, %dma_wait3A_1472] : memref<10000x128xf32, #tpu.memory_space<vmem_shared>> -> memref<128x128xf32, #tpu.memory_space<vmem_shared>>
        tpu.wait_dma2 semaphore(%run_scoped3A : memref<!tpu.dma_semaphore, #tpu.memory_space<semaphore_mem>>) src(%arg10 : memref<128x128xf32, #tpu.memory_space<vmem>>) dst(%dma_wait3A_1473 : memref<128x128xf32, #tpu.memory_space<vmem_shared>>)
        tpu.yield
      }) : () -> ()
      %add3A_1464 = arith.constant 512 : i32
      %add3A_1465 = arith.addi %mul3A_9, %add3A_1464 : i32
      "tpu.region"() ({
        %run_scoped3A = tpu.sem_alloc : memref<!tpu.dma_semaphore, #tpu.memory_space<semaphore_mem>>
        %dma_start3A_1466 = arith.constant 0 : i32
        %dma_start3A_1467 = arith.constant 0 : i32
        %dma_start3A_1468 = tpu.memref_slice %arg10[%dma_start3A_1466, %dma_start3A_1467] : memref<128x128xf32, #tpu.memory_space<vmem>> -> memref<8x128xf32, #tpu.memory_space<vmem>>
        %dma_start3A_1469 = arith.constant 0 : i32
        %dma_start3A_1470 = tpu.memref_slice %arg15[%add3A_1465, %dma_start3A_1469] : memref<10000x128xf32, #tpu.memory_space<vmem_shared>> -> memref<8x128xf32, #tpu.memory_space<vmem_shared>>
        %dma_start3A_1471 = arith.constant 0 : i32
        %dma_start3A_1472 = tpu.memref_slice %arg15[%add3A_1465, %dma_start3A_1471] : memref<10000x128xf32, #tpu.memory_space<vmem_shared>> -> memref<8x128xf32, #tpu.memory_space<vmem_shared>>
        %dma_start3A_1473 = arith.constant 0 : i32
        %dma_start3A_1474 = arith.constant 0 : i32
        %dma_start3A_1475 = tpu.memref_slice %arg10[%dma_start3A_1473, %dma_start3A_1474] : memref<128x128xf32, #tpu.memory_space<vmem>> -> memref<8x128xf32, #tpu.memory_space<vmem>>
        tpu.enqueue_dma source(%dma_start3A_1475 : memref<8x128xf32, #tpu.memory_space<vmem>>) target(%dma_start3A_1472 : memref<8x128xf32, #tpu.memory_space<vmem_shared>>) target_semaphore(%run_scoped3A : memref<!tpu.dma_semaphore, #tpu.memory_space<semaphore_mem>>)
        %dma_wait3A_1476 = arith.constant 0 : i32
        %dma_wait3A_1477 = arith.constant 0 : i32
        %dma_wait3A_1478 = tpu.memref_slice %arg10[%dma_wait3A_1476, %dma_wait3A_1477] : memref<128x128xf32, #tpu.memory_space<vmem>> -> memref<8x128xf32, #tpu.memory_space<vmem>>
        %dma_wait3A_1479 = arith.constant 0 : i32
        %dma_wait3A_1480 = tpu.memref_slice %arg15[%add3A_1465, %dma_wait3A_1479] : memref<10000x128xf32, #tpu.memory_space<vmem_shared>> -> memref<8x128xf32, #tpu.memory_space<vmem_shared>>
        %dma_wait3A_1481 = arith.constant 0 : i32
        %dma_wait3A_1482 = tpu.memref_slice %arg15[%add3A_1465, %dma_wait3A_1481] : memref<10000x128xf32, #tpu.memory_space<vmem_shared>> -> memref<8x128xf32, #tpu.memory_space<vmem_shared>>
        %dma_wait3A_1483 = arith.constant 0 : i32
        %dma_wait3A_1484 = arith.constant 0 : i32
        %dma_wait3A_1485 = tpu.memref_slice %arg10[%dma_wait3A_1483, %dma_wait3A_1484] : memref<128x128xf32, #tpu.memory_space<vmem>> -> memref<8x128xf32, #tpu.memory_space<vmem>>
        tpu.wait_dma2 semaphore(%run_scoped3A : memref<!tpu.dma_semaphore, #tpu.memory_space<semaphore_mem>>) src(%dma_wait3A_1485 : memref<8x128xf32, #tpu.memory_space<vmem>>) dst(%dma_wait3A_1482 : memref<8x128xf32, #tpu.memory_space<vmem_shared>>)
        tpu.yield
      }) : () -> ()
    } else {
    }
    %barrier3A = arith.constant 0 : index
    tpu.barrier barrier_id(%barrier3A)
    %mul3A_16 = arith.constant 10000 : i32
    %mul3A_17 = arith.muli %add3A, %mul3A_16 : i32
    %scan3A_18 = arith.constant 0 : i32
    %scan3A_19 = arith.constant 0 : i32
    %scan3A_20 = arith.constant 78 : i32
    %scan3A_21 = arith.addi %scan3A_19, %scan3A_20 : i32
    %scan3A_22 = arith.constant 1 : i32
    %scan3A_23 = scf.for %scan3A_1456 = %scan3A_19 to %scan3A_21 step %scan3A_22 iter_args(%scan3A_1457 = %scan3A_18) -> (i32)  : i32 {
      %mul3A_1458 = arith.constant 128 : i32
      %mul3A_1459 = arith.muli %scan3A_1456, %mul3A_1458 : i32
      %add3A_1460 = arith.addi %mul3A_17, %mul3A_1459 : i32
      "tpu.region"() ({
        %run_scoped3A = tpu.sem_alloc : memref<!tpu.dma_semaphore, #tpu.memory_space<semaphore_mem>>
        %dma_start3A_1475 = tpu.memref_slice %arg3[%add3A_1460] : memref<320000xi32, #tpu.memory_space<hbm>> -> memref<128xi32, #tpu.memory_space<hbm>>
        %dma_start3A_1476 = tpu.memref_slice %arg3[%add3A_1460] : memref<320000xi32, #tpu.memory_space<hbm>> -> memref<128xi32, #tpu.memory_space<hbm>>
        tpu.enqueue_dma source(%dma_start3A_1476 : memref<128xi32, #tpu.memory_space<hbm>>) target(%arg7 : memref<128xi32, #tpu.memory_space<vmem>>) target_semaphore(%run_scoped3A : memref<!tpu.dma_semaphore, #tpu.memory_space<semaphore_mem>>)
        %dma_wait3A_1477 = tpu.memref_slice %arg3[%add3A_1460] : memref<320000xi32, #tpu.memory_space<hbm>> -> memref<128xi32, #tpu.memory_space<hbm>>
        %dma_wait3A_1478 = tpu.memref_slice %arg3[%add3A_1460] : memref<320000xi32, #tpu.memory_space<hbm>> -> memref<128xi32, #tpu.memory_space<hbm>>
        tpu.wait_dma2 semaphore(%run_scoped3A : memref<!tpu.dma_semaphore, #tpu.memory_space<semaphore_mem>>) src(%dma_wait3A_1478 : memref<128xi32, #tpu.memory_space<hbm>>) dst(%arg7 : memref<128xi32, #tpu.memory_space<vmem>>)
        tpu.yield
      }) : () -> ()
      "tpu.region"() ({
        %run_scoped3A = tpu.sem_alloc : memref<!tpu.dma_semaphore, #tpu.memory_space<semaphore_mem>>
        %dma_start3A_1475 = tpu.memref_slice %arg4[%add3A_1460] : memref<320000xi32, #tpu.memory_space<hbm>> -> memref<128xi32, #tpu.memory_space<hbm>>
        %dma_start3A_1476 = tpu.memref_slice %arg4[%add3A_1460] : memref<320000xi32, #tpu.memory_space<hbm>> -> memref<128xi32, #tpu.memory_space<hbm>>
        tpu.enqueue_dma source(%dma_start3A_1476 : memref<128xi32, #tpu.memory_space<hbm>>) target(%arg8 : memref<128xi32, #tpu.memory_space<vmem>>) target_semaphore(%run_scoped3A : memref<!tpu.dma_semaphore, #tpu.memory_space<semaphore_mem>>)
        %dma_wait3A_1477 = tpu.memref_slice %arg4[%add3A_1460] : memref<320000xi32, #tpu.memory_space<hbm>> -> memref<128xi32, #tpu.memory_space<hbm>>
        %dma_wait3A_1478 = tpu.memref_slice %arg4[%add3A_1460] : memref<320000xi32, #tpu.memory_space<hbm>> -> memref<128xi32, #tpu.memory_space<hbm>>
        tpu.wait_dma2 semaphore(%run_scoped3A : memref<!tpu.dma_semaphore, #tpu.memory_space<semaphore_mem>>) src(%dma_wait3A_1478 : memref<128xi32, #tpu.memory_space<hbm>>) dst(%arg8 : memref<128xi32, #tpu.memory_space<vmem>>)
        tpu.yield
      }) : () -> ()
      "tpu.region"() ({
        %run_scoped3A = tpu.sem_alloc : memref<!tpu.dma_semaphore, #tpu.memory_space<semaphore_mem>>
        %dma_start3A_1475 = tpu.memref_slice %arg5[%add3A_1460] : memref<320000xf32, #tpu.memory_space<hbm>> -> memref<128xf32, #tpu.memory_space<hbm>>
        %dma_start3A_1476 = tpu.memref_slice %arg5[%add3A_1460] : memref<320000xf32, #tpu.memory_space<hbm>> -> memref<128xf32, #tpu.memory_space<hbm>>
        tpu.enqueue_dma source(%dma_start3A_1476 : memref<128xf32, #tpu.memory_space<hbm>>) target(%arg9 : memref<128xf32, #tpu.memory_space<vmem>>) target_semaphore(%run_scoped3A : memref<!tpu.dma_semaphore, #tpu.memory_space<semaphore_mem>>)
        %dma_wait3A_1477 = tpu.memref_slice %arg5[%add3A_1460] : memref<320000xf32, #tpu.memory_space<hbm>> -> memref<128xf32, #tpu.memory_space<hbm>>
        %dma_wait3A_1478 = tpu.memref_slice %arg5[%add3A_1460] : memref<320000xf32, #tpu.memory_space<hbm>> -> memref<128xf32, #tpu.memory_space<hbm>>
        tpu.wait_dma2 semaphore(%run_scoped3A : memref<!tpu.dma_semaphore, #tpu.memory_space<semaphore_mem>>) src(%dma_wait3A_1478 : memref<128xf32, #tpu.memory_space<hbm>>) dst(%arg9 : memref<128xf32, #tpu.memory_space<vmem>>)
        tpu.yield
      }) : () -> ()
      %dma_start3A_1461 = arith.constant 0 : i32
      %dma_start3A_1462 = arith.constant 0 : i32
      %dma_start3A_1463 = tpu.memref_slice %arg2[%dma_start3A_1461, %dma_start3A_1462] : memref<10000x128xf32, #tpu.memory_space<hbm>> -> memref<10000x128xf32, #tpu.memory_space<hbm>>
      tpu.enqueue_indirect_dma source(%dma_start3A_1463 : memref<10000x128xf32, #tpu.memory_space<hbm>>) target(%arg10 : memref<128x128xf32, #tpu.memory_space<vmem>>) offsets(%arg7 : memref<128xi32, #tpu.memory_space<vmem>>) semaphore(%arg16 : memref<!tpu.dma_semaphore, #tpu.memory_space<semaphore_mem>>)
      %dma_wait3A_1464 = arith.constant 0 : i32
      %dma_wait3A_1465 = arith.constant 0 : i32
      %dma_wait3A_1466 = tpu.memref_slice %arg2[%dma_wait3A_1464, %dma_wait3A_1465] : memref<10000x128xf32, #tpu.memory_space<hbm>> -> memref<10000x128xf32, #tpu.memory_space<hbm>>
      tpu.wait_indirect_dma semaphore(%arg16 : memref<!tpu.dma_semaphore, #tpu.memory_space<semaphore_mem>>) src(%dma_wait3A_1466 : memref<10000x128xf32, #tpu.memory_space<hbm>>) dst(%arg10 : memref<128x128xf32, #tpu.memory_space<vmem>>)
      %scan3A_1467 = arith.constant 0 : i32
      %scan3A_1468 = arith.constant 0 : i32
      %scan3A_1469 = arith.constant 8 : i32
      %scan3A_1470 = arith.addi %scan3A_1468, %scan3A_1469 : i32
      %scan3A_1471 = arith.constant 1 : i32
      %scan3A_1472 = scf.for %scan3A_1475 = %scan3A_1468 to %scan3A_1470 step %scan3A_1471 iter_args(%scan3A_1476 = %scan3A_1467) -> (i32)  : i32 {
        %mul3A_1477 = arith.constant 16 : i32
        %mul3A_1478 = arith.muli %scan3A_1475, %mul3A_1477 : i32
        %get3A_1479 = arith.index_cast %mul3A_1478 : i32 to index
        %get3A_1480 = tpu.vector_load %arg9[%get3A_1479] {strides = array<i32>} : memref<128xf32, #tpu.memory_space<vmem>>, vector<16xf32>,
        %get3A_1481 = vector.shape_cast %get3A_1480 : vector<16xf32> to vector<16xf32>
        %broadcast_in_dim3A_1482 = arith.constant 0 : i32
        %broadcast_in_dim3A_1483 = vector.broadcast %broadcast_in_dim3A_1482 : i32 to vector<16x1xi32>
        %gather3A_1484 = vector.shape_cast %broadcast_in_dim3A_1483 : vector<16x1xi32> to vector<16xi32>
        %gather3A_1485 = tpu.dynamic_gather %get3A_1481[%gather3A_1484] in [0] : vector<16xf32>, vector<16xi32> -> vector<16xf32>
        %mul3A_1486 = arith.constant 16 : i32
        %mul3A_1487 = arith.muli %scan3A_1475, %mul3A_1486 : i32
        %add3A_1488 = arith.constant 0 : i32
        %add3A_1489 = arith.addi %mul3A_1487, %add3A_1488 : i32
        %get3A_1490 = arith.index_cast %add3A_1489 : i32 to index
        %get3A_1491 = arith.constant 0 : index
        %get3A_1492 = tpu.vector_load %arg10[%get3A_1490, %get3A_1491] {strides = array<i32>} : memref<128x128xf32, #tpu.memory_space<vmem>>, vector<1x16xf32>,
        %get3A_1493 = vector.shape_cast %get3A_1492 : vector<1x16xf32> to vector<16xf32>
        %mul3A_1494 = arith.mulf %get3A_1493, %gather3A_1485 : vector<16xf32>
        %swap3A_1495 = arith.index_cast %add3A_1489 : i32 to index
        %swap3A_1496 = arith.constant 0 : index
        %swap3A_1497 = tpu.vector_load %arg10[%swap3A_1495, %swap3A_1496] {strides = array<i32>} : memref<128x128xf32, #tpu.memory_space<vmem>>, vector<1x16xf32>,
        %swap3A_1498 = vector.shape_cast %swap3A_1497 : vector<1x16xf32> to vector<16xf32>
        %swap3A_1499 = vector.shape_cast %mul3A_1494 : vector<16xf32> to vector<1x16xf32>
        tpu.vector_store %arg10[%swap3A_1495, %swap3A_1496], %swap3A_1499 {strides = array<i32>} : memref<128x128xf32, #tpu.memory_space<vmem>>, vector<1x16xf32>,
        %get3A_1500 = arith.index_cast %add3A_1489 : i32 to index
        %get3A_1501 = arith.constant 16 : index
        %get3A_1502 = tpu.vector_load %arg10[%get3A_1500, %get3A_1501] {strides = array<i32>} : memref<128x128xf32, #tpu.memory_space<vmem>>, vector<1x16xf32>,
        %get3A_1503 = vector.shape_cast %get3A_1502 : vector<1x16xf32> to vector<16xf32>
        %mul3A_1504 = arith.mulf %get3A_1503, %gather3A_1485 : vector<16xf32>
        %swap3A_1505 = arith.index_cast %add3A_1489 : i32 to index
        %swap3A_1506 = arith.constant 16 : index
        %swap3A_1507 = tpu.vector_load %arg10[%swap3A_1505, %swap3A_1506] {strides = array<i32>} : memref<128x128xf32, #tpu.memory_space<vmem>>, vector<1x16xf32>,
        %swap3A_1508 = vector.shape_cast %swap3A_1507 : vector<1x16xf32> to vector<16xf32>
        %swap3A_1509 = vector.shape_cast %mul3A_1504 : vector<16xf32> to vector<1x16xf32>
        tpu.vector_store %arg10[%swap3A_1505, %swap3A_1506], %swap3A_1509 {strides = array<i32>} : memref<128x128xf32, #tpu.memory_space<vmem>>, vector<1x16xf32>,
        %get3A_1510 = arith.index_cast %add3A_1489 : i32 to index
        %get3A_1511 = arith.constant 32 : index
        %get3A_1512 = tpu.vector_load %arg10[%get3A_1510, %get3A_1511] {strides = array<i32>} : memref<128x128xf32, #tpu.memory_space<vmem>>, vector<1x16xf32>,
        %get3A_1513 = vector.shape_cast %get3A_1512 : vector<1x16xf32> to vector<16xf32>
        %mul3A_1514 = arith.mulf %get3A_1513, %gather3A_1485 : vector<16xf32>
        %swap3A_1515 = arith.index_cast %add3A_1489 : i32 to index
        %swap3A_1516 = arith.constant 32 : index
        %swap3A_1517 = tpu.vector_load %arg10[%swap3A_1515, %swap3A_1516] {strides = array<i32>} : memref<128x128xf32, #tpu.memory_space<vmem>>, vector<1x16xf32>,
        %swap3A_1518 = vector.shape_cast %swap3A_1517 : vector<1x16xf32> to vector<16xf32>
        %swap3A_1519 = vector.shape_cast %mul3A_1514 : vector<16xf32> to vector<1x16xf32>
        tpu.vector_store %arg10[%swap3A_1515, %swap3A_1516], %swap3A_1519 {strides = array<i32>} : memref<128x128xf32, #tpu.memory_space<vmem>>, vector<1x16xf32>,
        %get3A_1520 = arith.index_cast %add3A_1489 : i32 to index
        %get3A_1521 = arith.constant 48 : index
        %get3A_1522 = tpu.vector_load %arg10[%get3A_1520, %get3A_1521] {strides = array<i32>} : memref<128x128xf32, #tpu.memory_space<vmem>>, vector<1x16xf32>,
        %get3A_1523 = vector.shape_cast %get3A_1522 : vector<1x16xf32> to vector<16xf32>
        %mul3A_1524 = arith.mulf %get3A_1523, %gather3A_1485 : vector<16xf32>
        %swap3A_1525 = arith.index_cast %add3A_1489 : i32 to index
        %swap3A_1526 = arith.constant 48 : index
        %swap3A_1527 = tpu.vector_load %arg10[%swap3A_1525, %swap3A_1526] {strides = array<i32>} : memref<128x128xf32, #tpu.memory_space<vmem>>, vector<1x16xf32>,
        %swap3A_1528 = vector.shape_cast %swap3A_1527 : vector<1x16xf32> to vector<16xf32>
        %swap3A_1529 = vector.shape_cast %mul3A_1524 : vector<16xf32> to vector<1x16xf32>
        tpu.vector_store %arg10[%swap3A_1525, %swap3A_1526], %swap3A_1529 {strides = array<i32>} : memref<128x128xf32, #tpu.memory_space<vmem>>, vector<1x16xf32>,
        %get3A_1530 = arith.index_cast %add3A_1489 : i32 to index
        %get3A_1531 = arith.constant 64 : index
        %get3A_1532 = tpu.vector_load %arg10[%get3A_1530, %get3A_1531] {strides = array<i32>} : memref<128x128xf32, #tpu.memory_space<vmem>>, vector<1x16xf32>,
        %get3A_1533 = vector.shape_cast %get3A_1532 : vector<1x16xf32> to vector<16xf32>
        %mul3A_1534 = arith.mulf %get3A_1533, %gather3A_1485 : vector<16xf32>
        %swap3A_1535 = arith.index_cast %add3A_1489 : i32 to index
        %swap3A_1536 = arith.constant 64 : index
        %swap3A_1537 = tpu.vector_load %arg10[%swap3A_1535, %swap3A_1536] {strides = array<i32>} : memref<128x128xf32, #tpu.memory_space<vmem>>, vector<1x16xf32>,
        %swap3A_1538 = vector.shape_cast %swap3A_1537 : vector<1x16xf32> to vector<16xf32>
        %swap3A_1539 = vector.shape_cast %mul3A_1534 : vector<16xf32> to vector<1x16xf32>
        tpu.vector_store %arg10[%swap3A_1535, %swap3A_1536], %swap3A_1539 {strides = array<i32>} : memref<128x128xf32, #tpu.memory_space<vmem>>, vector<1x16xf32>,
        %get3A_1540 = arith.index_cast %add3A_1489 : i32 to index
        %get3A_1541 = arith.constant 80 : index
        %get3A_1542 = tpu.vector_load %arg10[%get3A_1540, %get3A_1541] {strides = array<i32>} : memref<128x128xf32, #tpu.memory_space<vmem>>, vector<1x16xf32>,
        %get3A_1543 = vector.shape_cast %get3A_1542 : vector<1x16xf32> to vector<16xf32>
        %mul3A_1544 = arith.mulf %get3A_1543, %gather3A_1485 : vector<16xf32>
        %swap3A_1545 = arith.index_cast %add3A_1489 : i32 to index
        %swap3A_1546 = arith.constant 80 : index
        %swap3A_1547 = tpu.vector_load %arg10[%swap3A_1545, %swap3A_1546] {strides = array<i32>} : memref<128x128xf32, #tpu.memory_space<vmem>>, vector<1x16xf32>,
        %swap3A_1548 = vector.shape_cast %swap3A_1547 : vector<1x16xf32> to vector<16xf32>
        %swap3A_1549 = vector.shape_cast %mul3A_1544 : vector<16xf32> to vector<1x16xf32>
        tpu.vector_store %arg10[%swap3A_1545, %swap3A_1546], %swap3A_1549 {strides = array<i32>} : memref<128x128xf32, #tpu.memory_space<vmem>>, vector<1x16xf32>,
        %get3A_1550 = arith.index_cast %add3A_1489 : i32 to index
        %get3A_1551 = arith.constant 96 : index
        %get3A_1552 = tpu.vector_load %arg10[%get3A_1550, %get3A_1551] {strides = array<i32>} : memref<128x128xf32, #tpu.memory_space<vmem>>, vector<1x16xf32>,
        %get3A_1553 = vector.shape_cast %get3A_1552 : vector<1x16xf32> to vector<16xf32>
        %mul3A_1554 = arith.mulf %get3A_1553, %gather3A_1485 : vector<16xf32>
        %swap3A_1555 = arith.index_cast %add3A_1489 : i32 to index
        %swap3A_1556 = arith.constant 96 : index
        %swap3A_1557 = tpu.vector_load %arg10[%swap3A_1555, %swap3A_1556] {strides = array<i32>} : memref<128x128xf32, #tpu.memory_space<vmem>>, vector<1x16xf32>,
        %swap3A_1558 = vector.shape_cast %swap3A_1557 : vector<1x16xf32> to vector<16xf32>
        %swap3A_1559 = vector.shape_cast %mul3A_1554 : vector<16xf32> to vector<1x16xf32>
        tpu.vector_store %arg10[%swap3A_1555, %swap3A_1556], %swap3A_1559 {strides = array<i32>} : memref<128x128xf32, #tpu.memory_space<vmem>>, vector<1x16xf32>,
        %get3A_1560 = arith.index_cast %add3A_1489 : i32 to index
        %get3A_1561 = arith.constant 112 : index
        %get3A_1562 = tpu.vector_load %arg10[%get3A_1560, %get3A_1561] {strides = array<i32>} : memref<128x128xf32, #tpu.memory_space<vmem>>, vector<1x16xf32>,
        %get3A_1563 = vector.shape_cast %get3A_1562 : vector<1x16xf32> to vector<16xf32>
        %mul3A_1564 = arith.mulf %get3A_1563, %gather3A_1485 : vector<16xf32>
        %swap3A_1565 = arith.index_cast %add3A_1489 : i32 to index
        %swap3A_1566 = arith.constant 112 : index
        %swap3A_1567 = tpu.vector_load %arg10[%swap3A_1565, %swap3A_1566] {strides = array<i32>} : memref<128x128xf32, #tpu.memory_space<vmem>>, vector<1x16xf32>,
        %swap3A_1568 = vector.shape_cast %swap3A_1567 : vector<1x16xf32> to vector<16xf32>
        %swap3A_1569 = vector.shape_cast %mul3A_1564 : vector<16xf32> to vector<1x16xf32>
        tpu.vector_store %arg10[%swap3A_1565, %swap3A_1566], %swap3A_1569 {strides = array<i32>} : memref<128x128xf32, #tpu.memory_space<vmem>>, vector<1x16xf32>,
        %broadcast_in_dim3A_1570 = arith.constant 1 : i32
        %broadcast_in_dim3A_1571 = vector.broadcast %broadcast_in_dim3A_1570 : i32 to vector<16x1xi32>
        %gather3A_1572 = vector.shape_cast %broadcast_in_dim3A_1571 : vector<16x1xi32> to vector<16xi32>
        %gather3A_1573 = tpu.dynamic_gather %get3A_1481[%gather3A_1572] in [0] : vector<16xf32>, vector<16xi32> -> vector<16xf32>
        %mul3A_1574 = arith.constant 16 : i32
        %mul3A_1575 = arith.muli %scan3A_1475, %mul3A_1574 : i32
        %add3A_1576 = arith.constant 1 : i32
        %add3A_1577 = arith.addi %mul3A_1575, %add3A_1576 : i32
        %get3A_1578 = arith.index_cast %add3A_1577 : i32 to index
        %get3A_1579 = arith.constant 0 : index
        %get3A_1580 = tpu.vector_load %arg10[%get3A_1578, %get3A_1579] {strides = array<i32>} : memref<128x128xf32, #tpu.memory_space<vmem>>, vector<1x16xf32>,
        %get3A_1581 = vector.shape_cast %get3A_1580 : vector<1x16xf32> to vector<16xf32>
        %mul3A_1582 = arith.mulf %get3A_1581, %gather3A_1573 : vector<16xf32>
        %swap3A_1583 = arith.index_cast %add3A_1577 : i32 to index
        %swap3A_1584 = arith.constant 0 : index
        %swap3A_1585 = tpu.vector_load %arg10[%swap3A_1583, %swap3A_1584] {strides = array<i32>} : memref<128x128xf32, #tpu.memory_space<vmem>>, vector<1x16xf32>,
        %swap3A_1586 = vector.shape_cast %swap3A_1585 : vector<1x16xf32> to vector<16xf32>
        %swap3A_1587 = vector.shape_cast %mul3A_1582 : vector<16xf32> to vector<1x16xf32>
        tpu.vector_store %arg10[%swap3A_1583, %swap3A_1584], %swap3A_1587 {strides = array<i32>} : memref<128x128xf32, #tpu.memory_space<vmem>>, vector<1x16xf32>,
        %get3A_1588 = arith.index_cast %add3A_1577 : i32 to index
        %get3A_1589 = arith.constant 16 : index
        %get3A_1590 = tpu.vector_load %arg10[%get3A_1588, %get3A_1589] {strides = array<i32>} : memref<128x128xf32, #tpu.memory_space<vmem>>, vector<1x16xf32>,
        %get3A_1591 = vector.shape_cast %get3A_1590 : vector<1x16xf32> to vector<16xf32>
        %mul3A_1592 = arith.mulf %get3A_1591, %gather3A_1573 : vector<16xf32>
        %swap3A_1593 = arith.index_cast %add3A_1577 : i32 to index
        %swap3A_1594 = arith.constant 16 : index
        %swap3A_1595 = tpu.vector_load %arg10[%swap3A_1593, %swap3A_1594] {strides = array<i32>} : memref<128x128xf32, #tpu.memory_space<vmem>>, vector<1x16xf32>,
        %swap3A_1596 = vector.shape_cast %swap3A_1595 : vector<1x16xf32> to vector<16xf32>
        %swap3A_1597 = vector.shape_cast %mul3A_1592 : vector<16xf32> to vector<1x16xf32>
        tpu.vector_store %arg10[%swap3A_1593, %swap3A_1594], %swap3A_1597 {strides = array<i32>} : memref<128x128xf32, #tpu.memory_space<vmem>>, vector<1x16xf32>,
        %get3A_1598 = arith.index_cast %add3A_1577 : i32 to index
        %get3A_1599 = arith.constant 32 : index
        %get3A_1600 = tpu.vector_load %arg10[%get3A_1598, %get3A_1599] {strides = array<i32>} : memref<128x128xf32, #tpu.memory_space<vmem>>, vector<1x16xf32>,
        %get3A_1601 = vector.shape_cast %get3A_1600 : vector<1x16xf32> to vector<16xf32>
        %mul3A_1602 = arith.mulf %get3A_1601, %gather3A_1573 : vector<16xf32>
        %swap3A_1603 = arith.index_cast %add3A_1577 : i32 to index
        %swap3A_1604 = arith.constant 32 : index
        %swap3A_1605 = tpu.vector_load %arg10[%swap3A_1603, %swap3A_1604] {strides = array<i32>} : memref<128x128xf32, #tpu.memory_space<vmem>>, vector<1x16xf32>,
        %swap3A_1606 = vector.shape_cast %swap3A_1605 : vector<1x16xf32> to vector<16xf32>
        %swap3A_1607 = vector.shape_cast %mul3A_1602 : vector<16xf32> to vector<1x16xf32>
        tpu.vector_store %arg10[%swap3A_1603, %swap3A_1604], %swap3A_1607 {strides = array<i32>} : memref<128x128xf32, #tpu.memory_space<vmem>>, vector<1x16xf32>,
        %get3A_1608 = arith.index_cast %add3A_1577 : i32 to index
        %get3A_1609 = arith.constant 48 : index
        %get3A_1610 = tpu.vector_load %arg10[%get3A_1608, %get3A_1609] {strides = array<i32>} : memref<128x128xf32, #tpu.memory_space<vmem>>, vector<1x16xf32>,
        %get3A_1611 = vector.shape_cast %get3A_1610 : vector<1x16xf32> to vector<16xf32>
        %mul3A_1612 = arith.mulf %get3A_1611, %gather3A_1573 : vector<16xf32>
        %swap3A_1613 = arith.index_cast %add3A_1577 : i32 to index
        %swap3A_1614 = arith.constant 48 : index
        %swap3A_1615 = tpu.vector_load %arg10[%swap3A_1613, %swap3A_1614] {strides = array<i32>} : memref<128x128xf32, #tpu.memory_space<vmem>>, vector<1x16xf32>,
        %swap3A_1616 = vector.shape_cast %swap3A_1615 : vector<1x16xf32> to vector<16xf32>
        %swap3A_1617 = vector.shape_cast %mul3A_1612 : vector<16xf32> to vector<1x16xf32>
        tpu.vector_store %arg10[%swap3A_1613, %swap3A_1614], %swap3A_1617 {strides = array<i32>} : memref<128x128xf32, #tpu.memory_space<vmem>>, vector<1x16xf32>,
        %get3A_1618 = arith.index_cast %add3A_1577 : i32 to index
        %get3A_1619 = arith.constant 64 : index
        %get3A_1620 = tpu.vector_load %arg10[%get3A_1618, %get3A_1619] {strides = array<i32>} : memref<128x128xf32, #tpu.memory_space<vmem>>, vector<1x16xf32>,
        %get3A_1621 = vector.shape_cast %get3A_1620 : vector<1x16xf32> to vector<16xf32>
        %mul3A_1622 = arith.mulf %get3A_1621, %gather3A_1573 : vector<16xf32>
        %swap3A_1623 = arith.index_cast %add3A_1577 : i32 to index
        %swap3A_1624 = arith.constant 64 : index
        %swap3A_1625 = tpu.vector_load %arg10[%swap3A_1623, %swap3A_1624] {strides = array<i32>} : memref<128x128xf32, #tpu.memory_space<vmem>>, vector<1x16xf32>,
        %swap3A_1626 = vector.shape_cast %swap3A_1625 : vector<1x16xf32> to vector<16xf32>
        %swap3A_1627 = vector.shape_cast %mul3A_1622 : vector<16xf32> to vector<1x16xf32>
        tpu.vector_store %arg10[%swap3A_1623, %swap3A_1624], %swap3A_1627 {strides = array<i32>} : memref<128x128xf32, #tpu.memory_space<vmem>>, vector<1x16xf32>,
        %get3A_1628 = arith.index_cast %add3A_1577 : i32 to index
        %get3A_1629 = arith.constant 80 : index
        %get3A_1630 = tpu.vector_load %arg10[%get3A_1628, %get3A_1629] {strides = array<i32>} : memref<128x128xf32, #tpu.memory_space<vmem>>, vector<1x16xf32>,
        %get3A_1631 = vector.shape_cast %get3A_1630 : vector<1x16xf32> to vector<16xf32>
        %mul3A_1632 = arith.mulf %get3A_1631, %gather3A_1573 : vector<16xf32>
        %swap3A_1633 = arith.index_cast %add3A_1577 : i32 to index
        %swap3A_1634 = arith.constant 80 : index
        %swap3A_1635 = tpu.vector_load %arg10[%swap3A_1633, %swap3A_1634] {strides = array<i32>} : memref<128x128xf32, #tpu.memory_space<vmem>>, vector<1x16xf32>,
        %swap3A_1636 = vector.shape_cast %swap3A_1635 : vector<1x16xf32> to vector<16xf32>
        %swap3A_1637 = vector.shape_cast %mul3A_1632 : vector<16xf32> to vector<1x16xf32>
        tpu.vector_store %arg10[%swap3A_1633, %swap3A_1634], %swap3A_1637 {strides = array<i32>} : memref<128x128xf32, #tpu.memory_space<vmem>>, vector<1x16xf32>,
        %get3A_1638 = arith.index_cast %add3A_1577 : i32 to index
        %get3A_1639 = arith.constant 96 : index
        %get3A_1640 = tpu.vector_load %arg10[%get3A_1638, %get3A_1639] {strides = array<i32>} : memref<128x128xf32, #tpu.memory_space<vmem>>, vector<1x16xf32>,
        %get3A_1641 = vector.shape_cast %get3A_1640 : vector<1x16xf32> to vector<16xf32>
        %mul3A_1642 = arith.mulf %get3A_1641, %gather3A_1573 : vector<16xf32>
        %swap3A_1643 = arith.index_cast %add3A_1577 : i32 to index
        %swap3A_1644 = arith.constant 96 : index
        %swap3A_1645 = tpu.vector_load %arg10[%swap3A_1643, %swap3A_1644] {strides = array<i32>} : memref<128x128xf32, #tpu.memory_space<vmem>>, vector<1x16xf32>,
        %swap3A_1646 = vector.shape_cast %swap3A_1645 : vector<1x16xf32> to vector<16xf32>
        %swap3A_1647 = vector.shape_cast %mul3A_1642 : vector<16xf32> to vector<1x16xf32>
        tpu.vector_store %arg10[%swap3A_1643, %swap3A_1644], %swap3A_1647 {strides = array<i32>} : memref<128x128xf32, #tpu.memory_space<vmem>>, vector<1x16xf32>,
        %get3A_1648 = arith.index_cast %add3A_1577 : i32 to index
        %get3A_1649 = arith.constant 112 : index
        %get3A_1650 = tpu.vector_load %arg10[%get3A_1648, %get3A_1649] {strides = array<i32>} : memref<128x128xf32, #tpu.memory_space<vmem>>, vector<1x16xf32>,
        %get3A_1651 = vector.shape_cast %get3A_1650 : vector<1x16xf32> to vector<16xf32>
        %mul3A_1652 = arith.mulf %get3A_1651, %gather3A_1573 : vector<16xf32>
        %swap3A_1653 = arith.index_cast %add3A_1577 : i32 to index
        %swap3A_1654 = arith.constant 112 : index
        %swap3A_1655 = tpu.vector_load %arg10[%swap3A_1653, %swap3A_1654] {strides = array<i32>} : memref<128x128xf32, #tpu.memory_space<vmem>>, vector<1x16xf32>,
        %swap3A_1656 = vector.shape_cast %swap3A_1655 : vector<1x16xf32> to vector<16xf32>
        %swap3A_1657 = vector.shape_cast %mul3A_1652 : vector<16xf32> to vector<1x16xf32>
        tpu.vector_store %arg10[%swap3A_1653, %swap3A_1654], %swap3A_1657 {strides = array<i32>} : memref<128x128xf32, #tpu.memory_space<vmem>>, vector<1x16xf32>,
        %broadcast_in_dim3A_1658 = arith.constant 2 : i32
        %broadcast_in_dim3A_1659 = vector.broadcast %broadcast_in_dim3A_1658 : i32 to vector<16x1xi32>
        %gather3A_1660 = vector.shape_cast %broadcast_in_dim3A_1659 : vector<16x1xi32> to vector<16xi32>
        %gather3A_1661 = tpu.dynamic_gather %get3A_1481[%gather3A_1660] in [0] : vector<16xf32>, vector<16xi32> -> vector<16xf32>
        %mul3A_1662 = arith.constant 16 : i32
        %mul3A_1663 = arith.muli %scan3A_1475, %mul3A_1662 : i32
        %add3A_1664 = arith.constant 2 : i32
        %add3A_1665 = arith.addi %mul3A_1663, %add3A_1664 : i32
        %get3A_1666 = arith.index_cast %add3A_1665 : i32 to index
        %get3A_1667 = arith.constant 0 : index
        %get3A_1668 = tpu.vector_load %arg10[%get3A_1666, %get3A_1667] {strides = array<i32>} : memref<128x128xf32, #tpu.memory_space<vmem>>, vector<1x16xf32>,
        %get3A_1669 = vector.shape_cast %get3A_1668 : vector<1x16xf32> to vector<16xf32>
        %mul3A_1670 = arith.mulf %get3A_1669, %gather3A_1661 : vector<16xf32>
        %swap3A_1671 = arith.index_cast %add3A_1665 : i32 to index
        %swap3A_1672 = arith.constant 0 : index
        %swap3A_1673 = tpu.vector_load %arg10[%swap3A_1671, %swap3A_1672] {strides = array<i32>} : memref<128x128xf32, #tpu.memory_space<vmem>>, vector<1x16xf32>,
        %swap3A_1674 = vector.shape_cast %swap3A_1673 : vector<1x16xf32> to vector<16xf32>
        %swap3A_1675 = vector.shape_cast %mul3A_1670 : vector<16xf32> to vector<1x16xf32>
        tpu.vector_store %arg10[%swap3A_1671, %swap3A_1672], %swap3A_1675 {strides = array<i32>} : memref<128x128xf32, #tpu.memory_space<vmem>>, vector<1x16xf32>,
        %get3A_1676 = arith.index_cast %add3A_1665 : i32 to index
        %get3A_1677 = arith.constant 16 : index
        %get3A_1678 = tpu.vector_load %arg10[%get3A_1676, %get3A_1677] {strides = array<i32>} : memref<128x128xf32, #tpu.memory_space<vmem>>, vector<1x16xf32>,
        %get3A_1679 = vector.shape_cast %get3A_1678 : vector<1x16xf32> to vector<16xf32>
        %mul3A_1680 = arith.mulf %get3A_1679, %gather3A_1661 : vector<16xf32>
        %swap3A_1681 = arith.index_cast %add3A_1665 : i32 to index
        %swap3A_1682 = arith.constant 16 : index
        %swap3A_1683 = tpu.vector_load %arg10[%swap3A_1681, %swap3A_1682] {strides = array<i32>} : memref<128x128xf32, #tpu.memory_space<vmem>>, vector<1x16xf32>,
        %swap3A_1684 = vector.shape_cast %swap3A_1683 : vector<1x16xf32> to vector<16xf32>
        %swap3A_1685 = vector.shape_cast %mul3A_1680 : vector<16xf32> to vector<1x16xf32>
        tpu.vector_store %arg10[%swap3A_1681, %swap3A_1682], %swap3A_1685 {strides = array<i32>} : memref<128x128xf32, #tpu.memory_space<vmem>>, vector<1x16xf32>,
        %get3A_1686 = arith.index_cast %add3A_1665 : i32 to index
        %get3A_1687 = arith.constant 32 : index
        %get3A_1688 = tpu.vector_load %arg10[%get3A_1686, %get3A_1687] {strides = array<i32>} : memref<128x128xf32, #tpu.memory_space<vmem>>, vector<1x16xf32>,
        %get3A_1689 = vector.shape_cast %get3A_1688 : vector<1x16xf32> to vector<16xf32>
        %mul3A_1690 = arith.mulf %get3A_1689, %gather3A_1661 : vector<16xf32>
        %swap3A_1691 = arith.index_cast %add3A_1665 : i32 to index
        %swap3A_1692 = arith.constant 32 : index
        %swap3A_1693 = tpu.vector_load %arg10[%swap3A_1691, %swap3A_1692] {strides = array<i32>} : memref<128x128xf32, #tpu.memory_space<vmem>>, vector<1x16xf32>,
        %swap3A_1694 = vector.shape_cast %swap3A_1693 : vector<1x16xf32> to vector<16xf32>
        %swap3A_1695 = vector.shape_cast %mul3A_1690 : vector<16xf32> to vector<1x16xf32>
        tpu.vector_store %arg10[%swap3A_1691, %swap3A_1692], %swap3A_1695 {strides = array<i32>} : memref<128x128xf32, #tpu.memory_space<vmem>>, vector<1x16xf32>,
        %get3A_1696 = arith.index_cast %add3A_1665 : i32 to index
        %get3A_1697 = arith.constant 48 : index
        %get3A_1698 = tpu.vector_load %arg10[%get3A_1696, %get3A_1697] {strides = array<i32>} : memref<128x128xf32, #tpu.memory_space<vmem>>, vector<1x16xf32>,
        %get3A_1699 = vector.shape_cast %get3A_1698 : vector<1x16xf32> to vector<16xf32>
        %mul3A_1700 = arith.mulf %get3A_1699, %gather3A_1661 : vector<16xf32>
        %swap3A_1701 = arith.index_cast %add3A_1665 : i32 to index
        %swap3A_1702 = arith.constant 48 : index
        %swap3A_1703 = tpu.vector_load %arg10[%swap3A_1701, %swap3A_1702] {strides = array<i32>} : memref<128x128xf32, #tpu.memory_space<vmem>>, vector<1x16xf32>,
        %swap3A_1704 = vector.shape_cast %swap3A_1703 : vector<1x16xf32> to vector<16xf32>
        %swap3A_1705 = vector.shape_cast %mul3A_1700 : vector<16xf32> to vector<1x16xf32>
        tpu.vector_store %arg10[%swap3A_1701, %swap3A_1702], %swap3A_1705 {strides = array<i32>} : memref<128x128xf32, #tpu.memory_space<vmem>>, vector<1x16xf32>,
        %get3A_1706 = arith.index_cast %add3A_1665 : i32 to index
        %get3A_1707 = arith.constant 64 : index
        %get3A_1708 = tpu.vector_load %arg10[%get3A_1706, %get3A_1707] {strides = array<i32>} : memref<128x128xf32, #tpu.memory_space<vmem>>, vector<1x16xf32>,
        %get3A_1709 = vector.shape_cast %get3A_1708 : vector<1x16xf32> to vector<16xf32>
        %mul3A_1710 = arith.mulf %get3A_1709, %gather3A_1661 : vector<16xf32>
        %swap3A_1711 = arith.index_cast %add3A_1665 : i32 to index
        %swap3A_1712 = arith.constant 64 : index
        %swap3A_1713 = tpu.vector_load %arg10[%swap3A_1711, %swap3A_1712] {strides = array<i32>} : memref<128x128xf32, #tpu.memory_space<vmem>>, vector<1x16xf32>,
        %swap3A_1714 = vector.shape_cast %swap3A_1713 : vector<1x16xf32> to vector<16xf32>
        %swap3A_1715 = vector.shape_cast %mul3A_1710 : vector<16xf32> to vector<1x16xf32>
        tpu.vector_store %arg10[%swap3A_1711, %swap3A_1712], %swap3A_1715 {strides = array<i32>} : memref<128x128xf32, #tpu.memory_space<vmem>>, vector<1x16xf32>,
        %get3A_1716 = arith.index_cast %add3A_1665 : i32 to index
        %get3A_1717 = arith.constant 80 : index
        %get3A_1718 = tpu.vector_load %arg10[%get3A_1716, %get3A_1717] {strides = array<i32>} : memref<128x128xf32, #tpu.memory_space<vmem>>, vector<1x16xf32>,
        %get3A_1719 = vector.shape_cast %get3A_1718 : vector<1x16xf32> to vector<16xf32>
        %mul3A_1720 = arith.mulf %get3A_1719, %gather3A_1661 : vector<16xf32>
        %swap3A_1721 = arith.index_cast %add3A_1665 : i32 to index
        %swap3A_1722 = arith.constant 80 : index
        %swap3A_1723 = tpu.vector_load %arg10[%swap3A_1721, %swap3A_1722] {strides = array<i32>} : memref<128x128xf32, #tpu.memory_space<vmem>>, vector<1x16xf32>,
        %swap3A_1724 = vector.shape_cast %swap3A_1723 : vector<1x16xf32> to vector<16xf32>
        %swap3A_1725 = vector.shape_cast %mul3A_1720 : vector<16xf32> to vector<1x16xf32>
        tpu.vector_store %arg10[%swap3A_1721, %swap3A_1722], %swap3A_1725 {strides = array<i32>} : memref<128x128xf32, #tpu.memory_space<vmem>>, vector<1x16xf32>,
        %get3A_1726 = arith.index_cast %add3A_1665 : i32 to index
        %get3A_1727 = arith.constant 96 : index
        %get3A_1728 = tpu.vector_load %arg10[%get3A_1726, %get3A_1727] {strides = array<i32>} : memref<128x128xf32, #tpu.memory_space<vmem>>, vector<1x16xf32>,
        %get3A_1729 = vector.shape_cast %get3A_1728 : vector<1x16xf32> to vector<16xf32>
        %mul3A_1730 = arith.mulf %get3A_1729, %gather3A_1661 : vector<16xf32>
        %swap3A_1731 = arith.index_cast %add3A_1665 : i32 to index
        %swap3A_1732 = arith.constant 96 : index
        %swap3A_1733 = tpu.vector_load %arg10[%swap3A_1731, %swap3A_1732] {strides = array<i32>} : memref<128x128xf32, #tpu.memory_space<vmem>>, vector<1x16xf32>,
        %swap3A_1734 = vector.shape_cast %swap3A_1733 : vector<1x16xf32> to vector<16xf32>
        %swap3A_1735 = vector.shape_cast %mul3A_1730 : vector<16xf32> to vector<1x16xf32>
        tpu.vector_store %arg10[%swap3A_1731, %swap3A_1732], %swap3A_1735 {strides = array<i32>} : memref<128x128xf32, #tpu.memory_space<vmem>>, vector<1x16xf32>,
        %get3A_1736 = arith.index_cast %add3A_1665 : i32 to index
        %get3A_1737 = arith.constant 112 : index
        %get3A_1738 = tpu.vector_load %arg10[%get3A_1736, %get3A_1737] {strides = array<i32>} : memref<128x128xf32, #tpu.memory_space<vmem>>, vector<1x16xf32>,
        %get3A_1739 = vector.shape_cast %get3A_1738 : vector<1x16xf32> to vector<16xf32>
        %mul3A_1740 = arith.mulf %get3A_1739, %gather3A_1661 : vector<16xf32>
        %swap3A_1741 = arith.index_cast %add3A_1665 : i32 to index
        %swap3A_1742 = arith.constant 112 : index
        %swap3A_1743 = tpu.vector_load %arg10[%swap3A_1741, %swap3A_1742] {strides = array<i32>} : memref<128x128xf32, #tpu.memory_space<vmem>>, vector<1x16xf32>,
        %swap3A_1744 = vector.shape_cast %swap3A_1743 : vector<1x16xf32> to vector<16xf32>
        %swap3A_1745 = vector.shape_cast %mul3A_1740 : vector<16xf32> to vector<1x16xf32>
        tpu.vector_store %arg10[%swap3A_1741, %swap3A_1742], %swap3A_1745 {strides = array<i32>} : memref<128x128xf32, #tpu.memory_space<vmem>>, vector<1x16xf32>,
        %broadcast_in_dim3A_1746 = arith.constant 3 : i32
        %broadcast_in_dim3A_1747 = vector.broadcast %broadcast_in_dim3A_1746 : i32 to vector<16x1xi32>
        %gather3A_1748 = vector.shape_cast %broadcast_in_dim3A_1747 : vector<16x1xi32> to vector<16xi32>
        %gather3A_1749 = tpu.dynamic_gather %get3A_1481[%gather3A_1748] in [0] : vector<16xf32>, vector<16xi32> -> vector<16xf32>
        %mul3A_1750 = arith.constant 16 : i32
        %mul3A_1751 = arith.muli %scan3A_1475, %mul3A_1750 : i32
        %add3A_1752 = arith.constant 3 : i32
        %add3A_1753 = arith.addi %mul3A_1751, %add3A_1752 : i32
        %get3A_1754 = arith.index_cast %add3A_1753 : i32 to index
        %get3A_1755 = arith.constant 0 : index
        %get3A_1756 = tpu.vector_load %arg10[%get3A_1754, %get3A_1755] {strides = array<i32>} : memref<128x128xf32, #tpu.memory_space<vmem>>, vector<1x16xf32>,
        %get3A_1757 = vector.shape_cast %get3A_1756 : vector<1x16xf32> to vector<16xf32>
        %mul3A_1758 = arith.mulf %get3A_1757, %gather3A_1749 : vector<16xf32>
        %swap3A_1759 = arith.index_cast %add3A_1753 : i32 to index
        %swap3A_1760 = arith.constant 0 : index
        %swap3A_1761 = tpu.vector_load %arg10[%swap3A_1759, %swap3A_1760] {strides = array<i32>} : memref<128x128xf32, #tpu.memory_space<vmem>>, vector<1x16xf32>,
        %swap3A_1762 = vector.shape_cast %swap3A_1761 : vector<1x16xf32> to vector<16xf32>
        %swap3A_1763 = vector.shape_cast %mul3A_1758 : vector<16xf32> to vector<1x16xf32>
        tpu.vector_store %arg10[%swap3A_1759, %swap3A_1760], %swap3A_1763 {strides = array<i32>} : memref<128x128xf32, #tpu.memory_space<vmem>>, vector<1x16xf32>,
        %get3A_1764 = arith.index_cast %add3A_1753 : i32 to index
        %get3A_1765 = arith.constant 16 : index
        %get3A_1766 = tpu.vector_load %arg10[%get3A_1764, %get3A_1765] {strides = array<i32>} : memref<128x128xf32, #tpu.memory_space<vmem>>, vector<1x16xf32>,
        %get3A_1767 = vector.shape_cast %get3A_1766 : vector<1x16xf32> to vector<16xf32>
        %mul3A_1768 = arith.mulf %get3A_1767, %gather3A_1749 : vector<16xf32>
        %swap3A_1769 = arith.index_cast %add3A_1753 : i32 to index
        %swap3A_1770 = arith.constant 16 : index
        %swap3A_1771 = tpu.vector_load %arg10[%swap3A_1769, %swap3A_1770] {strides = array<i32>} : memref<128x128xf32, #tpu.memory_space<vmem>>, vector<1x16xf32>,
        %swap3A_1772 = vector.shape_cast %swap3A_1771 : vector<1x16xf32> to vector<16xf32>
        %swap3A_1773 = vector.shape_cast %mul3A_1768 : vector<16xf32> to vector<1x16xf32>
        tpu.vector_store %arg10[%swap3A_1769, %swap3A_1770], %swap3A_1773 {strides = array<i32>} : memref<128x128xf32, #tpu.memory_space<vmem>>, vector<1x16xf32>,
        %get3A_1774 = arith.index_cast %add3A_1753 : i32 to index
        %get3A_1775 = arith.constant 32 : index
        %get3A_1776 = tpu.vector_load %arg10[%get3A_1774, %get3A_1775] {strides = array<i32>} : memref<128x128xf32, #tpu.memory_space<vmem>>, vector<1x16xf32>,
        %get3A_1777 = vector.shape_cast %get3A_1776 : vector<1x16xf32> to vector<16xf32>
        %mul3A_1778 = arith.mulf %get3A_1777, %gather3A_1749 : vector<16xf32>
        %swap3A_1779 = arith.index_cast %add3A_1753 : i32 to index
        %swap3A_1780 = arith.constant 32 : index
        %swap3A_1781 = tpu.vector_load %arg10[%swap3A_1779, %swap3A_1780] {strides = array<i32>} : memref<128x128xf32, #tpu.memory_space<vmem>>, vector<1x16xf32>,
        %swap3A_1782 = vector.shape_cast %swap3A_1781 : vector<1x16xf32> to vector<16xf32>
        %swap3A_1783 = vector.shape_cast %mul3A_1778 : vector<16xf32> to vector<1x16xf32>
        tpu.vector_store %arg10[%swap3A_1779, %swap3A_1780], %swap3A_1783 {strides = array<i32>} : memref<128x128xf32, #tpu.memory_space<vmem>>, vector<1x16xf32>,
        %get3A_1784 = arith.index_cast %add3A_1753 : i32 to index
        %get3A_1785 = arith.constant 48 : index
        %get3A_1786 = tpu.vector_load %arg10[%get3A_1784, %get3A_1785] {strides = array<i32>} : memref<128x128xf32, #tpu.memory_space<vmem>>, vector<1x16xf32>,
        %get3A_1787 = vector.shape_cast %get3A_1786 : vector<1x16xf32> to vector<16xf32>
        %mul3A_1788 = arith.mulf %get3A_1787, %gather3A_1749 : vector<16xf32>
        %swap3A_1789 = arith.index_cast %add3A_1753 : i32 to index
        %swap3A_1790 = arith.constant 48 : index
        %swap3A_1791 = tpu.vector_load %arg10[%swap3A_1789, %swap3A_1790] {strides = array<i32>} : memref<128x128xf32, #tpu.memory_space<vmem>>, vector<1x16xf32>,
        %swap3A_1792 = vector.shape_cast %swap3A_1791 : vector<1x16xf32> to vector<16xf32>
        %swap3A_1793 = vector.shape_cast %mul3A_1788 : vector<16xf32> to vector<1x16xf32>
        tpu.vector_store %arg10[%swap3A_1789, %swap3A_1790], %swap3A_1793 {strides = array<i32>} : memref<128x128xf32, #tpu.memory_space<vmem>>, vector<1x16xf32>,
        %get3A_1794 = arith.index_cast %add3A_1753 : i32 to index
        %get3A_1795 = arith.constant 64 : index
        %get3A_1796 = tpu.vector_load %arg10[%get3A_1794, %get3A_1795] {strides = array<i32>} : memref<128x128xf32, #tpu.memory_space<vmem>>, vector<1x16xf32>,
        %get3A_1797 = vector.shape_cast %get3A_1796 : vector<1x16xf32> to vector<16xf32>
        %mul3A_1798 = arith.mulf %get3A_1797, %gather3A_1749 : vector<16xf32>
        %swap3A_1799 = arith.index_cast %add3A_1753 : i32 to index
        %swap3A_1800 = arith.constant 64 : index
        %swap3A_1801 = tpu.vector_load %arg10[%swap3A_1799, %swap3A_1800] {strides = array<i32>} : memref<128x128xf32, #tpu.memory_space<vmem>>, vector<1x16xf32>,
        %swap3A_1802 = vector.shape_cast %swap3A_1801 : vector<1x16xf32> to vector<16xf32>
        %swap3A_1803 = vector.shape_cast %mul3A_1798 : vector<16xf32> to vector<1x16xf32>
        tpu.vector_store %arg10[%swap3A_1799, %swap3A_1800], %swap3A_1803 {strides = array<i32>} : memref<128x128xf32, #tpu.memory_space<vmem>>, vector<1x16xf32>,
        %get3A_1804 = arith.index_cast %add3A_1753 : i32 to index
        %get3A_1805 = arith.constant 80 : index
        %get3A_1806 = tpu.vector_load %arg10[%get3A_1804, %get3A_1805] {strides = array<i32>} : memref<128x128xf32, #tpu.memory_space<vmem>>, vector<1x16xf32>,
        %get3A_1807 = vector.shape_cast %get3A_1806 : vector<1x16xf32> to vector<16xf32>
        %mul3A_1808 = arith.mulf %get3A_1807, %gather3A_1749 : vector<16xf32>
        %swap3A_1809 = arith.index_cast %add3A_1753 : i32 to index
        %swap3A_1810 = arith.constant 80 : index
        %swap3A_1811 = tpu.vector_load %arg10[%swap3A_1809, %swap3A_1810] {strides = array<i32>} : memref<128x128xf32, #tpu.memory_space<vmem>>, vector<1x16xf32>,
        %swap3A_1812 = vector.shape_cast %swap3A_1811 : vector<1x16xf32> to vector<16xf32>
        %swap3A_1813 = vector.shape_cast %mul3A_1808 : vector<16xf32> to vector<1x16xf32>
        tpu.vector_store %arg10[%swap3A_1809, %swap3A_1810], %swap3A_1813 {strides = array<i32>} : memref<128x128xf32, #tpu.memory_space<vmem>>, vector<1x16xf32>,
        %get3A_1814 = arith.index_cast %add3A_1753 : i32 to index
        %get3A_1815 = arith.constant 96 : index
        %get3A_1816 = tpu.vector_load %arg10[%get3A_1814, %get3A_1815] {strides = array<i32>} : memref<128x128xf32, #tpu.memory_space<vmem>>, vector<1x16xf32>,
        %get3A_1817 = vector.shape_cast %get3A_1816 : vector<1x16xf32> to vector<16xf32>
        %mul3A_1818 = arith.mulf %get3A_1817, %gather3A_1749 : vector<16xf32>
        %swap3A_1819 = arith.index_cast %add3A_1753 : i32 to index
        %swap3A_1820 = arith.constant 96 : index
        %swap3A_1821 = tpu.vector_load %arg10[%swap3A_1819, %swap3A_1820] {strides = array<i32>} : memref<128x128xf32, #tpu.memory_space<vmem>>, vector<1x16xf32>,
        %swap3A_1822 = vector.shape_cast %swap3A_1821 : vector<1x16xf32> to vector<16xf32>
        %swap3A_1823 = vector.shape_cast %mul3A_1818 : vector<16xf32> to vector<1x16xf32>
        tpu.vector_store %arg10[%swap3A_1819, %swap3A_1820], %swap3A_1823 {strides = array<i32>} : memref<128x128xf32, #tpu.memory_space<vmem>>, vector<1x16xf32>,
        %get3A_1824 = arith.index_cast %add3A_1753 : i32 to index
        %get3A_1825 = arith.constant 112 : index
        %get3A_1826 = tpu.vector_load %arg10[%get3A_1824, %get3A_1825] {strides = array<i32>} : memref<128x128xf32, #tpu.memory_space<vmem>>, vector<1x16xf32>,
        %get3A_1827 = vector.shape_cast %get3A_1826 : vector<1x16xf32> to vector<16xf32>
        %mul3A_1828 = arith.mulf %get3A_1827, %gather3A_1749 : vector<16xf32>
        %swap3A_1829 = arith.index_cast %add3A_1753 : i32 to index
        %swap3A_1830 = arith.constant 112 : index
        %swap3A_1831 = tpu.vector_load %arg10[%swap3A_1829, %swap3A_1830] {strides = array<i32>} : memref<128x128xf32, #tpu.memory_space<vmem>>, vector<1x16xf32>,
        %swap3A_1832 = vector.shape_cast %swap3A_1831 : vector<1x16xf32> to vector<16xf32>
        %swap3A_1833 = vector.shape_cast %mul3A_1828 : vector<16xf32> to vector<1x16xf32>
        tpu.vector_store %arg10[%swap3A_1829, %swap3A_1830], %swap3A_1833 {strides = array<i32>} : memref<128x128xf32, #tpu.memory_space<vmem>>, vector<1x16xf32>,
        %broadcast_in_dim3A_1834 = arith.constant 4 : i32
        %broadcast_in_dim3A_1835 = vector.broadcast %broadcast_in_dim3A_1834 : i32 to vector<16x1xi32>
        %gather3A_1836 = vector.shape_cast %broadcast_in_dim3A_1835 : vector<16x1xi32> to vector<16xi32>
        %gather3A_1837 = tpu.dynamic_gather %get3A_1481[%gather3A_1836] in [0] : vector<16xf32>, vector<16xi32> -> vector<16xf32>
        %mul3A_1838 = arith.constant 16 : i32
        %mul3A_1839 = arith.muli %scan3A_1475, %mul3A_1838 : i32
        %add3A_1840 = arith.constant 4 : i32
        %add3A_1841 = arith.addi %mul3A_1839, %add3A_1840 : i32
        %get3A_1842 = arith.index_cast %add3A_1841 : i32 to index
        %get3A_1843 = arith.constant 0 : index
        %get3A_1844 = tpu.vector_load %arg10[%get3A_1842, %get3A_1843] {strides = array<i32>} : memref<128x128xf32, #tpu.memory_space<vmem>>, vector<1x16xf32>,
        %get3A_1845 = vector.shape_cast %get3A_1844 : vector<1x16xf32> to vector<16xf32>
        %mul3A_1846 = arith.mulf %get3A_1845, %gather3A_1837 : vector<16xf32>
        %swap3A_1847 = arith.index_cast %add3A_1841 : i32 to index
        %swap3A_1848 = arith.constant 0 : index
        %swap3A_1849 = tpu.vector_load %arg10[%swap3A_1847, %swap3A_1848] {strides = array<i32>} : memref<128x128xf32, #tpu.memory_space<vmem>>, vector<1x16xf32>,
        %swap3A_1850 = vector.shape_cast %swap3A_1849 : vector<1x16xf32> to vector<16xf32>
        %swap3A_1851 = vector.shape_cast %mul3A_1846 : vector<16xf32> to vector<1x16xf32>
        tpu.vector_store %arg10[%swap3A_1847, %swap3A_1848], %swap3A_1851 {strides = array<i32>} : memref<128x128xf32, #tpu.memory_space<vmem>>, vector<1x16xf32>,
        %get3A_1852 = arith.index_cast %add3A_1841 : i32 to index
        %get3A_1853 = arith.constant 16 : index
        %get3A_1854 = tpu.vector_load %arg10[%get3A_1852, %get3A_1853] {strides = array<i32>} : memref<128x128xf32, #tpu.memory_space<vmem>>, vector<1x16xf32>,
        %get3A_1855 = vector.shape_cast %get3A_1854 : vector<1x16xf32> to vector<16xf32>
        %mul3A_1856 = arith.mulf %get3A_1855, %gather3A_1837 : vector<16xf32>
        %swap3A_1857 = arith.index_cast %add3A_1841 : i32 to index
        %swap3A_1858 = arith.constant 16 : index
        %swap3A_1859 = tpu.vector_load %arg10[%swap3A_1857, %swap3A_1858] {strides = array<i32>} : memref<128x128xf32, #tpu.memory_space<vmem>>, vector<1x16xf32>,
        %swap3A_1860 = vector.shape_cast %swap3A_1859 : vector<1x16xf32> to vector<16xf32>
        %swap3A_1861 = vector.shape_cast %mul3A_1856 : vector<16xf32> to vector<1x16xf32>
        tpu.vector_store %arg10[%swap3A_1857, %swap3A_1858], %swap3A_1861 {strides = array<i32>} : memref<128x128xf32, #tpu.memory_space<vmem>>, vector<1x16xf32>,
        %get3A_1862 = arith.index_cast %add3A_1841 : i32 to index
        %get3A_1863 = arith.constant 32 : index
        %get3A_1864 = tpu.vector_load %arg10[%get3A_1862, %get3A_1863] {strides = array<i32>} : memref<128x128xf32, #tpu.memory_space<vmem>>, vector<1x16xf32>,
        %get3A_1865 = vector.shape_cast %get3A_1864 : vector<1x16xf32> to vector<16xf32>
        %mul3A_1866 = arith.mulf %get3A_1865, %gather3A_1837 : vector<16xf32>
        %swap3A_1867 = arith.index_cast %add3A_1841 : i32 to index
        %swap3A_1868 = arith.constant 32 : index
        %swap3A_1869 = tpu.vector_load %arg10[%swap3A_1867, %swap3A_1868] {strides = array<i32>} : memref<128x128xf32, #tpu.memory_space<vmem>>, vector<1x16xf32>,
        %swap3A_1870 = vector.shape_cast %swap3A_1869 : vector<1x16xf32> to vector<16xf32>
        %swap3A_1871 = vector.shape_cast %mul3A_1866 : vector<16xf32> to vector<1x16xf32>
        tpu.vector_store %arg10[%swap3A_1867, %swap3A_1868], %swap3A_1871 {strides = array<i32>} : memref<128x128xf32, #tpu.memory_space<vmem>>, vector<1x16xf32>,
        %get3A_1872 = arith.index_cast %add3A_1841 : i32 to index
        %get3A_1873 = arith.constant 48 : index
        %get3A_1874 = tpu.vector_load %arg10[%get3A_1872, %get3A_1873] {strides = array<i32>} : memref<128x128xf32, #tpu.memory_space<vmem>>, vector<1x16xf32>,
        %get3A_1875 = vector.shape_cast %get3A_1874 : vector<1x16xf32> to vector<16xf32>
        %mul3A_1876 = arith.mulf %get3A_1875, %gather3A_1837 : vector<16xf32>
        %swap3A_1877 = arith.index_cast %add3A_1841 : i32 to index
        %swap3A_1878 = arith.constant 48 : index
        %swap3A_1879 = tpu.vector_load %arg10[%swap3A_1877, %swap3A_1878] {strides = array<i32>} : memref<128x128xf32, #tpu.memory_space<vmem>>, vector<1x16xf32>,
        %swap3A_1880 = vector.shape_cast %swap3A_1879 : vector<1x16xf32> to vector<16xf32>
        %swap3A_1881 = vector.shape_cast %mul3A_1876 : vector<16xf32> to vector<1x16xf32>
        tpu.vector_store %arg10[%swap3A_1877, %swap3A_1878], %swap3A_1881 {strides = array<i32>} : memref<128x128xf32, #tpu.memory_space<vmem>>, vector<1x16xf32>,
        %get3A_1882 = arith.index_cast %add3A_1841 : i32 to index
        %get3A_1883 = arith.constant 64 : index
        %get3A_1884 = tpu.vector_load %arg10[%get3A_1882, %get3A_1883] {strides = array<i32>} : memref<128x128xf32, #tpu.memory_space<vmem>>, vector<1x16xf32>,
        %get3A_1885 = vector.shape_cast %get3A_1884 : vector<1x16xf32> to vector<16xf32>
        %mul3A_1886 = arith.mulf %get3A_1885, %gather3A_1837 : vector<16xf32>
        %swap3A_1887 = arith.index_cast %add3A_1841 : i32 to index
        %swap3A_1888 = arith.constant 64 : index
        %swap3A_1889 = tpu.vector_load %arg10[%swap3A_1887, %swap3A_1888] {strides = array<i32>} : memref<128x128xf32, #tpu.memory_space<vmem>>, vector<1x16xf32>,
        %swap3A_1890 = vector.shape_cast %swap3A_1889 : vector<1x16xf32> to vector<16xf32>
        %swap3A_1891 = vector.shape_cast %mul3A_1886 : vector<16xf32> to vector<1x16xf32>
        tpu.vector_store %arg10[%swap3A_1887, %swap3A_1888], %swap3A_1891 {strides = array<i32>} : memref<128x128xf32, #tpu.memory_space<vmem>>, vector<1x16xf32>,
        %get3A_1892 = arith.index_cast %add3A_1841 : i32 to index
        %get3A_1893 = arith.constant 80 : index
        %get3A_1894 = tpu.vector_load %arg10[%get3A_1892, %get3A_1893] {strides = array<i32>} : memref<128x128xf32, #tpu.memory_space<vmem>>, vector<1x16xf32>,
        %get3A_1895 = vector.shape_cast %get3A_1894 : vector<1x16xf32> to vector<16xf32>
        %mul3A_1896 = arith.mulf %get3A_1895, %gather3A_1837 : vector<16xf32>
        %swap3A_1897 = arith.index_cast %add3A_1841 : i32 to index
        %swap3A_1898 = arith.constant 80 : index
        %swap3A_1899 = tpu.vector_load %arg10[%swap3A_1897, %swap3A_1898] {strides = array<i32>} : memref<128x128xf32, #tpu.memory_space<vmem>>, vector<1x16xf32>,
        %swap3A_1900 = vector.shape_cast %swap3A_1899 : vector<1x16xf32> to vector<16xf32>
        %swap3A_1901 = vector.shape_cast %mul3A_1896 : vector<16xf32> to vector<1x16xf32>
        tpu.vector_store %arg10[%swap3A_1897, %swap3A_1898], %swap3A_1901 {strides = array<i32>} : memref<128x128xf32, #tpu.memory_space<vmem>>, vector<1x16xf32>,
        %get3A_1902 = arith.index_cast %add3A_1841 : i32 to index
        %get3A_1903 = arith.constant 96 : index
        %get3A_1904 = tpu.vector_load %arg10[%get3A_1902, %get3A_1903] {strides = array<i32>} : memref<128x128xf32, #tpu.memory_space<vmem>>, vector<1x16xf32>,
        %get3A_1905 = vector.shape_cast %get3A_1904 : vector<1x16xf32> to vector<16xf32>
        %mul3A_1906 = arith.mulf %get3A_1905, %gather3A_1837 : vector<16xf32>
        %swap3A_1907 = arith.index_cast %add3A_1841 : i32 to index
        %swap3A_1908 = arith.constant 96 : index
        %swap3A_1909 = tpu.vector_load %arg10[%swap3A_1907, %swap3A_1908] {strides = array<i32>} : memref<128x128xf32, #tpu.memory_space<vmem>>, vector<1x16xf32>,
        %swap3A_1910 = vector.shape_cast %swap3A_1909 : vector<1x16xf32> to vector<16xf32>
        %swap3A_1911 = vector.shape_cast %mul3A_1906 : vector<16xf32> to vector<1x16xf32>
        tpu.vector_store %arg10[%swap3A_1907, %swap3A_1908], %swap3A_1911 {strides = array<i32>} : memref<128x128xf32, #tpu.memory_space<vmem>>, vector<1x16xf32>,
        %get3A_1912 = arith.index_cast %add3A_1841 : i32 to index
        %get3A_1913 = arith.constant 112 : index
        %get3A_1914 = tpu.vector_load %arg10[%get3A_1912, %get3A_1913] {strides = array<i32>} : memref<128x128xf32, #tpu.memory_space<vmem>>, vector<1x16xf32>,
        %get3A_1915 = vector.shape_cast %get3A_1914 : vector<1x16xf32> to vector<16xf32>
        %mul3A_1916 = arith.mulf %get3A_1915, %gather3A_1837 : vector<16xf32>
        %swap3A_1917 = arith.index_cast %add3A_1841 : i32 to index
        %swap3A_1918 = arith.constant 112 : index
        %swap3A_1919 = tpu.vector_load %arg10[%swap3A_1917, %swap3A_1918] {strides = array<i32>} : memref<128x128xf32, #tpu.memory_space<vmem>>, vector<1x16xf32>,
        %swap3A_1920 = vector.shape_cast %swap3A_1919 : vector<1x16xf32> to vector<16xf32>
        %swap3A_1921 = vector.shape_cast %mul3A_1916 : vector<16xf32> to vector<1x16xf32>
        tpu.vector_store %arg10[%swap3A_1917, %swap3A_1918], %swap3A_1921 {strides = array<i32>} : memref<128x128xf32, #tpu.memory_space<vmem>>, vector<1x16xf32>,
        %broadcast_in_dim3A_1922 = arith.constant 5 : i32
        %broadcast_in_dim3A_1923 = vector.broadcast %broadcast_in_dim3A_1922 : i32 to vector<16x1xi32>
        %gather3A_1924 = vector.shape_cast %broadcast_in_dim3A_1923 : vector<16x1xi32> to vector<16xi32>
        %gather3A_1925 = tpu.dynamic_gather %get3A_1481[%gather3A_1924] in [0] : vector<16xf32>, vector<16xi32> -> vector<16xf32>
        %mul3A_1926 = arith.constant 16 : i32
        %mul3A_1927 = arith.muli %scan3A_1475, %mul3A_1926 : i32
        %add3A_1928 = arith.constant 5 : i32
        %add3A_1929 = arith.addi %mul3A_1927, %add3A_1928 : i32
        %get3A_1930 = arith.index_cast %add3A_1929 : i32 to index
        %get3A_1931 = arith.constant 0 : index
        %get3A_1932 = tpu.vector_load %arg10[%get3A_1930, %get3A_1931] {strides = array<i32>} : memref<128x128xf32, #tpu.memory_space<vmem>>, vector<1x16xf32>,
        %get3A_1933 = vector.shape_cast %get3A_1932 : vector<1x16xf32> to vector<16xf32>
        %mul3A_1934 = arith.mulf %get3A_1933, %gather3A_1925 : vector<16xf32>
        %swap3A_1935 = arith.index_cast %add3A_1929 : i32 to index
        %swap3A_1936 = arith.constant 0 : index
        %swap3A_1937 = tpu.vector_load %arg10[%swap3A_1935, %swap3A_1936] {strides = array<i32>} : memref<128x128xf32, #tpu.memory_space<vmem>>, vector<1x16xf32>,
        %swap3A_1938 = vector.shape_cast %swap3A_1937 : vector<1x16xf32> to vector<16xf32>
        %swap3A_1939 = vector.shape_cast %mul3A_1934 : vector<16xf32> to vector<1x16xf32>
        tpu.vector_store %arg10[%swap3A_1935, %swap3A_1936], %swap3A_1939 {strides = array<i32>} : memref<128x128xf32, #tpu.memory_space<vmem>>, vector<1x16xf32>,
        %get3A_1940 = arith.index_cast %add3A_1929 : i32 to index
        %get3A_1941 = arith.constant 16 : index
        %get3A_1942 = tpu.vector_load %arg10[%get3A_1940, %get3A_1941] {strides = array<i32>} : memref<128x128xf32, #tpu.memory_space<vmem>>, vector<1x16xf32>,
        %get3A_1943 = vector.shape_cast %get3A_1942 : vector<1x16xf32> to vector<16xf32>
        %mul3A_1944 = arith.mulf %get3A_1943, %gather3A_1925 : vector<16xf32>
        %swap3A_1945 = arith.index_cast %add3A_1929 : i32 to index
        %swap3A_1946 = arith.constant 16 : index
        %swap3A_1947 = tpu.vector_load %arg10[%swap3A_1945, %swap3A_1946] {strides = array<i32>} : memref<128x128xf32, #tpu.memory_space<vmem>>, vector<1x16xf32>,
        %swap3A_1948 = vector.shape_cast %swap3A_1947 : vector<1x16xf32> to vector<16xf32>
        %swap3A_1949 = vector.shape_cast %mul3A_1944 : vector<16xf32> to vector<1x16xf32>
        tpu.vector_store %arg10[%swap3A_1945, %swap3A_1946], %swap3A_1949 {strides = array<i32>} : memref<128x128xf32, #tpu.memory_space<vmem>>, vector<1x16xf32>,
        %get3A_1950 = arith.index_cast %add3A_1929 : i32 to index
        %get3A_1951 = arith.constant 32 : index
        %get3A_1952 = tpu.vector_load %arg10[%get3A_1950, %get3A_1951] {strides = array<i32>} : memref<128x128xf32, #tpu.memory_space<vmem>>, vector<1x16xf32>,
        %get3A_1953 = vector.shape_cast %get3A_1952 : vector<1x16xf32> to vector<16xf32>
        %mul3A_1954 = arith.mulf %get3A_1953, %gather3A_1925 : vector<16xf32>
        %swap3A_1955 = arith.index_cast %add3A_1929 : i32 to index
        %swap3A_1956 = arith.constant 32 : index
        %swap3A_1957 = tpu.vector_load %arg10[%swap3A_1955, %swap3A_1956] {strides = array<i32>} : memref<128x128xf32, #tpu.memory_space<vmem>>, vector<1x16xf32>,
        %swap3A_1958 = vector.shape_cast %swap3A_1957 : vector<1x16xf32> to vector<16xf32>
        %swap3A_1959 = vector.shape_cast %mul3A_1954 : vector<16xf32> to vector<1x16xf32>
        tpu.vector_store %arg10[%swap3A_1955, %swap3A_1956], %swap3A_1959 {strides = array<i32>} : memref<128x128xf32, #tpu.memory_space<vmem>>, vector<1x16xf32>,
        %get3A_1960 = arith.index_cast %add3A_1929 : i32 to index
        %get3A_1961 = arith.constant 48 : index
        %get3A_1962 = tpu.vector_load %arg10[%get3A_1960, %get3A_1961] {strides = array<i32>} : memref<128x128xf32, #tpu.memory_space<vmem>>, vector<1x16xf32>,
        %get3A_1963 = vector.shape_cast %get3A_1962 : vector<1x16xf32> to vector<16xf32>
        %mul3A_1964 = arith.mulf %get3A_1963, %gather3A_1925 : vector<16xf32>
        %swap3A_1965 = arith.index_cast %add3A_1929 : i32 to index
        %swap3A_1966 = arith.constant 48 : index
        %swap3A_1967 = tpu.vector_load %arg10[%swap3A_1965, %swap3A_1966] {strides = array<i32>} : memref<128x128xf32, #tpu.memory_space<vmem>>, vector<1x16xf32>,
        %swap3A_1968 = vector.shape_cast %swap3A_1967 : vector<1x16xf32> to vector<16xf32>
        %swap3A_1969 = vector.shape_cast %mul3A_1964 : vector<16xf32> to vector<1x16xf32>
        tpu.vector_store %arg10[%swap3A_1965, %swap3A_1966], %swap3A_1969 {strides = array<i32>} : memref<128x128xf32, #tpu.memory_space<vmem>>, vector<1x16xf32>,
        %get3A_1970 = arith.index_cast %add3A_1929 : i32 to index
        %get3A_1971 = arith.constant 64 : index
        %get3A_1972 = tpu.vector_load %arg10[%get3A_1970, %get3A_1971] {strides = array<i32>} : memref<128x128xf32, #tpu.memory_space<vmem>>, vector<1x16xf32>,
        %get3A_1973 = vector.shape_cast %get3A_1972 : vector<1x16xf32> to vector<16xf32>
        %mul3A_1974 = arith.mulf %get3A_1973, %gather3A_1925 : vector<16xf32>
        %swap3A_1975 = arith.index_cast %add3A_1929 : i32 to index
        %swap3A_1976 = arith.constant 64 : index
        %swap3A_1977 = tpu.vector_load %arg10[%swap3A_1975, %swap3A_1976] {strides = array<i32>} : memref<128x128xf32, #tpu.memory_space<vmem>>, vector<1x16xf32>,
        %swap3A_1978 = vector.shape_cast %swap3A_1977 : vector<1x16xf32> to vector<16xf32>
        %swap3A_1979 = vector.shape_cast %mul3A_1974 : vector<16xf32> to vector<1x16xf32>
        tpu.vector_store %arg10[%swap3A_1975, %swap3A_1976], %swap3A_1979 {strides = array<i32>} : memref<128x128xf32, #tpu.memory_space<vmem>>, vector<1x16xf32>,
        %get3A_1980 = arith.index_cast %add3A_1929 : i32 to index
        %get3A_1981 = arith.constant 80 : index
        %get3A_1982 = tpu.vector_load %arg10[%get3A_1980, %get3A_1981] {strides = array<i32>} : memref<128x128xf32, #tpu.memory_space<vmem>>, vector<1x16xf32>,
        %get3A_1983 = vector.shape_cast %get3A_1982 : vector<1x16xf32> to vector<16xf32>
        %mul3A_1984 = arith.mulf %get3A_1983, %gather3A_1925 : vector<16xf32>
        %swap3A_1985 = arith.index_cast %add3A_1929 : i32 to index
        %swap3A_1986 = arith.constant 80 : index
        %swap3A_1987 = tpu.vector_load %arg10[%swap3A_1985, %swap3A_1986] {strides = array<i32>} : memref<128x128xf32, #tpu.memory_space<vmem>>, vector<1x16xf32>,
        %swap3A_1988 = vector.shape_cast %swap3A_1987 : vector<1x16xf32> to vector<16xf32>
        %swap3A_1989 = vector.shape_cast %mul3A_1984 : vector<16xf32> to vector<1x16xf32>
        tpu.vector_store %arg10[%swap3A_1985, %swap3A_1986], %swap3A_1989 {strides = array<i32>} : memref<128x128xf32, #tpu.memory_space<vmem>>, vector<1x16xf32>,
        %get3A_1990 = arith.index_cast %add3A_1929 : i32 to index
        %get3A_1991 = arith.constant 96 : index
        %get3A_1992 = tpu.vector_load %arg10[%get3A_1990, %get3A_1991] {strides = array<i32>} : memref<128x128xf32, #tpu.memory_space<vmem>>, vector<1x16xf32>,
        %get3A_1993 = vector.shape_cast %get3A_1992 : vector<1x16xf32> to vector<16xf32>
        %mul3A_1994 = arith.mulf %get3A_1993, %gather3A_1925 : vector<16xf32>
        %swap3A_1995 = arith.index_cast %add3A_1929 : i32 to index
        %swap3A_1996 = arith.constant 96 : index
        %swap3A_1997 = tpu.vector_load %arg10[%swap3A_1995, %swap3A_1996] {strides = array<i32>} : memref<128x128xf32, #tpu.memory_space<vmem>>, vector<1x16xf32>,
        %swap3A_1998 = vector.shape_cast %swap3A_1997 : vector<1x16xf32> to vector<16xf32>
        %swap3A_1999 = vector.shape_cast %mul3A_1994 : vector<16xf32> to vector<1x16xf32>
        tpu.vector_store %arg10[%swap3A_1995, %swap3A_1996], %swap3A_1999 {strides = array<i32>} : memref<128x128xf32, #tpu.memory_space<vmem>>, vector<1x16xf32>,
        %get3A_2000 = arith.index_cast %add3A_1929 : i32 to index
        %get3A_2001 = arith.constant 112 : index
        %get3A_2002 = tpu.vector_load %arg10[%get3A_2000, %get3A_2001] {strides = array<i32>} : memref<128x128xf32, #tpu.memory_space<vmem>>, vector<1x16xf32>,
        %get3A_2003 = vector.shape_cast %get3A_2002 : vector<1x16xf32> to vector<16xf32>
        %mul3A_2004 = arith.mulf %get3A_2003, %gather3A_1925 : vector<16xf32>
        %swap3A_2005 = arith.index_cast %add3A_1929 : i32 to index
        %swap3A_2006 = arith.constant 112 : index
        %swap3A_2007 = tpu.vector_load %arg10[%swap3A_2005, %swap3A_2006] {strides = array<i32>} : memref<128x128xf32, #tpu.memory_space<vmem>>, vector<1x16xf32>,
        %swap3A_2008 = vector.shape_cast %swap3A_2007 : vector<1x16xf32> to vector<16xf32>
        %swap3A_2009 = vector.shape_cast %mul3A_2004 : vector<16xf32> to vector<1x16xf32>
        tpu.vector_store %arg10[%swap3A_2005, %swap3A_2006], %swap3A_2009 {strides = array<i32>} : memref<128x128xf32, #tpu.memory_space<vmem>>, vector<1x16xf32>,
        %broadcast_in_dim3A_2010 = arith.constant 6 : i32
        %broadcast_in_dim3A_2011 = vector.broadcast %broadcast_in_dim3A_2010 : i32 to vector<16x1xi32>
        %gather3A_2012 = vector.shape_cast %broadcast_in_dim3A_2011 : vector<16x1xi32> to vector<16xi32>
        %gather3A_2013 = tpu.dynamic_gather %get3A_1481[%gather3A_2012] in [0] : vector<16xf32>, vector<16xi32> -> vector<16xf32>
        %mul3A_2014 = arith.constant 16 : i32
        %mul3A_2015 = arith.muli %scan3A_1475, %mul3A_2014 : i32
        %add3A_2016 = arith.constant 6 : i32
        %add3A_2017 = arith.addi %mul3A_2015, %add3A_2016 : i32
        %get3A_2018 = arith.index_cast %add3A_2017 : i32 to index
        %get3A_2019 = arith.constant 0 : index
        %get3A_2020 = tpu.vector_load %arg10[%get3A_2018, %get3A_2019] {strides = array<i32>} : memref<128x128xf32, #tpu.memory_space<vmem>>, vector<1x16xf32>,
        %get3A_2021 = vector.shape_cast %get3A_2020 : vector<1x16xf32> to vector<16xf32>
        %mul3A_2022 = arith.mulf %get3A_2021, %gather3A_2013 : vector<16xf32>
        %swap3A_2023 = arith.index_cast %add3A_2017 : i32 to index
        %swap3A_2024 = arith.constant 0 : index
        %swap3A_2025 = tpu.vector_load %arg10[%swap3A_2023, %swap3A_2024] {strides = array<i32>} : memref<128x128xf32, #tpu.memory_space<vmem>>, vector<1x16xf32>,
        %swap3A_2026 = vector.shape_cast %swap3A_2025 : vector<1x16xf32> to vector<16xf32>
        %swap3A_2027 = vector.shape_cast %mul3A_2022 : vector<16xf32> to vector<1x16xf32>
        tpu.vector_store %arg10[%swap3A_2023, %swap3A_2024], %swap3A_2027 {strides = array<i32>} : memref<128x128xf32, #tpu.memory_space<vmem>>, vector<1x16xf32>,
        %get3A_2028 = arith.index_cast %add3A_2017 : i32 to index
        %get3A_2029 = arith.constant 16 : index
        %get3A_2030 = tpu.vector_load %arg10[%get3A_2028, %get3A_2029] {strides = array<i32>} : memref<128x128xf32, #tpu.memory_space<vmem>>, vector<1x16xf32>,
        %get3A_2031 = vector.shape_cast %get3A_2030 : vector<1x16xf32> to vector<16xf32>
        %mul3A_2032 = arith.mulf %get3A_2031, %gather3A_2013 : vector<16xf32>
        %swap3A_2033 = arith.index_cast %add3A_2017 : i32 to index
        %swap3A_2034 = arith.constant 16 : index
        %swap3A_2035 = tpu.vector_load %arg10[%swap3A_2033, %swap3A_2034] {strides = array<i32>} : memref<128x128xf32, #tpu.memory_space<vmem>>, vector<1x16xf32>,
        %swap3A_2036 = vector.shape_cast %swap3A_2035 : vector<1x16xf32> to vector<16xf32>
        %swap3A_2037 = vector.shape_cast %mul3A_2032 : vector<16xf32> to vector<1x16xf32>
        tpu.vector_store %arg10[%swap3A_2033, %swap3A_2034], %swap3A_2037 {strides = array<i32>} : memref<128x128xf32, #tpu.memory_space<vmem>>, vector<1x16xf32>,
        %get3A_2038 = arith.index_cast %add3A_2017 : i32 to index
        %get3A_2039 = arith.constant 32 : index
        %get3A_2040 = tpu.vector_load %arg10[%get3A_2038, %get3A_2039] {strides = array<i32>} : memref<128x128xf32, #tpu.memory_space<vmem>>, vector<1x16xf32>,
        %get3A_2041 = vector.shape_cast %get3A_2040 : vector<1x16xf32> to vector<16xf32>
        %mul3A_2042 = arith.mulf %get3A_2041, %gather3A_2013 : vector<16xf32>
        %swap3A_2043 = arith.index_cast %add3A_2017 : i32 to index
        %swap3A_2044 = arith.constant 32 : index
        %swap3A_2045 = tpu.vector_load %arg10[%swap3A_2043, %swap3A_2044] {strides = array<i32>} : memref<128x128xf32, #tpu.memory_space<vmem>>, vector<1x16xf32>,
        %swap3A_2046 = vector.shape_cast %swap3A_2045 : vector<1x16xf32> to vector<16xf32>
        %swap3A_2047 = vector.shape_cast %mul3A_2042 : vector<16xf32> to vector<1x16xf32>
        tpu.vector_store %arg10[%swap3A_2043, %swap3A_2044], %swap3A_2047 {strides = array<i32>} : memref<128x128xf32, #tpu.memory_space<vmem>>, vector<1x16xf32>,
        %get3A_2048 = arith.index_cast %add3A_2017 : i32 to index
        %get3A_2049 = arith.constant 48 : index
        %get3A_2050 = tpu.vector_load %arg10[%get3A_2048, %get3A_2049] {strides = array<i32>} : memref<128x128xf32, #tpu.memory_space<vmem>>, vector<1x16xf32>,
        %get3A_2051 = vector.shape_cast %get3A_2050 : vector<1x16xf32> to vector<16xf32>
        %mul3A_2052 = arith.mulf %get3A_2051, %gather3A_2013 : vector<16xf32>
        %swap3A_2053 = arith.index_cast %add3A_2017 : i32 to index
        %swap3A_2054 = arith.constant 48 : index
        %swap3A_2055 = tpu.vector_load %arg10[%swap3A_2053, %swap3A_2054] {strides = array<i32>} : memref<128x128xf32, #tpu.memory_space<vmem>>, vector<1x16xf32>,
        %swap3A_2056 = vector.shape_cast %swap3A_2055 : vector<1x16xf32> to vector<16xf32>
        %swap3A_2057 = vector.shape_cast %mul3A_2052 : vector<16xf32> to vector<1x16xf32>
        tpu.vector_store %arg10[%swap3A_2053, %swap3A_2054], %swap3A_2057 {strides = array<i32>} : memref<128x128xf32, #tpu.memory_space<vmem>>, vector<1x16xf32>,
        %get3A_2058 = arith.index_cast %add3A_2017 : i32 to index
        %get3A_2059 = arith.constant 64 : index
        %get3A_2060 = tpu.vector_load %arg10[%get3A_2058, %get3A_2059] {strides = array<i32>} : memref<128x128xf32, #tpu.memory_space<vmem>>, vector<1x16xf32>,
        %get3A_2061 = vector.shape_cast %get3A_2060 : vector<1x16xf32> to vector<16xf32>
        %mul3A_2062 = arith.mulf %get3A_2061, %gather3A_2013 : vector<16xf32>
        %swap3A_2063 = arith.index_cast %add3A_2017 : i32 to index
        %swap3A_2064 = arith.constant 64 : index
        %swap3A_2065 = tpu.vector_load %arg10[%swap3A_2063, %swap3A_2064] {strides = array<i32>} : memref<128x128xf32, #tpu.memory_space<vmem>>, vector<1x16xf32>,
        %swap3A_2066 = vector.shape_cast %swap3A_2065 : vector<1x16xf32> to vector<16xf32>
        %swap3A_2067 = vector.shape_cast %mul3A_2062 : vector<16xf32> to vector<1x16xf32>
        tpu.vector_store %arg10[%swap3A_2063, %swap3A_2064], %swap3A_2067 {strides = array<i32>} : memref<128x128xf32, #tpu.memory_space<vmem>>, vector<1x16xf32>,
        %get3A_2068 = arith.index_cast %add3A_2017 : i32 to index
        %get3A_2069 = arith.constant 80 : index
        %get3A_2070 = tpu.vector_load %arg10[%get3A_2068, %get3A_2069] {strides = array<i32>} : memref<128x128xf32, #tpu.memory_space<vmem>>, vector<1x16xf32>,
        %get3A_2071 = vector.shape_cast %get3A_2070 : vector<1x16xf32> to vector<16xf32>
        %mul3A_2072 = arith.mulf %get3A_2071, %gather3A_2013 : vector<16xf32>
        %swap3A_2073 = arith.index_cast %add3A_2017 : i32 to index
        %swap3A_2074 = arith.constant 80 : index
        %swap3A_2075 = tpu.vector_load %arg10[%swap3A_2073, %swap3A_2074] {strides = array<i32>} : memref<128x128xf32, #tpu.memory_space<vmem>>, vector<1x16xf32>,
        %swap3A_2076 = vector.shape_cast %swap3A_2075 : vector<1x16xf32> to vector<16xf32>
        %swap3A_2077 = vector.shape_cast %mul3A_2072 : vector<16xf32> to vector<1x16xf32>
        tpu.vector_store %arg10[%swap3A_2073, %swap3A_2074], %swap3A_2077 {strides = array<i32>} : memref<128x128xf32, #tpu.memory_space<vmem>>, vector<1x16xf32>,
        %get3A_2078 = arith.index_cast %add3A_2017 : i32 to index
        %get3A_2079 = arith.constant 96 : index
        %get3A_2080 = tpu.vector_load %arg10[%get3A_2078, %get3A_2079] {strides = array<i32>} : memref<128x128xf32, #tpu.memory_space<vmem>>, vector<1x16xf32>,
        %get3A_2081 = vector.shape_cast %get3A_2080 : vector<1x16xf32> to vector<16xf32>
        %mul3A_2082 = arith.mulf %get3A_2081, %gather3A_2013 : vector<16xf32>
        %swap3A_2083 = arith.index_cast %add3A_2017 : i32 to index
        %swap3A_2084 = arith.constant 96 : index
        %swap3A_2085 = tpu.vector_load %arg10[%swap3A_2083, %swap3A_2084] {strides = array<i32>} : memref<128x128xf32, #tpu.memory_space<vmem>>, vector<1x16xf32>,
        %swap3A_2086 = vector.shape_cast %swap3A_2085 : vector<1x16xf32> to vector<16xf32>
        %swap3A_2087 = vector.shape_cast %mul3A_2082 : vector<16xf32> to vector<1x16xf32>
        tpu.vector_store %arg10[%swap3A_2083, %swap3A_2084], %swap3A_2087 {strides = array<i32>} : memref<128x128xf32, #tpu.memory_space<vmem>>, vector<1x16xf32>,
        %get3A_2088 = arith.index_cast %add3A_2017 : i32 to index
        %get3A_2089 = arith.constant 112 : index
        %get3A_2090 = tpu.vector_load %arg10[%get3A_2088, %get3A_2089] {strides = array<i32>} : memref<128x128xf32, #tpu.memory_space<vmem>>, vector<1x16xf32>,
        %get3A_2091 = vector.shape_cast %get3A_2090 : vector<1x16xf32> to vector<16xf32>
        %mul3A_2092 = arith.mulf %get3A_2091, %gather3A_2013 : vector<16xf32>
        %swap3A_2093 = arith.index_cast %add3A_2017 : i32 to index
        %swap3A_2094 = arith.constant 112 : index
        %swap3A_2095 = tpu.vector_load %arg10[%swap3A_2093, %swap3A_2094] {strides = array<i32>} : memref<128x128xf32, #tpu.memory_space<vmem>>, vector<1x16xf32>,
        %swap3A_2096 = vector.shape_cast %swap3A_2095 : vector<1x16xf32> to vector<16xf32>
        %swap3A_2097 = vector.shape_cast %mul3A_2092 : vector<16xf32> to vector<1x16xf32>
        tpu.vector_store %arg10[%swap3A_2093, %swap3A_2094], %swap3A_2097 {strides = array<i32>} : memref<128x128xf32, #tpu.memory_space<vmem>>, vector<1x16xf32>,
        %broadcast_in_dim3A_2098 = arith.constant 7 : i32
        %broadcast_in_dim3A_2099 = vector.broadcast %broadcast_in_dim3A_2098 : i32 to vector<16x1xi32>
        %gather3A_2100 = vector.shape_cast %broadcast_in_dim3A_2099 : vector<16x1xi32> to vector<16xi32>
        %gather3A_2101 = tpu.dynamic_gather %get3A_1481[%gather3A_2100] in [0] : vector<16xf32>, vector<16xi32> -> vector<16xf32>
        %mul3A_2102 = arith.constant 16 : i32
        %mul3A_2103 = arith.muli %scan3A_1475, %mul3A_2102 : i32
        %add3A_2104 = arith.constant 7 : i32
        %add3A_2105 = arith.addi %mul3A_2103, %add3A_2104 : i32
        %get3A_2106 = arith.index_cast %add3A_2105 : i32 to index
        %get3A_2107 = arith.constant 0 : index
        %get3A_2108 = tpu.vector_load %arg10[%get3A_2106, %get3A_2107] {strides = array<i32>} : memref<128x128xf32, #tpu.memory_space<vmem>>, vector<1x16xf32>,
        %get3A_2109 = vector.shape_cast %get3A_2108 : vector<1x16xf32> to vector<16xf32>
        %mul3A_2110 = arith.mulf %get3A_2109, %gather3A_2101 : vector<16xf32>
        %swap3A_2111 = arith.index_cast %add3A_2105 : i32 to index
        %swap3A_2112 = arith.constant 0 : index
        %swap3A_2113 = tpu.vector_load %arg10[%swap3A_2111, %swap3A_2112] {strides = array<i32>} : memref<128x128xf32, #tpu.memory_space<vmem>>, vector<1x16xf32>,
        %swap3A_2114 = vector.shape_cast %swap3A_2113 : vector<1x16xf32> to vector<16xf32>
        %swap3A_2115 = vector.shape_cast %mul3A_2110 : vector<16xf32> to vector<1x16xf32>
        tpu.vector_store %arg10[%swap3A_2111, %swap3A_2112], %swap3A_2115 {strides = array<i32>} : memref<128x128xf32, #tpu.memory_space<vmem>>, vector<1x16xf32>,
        %get3A_2116 = arith.index_cast %add3A_2105 : i32 to index
        %get3A_2117 = arith.constant 16 : index
        %get3A_2118 = tpu.vector_load %arg10[%get3A_2116, %get3A_2117] {strides = array<i32>} : memref<128x128xf32, #tpu.memory_space<vmem>>, vector<1x16xf32>,
        %get3A_2119 = vector.shape_cast %get3A_2118 : vector<1x16xf32> to vector<16xf32>
        %mul3A_2120 = arith.mulf %get3A_2119, %gather3A_2101 : vector<16xf32>
        %swap3A_2121 = arith.index_cast %add3A_2105 : i32 to index
        %swap3A_2122 = arith.constant 16 : index
        %swap3A_2123 = tpu.vector_load %arg10[%swap3A_2121, %swap3A_2122] {strides = array<i32>} : memref<128x128xf32, #tpu.memory_space<vmem>>, vector<1x16xf32>,
        %swap3A_2124 = vector.shape_cast %swap3A_2123 : vector<1x16xf32> to vector<16xf32>
        %swap3A_2125 = vector.shape_cast %mul3A_2120 : vector<16xf32> to vector<1x16xf32>
        tpu.vector_store %arg10[%swap3A_2121, %swap3A_2122], %swap3A_2125 {strides = array<i32>} : memref<128x128xf32, #tpu.memory_space<vmem>>, vector<1x16xf32>,
        %get3A_2126 = arith.index_cast %add3A_2105 : i32 to index
        %get3A_2127 = arith.constant 32 : index
        %get3A_2128 = tpu.vector_load %arg10[%get3A_2126, %get3A_2127] {strides = array<i32>} : memref<128x128xf32, #tpu.memory_space<vmem>>, vector<1x16xf32>,
        %get3A_2129 = vector.shape_cast %get3A_2128 : vector<1x16xf32> to vector<16xf32>
        %mul3A_2130 = arith.mulf %get3A_2129, %gather3A_2101 : vector<16xf32>
        %swap3A_2131 = arith.index_cast %add3A_2105 : i32 to index
        %swap3A_2132 = arith.constant 32 : index
        %swap3A_2133 = tpu.vector_load %arg10[%swap3A_2131, %swap3A_2132] {strides = array<i32>} : memref<128x128xf32, #tpu.memory_space<vmem>>, vector<1x16xf32>,
        %swap3A_2134 = vector.shape_cast %swap3A_2133 : vector<1x16xf32> to vector<16xf32>
        %swap3A_2135 = vector.shape_cast %mul3A_2130 : vector<16xf32> to vector<1x16xf32>
        tpu.vector_store %arg10[%swap3A_2131, %swap3A_2132], %swap3A_2135 {strides = array<i32>} : memref<128x128xf32, #tpu.memory_space<vmem>>, vector<1x16xf32>,
        %get3A_2136 = arith.index_cast %add3A_2105 : i32 to index
        %get3A_2137 = arith.constant 48 : index
        %get3A_2138 = tpu.vector_load %arg10[%get3A_2136, %get3A_2137] {strides = array<i32>} : memref<128x128xf32, #tpu.memory_space<vmem>>, vector<1x16xf32>,
        %get3A_2139 = vector.shape_cast %get3A_2138 : vector<1x16xf32> to vector<16xf32>
        %mul3A_2140 = arith.mulf %get3A_2139, %gather3A_2101 : vector<16xf32>
        %swap3A_2141 = arith.index_cast %add3A_2105 : i32 to index
        %swap3A_2142 = arith.constant 48 : index
        %swap3A_2143 = tpu.vector_load %arg10[%swap3A_2141, %swap3A_2142] {strides = array<i32>} : memref<128x128xf32, #tpu.memory_space<vmem>>, vector<1x16xf32>,
        %swap3A_2144 = vector.shape_cast %swap3A_2143 : vector<1x16xf32> to vector<16xf32>
        %swap3A_2145 = vector.shape_cast %mul3A_2140 : vector<16xf32> to vector<1x16xf32>
        tpu.vector_store %arg10[%swap3A_2141, %swap3A_2142], %swap3A_2145 {strides = array<i32>} : memref<128x128xf32, #tpu.memory_space<vmem>>, vector<1x16xf32>,
        %get3A_2146 = arith.index_cast %add3A_2105 : i32 to index
        %get3A_2147 = arith.constant 64 : index
        %get3A_2148 = tpu.vector_load %arg10[%get3A_2146, %get3A_2147] {strides = array<i32>} : memref<128x128xf32, #tpu.memory_space<vmem>>, vector<1x16xf32>,
        %get3A_2149 = vector.shape_cast %get3A_2148 : vector<1x16xf32> to vector<16xf32>
        %mul3A_2150 = arith.mulf %get3A_2149, %gather3A_2101 : vector<16xf32>
        %swap3A_2151 = arith.index_cast %add3A_2105 : i32 to index
        %swap3A_2152 = arith.constant 64 : index
        %swap3A_2153 = tpu.vector_load %arg10[%swap3A_2151, %swap3A_2152] {strides = array<i32>} : memref<128x128xf32, #tpu.memory_space<vmem>>, vector<1x16xf32>,
        %swap3A_2154 = vector.shape_cast %swap3A_2153 : vector<1x16xf32> to vector<16xf32>
        %swap3A_2155 = vector.shape_cast %mul3A_2150 : vector<16xf32> to vector<1x16xf32>
        tpu.vector_store %arg10[%swap3A_2151, %swap3A_2152], %swap3A_2155 {strides = array<i32>} : memref<128x128xf32, #tpu.memory_space<vmem>>, vector<1x16xf32>,
        %get3A_2156 = arith.index_cast %add3A_2105 : i32 to index
        %get3A_2157 = arith.constant 80 : index
        %get3A_2158 = tpu.vector_load %arg10[%get3A_2156, %get3A_2157] {strides = array<i32>} : memref<128x128xf32, #tpu.memory_space<vmem>>, vector<1x16xf32>,
        %get3A_2159 = vector.shape_cast %get3A_2158 : vector<1x16xf32> to vector<16xf32>
        %mul3A_2160 = arith.mulf %get3A_2159, %gather3A_2101 : vector<16xf32>
        %swap3A_2161 = arith.index_cast %add3A_2105 : i32 to index
        %swap3A_2162 = arith.constant 80 : index
        %swap3A_2163 = tpu.vector_load %arg10[%swap3A_2161, %swap3A_2162] {strides = array<i32>} : memref<128x128xf32, #tpu.memory_space<vmem>>, vector<1x16xf32>,
        %swap3A_2164 = vector.shape_cast %swap3A_2163 : vector<1x16xf32> to vector<16xf32>
        %swap3A_2165 = vector.shape_cast %mul3A_2160 : vector<16xf32> to vector<1x16xf32>
        tpu.vector_store %arg10[%swap3A_2161, %swap3A_2162], %swap3A_2165 {strides = array<i32>} : memref<128x128xf32, #tpu.memory_space<vmem>>, vector<1x16xf32>,
        %get3A_2166 = arith.index_cast %add3A_2105 : i32 to index
        %get3A_2167 = arith.constant 96 : index
        %get3A_2168 = tpu.vector_load %arg10[%get3A_2166, %get3A_2167] {strides = array<i32>} : memref<128x128xf32, #tpu.memory_space<vmem>>, vector<1x16xf32>,
        %get3A_2169 = vector.shape_cast %get3A_2168 : vector<1x16xf32> to vector<16xf32>
        %mul3A_2170 = arith.mulf %get3A_2169, %gather3A_2101 : vector<16xf32>
        %swap3A_2171 = arith.index_cast %add3A_2105 : i32 to index
        %swap3A_2172 = arith.constant 96 : index
        %swap3A_2173 = tpu.vector_load %arg10[%swap3A_2171, %swap3A_2172] {strides = array<i32>} : memref<128x128xf32, #tpu.memory_space<vmem>>, vector<1x16xf32>,
        %swap3A_2174 = vector.shape_cast %swap3A_2173 : vector<1x16xf32> to vector<16xf32>
        %swap3A_2175 = vector.shape_cast %mul3A_2170 : vector<16xf32> to vector<1x16xf32>
        tpu.vector_store %arg10[%swap3A_2171, %swap3A_2172], %swap3A_2175 {strides = array<i32>} : memref<128x128xf32, #tpu.memory_space<vmem>>, vector<1x16xf32>,
        %get3A_2176 = arith.index_cast %add3A_2105 : i32 to index
        %get3A_2177 = arith.constant 112 : index
        %get3A_2178 = tpu.vector_load %arg10[%get3A_2176, %get3A_2177] {strides = array<i32>} : memref<128x128xf32, #tpu.memory_space<vmem>>, vector<1x16xf32>,
        %get3A_2179 = vector.shape_cast %get3A_2178 : vector<1x16xf32> to vector<16xf32>
        %mul3A_2180 = arith.mulf %get3A_2179, %gather3A_2101 : vector<16xf32>
        %swap3A_2181 = arith.index_cast %add3A_2105 : i32 to index
        %swap3A_2182 = arith.constant 112 : index
        %swap3A_2183 = tpu.vector_load %arg10[%swap3A_2181, %swap3A_2182] {strides = array<i32>} : memref<128x128xf32, #tpu.memory_space<vmem>>, vector<1x16xf32>,
        %swap3A_2184 = vector.shape_cast %swap3A_2183 : vector<1x16xf32> to vector<16xf32>
        %swap3A_2185 = vector.shape_cast %mul3A_2180 : vector<16xf32> to vector<1x16xf32>
        tpu.vector_store %arg10[%swap3A_2181, %swap3A_2182], %swap3A_2185 {strides = array<i32>} : memref<128x128xf32, #tpu.memory_space<vmem>>, vector<1x16xf32>,
        %broadcast_in_dim3A_2186 = arith.constant 8 : i32
        %broadcast_in_dim3A_2187 = vector.broadcast %broadcast_in_dim3A_2186 : i32 to vector<16x1xi32>
        %gather3A_2188 = vector.shape_cast %broadcast_in_dim3A_2187 : vector<16x1xi32> to vector<16xi32>
        %gather3A_2189 = tpu.dynamic_gather %get3A_1481[%gather3A_2188] in [0] : vector<16xf32>, vector<16xi32> -> vector<16xf32>
        %mul3A_2190 = arith.constant 16 : i32
        %mul3A_2191 = arith.muli %scan3A_1475, %mul3A_2190 : i32
        %add3A_2192 = arith.constant 8 : i32
        %add3A_2193 = arith.addi %mul3A_2191, %add3A_2192 : i32
        %get3A_2194 = arith.index_cast %add3A_2193 : i32 to index
        %get3A_2195 = arith.constant 0 : index
        %get3A_2196 = tpu.vector_load %arg10[%get3A_2194, %get3A_2195] {strides = array<i32>} : memref<128x128xf32, #tpu.memory_space<vmem>>, vector<1x16xf32>,
        %get3A_2197 = vector.shape_cast %get3A_2196 : vector<1x16xf32> to vector<16xf32>
        %mul3A_2198 = arith.mulf %get3A_2197, %gather3A_2189 : vector<16xf32>
        %swap3A_2199 = arith.index_cast %add3A_2193 : i32 to index
        %swap3A_2200 = arith.constant 0 : index
        %swap3A_2201 = tpu.vector_load %arg10[%swap3A_2199, %swap3A_2200] {strides = array<i32>} : memref<128x128xf32, #tpu.memory_space<vmem>>, vector<1x16xf32>,
        %swap3A_2202 = vector.shape_cast %swap3A_2201 : vector<1x16xf32> to vector<16xf32>
        %swap3A_2203 = vector.shape_cast %mul3A_2198 : vector<16xf32> to vector<1x16xf32>
        tpu.vector_store %arg10[%swap3A_2199, %swap3A_2200], %swap3A_2203 {strides = array<i32>} : memref<128x128xf32, #tpu.memory_space<vmem>>, vector<1x16xf32>,
        %get3A_2204 = arith.index_cast %add3A_2193 : i32 to index
        %get3A_2205 = arith.constant 16 : index
        %get3A_2206 = tpu.vector_load %arg10[%get3A_2204, %get3A_2205] {strides = array<i32>} : memref<128x128xf32, #tpu.memory_space<vmem>>, vector<1x16xf32>,
        %get3A_2207 = vector.shape_cast %get3A_2206 : vector<1x16xf32> to vector<16xf32>
        %mul3A_2208 = arith.mulf %get3A_2207, %gather3A_2189 : vector<16xf32>
        %swap3A_2209 = arith.index_cast %add3A_2193 : i32 to index
        %swap3A_2210 = arith.constant 16 : index
        %swap3A_2211 = tpu.vector_load %arg10[%swap3A_2209, %swap3A_2210] {strides = array<i32>} : memref<128x128xf32, #tpu.memory_space<vmem>>, vector<1x16xf32>,
        %swap3A_2212 = vector.shape_cast %swap3A_2211 : vector<1x16xf32> to vector<16xf32>
        %swap3A_2213 = vector.shape_cast %mul3A_2208 : vector<16xf32> to vector<1x16xf32>
        tpu.vector_store %arg10[%swap3A_2209, %swap3A_2210], %swap3A_2213 {strides = array<i32>} : memref<128x128xf32, #tpu.memory_space<vmem>>, vector<1x16xf32>,
        %get3A_2214 = arith.index_cast %add3A_2193 : i32 to index
        %get3A_2215 = arith.constant 32 : index
        %get3A_2216 = tpu.vector_load %arg10[%get3A_2214, %get3A_2215] {strides = array<i32>} : memref<128x128xf32, #tpu.memory_space<vmem>>, vector<1x16xf32>,
        %get3A_2217 = vector.shape_cast %get3A_2216 : vector<1x16xf32> to vector<16xf32>
        %mul3A_2218 = arith.mulf %get3A_2217, %gather3A_2189 : vector<16xf32>
        %swap3A_2219 = arith.index_cast %add3A_2193 : i32 to index
        %swap3A_2220 = arith.constant 32 : index
        %swap3A_2221 = tpu.vector_load %arg10[%swap3A_2219, %swap3A_2220] {strides = array<i32>} : memref<128x128xf32, #tpu.memory_space<vmem>>, vector<1x16xf32>,
        %swap3A_2222 = vector.shape_cast %swap3A_2221 : vector<1x16xf32> to vector<16xf32>
        %swap3A_2223 = vector.shape_cast %mul3A_2218 : vector<16xf32> to vector<1x16xf32>
        tpu.vector_store %arg10[%swap3A_2219, %swap3A_2220], %swap3A_2223 {strides = array<i32>} : memref<128x128xf32, #tpu.memory_space<vmem>>, vector<1x16xf32>,
        %get3A_2224 = arith.index_cast %add3A_2193 : i32 to index
        %get3A_2225 = arith.constant 48 : index
        %get3A_2226 = tpu.vector_load %arg10[%get3A_2224, %get3A_2225] {strides = array<i32>} : memref<128x128xf32, #tpu.memory_space<vmem>>, vector<1x16xf32>,
        %get3A_2227 = vector.shape_cast %get3A_2226 : vector<1x16xf32> to vector<16xf32>
        %mul3A_2228 = arith.mulf %get3A_2227, %gather3A_2189 : vector<16xf32>
        %swap3A_2229 = arith.index_cast %add3A_2193 : i32 to index
        %swap3A_2230 = arith.constant 48 : index
        %swap3A_2231 = tpu.vector_load %arg10[%swap3A_2229, %swap3A_2230] {strides = array<i32>} : memref<128x128xf32, #tpu.memory_space<vmem>>, vector<1x16xf32>,
        %swap3A_2232 = vector.shape_cast %swap3A_2231 : vector<1x16xf32> to vector<16xf32>
        %swap3A_2233 = vector.shape_cast %mul3A_2228 : vector<16xf32> to vector<1x16xf32>
        tpu.vector_store %arg10[%swap3A_2229, %swap3A_2230], %swap3A_2233 {strides = array<i32>} : memref<128x128xf32, #tpu.memory_space<vmem>>, vector<1x16xf32>,
        %get3A_2234 = arith.index_cast %add3A_2193 : i32 to index
        %get3A_2235 = arith.constant 64 : index
        %get3A_2236 = tpu.vector_load %arg10[%get3A_2234, %get3A_2235] {strides = array<i32>} : memref<128x128xf32, #tpu.memory_space<vmem>>, vector<1x16xf32>,
        %get3A_2237 = vector.shape_cast %get3A_2236 : vector<1x16xf32> to vector<16xf32>
        %mul3A_2238 = arith.mulf %get3A_2237, %gather3A_2189 : vector<16xf32>
        %swap3A_2239 = arith.index_cast %add3A_2193 : i32 to index
        %swap3A_2240 = arith.constant 64 : index
        %swap3A_2241 = tpu.vector_load %arg10[%swap3A_2239, %swap3A_2240] {strides = array<i32>} : memref<128x128xf32, #tpu.memory_space<vmem>>, vector<1x16xf32>,
        %swap3A_2242 = vector.shape_cast %swap3A_2241 : vector<1x16xf32> to vector<16xf32>
        %swap3A_2243 = vector.shape_cast %mul3A_2238 : vector<16xf32> to vector<1x16xf32>
        tpu.vector_store %arg10[%swap3A_2239, %swap3A_2240], %swap3A_2243 {strides = array<i32>} : memref<128x128xf32, #tpu.memory_space<vmem>>, vector<1x16xf32>,
        %get3A_2244 = arith.index_cast %add3A_2193 : i32 to index
        %get3A_2245 = arith.constant 80 : index
        %get3A_2246 = tpu.vector_load %arg10[%get3A_2244, %get3A_2245] {strides = array<i32>} : memref<128x128xf32, #tpu.memory_space<vmem>>, vector<1x16xf32>,
        %get3A_2247 = vector.shape_cast %get3A_2246 : vector<1x16xf32> to vector<16xf32>
        %mul3A_2248 = arith.mulf %get3A_2247, %gather3A_2189 : vector<16xf32>
        %swap3A_2249 = arith.index_cast %add3A_2193 : i32 to index
        %swap3A_2250 = arith.constant 80 : index
        %swap3A_2251 = tpu.vector_load %arg10[%swap3A_2249, %swap3A_2250] {strides = array<i32>} : memref<128x128xf32, #tpu.memory_space<vmem>>, vector<1x16xf32>,
        %swap3A_2252 = vector.shape_cast %swap3A_2251 : vector<1x16xf32> to vector<16xf32>
        %swap3A_2253 = vector.shape_cast %mul3A_2248 : vector<16xf32> to vector<1x16xf32>
        tpu.vector_store %arg10[%swap3A_2249, %swap3A_2250], %swap3A_2253 {strides = array<i32>} : memref<128x128xf32, #tpu.memory_space<vmem>>, vector<1x16xf32>,
        %get3A_2254 = arith.index_cast %add3A_2193 : i32 to index
        %get3A_2255 = arith.constant 96 : index
        %get3A_2256 = tpu.vector_load %arg10[%get3A_2254, %get3A_2255] {strides = array<i32>} : memref<128x128xf32, #tpu.memory_space<vmem>>, vector<1x16xf32>,
        %get3A_2257 = vector.shape_cast %get3A_2256 : vector<1x16xf32> to vector<16xf32>
        %mul3A_2258 = arith.mulf %get3A_2257, %gather3A_2189 : vector<16xf32>
        %swap3A_2259 = arith.index_cast %add3A_2193 : i32 to index
        %swap3A_2260 = arith.constant 96 : index
        %swap3A_2261 = tpu.vector_load %arg10[%swap3A_2259, %swap3A_2260] {strides = array<i32>} : memref<128x128xf32, #tpu.memory_space<vmem>>, vector<1x16xf32>,
        %swap3A_2262 = vector.shape_cast %swap3A_2261 : vector<1x16xf32> to vector<16xf32>
        %swap3A_2263 = vector.shape_cast %mul3A_2258 : vector<16xf32> to vector<1x16xf32>
        tpu.vector_store %arg10[%swap3A_2259, %swap3A_2260], %swap3A_2263 {strides = array<i32>} : memref<128x128xf32, #tpu.memory_space<vmem>>, vector<1x16xf32>,
        %get3A_2264 = arith.index_cast %add3A_2193 : i32 to index
        %get3A_2265 = arith.constant 112 : index
        %get3A_2266 = tpu.vector_load %arg10[%get3A_2264, %get3A_2265] {strides = array<i32>} : memref<128x128xf32, #tpu.memory_space<vmem>>, vector<1x16xf32>,
        %get3A_2267 = vector.shape_cast %get3A_2266 : vector<1x16xf32> to vector<16xf32>
        %mul3A_2268 = arith.mulf %get3A_2267, %gather3A_2189 : vector<16xf32>
        %swap3A_2269 = arith.index_cast %add3A_2193 : i32 to index
        %swap3A_2270 = arith.constant 112 : index
        %swap3A_2271 = tpu.vector_load %arg10[%swap3A_2269, %swap3A_2270] {strides = array<i32>} : memref<128x128xf32, #tpu.memory_space<vmem>>, vector<1x16xf32>,
        %swap3A_2272 = vector.shape_cast %swap3A_2271 : vector<1x16xf32> to vector<16xf32>
        %swap3A_2273 = vector.shape_cast %mul3A_2268 : vector<16xf32> to vector<1x16xf32>
        tpu.vector_store %arg10[%swap3A_2269, %swap3A_2270], %swap3A_2273 {strides = array<i32>} : memref<128x128xf32, #tpu.memory_space<vmem>>, vector<1x16xf32>,
        %broadcast_in_dim3A_2274 = arith.constant 9 : i32
        %broadcast_in_dim3A_2275 = vector.broadcast %broadcast_in_dim3A_2274 : i32 to vector<16x1xi32>
        %gather3A_2276 = vector.shape_cast %broadcast_in_dim3A_2275 : vector<16x1xi32> to vector<16xi32>
        %gather3A_2277 = tpu.dynamic_gather %get3A_1481[%gather3A_2276] in [0] : vector<16xf32>, vector<16xi32> -> vector<16xf32>
        %mul3A_2278 = arith.constant 16 : i32
        %mul3A_2279 = arith.muli %scan3A_1475, %mul3A_2278 : i32
        %add3A_2280 = arith.constant 9 : i32
        %add3A_2281 = arith.addi %mul3A_2279, %add3A_2280 : i32
        %get3A_2282 = arith.index_cast %add3A_2281 : i32 to index
        %get3A_2283 = arith.constant 0 : index
        %get3A_2284 = tpu.vector_load %arg10[%get3A_2282, %get3A_2283] {strides = array<i32>} : memref<128x128xf32, #tpu.memory_space<vmem>>, vector<1x16xf32>,
        %get3A_2285 = vector.shape_cast %get3A_2284 : vector<1x16xf32> to vector<16xf32>
        %mul3A_2286 = arith.mulf %get3A_2285, %gather3A_2277 : vector<16xf32>
        %swap3A_2287 = arith.index_cast %add3A_2281 : i32 to index
        %swap3A_2288 = arith.constant 0 : index
        %swap3A_2289 = tpu.vector_load %arg10[%swap3A_2287, %swap3A_2288] {strides = array<i32>} : memref<128x128xf32, #tpu.memory_space<vmem>>, vector<1x16xf32>,
        %swap3A_2290 = vector.shape_cast %swap3A_2289 : vector<1x16xf32> to vector<16xf32>
        %swap3A_2291 = vector.shape_cast %mul3A_2286 : vector<16xf32> to vector<1x16xf32>
        tpu.vector_store %arg10[%swap3A_2287, %swap3A_2288], %swap3A_2291 {strides = array<i32>} : memref<128x128xf32, #tpu.memory_space<vmem>>, vector<1x16xf32>,
        %get3A_2292 = arith.index_cast %add3A_2281 : i32 to index
        %get3A_2293 = arith.constant 16 : index
        %get3A_2294 = tpu.vector_load %arg10[%get3A_2292, %get3A_2293] {strides = array<i32>} : memref<128x128xf32, #tpu.memory_space<vmem>>, vector<1x16xf32>,
        %get3A_2295 = vector.shape_cast %get3A_2294 : vector<1x16xf32> to vector<16xf32>
        %mul3A_2296 = arith.mulf %get3A_2295, %gather3A_2277 : vector<16xf32>
        %swap3A_2297 = arith.index_cast %add3A_2281 : i32 to index
        %swap3A_2298 = arith.constant 16 : index
        %swap3A_2299 = tpu.vector_load %arg10[%swap3A_2297, %swap3A_2298] {strides = array<i32>} : memref<128x128xf32, #tpu.memory_space<vmem>>, vector<1x16xf32>,
        %swap3A_2300 = vector.shape_cast %swap3A_2299 : vector<1x16xf32> to vector<16xf32>
        %swap3A_2301 = vector.shape_cast %mul3A_2296 : vector<16xf32> to vector<1x16xf32>
        tpu.vector_store %arg10[%swap3A_2297, %swap3A_2298], %swap3A_2301 {strides = array<i32>} : memref<128x128xf32, #tpu.memory_space<vmem>>, vector<1x16xf32>,
        %get3A_2302 = arith.index_cast %add3A_2281 : i32 to index
        %get3A_2303 = arith.constant 32 : index
        %get3A_2304 = tpu.vector_load %arg10[%get3A_2302, %get3A_2303] {strides = array<i32>} : memref<128x128xf32, #tpu.memory_space<vmem>>, vector<1x16xf32>,
        %get3A_2305 = vector.shape_cast %get3A_2304 : vector<1x16xf32> to vector<16xf32>
        %mul3A_2306 = arith.mulf %get3A_2305, %gather3A_2277 : vector<16xf32>
        %swap3A_2307 = arith.index_cast %add3A_2281 : i32 to index
        %swap3A_2308 = arith.constant 32 : index
        %swap3A_2309 = tpu.vector_load %arg10[%swap3A_2307, %swap3A_2308] {strides = array<i32>} : memref<128x128xf32, #tpu.memory_space<vmem>>, vector<1x16xf32>,
        %swap3A_2310 = vector.shape_cast %swap3A_2309 : vector<1x16xf32> to vector<16xf32>
        %swap3A_2311 = vector.shape_cast %mul3A_2306 : vector<16xf32> to vector<1x16xf32>
        tpu.vector_store %arg10[%swap3A_2307, %swap3A_2308], %swap3A_2311 {strides = array<i32>} : memref<128x128xf32, #tpu.memory_space<vmem>>, vector<1x16xf32>,
        %get3A_2312 = arith.index_cast %add3A_2281 : i32 to index
        %get3A_2313 = arith.constant 48 : index
        %get3A_2314 = tpu.vector_load %arg10[%get3A_2312, %get3A_2313] {strides = array<i32>} : memref<128x128xf32, #tpu.memory_space<vmem>>, vector<1x16xf32>,
        %get3A_2315 = vector.shape_cast %get3A_2314 : vector<1x16xf32> to vector<16xf32>
        %mul3A_2316 = arith.mulf %get3A_2315, %gather3A_2277 : vector<16xf32>
        %swap3A_2317 = arith.index_cast %add3A_2281 : i32 to index
        %swap3A_2318 = arith.constant 48 : index
        %swap3A_2319 = tpu.vector_load %arg10[%swap3A_2317, %swap3A_2318] {strides = array<i32>} : memref<128x128xf32, #tpu.memory_space<vmem>>, vector<1x16xf32>,
        %swap3A_2320 = vector.shape_cast %swap3A_2319 : vector<1x16xf32> to vector<16xf32>
        %swap3A_2321 = vector.shape_cast %mul3A_2316 : vector<16xf32> to vector<1x16xf32>
        tpu.vector_store %arg10[%swap3A_2317, %swap3A_2318], %swap3A_2321 {strides = array<i32>} : memref<128x128xf32, #tpu.memory_space<vmem>>, vector<1x16xf32>,
        %get3A_2322 = arith.index_cast %add3A_2281 : i32 to index
        %get3A_2323 = arith.constant 64 : index
        %get3A_2324 = tpu.vector_load %arg10[%get3A_2322, %get3A_2323] {strides = array<i32>} : memref<128x128xf32, #tpu.memory_space<vmem>>, vector<1x16xf32>,
        %get3A_2325 = vector.shape_cast %get3A_2324 : vector<1x16xf32> to vector<16xf32>
        %mul3A_2326 = arith.mulf %get3A_2325, %gather3A_2277 : vector<16xf32>
        %swap3A_2327 = arith.index_cast %add3A_2281 : i32 to index
        %swap3A_2328 = arith.constant 64 : index
        %swap3A_2329 = tpu.vector_load %arg10[%swap3A_2327, %swap3A_2328] {strides = array<i32>} : memref<128x128xf32, #tpu.memory_space<vmem>>, vector<1x16xf32>,
        %swap3A_2330 = vector.shape_cast %swap3A_2329 : vector<1x16xf32> to vector<16xf32>
        %swap3A_2331 = vector.shape_cast %mul3A_2326 : vector<16xf32> to vector<1x16xf32>
        tpu.vector_store %arg10[%swap3A_2327, %swap3A_2328], %swap3A_2331 {strides = array<i32>} : memref<128x128xf32, #tpu.memory_space<vmem>>, vector<1x16xf32>,
        %get3A_2332 = arith.index_cast %add3A_2281 : i32 to index
        %get3A_2333 = arith.constant 80 : index
        %get3A_2334 = tpu.vector_load %arg10[%get3A_2332, %get3A_2333] {strides = array<i32>} : memref<128x128xf32, #tpu.memory_space<vmem>>, vector<1x16xf32>,
        %get3A_2335 = vector.shape_cast %get3A_2334 : vector<1x16xf32> to vector<16xf32>
        %mul3A_2336 = arith.mulf %get3A_2335, %gather3A_2277 : vector<16xf32>
        %swap3A_2337 = arith.index_cast %add3A_2281 : i32 to index
        %swap3A_2338 = arith.constant 80 : index
        %swap3A_2339 = tpu.vector_load %arg10[%swap3A_2337, %swap3A_2338] {strides = array<i32>} : memref<128x128xf32, #tpu.memory_space<vmem>>, vector<1x16xf32>,
        %swap3A_2340 = vector.shape_cast %swap3A_2339 : vector<1x16xf32> to vector<16xf32>
        %swap3A_2341 = vector.shape_cast %mul3A_2336 : vector<16xf32> to vector<1x16xf32>
        tpu.vector_store %arg10[%swap3A_2337, %swap3A_2338], %swap3A_2341 {strides = array<i32>} : memref<128x128xf32, #tpu.memory_space<vmem>>, vector<1x16xf32>,
        %get3A_2342 = arith.index_cast %add3A_2281 : i32 to index
        %get3A_2343 = arith.constant 96 : index
        %get3A_2344 = tpu.vector_load %arg10[%get3A_2342, %get3A_2343] {strides = array<i32>} : memref<128x128xf32, #tpu.memory_space<vmem>>, vector<1x16xf32>,
        %get3A_2345 = vector.shape_cast %get3A_2344 : vector<1x16xf32> to vector<16xf32>
        %mul3A_2346 = arith.mulf %get3A_2345, %gather3A_2277 : vector<16xf32>
        %swap3A_2347 = arith.index_cast %add3A_2281 : i32 to index
        %swap3A_2348 = arith.constant 96 : index
        %swap3A_2349 = tpu.vector_load %arg10[%swap3A_2347, %swap3A_2348] {strides = array<i32>} : memref<128x128xf32, #tpu.memory_space<vmem>>, vector<1x16xf32>,
        %swap3A_2350 = vector.shape_cast %swap3A_2349 : vector<1x16xf32> to vector<16xf32>
        %swap3A_2351 = vector.shape_cast %mul3A_2346 : vector<16xf32> to vector<1x16xf32>
        tpu.vector_store %arg10[%swap3A_2347, %swap3A_2348], %swap3A_2351 {strides = array<i32>} : memref<128x128xf32, #tpu.memory_space<vmem>>, vector<1x16xf32>,
        %get3A_2352 = arith.index_cast %add3A_2281 : i32 to index
        %get3A_2353 = arith.constant 112 : index
        %get3A_2354 = tpu.vector_load %arg10[%get3A_2352, %get3A_2353] {strides = array<i32>} : memref<128x128xf32, #tpu.memory_space<vmem>>, vector<1x16xf32>,
        %get3A_2355 = vector.shape_cast %get3A_2354 : vector<1x16xf32> to vector<16xf32>
        %mul3A_2356 = arith.mulf %get3A_2355, %gather3A_2277 : vector<16xf32>
        %swap3A_2357 = arith.index_cast %add3A_2281 : i32 to index
        %swap3A_2358 = arith.constant 112 : index
        %swap3A_2359 = tpu.vector_load %arg10[%swap3A_2357, %swap3A_2358] {strides = array<i32>} : memref<128x128xf32, #tpu.memory_space<vmem>>, vector<1x16xf32>,
        %swap3A_2360 = vector.shape_cast %swap3A_2359 : vector<1x16xf32> to vector<16xf32>
        %swap3A_2361 = vector.shape_cast %mul3A_2356 : vector<16xf32> to vector<1x16xf32>
        tpu.vector_store %arg10[%swap3A_2357, %swap3A_2358], %swap3A_2361 {strides = array<i32>} : memref<128x128xf32, #tpu.memory_space<vmem>>, vector<1x16xf32>,
        %broadcast_in_dim3A_2362 = arith.constant 10 : i32
        %broadcast_in_dim3A_2363 = vector.broadcast %broadcast_in_dim3A_2362 : i32 to vector<16x1xi32>
        %gather3A_2364 = vector.shape_cast %broadcast_in_dim3A_2363 : vector<16x1xi32> to vector<16xi32>
        %gather3A_2365 = tpu.dynamic_gather %get3A_1481[%gather3A_2364] in [0] : vector<16xf32>, vector<16xi32> -> vector<16xf32>
        %mul3A_2366 = arith.constant 16 : i32
        %mul3A_2367 = arith.muli %scan3A_1475, %mul3A_2366 : i32
        %add3A_2368 = arith.constant 10 : i32
        %add3A_2369 = arith.addi %mul3A_2367, %add3A_2368 : i32
        %get3A_2370 = arith.index_cast %add3A_2369 : i32 to index
        %get3A_2371 = arith.constant 0 : index
        %get3A_2372 = tpu.vector_load %arg10[%get3A_2370, %get3A_2371] {strides = array<i32>} : memref<128x128xf32, #tpu.memory_space<vmem>>, vector<1x16xf32>,
        %get3A_2373 = vector.shape_cast %get3A_2372 : vector<1x16xf32> to vector<16xf32>
        %mul3A_2374 = arith.mulf %get3A_2373, %gather3A_2365 : vector<16xf32>
        %swap3A_2375 = arith.index_cast %add3A_2369 : i32 to index
        %swap3A_2376 = arith.constant 0 : index
        %swap3A_2377 = tpu.vector_load %arg10[%swap3A_2375, %swap3A_2376] {strides = array<i32>} : memref<128x128xf32, #tpu.memory_space<vmem>>, vector<1x16xf32>,
        %swap3A_2378 = vector.shape_cast %swap3A_2377 : vector<1x16xf32> to vector<16xf32>
        %swap3A_2379 = vector.shape_cast %mul3A_2374 : vector<16xf32> to vector<1x16xf32>
        tpu.vector_store %arg10[%swap3A_2375, %swap3A_2376], %swap3A_2379 {strides = array<i32>} : memref<128x128xf32, #tpu.memory_space<vmem>>, vector<1x16xf32>,
        %get3A_2380 = arith.index_cast %add3A_2369 : i32 to index
        %get3A_2381 = arith.constant 16 : index
        %get3A_2382 = tpu.vector_load %arg10[%get3A_2380, %get3A_2381] {strides = array<i32>} : memref<128x128xf32, #tpu.memory_space<vmem>>, vector<1x16xf32>,
        %get3A_2383 = vector.shape_cast %get3A_2382 : vector<1x16xf32> to vector<16xf32>
        %mul3A_2384 = arith.mulf %get3A_2383, %gather3A_2365 : vector<16xf32>
        %swap3A_2385 = arith.index_cast %add3A_2369 : i32 to index
        %swap3A_2386 = arith.constant 16 : index
        %swap3A_2387 = tpu.vector_load %arg10[%swap3A_2385, %swap3A_2386] {strides = array<i32>} : memref<128x128xf32, #tpu.memory_space<vmem>>, vector<1x16xf32>,
        %swap3A_2388 = vector.shape_cast %swap3A_2387 : vector<1x16xf32> to vector<16xf32>
        %swap3A_2389 = vector.shape_cast %mul3A_2384 : vector<16xf32> to vector<1x16xf32>
        tpu.vector_store %arg10[%swap3A_2385, %swap3A_2386], %swap3A_2389 {strides = array<i32>} : memref<128x128xf32, #tpu.memory_space<vmem>>, vector<1x16xf32>,
        %get3A_2390 = arith.index_cast %add3A_2369 : i32 to index
        %get3A_2391 = arith.constant 32 : index
        %get3A_2392 = tpu.vector_load %arg10[%get3A_2390, %get3A_2391] {strides = array<i32>} : memref<128x128xf32, #tpu.memory_space<vmem>>, vector<1x16xf32>,
        %get3A_2393 = vector.shape_cast %get3A_2392 : vector<1x16xf32> to vector<16xf32>
        %mul3A_2394 = arith.mulf %get3A_2393, %gather3A_2365 : vector<16xf32>
        %swap3A_2395 = arith.index_cast %add3A_2369 : i32 to index
        %swap3A_2396 = arith.constant 32 : index
        %swap3A_2397 = tpu.vector_load %arg10[%swap3A_2395, %swap3A_2396] {strides = array<i32>} : memref<128x128xf32, #tpu.memory_space<vmem>>, vector<1x16xf32>,
        %swap3A_2398 = vector.shape_cast %swap3A_2397 : vector<1x16xf32> to vector<16xf32>
        %swap3A_2399 = vector.shape_cast %mul3A_2394 : vector<16xf32> to vector<1x16xf32>
        tpu.vector_store %arg10[%swap3A_2395, %swap3A_2396], %swap3A_2399 {strides = array<i32>} : memref<128x128xf32, #tpu.memory_space<vmem>>, vector<1x16xf32>,
        %get3A_2400 = arith.index_cast %add3A_2369 : i32 to index
        %get3A_2401 = arith.constant 48 : index
        %get3A_2402 = tpu.vector_load %arg10[%get3A_2400, %get3A_2401] {strides = array<i32>} : memref<128x128xf32, #tpu.memory_space<vmem>>, vector<1x16xf32>,
        %get3A_2403 = vector.shape_cast %get3A_2402 : vector<1x16xf32> to vector<16xf32>
        %mul3A_2404 = arith.mulf %get3A_2403, %gather3A_2365 : vector<16xf32>
        %swap3A_2405 = arith.index_cast %add3A_2369 : i32 to index
        %swap3A_2406 = arith.constant 48 : index
        %swap3A_2407 = tpu.vector_load %arg10[%swap3A_2405, %swap3A_2406] {strides = array<i32>} : memref<128x128xf32, #tpu.memory_space<vmem>>, vector<1x16xf32>,
        %swap3A_2408 = vector.shape_cast %swap3A_2407 : vector<1x16xf32> to vector<16xf32>
        %swap3A_2409 = vector.shape_cast %mul3A_2404 : vector<16xf32> to vector<1x16xf32>
        tpu.vector_store %arg10[%swap3A_2405, %swap3A_2406], %swap3A_2409 {strides = array<i32>} : memref<128x128xf32, #tpu.memory_space<vmem>>, vector<1x16xf32>,
        %get3A_2410 = arith.index_cast %add3A_2369 : i32 to index
        %get3A_2411 = arith.constant 64 : index
        %get3A_2412 = tpu.vector_load %arg10[%get3A_2410, %get3A_2411] {strides = array<i32>} : memref<128x128xf32, #tpu.memory_space<vmem>>, vector<1x16xf32>,
        %get3A_2413 = vector.shape_cast %get3A_2412 : vector<1x16xf32> to vector<16xf32>
        %mul3A_2414 = arith.mulf %get3A_2413, %gather3A_2365 : vector<16xf32>
        %swap3A_2415 = arith.index_cast %add3A_2369 : i32 to index
        %swap3A_2416 = arith.constant 64 : index
        %swap3A_2417 = tpu.vector_load %arg10[%swap3A_2415, %swap3A_2416] {strides = array<i32>} : memref<128x128xf32, #tpu.memory_space<vmem>>, vector<1x16xf32>,
        %swap3A_2418 = vector.shape_cast %swap3A_2417 : vector<1x16xf32> to vector<16xf32>
        %swap3A_2419 = vector.shape_cast %mul3A_2414 : vector<16xf32> to vector<1x16xf32>
        tpu.vector_store %arg10[%swap3A_2415, %swap3A_2416], %swap3A_2419 {strides = array<i32>} : memref<128x128xf32, #tpu.memory_space<vmem>>, vector<1x16xf32>,
        %get3A_2420 = arith.index_cast %add3A_2369 : i32 to index
        %get3A_2421 = arith.constant 80 : index
        %get3A_2422 = tpu.vector_load %arg10[%get3A_2420, %get3A_2421] {strides = array<i32>} : memref<128x128xf32, #tpu.memory_space<vmem>>, vector<1x16xf32>,
        %get3A_2423 = vector.shape_cast %get3A_2422 : vector<1x16xf32> to vector<16xf32>
        %mul3A_2424 = arith.mulf %get3A_2423, %gather3A_2365 : vector<16xf32>
        %swap3A_2425 = arith.index_cast %add3A_2369 : i32 to index
        %swap3A_2426 = arith.constant 80 : index
        %swap3A_2427 = tpu.vector_load %arg10[%swap3A_2425, %swap3A_2426] {strides = array<i32>} : memref<128x128xf32, #tpu.memory_space<vmem>>, vector<1x16xf32>,
        %swap3A_2428 = vector.shape_cast %swap3A_2427 : vector<1x16xf32> to vector<16xf32>
        %swap3A_2429 = vector.shape_cast %mul3A_2424 : vector<16xf32> to vector<1x16xf32>
        tpu.vector_store %arg10[%swap3A_2425, %swap3A_2426], %swap3A_2429 {strides = array<i32>} : memref<128x128xf32, #tpu.memory_space<vmem>>, vector<1x16xf32>,
        %get3A_2430 = arith.index_cast %add3A_2369 : i32 to index
        %get3A_2431 = arith.constant 96 : index
        %get3A_2432 = tpu.vector_load %arg10[%get3A_2430, %get3A_2431] {strides = array<i32>} : memref<128x128xf32, #tpu.memory_space<vmem>>, vector<1x16xf32>,
        %get3A_2433 = vector.shape_cast %get3A_2432 : vector<1x16xf32> to vector<16xf32>
        %mul3A_2434 = arith.mulf %get3A_2433, %gather3A_2365 : vector<16xf32>
        %swap3A_2435 = arith.index_cast %add3A_2369 : i32 to index
        %swap3A_2436 = arith.constant 96 : index
        %swap3A_2437 = tpu.vector_load %arg10[%swap3A_2435, %swap3A_2436] {strides = array<i32>} : memref<128x128xf32, #tpu.memory_space<vmem>>, vector<1x16xf32>,
        %swap3A_2438 = vector.shape_cast %swap3A_2437 : vector<1x16xf32> to vector<16xf32>
        %swap3A_2439 = vector.shape_cast %mul3A_2434 : vector<16xf32> to vector<1x16xf32>
        tpu.vector_store %arg10[%swap3A_2435, %swap3A_2436], %swap3A_2439 {strides = array<i32>} : memref<128x128xf32, #tpu.memory_space<vmem>>, vector<1x16xf32>,
        %get3A_2440 = arith.index_cast %add3A_2369 : i32 to index
        %get3A_2441 = arith.constant 112 : index
        %get3A_2442 = tpu.vector_load %arg10[%get3A_2440, %get3A_2441] {strides = array<i32>} : memref<128x128xf32, #tpu.memory_space<vmem>>, vector<1x16xf32>,
        %get3A_2443 = vector.shape_cast %get3A_2442 : vector<1x16xf32> to vector<16xf32>
        %mul3A_2444 = arith.mulf %get3A_2443, %gather3A_2365 : vector<16xf32>
        %swap3A_2445 = arith.index_cast %add3A_2369 : i32 to index
        %swap3A_2446 = arith.constant 112 : index
        %swap3A_2447 = tpu.vector_load %arg10[%swap3A_2445, %swap3A_2446] {strides = array<i32>} : memref<128x128xf32, #tpu.memory_space<vmem>>, vector<1x16xf32>,
        %swap3A_2448 = vector.shape_cast %swap3A_2447 : vector<1x16xf32> to vector<16xf32>
        %swap3A_2449 = vector.shape_cast %mul3A_2444 : vector<16xf32> to vector<1x16xf32>
        tpu.vector_store %arg10[%swap3A_2445, %swap3A_2446], %swap3A_2449 {strides = array<i32>} : memref<128x128xf32, #tpu.memory_space<vmem>>, vector<1x16xf32>,
        %broadcast_in_dim3A_2450 = arith.constant 11 : i32
        %broadcast_in_dim3A_2451 = vector.broadcast %broadcast_in_dim3A_2450 : i32 to vector<16x1xi32>
        %gather3A_2452 = vector.shape_cast %broadcast_in_dim3A_2451 : vector<16x1xi32> to vector<16xi32>
        %gather3A_2453 = tpu.dynamic_gather %get3A_1481[%gather3A_2452] in [0] : vector<16xf32>, vector<16xi32> -> vector<16xf32>
        %mul3A_2454 = arith.constant 16 : i32
        %mul3A_2455 = arith.muli %scan3A_1475, %mul3A_2454 : i32
        %add3A_2456 = arith.constant 11 : i32
        %add3A_2457 = arith.addi %mul3A_2455, %add3A_2456 : i32
        %get3A_2458 = arith.index_cast %add3A_2457 : i32 to index
        %get3A_2459 = arith.constant 0 : index
        %get3A_2460 = tpu.vector_load %arg10[%get3A_2458, %get3A_2459] {strides = array<i32>} : memref<128x128xf32, #tpu.memory_space<vmem>>, vector<1x16xf32>,
        %get3A_2461 = vector.shape_cast %get3A_2460 : vector<1x16xf32> to vector<16xf32>
        %mul3A_2462 = arith.mulf %get3A_2461, %gather3A_2453 : vector<16xf32>
        %swap3A_2463 = arith.index_cast %add3A_2457 : i32 to index
        %swap3A_2464 = arith.constant 0 : index
        %swap3A_2465 = tpu.vector_load %arg10[%swap3A_2463, %swap3A_2464] {strides = array<i32>} : memref<128x128xf32, #tpu.memory_space<vmem>>, vector<1x16xf32>,
        %swap3A_2466 = vector.shape_cast %swap3A_2465 : vector<1x16xf32> to vector<16xf32>
        %swap3A_2467 = vector.shape_cast %mul3A_2462 : vector<16xf32> to vector<1x16xf32>
        tpu.vector_store %arg10[%swap3A_2463, %swap3A_2464], %swap3A_2467 {strides = array<i32>} : memref<128x128xf32, #tpu.memory_space<vmem>>, vector<1x16xf32>,
        %get3A_2468 = arith.index_cast %add3A_2457 : i32 to index
        %get3A_2469 = arith.constant 16 : index
        %get3A_2470 = tpu.vector_load %arg10[%get3A_2468, %get3A_2469] {strides = array<i32>} : memref<128x128xf32, #tpu.memory_space<vmem>>, vector<1x16xf32>,
        %get3A_2471 = vector.shape_cast %get3A_2470 : vector<1x16xf32> to vector<16xf32>
        %mul3A_2472 = arith.mulf %get3A_2471, %gather3A_2453 : vector<16xf32>
        %swap3A_2473 = arith.index_cast %add3A_2457 : i32 to index
        %swap3A_2474 = arith.constant 16 : index
        %swap3A_2475 = tpu.vector_load %arg10[%swap3A_2473, %swap3A_2474] {strides = array<i32>} : memref<128x128xf32, #tpu.memory_space<vmem>>, vector<1x16xf32>,
        %swap3A_2476 = vector.shape_cast %swap3A_2475 : vector<1x16xf32> to vector<16xf32>
        %swap3A_2477 = vector.shape_cast %mul3A_2472 : vector<16xf32> to vector<1x16xf32>
        tpu.vector_store %arg10[%swap3A_2473, %swap3A_2474], %swap3A_2477 {strides = array<i32>} : memref<128x128xf32, #tpu.memory_space<vmem>>, vector<1x16xf32>,
        %get3A_2478 = arith.index_cast %add3A_2457 : i32 to index
        %get3A_2479 = arith.constant 32 : index
        %get3A_2480 = tpu.vector_load %arg10[%get3A_2478, %get3A_2479] {strides = array<i32>} : memref<128x128xf32, #tpu.memory_space<vmem>>, vector<1x16xf32>,
        %get3A_2481 = vector.shape_cast %get3A_2480 : vector<1x16xf32> to vector<16xf32>
        %mul3A_2482 = arith.mulf %get3A_2481, %gather3A_2453 : vector<16xf32>
        %swap3A_2483 = arith.index_cast %add3A_2457 : i32 to index
        %swap3A_2484 = arith.constant 32 : index
        %swap3A_2485 = tpu.vector_load %arg10[%swap3A_2483, %swap3A_2484] {strides = array<i32>} : memref<128x128xf32, #tpu.memory_space<vmem>>, vector<1x16xf32>,
        %swap3A_2486 = vector.shape_cast %swap3A_2485 : vector<1x16xf32> to vector<16xf32>
        %swap3A_2487 = vector.shape_cast %mul3A_2482 : vector<16xf32> to vector<1x16xf32>
        tpu.vector_store %arg10[%swap3A_2483, %swap3A_2484], %swap3A_2487 {strides = array<i32>} : memref<128x128xf32, #tpu.memory_space<vmem>>, vector<1x16xf32>,
        %get3A_2488 = arith.index_cast %add3A_2457 : i32 to index
        %get3A_2489 = arith.constant 48 : index
        %get3A_2490 = tpu.vector_load %arg10[%get3A_2488, %get3A_2489] {strides = array<i32>} : memref<128x128xf32, #tpu.memory_space<vmem>>, vector<1x16xf32>,
        %get3A_2491 = vector.shape_cast %get3A_2490 : vector<1x16xf32> to vector<16xf32>
        %mul3A_2492 = arith.mulf %get3A_2491, %gather3A_2453 : vector<16xf32>
        %swap3A_2493 = arith.index_cast %add3A_2457 : i32 to index
        %swap3A_2494 = arith.constant 48 : index
        %swap3A_2495 = tpu.vector_load %arg10[%swap3A_2493, %swap3A_2494] {strides = array<i32>} : memref<128x128xf32, #tpu.memory_space<vmem>>, vector<1x16xf32>,
        %swap3A_2496 = vector.shape_cast %swap3A_2495 : vector<1x16xf32> to vector<16xf32>
        %swap3A_2497 = vector.shape_cast %mul3A_2492 : vector<16xf32> to vector<1x16xf32>
        tpu.vector_store %arg10[%swap3A_2493, %swap3A_2494], %swap3A_2497 {strides = array<i32>} : memref<128x128xf32, #tpu.memory_space<vmem>>, vector<1x16xf32>,
        %get3A_2498 = arith.index_cast %add3A_2457 : i32 to index
        %get3A_2499 = arith.constant 64 : index
        %get3A_2500 = tpu.vector_load %arg10[%get3A_2498, %get3A_2499] {strides = array<i32>} : memref<128x128xf32, #tpu.memory_space<vmem>>, vector<1x16xf32>,
        %get3A_2501 = vector.shape_cast %get3A_2500 : vector<1x16xf32> to vector<16xf32>
        %mul3A_2502 = arith.mulf %get3A_2501, %gather3A_2453 : vector<16xf32>
        %swap3A_2503 = arith.index_cast %add3A_2457 : i32 to index
        %swap3A_2504 = arith.constant 64 : index
        %swap3A_2505 = tpu.vector_load %arg10[%swap3A_2503, %swap3A_2504] {strides = array<i32>} : memref<128x128xf32, #tpu.memory_space<vmem>>, vector<1x16xf32>,
        %swap3A_2506 = vector.shape_cast %swap3A_2505 : vector<1x16xf32> to vector<16xf32>
        %swap3A_2507 = vector.shape_cast %mul3A_2502 : vector<16xf32> to vector<1x16xf32>
        tpu.vector_store %arg10[%swap3A_2503, %swap3A_2504], %swap3A_2507 {strides = array<i32>} : memref<128x128xf32, #tpu.memory_space<vmem>>, vector<1x16xf32>,
        %get3A_2508 = arith.index_cast %add3A_2457 : i32 to index
        %get3A_2509 = arith.constant 80 : index
        %get3A_2510 = tpu.vector_load %arg10[%get3A_2508, %get3A_2509] {strides = array<i32>} : memref<128x128xf32, #tpu.memory_space<vmem>>, vector<1x16xf32>,
        %get3A_2511 = vector.shape_cast %get3A_2510 : vector<1x16xf32> to vector<16xf32>
        %mul3A_2512 = arith.mulf %get3A_2511, %gather3A_2453 : vector<16xf32>
        %swap3A_2513 = arith.index_cast %add3A_2457 : i32 to index
        %swap3A_2514 = arith.constant 80 : index
        %swap3A_2515 = tpu.vector_load %arg10[%swap3A_2513, %swap3A_2514] {strides = array<i32>} : memref<128x128xf32, #tpu.memory_space<vmem>>, vector<1x16xf32>,
        %swap3A_2516 = vector.shape_cast %swap3A_2515 : vector<1x16xf32> to vector<16xf32>
        %swap3A_2517 = vector.shape_cast %mul3A_2512 : vector<16xf32> to vector<1x16xf32>
        tpu.vector_store %arg10[%swap3A_2513, %swap3A_2514], %swap3A_2517 {strides = array<i32>} : memref<128x128xf32, #tpu.memory_space<vmem>>, vector<1x16xf32>,
        %get3A_2518 = arith.index_cast %add3A_2457 : i32 to index
        %get3A_2519 = arith.constant 96 : index
        %get3A_2520 = tpu.vector_load %arg10[%get3A_2518, %get3A_2519] {strides = array<i32>} : memref<128x128xf32, #tpu.memory_space<vmem>>, vector<1x16xf32>,
        %get3A_2521 = vector.shape_cast %get3A_2520 : vector<1x16xf32> to vector<16xf32>
        %mul3A_2522 = arith.mulf %get3A_2521, %gather3A_2453 : vector<16xf32>
        %swap3A_2523 = arith.index_cast %add3A_2457 : i32 to index
        %swap3A_2524 = arith.constant 96 : index
        %swap3A_2525 = tpu.vector_load %arg10[%swap3A_2523, %swap3A_2524] {strides = array<i32>} : memref<128x128xf32, #tpu.memory_space<vmem>>, vector<1x16xf32>,
        %swap3A_2526 = vector.shape_cast %swap3A_2525 : vector<1x16xf32> to vector<16xf32>
        %swap3A_2527 = vector.shape_cast %mul3A_2522 : vector<16xf32> to vector<1x16xf32>
        tpu.vector_store %arg10[%swap3A_2523, %swap3A_2524], %swap3A_2527 {strides = array<i32>} : memref<128x128xf32, #tpu.memory_space<vmem>>, vector<1x16xf32>,
        %get3A_2528 = arith.index_cast %add3A_2457 : i32 to index
        %get3A_2529 = arith.constant 112 : index
        %get3A_2530 = tpu.vector_load %arg10[%get3A_2528, %get3A_2529] {strides = array<i32>} : memref<128x128xf32, #tpu.memory_space<vmem>>, vector<1x16xf32>,
        %get3A_2531 = vector.shape_cast %get3A_2530 : vector<1x16xf32> to vector<16xf32>
        %mul3A_2532 = arith.mulf %get3A_2531, %gather3A_2453 : vector<16xf32>
        %swap3A_2533 = arith.index_cast %add3A_2457 : i32 to index
        %swap3A_2534 = arith.constant 112 : index
        %swap3A_2535 = tpu.vector_load %arg10[%swap3A_2533, %swap3A_2534] {strides = array<i32>} : memref<128x128xf32, #tpu.memory_space<vmem>>, vector<1x16xf32>,
        %swap3A_2536 = vector.shape_cast %swap3A_2535 : vector<1x16xf32> to vector<16xf32>
        %swap3A_2537 = vector.shape_cast %mul3A_2532 : vector<16xf32> to vector<1x16xf32>
        tpu.vector_store %arg10[%swap3A_2533, %swap3A_2534], %swap3A_2537 {strides = array<i32>} : memref<128x128xf32, #tpu.memory_space<vmem>>, vector<1x16xf32>,
        %broadcast_in_dim3A_2538 = arith.constant 12 : i32
        %broadcast_in_dim3A_2539 = vector.broadcast %broadcast_in_dim3A_2538 : i32 to vector<16x1xi32>
        %gather3A_2540 = vector.shape_cast %broadcast_in_dim3A_2539 : vector<16x1xi32> to vector<16xi32>
        %gather3A_2541 = tpu.dynamic_gather %get3A_1481[%gather3A_2540] in [0] : vector<16xf32>, vector<16xi32> -> vector<16xf32>
        %mul3A_2542 = arith.constant 16 : i32
        %mul3A_2543 = arith.muli %scan3A_1475, %mul3A_2542 : i32
        %add3A_2544 = arith.constant 12 : i32
        %add3A_2545 = arith.addi %mul3A_2543, %add3A_2544 : i32
        %get3A_2546 = arith.index_cast %add3A_2545 : i32 to index
        %get3A_2547 = arith.constant 0 : index
        %get3A_2548 = tpu.vector_load %arg10[%get3A_2546, %get3A_2547] {strides = array<i32>} : memref<128x128xf32, #tpu.memory_space<vmem>>, vector<1x16xf32>,
        %get3A_2549 = vector.shape_cast %get3A_2548 : vector<1x16xf32> to vector<16xf32>
        %mul3A_2550 = arith.mulf %get3A_2549, %gather3A_2541 : vector<16xf32>
        %swap3A_2551 = arith.index_cast %add3A_2545 : i32 to index
        %swap3A_2552 = arith.constant 0 : index
        %swap3A_2553 = tpu.vector_load %arg10[%swap3A_2551, %swap3A_2552] {strides = array<i32>} : memref<128x128xf32, #tpu.memory_space<vmem>>, vector<1x16xf32>,
        %swap3A_2554 = vector.shape_cast %swap3A_2553 : vector<1x16xf32> to vector<16xf32>
        %swap3A_2555 = vector.shape_cast %mul3A_2550 : vector<16xf32> to vector<1x16xf32>
        tpu.vector_store %arg10[%swap3A_2551, %swap3A_2552], %swap3A_2555 {strides = array<i32>} : memref<128x128xf32, #tpu.memory_space<vmem>>, vector<1x16xf32>,
        %get3A_2556 = arith.index_cast %add3A_2545 : i32 to index
        %get3A_2557 = arith.constant 16 : index
        %get3A_2558 = tpu.vector_load %arg10[%get3A_2556, %get3A_2557] {strides = array<i32>} : memref<128x128xf32, #tpu.memory_space<vmem>>, vector<1x16xf32>,
        %get3A_2559 = vector.shape_cast %get3A_2558 : vector<1x16xf32> to vector<16xf32>
        %mul3A_2560 = arith.mulf %get3A_2559, %gather3A_2541 : vector<16xf32>
        %swap3A_2561 = arith.index_cast %add3A_2545 : i32 to index
        %swap3A_2562 = arith.constant 16 : index
        %swap3A_2563 = tpu.vector_load %arg10[%swap3A_2561, %swap3A_2562] {strides = array<i32>} : memref<128x128xf32, #tpu.memory_space<vmem>>, vector<1x16xf32>,
        %swap3A_2564 = vector.shape_cast %swap3A_2563 : vector<1x16xf32> to vector<16xf32>
        %swap3A_2565 = vector.shape_cast %mul3A_2560 : vector<16xf32> to vector<1x16xf32>
        tpu.vector_store %arg10[%swap3A_2561, %swap3A_2562], %swap3A_2565 {strides = array<i32>} : memref<128x128xf32, #tpu.memory_space<vmem>>, vector<1x16xf32>,
        %get3A_2566 = arith.index_cast %add3A_2545 : i32 to index
        %get3A_2567 = arith.constant 32 : index
        %get3A_2568 = tpu.vector_load %arg10[%get3A_2566, %get3A_2567] {strides = array<i32>} : memref<128x128xf32, #tpu.memory_space<vmem>>, vector<1x16xf32>,
        %get3A_2569 = vector.shape_cast %get3A_2568 : vector<1x16xf32> to vector<16xf32>
        %mul3A_2570 = arith.mulf %get3A_2569, %gather3A_2541 : vector<16xf32>
        %swap3A_2571 = arith.index_cast %add3A_2545 : i32 to index
        %swap3A_2572 = arith.constant 32 : index
        %swap3A_2573 = tpu.vector_load %arg10[%swap3A_2571, %swap3A_2572] {strides = array<i32>} : memref<128x128xf32, #tpu.memory_space<vmem>>, vector<1x16xf32>,
        %swap3A_2574 = vector.shape_cast %swap3A_2573 : vector<1x16xf32> to vector<16xf32>
        %swap3A_2575 = vector.shape_cast %mul3A_2570 : vector<16xf32> to vector<1x16xf32>
        tpu.vector_store %arg10[%swap3A_2571, %swap3A_2572], %swap3A_2575 {strides = array<i32>} : memref<128x128xf32, #tpu.memory_space<vmem>>, vector<1x16xf32>,
        %get3A_2576 = arith.index_cast %add3A_2545 : i32 to index
        %get3A_2577 = arith.constant 48 : index
        %get3A_2578 = tpu.vector_load %arg10[%get3A_2576, %get3A_2577] {strides = array<i32>} : memref<128x128xf32, #tpu.memory_space<vmem>>, vector<1x16xf32>,
        %get3A_2579 = vector.shape_cast %get3A_2578 : vector<1x16xf32> to vector<16xf32>
        %mul3A_2580 = arith.mulf %get3A_2579, %gather3A_2541 : vector<16xf32>
        %swap3A_2581 = arith.index_cast %add3A_2545 : i32 to index
        %swap3A_2582 = arith.constant 48 : index
        %swap3A_2583 = tpu.vector_load %arg10[%swap3A_2581, %swap3A_2582] {strides = array<i32>} : memref<128x128xf32, #tpu.memory_space<vmem>>, vector<1x16xf32>,
        %swap3A_2584 = vector.shape_cast %swap3A_2583 : vector<1x16xf32> to vector<16xf32>
        %swap3A_2585 = vector.shape_cast %mul3A_2580 : vector<16xf32> to vector<1x16xf32>
        tpu.vector_store %arg10[%swap3A_2581, %swap3A_2582], %swap3A_2585 {strides = array<i32>} : memref<128x128xf32, #tpu.memory_space<vmem>>, vector<1x16xf32>,
        %get3A_2586 = arith.index_cast %add3A_2545 : i32 to index
        %get3A_2587 = arith.constant 64 : index
        %get3A_2588 = tpu.vector_load %arg10[%get3A_2586, %get3A_2587] {strides = array<i32>} : memref<128x128xf32, #tpu.memory_space<vmem>>, vector<1x16xf32>,
        %get3A_2589 = vector.shape_cast %get3A_2588 : vector<1x16xf32> to vector<16xf32>
        %mul3A_2590 = arith.mulf %get3A_2589, %gather3A_2541 : vector<16xf32>
        %swap3A_2591 = arith.index_cast %add3A_2545 : i32 to index
        %swap3A_2592 = arith.constant 64 : index
        %swap3A_2593 = tpu.vector_load %arg10[%swap3A_2591, %swap3A_2592] {strides = array<i32>} : memref<128x128xf32, #tpu.memory_space<vmem>>, vector<1x16xf32>,
        %swap3A_2594 = vector.shape_cast %swap3A_2593 : vector<1x16xf32> to vector<16xf32>
        %swap3A_2595 = vector.shape_cast %mul3A_2590 : vector<16xf32> to vector<1x16xf32>
        tpu.vector_store %arg10[%swap3A_2591, %swap3A_2592], %swap3A_2595 {strides = array<i32>} : memref<128x128xf32, #tpu.memory_space<vmem>>, vector<1x16xf32>,
        %get3A_2596 = arith.index_cast %add3A_2545 : i32 to index
        %get3A_2597 = arith.constant 80 : index
        %get3A_2598 = tpu.vector_load %arg10[%get3A_2596, %get3A_2597] {strides = array<i32>} : memref<128x128xf32, #tpu.memory_space<vmem>>, vector<1x16xf32>,
        %get3A_2599 = vector.shape_cast %get3A_2598 : vector<1x16xf32> to vector<16xf32>
        %mul3A_2600 = arith.mulf %get3A_2599, %gather3A_2541 : vector<16xf32>
        %swap3A_2601 = arith.index_cast %add3A_2545 : i32 to index
        %swap3A_2602 = arith.constant 80 : index
        %swap3A_2603 = tpu.vector_load %arg10[%swap3A_2601, %swap3A_2602] {strides = array<i32>} : memref<128x128xf32, #tpu.memory_space<vmem>>, vector<1x16xf32>,
        %swap3A_2604 = vector.shape_cast %swap3A_2603 : vector<1x16xf32> to vector<16xf32>
        %swap3A_2605 = vector.shape_cast %mul3A_2600 : vector<16xf32> to vector<1x16xf32>
        tpu.vector_store %arg10[%swap3A_2601, %swap3A_2602], %swap3A_2605 {strides = array<i32>} : memref<128x128xf32, #tpu.memory_space<vmem>>, vector<1x16xf32>,
        %get3A_2606 = arith.index_cast %add3A_2545 : i32 to index
        %get3A_2607 = arith.constant 96 : index
        %get3A_2608 = tpu.vector_load %arg10[%get3A_2606, %get3A_2607] {strides = array<i32>} : memref<128x128xf32, #tpu.memory_space<vmem>>, vector<1x16xf32>,
        %get3A_2609 = vector.shape_cast %get3A_2608 : vector<1x16xf32> to vector<16xf32>
        %mul3A_2610 = arith.mulf %get3A_2609, %gather3A_2541 : vector<16xf32>
        %swap3A_2611 = arith.index_cast %add3A_2545 : i32 to index
        %swap3A_2612 = arith.constant 96 : index
        %swap3A_2613 = tpu.vector_load %arg10[%swap3A_2611, %swap3A_2612] {strides = array<i32>} : memref<128x128xf32, #tpu.memory_space<vmem>>, vector<1x16xf32>,
        %swap3A_2614 = vector.shape_cast %swap3A_2613 : vector<1x16xf32> to vector<16xf32>
        %swap3A_2615 = vector.shape_cast %mul3A_2610 : vector<16xf32> to vector<1x16xf32>
        tpu.vector_store %arg10[%swap3A_2611, %swap3A_2612], %swap3A_2615 {strides = array<i32>} : memref<128x128xf32, #tpu.memory_space<vmem>>, vector<1x16xf32>,
        %get3A_2616 = arith.index_cast %add3A_2545 : i32 to index
        %get3A_2617 = arith.constant 112 : index
        %get3A_2618 = tpu.vector_load %arg10[%get3A_2616, %get3A_2617] {strides = array<i32>} : memref<128x128xf32, #tpu.memory_space<vmem>>, vector<1x16xf32>,
        %get3A_2619 = vector.shape_cast %get3A_2618 : vector<1x16xf32> to vector<16xf32>
        %mul3A_2620 = arith.mulf %get3A_2619, %gather3A_2541 : vector<16xf32>
        %swap3A_2621 = arith.index_cast %add3A_2545 : i32 to index
        %swap3A_2622 = arith.constant 112 : index
        %swap3A_2623 = tpu.vector_load %arg10[%swap3A_2621, %swap3A_2622] {strides = array<i32>} : memref<128x128xf32, #tpu.memory_space<vmem>>, vector<1x16xf32>,
        %swap3A_2624 = vector.shape_cast %swap3A_2623 : vector<1x16xf32> to vector<16xf32>
        %swap3A_2625 = vector.shape_cast %mul3A_2620 : vector<16xf32> to vector<1x16xf32>
        tpu.vector_store %arg10[%swap3A_2621, %swap3A_2622], %swap3A_2625 {strides = array<i32>} : memref<128x128xf32, #tpu.memory_space<vmem>>, vector<1x16xf32>,
        %broadcast_in_dim3A_2626 = arith.constant 13 : i32
        %broadcast_in_dim3A_2627 = vector.broadcast %broadcast_in_dim3A_2626 : i32 to vector<16x1xi32>
        %gather3A_2628 = vector.shape_cast %broadcast_in_dim3A_2627 : vector<16x1xi32> to vector<16xi32>
        %gather3A_2629 = tpu.dynamic_gather %get3A_1481[%gather3A_2628] in [0] : vector<16xf32>, vector<16xi32> -> vector<16xf32>
        %mul3A_2630 = arith.constant 16 : i32
        %mul3A_2631 = arith.muli %scan3A_1475, %mul3A_2630 : i32
        %add3A_2632 = arith.constant 13 : i32
        %add3A_2633 = arith.addi %mul3A_2631, %add3A_2632 : i32
        %get3A_2634 = arith.index_cast %add3A_2633 : i32 to index
        %get3A_2635 = arith.constant 0 : index
        %get3A_2636 = tpu.vector_load %arg10[%get3A_2634, %get3A_2635] {strides = array<i32>} : memref<128x128xf32, #tpu.memory_space<vmem>>, vector<1x16xf32>,
        %get3A_2637 = vector.shape_cast %get3A_2636 : vector<1x16xf32> to vector<16xf32>
        %mul3A_2638 = arith.mulf %get3A_2637, %gather3A_2629 : vector<16xf32>
        %swap3A_2639 = arith.index_cast %add3A_2633 : i32 to index
        %swap3A_2640 = arith.constant 0 : index
        %swap3A_2641 = tpu.vector_load %arg10[%swap3A_2639, %swap3A_2640] {strides = array<i32>} : memref<128x128xf32, #tpu.memory_space<vmem>>, vector<1x16xf32>,
        %swap3A_2642 = vector.shape_cast %swap3A_2641 : vector<1x16xf32> to vector<16xf32>
        %swap3A_2643 = vector.shape_cast %mul3A_2638 : vector<16xf32> to vector<1x16xf32>
        tpu.vector_store %arg10[%swap3A_2639, %swap3A_2640], %swap3A_2643 {strides = array<i32>} : memref<128x128xf32, #tpu.memory_space<vmem>>, vector<1x16xf32>,
        %get3A_2644 = arith.index_cast %add3A_2633 : i32 to index
        %get3A_2645 = arith.constant 16 : index
        %get3A_2646 = tpu.vector_load %arg10[%get3A_2644, %get3A_2645] {strides = array<i32>} : memref<128x128xf32, #tpu.memory_space<vmem>>, vector<1x16xf32>,
        %get3A_2647 = vector.shape_cast %get3A_2646 : vector<1x16xf32> to vector<16xf32>
        %mul3A_2648 = arith.mulf %get3A_2647, %gather3A_2629 : vector<16xf32>
        %swap3A_2649 = arith.index_cast %add3A_2633 : i32 to index
        %swap3A_2650 = arith.constant 16 : index
        %swap3A_2651 = tpu.vector_load %arg10[%swap3A_2649, %swap3A_2650] {strides = array<i32>} : memref<128x128xf32, #tpu.memory_space<vmem>>, vector<1x16xf32>,
        %swap3A_2652 = vector.shape_cast %swap3A_2651 : vector<1x16xf32> to vector<16xf32>
        %swap3A_2653 = vector.shape_cast %mul3A_2648 : vector<16xf32> to vector<1x16xf32>
        tpu.vector_store %arg10[%swap3A_2649, %swap3A_2650], %swap3A_2653 {strides = array<i32>} : memref<128x128xf32, #tpu.memory_space<vmem>>, vector<1x16xf32>,
        %get3A_2654 = arith.index_cast %add3A_2633 : i32 to index
        %get3A_2655 = arith.constant 32 : index
        %get3A_2656 = tpu.vector_load %arg10[%get3A_2654, %get3A_2655] {strides = array<i32>} : memref<128x128xf32, #tpu.memory_space<vmem>>, vector<1x16xf32>,
        %get3A_2657 = vector.shape_cast %get3A_2656 : vector<1x16xf32> to vector<16xf32>
        %mul3A_2658 = arith.mulf %get3A_2657, %gather3A_2629 : vector<16xf32>
        %swap3A_2659 = arith.index_cast %add3A_2633 : i32 to index
        %swap3A_2660 = arith.constant 32 : index
        %swap3A_2661 = tpu.vector_load %arg10[%swap3A_2659, %swap3A_2660] {strides = array<i32>} : memref<128x128xf32, #tpu.memory_space<vmem>>, vector<1x16xf32>,
        %swap3A_2662 = vector.shape_cast %swap3A_2661 : vector<1x16xf32> to vector<16xf32>
        %swap3A_2663 = vector.shape_cast %mul3A_2658 : vector<16xf32> to vector<1x16xf32>
        tpu.vector_store %arg10[%swap3A_2659, %swap3A_2660], %swap3A_2663 {strides = array<i32>} : memref<128x128xf32, #tpu.memory_space<vmem>>, vector<1x16xf32>,
        %get3A_2664 = arith.index_cast %add3A_2633 : i32 to index
        %get3A_2665 = arith.constant 48 : index
        %get3A_2666 = tpu.vector_load %arg10[%get3A_2664, %get3A_2665] {strides = array<i32>} : memref<128x128xf32, #tpu.memory_space<vmem>>, vector<1x16xf32>,
        %get3A_2667 = vector.shape_cast %get3A_2666 : vector<1x16xf32> to vector<16xf32>
        %mul3A_2668 = arith.mulf %get3A_2667, %gather3A_2629 : vector<16xf32>
        %swap3A_2669 = arith.index_cast %add3A_2633 : i32 to index
        %swap3A_2670 = arith.constant 48 : index
        %swap3A_2671 = tpu.vector_load %arg10[%swap3A_2669, %swap3A_2670] {strides = array<i32>} : memref<128x128xf32, #tpu.memory_space<vmem>>, vector<1x16xf32>,
        %swap3A_2672 = vector.shape_cast %swap3A_2671 : vector<1x16xf32> to vector<16xf32>
        %swap3A_2673 = vector.shape_cast %mul3A_2668 : vector<16xf32> to vector<1x16xf32>
        tpu.vector_store %arg10[%swap3A_2669, %swap3A_2670], %swap3A_2673 {strides = array<i32>} : memref<128x128xf32, #tpu.memory_space<vmem>>, vector<1x16xf32>,
        %get3A_2674 = arith.index_cast %add3A_2633 : i32 to index
        %get3A_2675 = arith.constant 64 : index
        %get3A_2676 = tpu.vector_load %arg10[%get3A_2674, %get3A_2675] {strides = array<i32>} : memref<128x128xf32, #tpu.memory_space<vmem>>, vector<1x16xf32>,
        %get3A_2677 = vector.shape_cast %get3A_2676 : vector<1x16xf32> to vector<16xf32>
        %mul3A_2678 = arith.mulf %get3A_2677, %gather3A_2629 : vector<16xf32>
        %swap3A_2679 = arith.index_cast %add3A_2633 : i32 to index
        %swap3A_2680 = arith.constant 64 : index
        %swap3A_2681 = tpu.vector_load %arg10[%swap3A_2679, %swap3A_2680] {strides = array<i32>} : memref<128x128xf32, #tpu.memory_space<vmem>>, vector<1x16xf32>,
        %swap3A_2682 = vector.shape_cast %swap3A_2681 : vector<1x16xf32> to vector<16xf32>
        %swap3A_2683 = vector.shape_cast %mul3A_2678 : vector<16xf32> to vector<1x16xf32>
        tpu.vector_store %arg10[%swap3A_2679, %swap3A_2680], %swap3A_2683 {strides = array<i32>} : memref<128x128xf32, #tpu.memory_space<vmem>>, vector<1x16xf32>,
        %get3A_2684 = arith.index_cast %add3A_2633 : i32 to index
        %get3A_2685 = arith.constant 80 : index
        %get3A_2686 = tpu.vector_load %arg10[%get3A_2684, %get3A_2685] {strides = array<i32>} : memref<128x128xf32, #tpu.memory_space<vmem>>, vector<1x16xf32>,
        %get3A_2687 = vector.shape_cast %get3A_2686 : vector<1x16xf32> to vector<16xf32>
        %mul3A_2688 = arith.mulf %get3A_2687, %gather3A_2629 : vector<16xf32>
        %swap3A_2689 = arith.index_cast %add3A_2633 : i32 to index
        %swap3A_2690 = arith.constant 80 : index
        %swap3A_2691 = tpu.vector_load %arg10[%swap3A_2689, %swap3A_2690] {strides = array<i32>} : memref<128x128xf32, #tpu.memory_space<vmem>>, vector<1x16xf32>,
        %swap3A_2692 = vector.shape_cast %swap3A_2691 : vector<1x16xf32> to vector<16xf32>
        %swap3A_2693 = vector.shape_cast %mul3A_2688 : vector<16xf32> to vector<1x16xf32>
        tpu.vector_store %arg10[%swap3A_2689, %swap3A_2690], %swap3A_2693 {strides = array<i32>} : memref<128x128xf32, #tpu.memory_space<vmem>>, vector<1x16xf32>,
        %get3A_2694 = arith.index_cast %add3A_2633 : i32 to index
        %get3A_2695 = arith.constant 96 : index
        %get3A_2696 = tpu.vector_load %arg10[%get3A_2694, %get3A_2695] {strides = array<i32>} : memref<128x128xf32, #tpu.memory_space<vmem>>, vector<1x16xf32>,
        %get3A_2697 = vector.shape_cast %get3A_2696 : vector<1x16xf32> to vector<16xf32>
        %mul3A_2698 = arith.mulf %get3A_2697, %gather3A_2629 : vector<16xf32>
        %swap3A_2699 = arith.index_cast %add3A_2633 : i32 to index
        %swap3A_2700 = arith.constant 96 : index
        %swap3A_2701 = tpu.vector_load %arg10[%swap3A_2699, %swap3A_2700] {strides = array<i32>} : memref<128x128xf32, #tpu.memory_space<vmem>>, vector<1x16xf32>,
        %swap3A_2702 = vector.shape_cast %swap3A_2701 : vector<1x16xf32> to vector<16xf32>
        %swap3A_2703 = vector.shape_cast %mul3A_2698 : vector<16xf32> to vector<1x16xf32>
        tpu.vector_store %arg10[%swap3A_2699, %swap3A_2700], %swap3A_2703 {strides = array<i32>} : memref<128x128xf32, #tpu.memory_space<vmem>>, vector<1x16xf32>,
        %get3A_2704 = arith.index_cast %add3A_2633 : i32 to index
        %get3A_2705 = arith.constant 112 : index
        %get3A_2706 = tpu.vector_load %arg10[%get3A_2704, %get3A_2705] {strides = array<i32>} : memref<128x128xf32, #tpu.memory_space<vmem>>, vector<1x16xf32>,
        %get3A_2707 = vector.shape_cast %get3A_2706 : vector<1x16xf32> to vector<16xf32>
        %mul3A_2708 = arith.mulf %get3A_2707, %gather3A_2629 : vector<16xf32>
        %swap3A_2709 = arith.index_cast %add3A_2633 : i32 to index
        %swap3A_2710 = arith.constant 112 : index
        %swap3A_2711 = tpu.vector_load %arg10[%swap3A_2709, %swap3A_2710] {strides = array<i32>} : memref<128x128xf32, #tpu.memory_space<vmem>>, vector<1x16xf32>,
        %swap3A_2712 = vector.shape_cast %swap3A_2711 : vector<1x16xf32> to vector<16xf32>
        %swap3A_2713 = vector.shape_cast %mul3A_2708 : vector<16xf32> to vector<1x16xf32>
        tpu.vector_store %arg10[%swap3A_2709, %swap3A_2710], %swap3A_2713 {strides = array<i32>} : memref<128x128xf32, #tpu.memory_space<vmem>>, vector<1x16xf32>,
        %broadcast_in_dim3A_2714 = arith.constant 14 : i32
        %broadcast_in_dim3A_2715 = vector.broadcast %broadcast_in_dim3A_2714 : i32 to vector<16x1xi32>
        %gather3A_2716 = vector.shape_cast %broadcast_in_dim3A_2715 : vector<16x1xi32> to vector<16xi32>
        %gather3A_2717 = tpu.dynamic_gather %get3A_1481[%gather3A_2716] in [0] : vector<16xf32>, vector<16xi32> -> vector<16xf32>
        %mul3A_2718 = arith.constant 16 : i32
        %mul3A_2719 = arith.muli %scan3A_1475, %mul3A_2718 : i32
        %add3A_2720 = arith.constant 14 : i32
        %add3A_2721 = arith.addi %mul3A_2719, %add3A_2720 : i32
        %get3A_2722 = arith.index_cast %add3A_2721 : i32 to index
        %get3A_2723 = arith.constant 0 : index
        %get3A_2724 = tpu.vector_load %arg10[%get3A_2722, %get3A_2723] {strides = array<i32>} : memref<128x128xf32, #tpu.memory_space<vmem>>, vector<1x16xf32>,
        %get3A_2725 = vector.shape_cast %get3A_2724 : vector<1x16xf32> to vector<16xf32>
        %mul3A_2726 = arith.mulf %get3A_2725, %gather3A_2717 : vector<16xf32>
        %swap3A_2727 = arith.index_cast %add3A_2721 : i32 to index
        %swap3A_2728 = arith.constant 0 : index
        %swap3A_2729 = tpu.vector_load %arg10[%swap3A_2727, %swap3A_2728] {strides = array<i32>} : memref<128x128xf32, #tpu.memory_space<vmem>>, vector<1x16xf32>,
        %swap3A_2730 = vector.shape_cast %swap3A_2729 : vector<1x16xf32> to vector<16xf32>
        %swap3A_2731 = vector.shape_cast %mul3A_2726 : vector<16xf32> to vector<1x16xf32>
        tpu.vector_store %arg10[%swap3A_2727, %swap3A_2728], %swap3A_2731 {strides = array<i32>} : memref<128x128xf32, #tpu.memory_space<vmem>>, vector<1x16xf32>,
        %get3A_2732 = arith.index_cast %add3A_2721 : i32 to index
        %get3A_2733 = arith.constant 16 : index
        %get3A_2734 = tpu.vector_load %arg10[%get3A_2732, %get3A_2733] {strides = array<i32>} : memref<128x128xf32, #tpu.memory_space<vmem>>, vector<1x16xf32>,
        %get3A_2735 = vector.shape_cast %get3A_2734 : vector<1x16xf32> to vector<16xf32>
        %mul3A_2736 = arith.mulf %get3A_2735, %gather3A_2717 : vector<16xf32>
        %swap3A_2737 = arith.index_cast %add3A_2721 : i32 to index
        %swap3A_2738 = arith.constant 16 : index
        %swap3A_2739 = tpu.vector_load %arg10[%swap3A_2737, %swap3A_2738] {strides = array<i32>} : memref<128x128xf32, #tpu.memory_space<vmem>>, vector<1x16xf32>,
        %swap3A_2740 = vector.shape_cast %swap3A_2739 : vector<1x16xf32> to vector<16xf32>
        %swap3A_2741 = vector.shape_cast %mul3A_2736 : vector<16xf32> to vector<1x16xf32>
        tpu.vector_store %arg10[%swap3A_2737, %swap3A_2738], %swap3A_2741 {strides = array<i32>} : memref<128x128xf32, #tpu.memory_space<vmem>>, vector<1x16xf32>,
        %get3A_2742 = arith.index_cast %add3A_2721 : i32 to index
        %get3A_2743 = arith.constant 32 : index
        %get3A_2744 = tpu.vector_load %arg10[%get3A_2742, %get3A_2743] {strides = array<i32>} : memref<128x128xf32, #tpu.memory_space<vmem>>, vector<1x16xf32>,
        %get3A_2745 = vector.shape_cast %get3A_2744 : vector<1x16xf32> to vector<16xf32>
        %mul3A_2746 = arith.mulf %get3A_2745, %gather3A_2717 : vector<16xf32>
        %swap3A_2747 = arith.index_cast %add3A_2721 : i32 to index
        %swap3A_2748 = arith.constant 32 : index
        %swap3A_2749 = tpu.vector_load %arg10[%swap3A_2747, %swap3A_2748] {strides = array<i32>} : memref<128x128xf32, #tpu.memory_space<vmem>>, vector<1x16xf32>,
        %swap3A_2750 = vector.shape_cast %swap3A_2749 : vector<1x16xf32> to vector<16xf32>
        %swap3A_2751 = vector.shape_cast %mul3A_2746 : vector<16xf32> to vector<1x16xf32>
        tpu.vector_store %arg10[%swap3A_2747, %swap3A_2748], %swap3A_2751 {strides = array<i32>} : memref<128x128xf32, #tpu.memory_space<vmem>>, vector<1x16xf32>,
        %get3A_2752 = arith.index_cast %add3A_2721 : i32 to index
        %get3A_2753 = arith.constant 48 : index
        %get3A_2754 = tpu.vector_load %arg10[%get3A_2752, %get3A_2753] {strides = array<i32>} : memref<128x128xf32, #tpu.memory_space<vmem>>, vector<1x16xf32>,
        %get3A_2755 = vector.shape_cast %get3A_2754 : vector<1x16xf32> to vector<16xf32>
        %mul3A_2756 = arith.mulf %get3A_2755, %gather3A_2717 : vector<16xf32>
        %swap3A_2757 = arith.index_cast %add3A_2721 : i32 to index
        %swap3A_2758 = arith.constant 48 : index
        %swap3A_2759 = tpu.vector_load %arg10[%swap3A_2757, %swap3A_2758] {strides = array<i32>} : memref<128x128xf32, #tpu.memory_space<vmem>>, vector<1x16xf32>,
        %swap3A_2760 = vector.shape_cast %swap3A_2759 : vector<1x16xf32> to vector<16xf32>
        %swap3A_2761 = vector.shape_cast %mul3A_2756 : vector<16xf32> to vector<1x16xf32>
        tpu.vector_store %arg10[%swap3A_2757, %swap3A_2758], %swap3A_2761 {strides = array<i32>} : memref<128x128xf32, #tpu.memory_space<vmem>>, vector<1x16xf32>,
        %get3A_2762 = arith.index_cast %add3A_2721 : i32 to index
        %get3A_2763 = arith.constant 64 : index
        %get3A_2764 = tpu.vector_load %arg10[%get3A_2762, %get3A_2763] {strides = array<i32>} : memref<128x128xf32, #tpu.memory_space<vmem>>, vector<1x16xf32>,
        %get3A_2765 = vector.shape_cast %get3A_2764 : vector<1x16xf32> to vector<16xf32>
        %mul3A_2766 = arith.mulf %get3A_2765, %gather3A_2717 : vector<16xf32>
        %swap3A_2767 = arith.index_cast %add3A_2721 : i32 to index
        %swap3A_2768 = arith.constant 64 : index
        %swap3A_2769 = tpu.vector_load %arg10[%swap3A_2767, %swap3A_2768] {strides = array<i32>} : memref<128x128xf32, #tpu.memory_space<vmem>>, vector<1x16xf32>,
        %swap3A_2770 = vector.shape_cast %swap3A_2769 : vector<1x16xf32> to vector<16xf32>
        %swap3A_2771 = vector.shape_cast %mul3A_2766 : vector<16xf32> to vector<1x16xf32>
        tpu.vector_store %arg10[%swap3A_2767, %swap3A_2768], %swap3A_2771 {strides = array<i32>} : memref<128x128xf32, #tpu.memory_space<vmem>>, vector<1x16xf32>,
        %get3A_2772 = arith.index_cast %add3A_2721 : i32 to index
        %get3A_2773 = arith.constant 80 : index
        %get3A_2774 = tpu.vector_load %arg10[%get3A_2772, %get3A_2773] {strides = array<i32>} : memref<128x128xf32, #tpu.memory_space<vmem>>, vector<1x16xf32>,
        %get3A_2775 = vector.shape_cast %get3A_2774 : vector<1x16xf32> to vector<16xf32>
        %mul3A_2776 = arith.mulf %get3A_2775, %gather3A_2717 : vector<16xf32>
        %swap3A_2777 = arith.index_cast %add3A_2721 : i32 to index
        %swap3A_2778 = arith.constant 80 : index
        %swap3A_2779 = tpu.vector_load %arg10[%swap3A_2777, %swap3A_2778] {strides = array<i32>} : memref<128x128xf32, #tpu.memory_space<vmem>>, vector<1x16xf32>,
        %swap3A_2780 = vector.shape_cast %swap3A_2779 : vector<1x16xf32> to vector<16xf32>
        %swap3A_2781 = vector.shape_cast %mul3A_2776 : vector<16xf32> to vector<1x16xf32>
        tpu.vector_store %arg10[%swap3A_2777, %swap3A_2778], %swap3A_2781 {strides = array<i32>} : memref<128x128xf32, #tpu.memory_space<vmem>>, vector<1x16xf32>,
        %get3A_2782 = arith.index_cast %add3A_2721 : i32 to index
        %get3A_2783 = arith.constant 96 : index
        %get3A_2784 = tpu.vector_load %arg10[%get3A_2782, %get3A_2783] {strides = array<i32>} : memref<128x128xf32, #tpu.memory_space<vmem>>, vector<1x16xf32>,
        %get3A_2785 = vector.shape_cast %get3A_2784 : vector<1x16xf32> to vector<16xf32>
        %mul3A_2786 = arith.mulf %get3A_2785, %gather3A_2717 : vector<16xf32>
        %swap3A_2787 = arith.index_cast %add3A_2721 : i32 to index
        %swap3A_2788 = arith.constant 96 : index
        %swap3A_2789 = tpu.vector_load %arg10[%swap3A_2787, %swap3A_2788] {strides = array<i32>} : memref<128x128xf32, #tpu.memory_space<vmem>>, vector<1x16xf32>,
        %swap3A_2790 = vector.shape_cast %swap3A_2789 : vector<1x16xf32> to vector<16xf32>
        %swap3A_2791 = vector.shape_cast %mul3A_2786 : vector<16xf32> to vector<1x16xf32>
        tpu.vector_store %arg10[%swap3A_2787, %swap3A_2788], %swap3A_2791 {strides = array<i32>} : memref<128x128xf32, #tpu.memory_space<vmem>>, vector<1x16xf32>,
        %get3A_2792 = arith.index_cast %add3A_2721 : i32 to index
        %get3A_2793 = arith.constant 112 : index
        %get3A_2794 = tpu.vector_load %arg10[%get3A_2792, %get3A_2793] {strides = array<i32>} : memref<128x128xf32, #tpu.memory_space<vmem>>, vector<1x16xf32>,
        %get3A_2795 = vector.shape_cast %get3A_2794 : vector<1x16xf32> to vector<16xf32>
        %mul3A_2796 = arith.mulf %get3A_2795, %gather3A_2717 : vector<16xf32>
        %swap3A_2797 = arith.index_cast %add3A_2721 : i32 to index
        %swap3A_2798 = arith.constant 112 : index
        %swap3A_2799 = tpu.vector_load %arg10[%swap3A_2797, %swap3A_2798] {strides = array<i32>} : memref<128x128xf32, #tpu.memory_space<vmem>>, vector<1x16xf32>,
        %swap3A_2800 = vector.shape_cast %swap3A_2799 : vector<1x16xf32> to vector<16xf32>
        %swap3A_2801 = vector.shape_cast %mul3A_2796 : vector<16xf32> to vector<1x16xf32>
        tpu.vector_store %arg10[%swap3A_2797, %swap3A_2798], %swap3A_2801 {strides = array<i32>} : memref<128x128xf32, #tpu.memory_space<vmem>>, vector<1x16xf32>,
        %broadcast_in_dim3A_2802 = arith.constant 15 : i32
        %broadcast_in_dim3A_2803 = vector.broadcast %broadcast_in_dim3A_2802 : i32 to vector<16x1xi32>
        %gather3A_2804 = vector.shape_cast %broadcast_in_dim3A_2803 : vector<16x1xi32> to vector<16xi32>
        %gather3A_2805 = tpu.dynamic_gather %get3A_1481[%gather3A_2804] in [0] : vector<16xf32>, vector<16xi32> -> vector<16xf32>
        %mul3A_2806 = arith.constant 16 : i32
        %mul3A_2807 = arith.muli %scan3A_1475, %mul3A_2806 : i32
        %add3A_2808 = arith.constant 15 : i32
        %add3A_2809 = arith.addi %mul3A_2807, %add3A_2808 : i32
        %get3A_2810 = arith.index_cast %add3A_2809 : i32 to index
        %get3A_2811 = arith.constant 0 : index
        %get3A_2812 = tpu.vector_load %arg10[%get3A_2810, %get3A_2811] {strides = array<i32>} : memref<128x128xf32, #tpu.memory_space<vmem>>, vector<1x16xf32>,
        %get3A_2813 = vector.shape_cast %get3A_2812 : vector<1x16xf32> to vector<16xf32>
        %mul3A_2814 = arith.mulf %get3A_2813, %gather3A_2805 : vector<16xf32>
        %swap3A_2815 = arith.index_cast %add3A_2809 : i32 to index
        %swap3A_2816 = arith.constant 0 : index
        %swap3A_2817 = tpu.vector_load %arg10[%swap3A_2815, %swap3A_2816] {strides = array<i32>} : memref<128x128xf32, #tpu.memory_space<vmem>>, vector<1x16xf32>,
        %swap3A_2818 = vector.shape_cast %swap3A_2817 : vector<1x16xf32> to vector<16xf32>
        %swap3A_2819 = vector.shape_cast %mul3A_2814 : vector<16xf32> to vector<1x16xf32>
        tpu.vector_store %arg10[%swap3A_2815, %swap3A_2816], %swap3A_2819 {strides = array<i32>} : memref<128x128xf32, #tpu.memory_space<vmem>>, vector<1x16xf32>,
        %get3A_2820 = arith.index_cast %add3A_2809 : i32 to index
        %get3A_2821 = arith.constant 16 : index
        %get3A_2822 = tpu.vector_load %arg10[%get3A_2820, %get3A_2821] {strides = array<i32>} : memref<128x128xf32, #tpu.memory_space<vmem>>, vector<1x16xf32>,
        %get3A_2823 = vector.shape_cast %get3A_2822 : vector<1x16xf32> to vector<16xf32>
        %mul3A_2824 = arith.mulf %get3A_2823, %gather3A_2805 : vector<16xf32>
        %swap3A_2825 = arith.index_cast %add3A_2809 : i32 to index
        %swap3A_2826 = arith.constant 16 : index
        %swap3A_2827 = tpu.vector_load %arg10[%swap3A_2825, %swap3A_2826] {strides = array<i32>} : memref<128x128xf32, #tpu.memory_space<vmem>>, vector<1x16xf32>,
        %swap3A_2828 = vector.shape_cast %swap3A_2827 : vector<1x16xf32> to vector<16xf32>
        %swap3A_2829 = vector.shape_cast %mul3A_2824 : vector<16xf32> to vector<1x16xf32>
        tpu.vector_store %arg10[%swap3A_2825, %swap3A_2826], %swap3A_2829 {strides = array<i32>} : memref<128x128xf32, #tpu.memory_space<vmem>>, vector<1x16xf32>,
        %get3A_2830 = arith.index_cast %add3A_2809 : i32 to index
        %get3A_2831 = arith.constant 32 : index
        %get3A_2832 = tpu.vector_load %arg10[%get3A_2830, %get3A_2831] {strides = array<i32>} : memref<128x128xf32, #tpu.memory_space<vmem>>, vector<1x16xf32>,
        %get3A_2833 = vector.shape_cast %get3A_2832 : vector<1x16xf32> to vector<16xf32>
        %mul3A_2834 = arith.mulf %get3A_2833, %gather3A_2805 : vector<16xf32>
        %swap3A_2835 = arith.index_cast %add3A_2809 : i32 to index
        %swap3A_2836 = arith.constant 32 : index
        %swap3A_2837 = tpu.vector_load %arg10[%swap3A_2835, %swap3A_2836] {strides = array<i32>} : memref<128x128xf32, #tpu.memory_space<vmem>>, vector<1x16xf32>,
        %swap3A_2838 = vector.shape_cast %swap3A_2837 : vector<1x16xf32> to vector<16xf32>
        %swap3A_2839 = vector.shape_cast %mul3A_2834 : vector<16xf32> to vector<1x16xf32>
        tpu.vector_store %arg10[%swap3A_2835, %swap3A_2836], %swap3A_2839 {strides = array<i32>} : memref<128x128xf32, #tpu.memory_space<vmem>>, vector<1x16xf32>,
        %get3A_2840 = arith.index_cast %add3A_2809 : i32 to index
        %get3A_2841 = arith.constant 48 : index
        %get3A_2842 = tpu.vector_load %arg10[%get3A_2840, %get3A_2841] {strides = array<i32>} : memref<128x128xf32, #tpu.memory_space<vmem>>, vector<1x16xf32>,
        %get3A_2843 = vector.shape_cast %get3A_2842 : vector<1x16xf32> to vector<16xf32>
        %mul3A_2844 = arith.mulf %get3A_2843, %gather3A_2805 : vector<16xf32>
        %swap3A_2845 = arith.index_cast %add3A_2809 : i32 to index
        %swap3A_2846 = arith.constant 48 : index
        %swap3A_2847 = tpu.vector_load %arg10[%swap3A_2845, %swap3A_2846] {strides = array<i32>} : memref<128x128xf32, #tpu.memory_space<vmem>>, vector<1x16xf32>,
        %swap3A_2848 = vector.shape_cast %swap3A_2847 : vector<1x16xf32> to vector<16xf32>
        %swap3A_2849 = vector.shape_cast %mul3A_2844 : vector<16xf32> to vector<1x16xf32>
        tpu.vector_store %arg10[%swap3A_2845, %swap3A_2846], %swap3A_2849 {strides = array<i32>} : memref<128x128xf32, #tpu.memory_space<vmem>>, vector<1x16xf32>,
        %get3A_2850 = arith.index_cast %add3A_2809 : i32 to index
        %get3A_2851 = arith.constant 64 : index
        %get3A_2852 = tpu.vector_load %arg10[%get3A_2850, %get3A_2851] {strides = array<i32>} : memref<128x128xf32, #tpu.memory_space<vmem>>, vector<1x16xf32>,
        %get3A_2853 = vector.shape_cast %get3A_2852 : vector<1x16xf32> to vector<16xf32>
        %mul3A_2854 = arith.mulf %get3A_2853, %gather3A_2805 : vector<16xf32>
        %swap3A_2855 = arith.index_cast %add3A_2809 : i32 to index
        %swap3A_2856 = arith.constant 64 : index
        %swap3A_2857 = tpu.vector_load %arg10[%swap3A_2855, %swap3A_2856] {strides = array<i32>} : memref<128x128xf32, #tpu.memory_space<vmem>>, vector<1x16xf32>,
        %swap3A_2858 = vector.shape_cast %swap3A_2857 : vector<1x16xf32> to vector<16xf32>
        %swap3A_2859 = vector.shape_cast %mul3A_2854 : vector<16xf32> to vector<1x16xf32>
        tpu.vector_store %arg10[%swap3A_2855, %swap3A_2856], %swap3A_2859 {strides = array<i32>} : memref<128x128xf32, #tpu.memory_space<vmem>>, vector<1x16xf32>,
        %get3A_2860 = arith.index_cast %add3A_2809 : i32 to index
        %get3A_2861 = arith.constant 80 : index
        %get3A_2862 = tpu.vector_load %arg10[%get3A_2860, %get3A_2861] {strides = array<i32>} : memref<128x128xf32, #tpu.memory_space<vmem>>, vector<1x16xf32>,
        %get3A_2863 = vector.shape_cast %get3A_2862 : vector<1x16xf32> to vector<16xf32>
        %mul3A_2864 = arith.mulf %get3A_2863, %gather3A_2805 : vector<16xf32>
        %swap3A_2865 = arith.index_cast %add3A_2809 : i32 to index
        %swap3A_2866 = arith.constant 80 : index
        %swap3A_2867 = tpu.vector_load %arg10[%swap3A_2865, %swap3A_2866] {strides = array<i32>} : memref<128x128xf32, #tpu.memory_space<vmem>>, vector<1x16xf32>,
        %swap3A_2868 = vector.shape_cast %swap3A_2867 : vector<1x16xf32> to vector<16xf32>
        %swap3A_2869 = vector.shape_cast %mul3A_2864 : vector<16xf32> to vector<1x16xf32>
        tpu.vector_store %arg10[%swap3A_2865, %swap3A_2866], %swap3A_2869 {strides = array<i32>} : memref<128x128xf32, #tpu.memory_space<vmem>>, vector<1x16xf32>,
        %get3A_2870 = arith.index_cast %add3A_2809 : i32 to index
        %get3A_2871 = arith.constant 96 : index
        %get3A_2872 = tpu.vector_load %arg10[%get3A_2870, %get3A_2871] {strides = array<i32>} : memref<128x128xf32, #tpu.memory_space<vmem>>, vector<1x16xf32>,
        %get3A_2873 = vector.shape_cast %get3A_2872 : vector<1x16xf32> to vector<16xf32>
        %mul3A_2874 = arith.mulf %get3A_2873, %gather3A_2805 : vector<16xf32>
        %swap3A_2875 = arith.index_cast %add3A_2809 : i32 to index
        %swap3A_2876 = arith.constant 96 : index
        %swap3A_2877 = tpu.vector_load %arg10[%swap3A_2875, %swap3A_2876] {strides = array<i32>} : memref<128x128xf32, #tpu.memory_space<vmem>>, vector<1x16xf32>,
        %swap3A_2878 = vector.shape_cast %swap3A_2877 : vector<1x16xf32> to vector<16xf32>
        %swap3A_2879 = vector.shape_cast %mul3A_2874 : vector<16xf32> to vector<1x16xf32>
        tpu.vector_store %arg10[%swap3A_2875, %swap3A_2876], %swap3A_2879 {strides = array<i32>} : memref<128x128xf32, #tpu.memory_space<vmem>>, vector<1x16xf32>,
        %get3A_2880 = arith.index_cast %add3A_2809 : i32 to index
        %get3A_2881 = arith.constant 112 : index
        %get3A_2882 = tpu.vector_load %arg10[%get3A_2880, %get3A_2881] {strides = array<i32>} : memref<128x128xf32, #tpu.memory_space<vmem>>, vector<1x16xf32>,
        %get3A_2883 = vector.shape_cast %get3A_2882 : vector<1x16xf32> to vector<16xf32>
        %mul3A_2884 = arith.mulf %get3A_2883, %gather3A_2805 : vector<16xf32>
        %swap3A_2885 = arith.index_cast %add3A_2809 : i32 to index
        %swap3A_2886 = arith.constant 112 : index
        %swap3A_2887 = tpu.vector_load %arg10[%swap3A_2885, %swap3A_2886] {strides = array<i32>} : memref<128x128xf32, #tpu.memory_space<vmem>>, vector<1x16xf32>,
        %swap3A_2888 = vector.shape_cast %swap3A_2887 : vector<1x16xf32> to vector<16xf32>
        %swap3A_2889 = vector.shape_cast %mul3A_2884 : vector<16xf32> to vector<1x16xf32>
        tpu.vector_store %arg10[%swap3A_2885, %swap3A_2886], %swap3A_2889 {strides = array<i32>} : memref<128x128xf32, #tpu.memory_space<vmem>>, vector<1x16xf32>,
        %scan3A_2890 = arith.constant 0 : i32
        scf.yield %scan3A_2890 : i32
      }
      %scan3A_1473 = arith.constant 8 : i32
      "tpu.region"() ({
        %run_scoped3A = tpu.sem_alloc : memref<!tpu.dma_semaphore, #tpu.memory_space<semaphore_mem>>
        %dma_start3A_1475 = arith.constant 0 : i32
        %dma_start3A_1476 = arith.constant 0 : i32
        %dma_start3A_1477 = tpu.memref_slice %arg15[%dma_start3A_1475, %dma_start3A_1476] : memref<10000x128xf32, #tpu.memory_space<vmem_shared>> -> memref<10000x128xf32, #tpu.memory_space<vmem_shared>>
        tpu.enqueue_indirect_dma source(%arg10 : memref<128x128xf32, #tpu.memory_space<vmem>>) target(%dma_start3A_1477 : memref<10000x128xf32, #tpu.memory_space<vmem_shared>>) offsets(%arg8 : memref<128xi32, #tpu.memory_space<vmem>>) semaphore(%run_scoped3A : memref<!tpu.dma_semaphore, #tpu.memory_space<semaphore_mem>>) {add = true}
        %dma_wait3A_1478 = arith.constant 0 : i32
        %dma_wait3A_1479 = arith.constant 0 : i32
        %dma_wait3A_1480 = tpu.memref_slice %arg15[%dma_wait3A_1478, %dma_wait3A_1479] : memref<10000x128xf32, #tpu.memory_space<vmem_shared>> -> memref<10000x128xf32, #tpu.memory_space<vmem_shared>>
        tpu.wait_indirect_dma semaphore(%run_scoped3A : memref<!tpu.dma_semaphore, #tpu.memory_space<semaphore_mem>>) src(%arg10 : memref<128x128xf32, #tpu.memory_space<vmem>>) dst(%dma_wait3A_1480 : memref<10000x128xf32, #tpu.memory_space<vmem_shared>>)
        tpu.yield
      }) : () -> ()
      %scan3A_1474 = arith.constant 0 : i32
      scf.yield %scan3A_1474 : i32
    }
    %scan3A_24 = arith.constant 78 : i32
    %add3A_25 = arith.constant 9984 : i32
    %add3A_26 = arith.addi %mul3A_17, %add3A_25 : i32
    "tpu.region"() ({
      %run_scoped3A = tpu.sem_alloc : memref<!tpu.dma_semaphore, #tpu.memory_space<semaphore_mem>>
      %dma_start3A_1456 = tpu.memref_slice %arg3[%add3A_26] : memref<320000xi32, #tpu.memory_space<hbm>> -> memref<16xi32, #tpu.memory_space<hbm>>
      %dma_start3A_1457 = tpu.memref_slice %arg3[%add3A_26] : memref<320000xi32, #tpu.memory_space<hbm>> -> memref<16xi32, #tpu.memory_space<hbm>>
      tpu.enqueue_dma source(%dma_start3A_1457 : memref<16xi32, #tpu.memory_space<hbm>>) target(%arg11 : memref<16xi32, #tpu.memory_space<vmem>>) target_semaphore(%run_scoped3A : memref<!tpu.dma_semaphore, #tpu.memory_space<semaphore_mem>>)
      %dma_wait3A_1458 = tpu.memref_slice %arg3[%add3A_26] : memref<320000xi32, #tpu.memory_space<hbm>> -> memref<16xi32, #tpu.memory_space<hbm>>
      %dma_wait3A_1459 = tpu.memref_slice %arg3[%add3A_26] : memref<320000xi32, #tpu.memory_space<hbm>> -> memref<16xi32, #tpu.memory_space<hbm>>
      tpu.wait_dma2 semaphore(%run_scoped3A : memref<!tpu.dma_semaphore, #tpu.memory_space<semaphore_mem>>) src(%dma_wait3A_1459 : memref<16xi32, #tpu.memory_space<hbm>>) dst(%arg11 : memref<16xi32, #tpu.memory_space<vmem>>)
      tpu.yield
    }) : () -> ()
    "tpu.region"() ({
      %run_scoped3A = tpu.sem_alloc : memref<!tpu.dma_semaphore, #tpu.memory_space<semaphore_mem>>
      %dma_start3A_1456 = tpu.memref_slice %arg4[%add3A_26] : memref<320000xi32, #tpu.memory_space<hbm>> -> memref<16xi32, #tpu.memory_space<hbm>>
      %dma_start3A_1457 = tpu.memref_slice %arg4[%add3A_26] : memref<320000xi32, #tpu.memory_space<hbm>> -> memref<16xi32, #tpu.memory_space<hbm>>
      tpu.enqueue_dma source(%dma_start3A_1457 : memref<16xi32, #tpu.memory_space<hbm>>) target(%arg12 : memref<16xi32, #tpu.memory_space<vmem>>) target_semaphore(%run_scoped3A : memref<!tpu.dma_semaphore, #tpu.memory_space<semaphore_mem>>)
      %dma_wait3A_1458 = tpu.memref_slice %arg4[%add3A_26] : memref<320000xi32, #tpu.memory_space<hbm>> -> memref<16xi32, #tpu.memory_space<hbm>>
      %dma_wait3A_1459 = tpu.memref_slice %arg4[%add3A_26] : memref<320000xi32, #tpu.memory_space<hbm>> -> memref<16xi32, #tpu.memory_space<hbm>>
      tpu.wait_dma2 semaphore(%run_scoped3A : memref<!tpu.dma_semaphore, #tpu.memory_space<semaphore_mem>>) src(%dma_wait3A_1459 : memref<16xi32, #tpu.memory_space<hbm>>) dst(%arg12 : memref<16xi32, #tpu.memory_space<vmem>>)
      tpu.yield
    }) : () -> ()
    "tpu.region"() ({
      %run_scoped3A = tpu.sem_alloc : memref<!tpu.dma_semaphore, #tpu.memory_space<semaphore_mem>>
      %dma_start3A_1456 = tpu.memref_slice %arg5[%add3A_26] : memref<320000xf32, #tpu.memory_space<hbm>> -> memref<16xf32, #tpu.memory_space<hbm>>
      %dma_start3A_1457 = tpu.memref_slice %arg5[%add3A_26] : memref<320000xf32, #tpu.memory_space<hbm>> -> memref<16xf32, #tpu.memory_space<hbm>>
      tpu.enqueue_dma source(%dma_start3A_1457 : memref<16xf32, #tpu.memory_space<hbm>>) target(%arg13 : memref<16xf32, #tpu.memory_space<vmem>>) target_semaphore(%run_scoped3A : memref<!tpu.dma_semaphore, #tpu.memory_space<semaphore_mem>>)
      %dma_wait3A_1458 = tpu.memref_slice %arg5[%add3A_26] : memref<320000xf32, #tpu.memory_space<hbm>> -> memref<16xf32, #tpu.memory_space<hbm>>
      %dma_wait3A_1459 = tpu.memref_slice %arg5[%add3A_26] : memref<320000xf32, #tpu.memory_space<hbm>> -> memref<16xf32, #tpu.memory_space<hbm>>
      tpu.wait_dma2 semaphore(%run_scoped3A : memref<!tpu.dma_semaphore, #tpu.memory_space<semaphore_mem>>) src(%dma_wait3A_1459 : memref<16xf32, #tpu.memory_space<hbm>>) dst(%arg13 : memref<16xf32, #tpu.memory_space<vmem>>)
      tpu.yield
    }) : () -> ()
    %dma_start3A = arith.constant 0 : i32
    %dma_start3A_27 = arith.constant 0 : i32
    %dma_start3A_28 = tpu.memref_slice %arg2[%dma_start3A, %dma_start3A_27] : memref<10000x128xf32, #tpu.memory_space<hbm>> -> memref<10000x128xf32, #tpu.memory_space<hbm>>
    tpu.enqueue_indirect_dma source(%dma_start3A_28 : memref<10000x128xf32, #tpu.memory_space<hbm>>) target(%arg14 : memref<16x128xf32, #tpu.memory_space<vmem>>) offsets(%arg11 : memref<16xi32, #tpu.memory_space<vmem>>) semaphore(%arg16 : memref<!tpu.dma_semaphore, #tpu.memory_space<semaphore_mem>>)
    %dma_wait3A = arith.constant 0 : i32
    %dma_wait3A_29 = arith.constant 0 : i32
    %dma_wait3A_30 = tpu.memref_slice %arg2[%dma_wait3A, %dma_wait3A_29] : memref<10000x128xf32, #tpu.memory_space<hbm>> -> memref<10000x128xf32, #tpu.memory_space<hbm>>
    tpu.wait_indirect_dma semaphore(%arg16 : memref<!tpu.dma_semaphore, #tpu.memory_space<semaphore_mem>>) src(%dma_wait3A_30 : memref<10000x128xf32, #tpu.memory_space<hbm>>) dst(%arg14 : memref<16x128xf32, #tpu.memory_space<vmem>>)
    %scan3A_31 = arith.constant 0 : i32
    %scan3A_32 = arith.constant 0 : i32
    %mul3A_33 = arith.constant 16 : i32
    %mul3A_34 = arith.muli %scan3A_32, %mul3A_33 : i32
    %get3A = arith.index_cast %mul3A_34 : i32 to index
    %get3A_35 = tpu.vector_load %arg13[%get3A] {strides = array<i32>} : memref<16xf32, #tpu.memory_space<vmem>>, vector<16xf32>,
    %get3A_36 = vector.shape_cast %get3A_35 : vector<16xf32> to vector<16xf32>
    %broadcast_in_dim3A_37 = arith.constant 0 : i32
    %broadcast_in_dim3A_38 = vector.broadcast %broadcast_in_dim3A_37 : i32 to vector<16x1xi32>
    %gather3A = vector.shape_cast %broadcast_in_dim3A_38 : vector<16x1xi32> to vector<16xi32>
    %gather3A_39 = tpu.dynamic_gather %get3A_36[%gather3A] in [0] : vector<16xf32>, vector<16xi32> -> vector<16xf32>
    %mul3A_40 = arith.constant 16 : i32
    %mul3A_41 = arith.muli %scan3A_32, %mul3A_40 : i32
    %add3A_42 = arith.constant 0 : i32
    %add3A_43 = arith.addi %mul3A_41, %add3A_42 : i32
    %get3A_44 = arith.index_cast %add3A_43 : i32 to index
    %get3A_45 = arith.constant 0 : index
    %get3A_46 = tpu.vector_load %arg14[%get3A_44, %get3A_45] {strides = array<i32>} : memref<16x128xf32, #tpu.memory_space<vmem>>, vector<1x16xf32>,
    %get3A_47 = vector.shape_cast %get3A_46 : vector<1x16xf32> to vector<16xf32>
    %mul3A_48 = arith.mulf %get3A_47, %gather3A_39 : vector<16xf32>
    %swap3A = arith.index_cast %add3A_43 : i32 to index
    %swap3A_49 = arith.constant 0 : index
    %swap3A_50 = tpu.vector_load %arg14[%swap3A, %swap3A_49] {strides = array<i32>} : memref<16x128xf32, #tpu.memory_space<vmem>>, vector<1x16xf32>,
    %swap3A_51 = vector.shape_cast %swap3A_50 : vector<1x16xf32> to vector<16xf32>
    %swap3A_52 = vector.shape_cast %mul3A_48 : vector<16xf32> to vector<1x16xf32>
    tpu.vector_store %arg14[%swap3A, %swap3A_49], %swap3A_52 {strides = array<i32>} : memref<16x128xf32, #tpu.memory_space<vmem>>, vector<1x16xf32>,
    %get3A_53 = arith.index_cast %add3A_43 : i32 to index
    %get3A_54 = arith.constant 16 : index
    %get3A_55 = tpu.vector_load %arg14[%get3A_53, %get3A_54] {strides = array<i32>} : memref<16x128xf32, #tpu.memory_space<vmem>>, vector<1x16xf32>,
    %get3A_56 = vector.shape_cast %get3A_55 : vector<1x16xf32> to vector<16xf32>
    %mul3A_57 = arith.mulf %get3A_56, %gather3A_39 : vector<16xf32>
    %swap3A_58 = arith.index_cast %add3A_43 : i32 to index
    %swap3A_59 = arith.constant 16 : index
    %swap3A_60 = tpu.vector_load %arg14[%swap3A_58, %swap3A_59] {strides = array<i32>} : memref<16x128xf32, #tpu.memory_space<vmem>>, vector<1x16xf32>,
    %swap3A_61 = vector.shape_cast %swap3A_60 : vector<1x16xf32> to vector<16xf32>
    %swap3A_62 = vector.shape_cast %mul3A_57 : vector<16xf32> to vector<1x16xf32>
    tpu.vector_store %arg14[%swap3A_58, %swap3A_59], %swap3A_62 {strides = array<i32>} : memref<16x128xf32, #tpu.memory_space<vmem>>, vector<1x16xf32>,
    %get3A_63 = arith.index_cast %add3A_43 : i32 to index
    %get3A_64 = arith.constant 32 : index
    %get3A_65 = tpu.vector_load %arg14[%get3A_63, %get3A_64] {strides = array<i32>} : memref<16x128xf32, #tpu.memory_space<vmem>>, vector<1x16xf32>,
    %get3A_66 = vector.shape_cast %get3A_65 : vector<1x16xf32> to vector<16xf32>
    %mul3A_67 = arith.mulf %get3A_66, %gather3A_39 : vector<16xf32>
    %swap3A_68 = arith.index_cast %add3A_43 : i32 to index
    %swap3A_69 = arith.constant 32 : index
    %swap3A_70 = tpu.vector_load %arg14[%swap3A_68, %swap3A_69] {strides = array<i32>} : memref<16x128xf32, #tpu.memory_space<vmem>>, vector<1x16xf32>,
    %swap3A_71 = vector.shape_cast %swap3A_70 : vector<1x16xf32> to vector<16xf32>
    %swap3A_72 = vector.shape_cast %mul3A_67 : vector<16xf32> to vector<1x16xf32>
    tpu.vector_store %arg14[%swap3A_68, %swap3A_69], %swap3A_72 {strides = array<i32>} : memref<16x128xf32, #tpu.memory_space<vmem>>, vector<1x16xf32>,
    %get3A_73 = arith.index_cast %add3A_43 : i32 to index
    %get3A_74 = arith.constant 48 : index
    %get3A_75 = tpu.vector_load %arg14[%get3A_73, %get3A_74] {strides = array<i32>} : memref<16x128xf32, #tpu.memory_space<vmem>>, vector<1x16xf32>,
    %get3A_76 = vector.shape_cast %get3A_75 : vector<1x16xf32> to vector<16xf32>
    %mul3A_77 = arith.mulf %get3A_76, %gather3A_39 : vector<16xf32>
    %swap3A_78 = arith.index_cast %add3A_43 : i32 to index
    %swap3A_79 = arith.constant 48 : index
    %swap3A_80 = tpu.vector_load %arg14[%swap3A_78, %swap3A_79] {strides = array<i32>} : memref<16x128xf32, #tpu.memory_space<vmem>>, vector<1x16xf32>,
    %swap3A_81 = vector.shape_cast %swap3A_80 : vector<1x16xf32> to vector<16xf32>
    %swap3A_82 = vector.shape_cast %mul3A_77 : vector<16xf32> to vector<1x16xf32>
    tpu.vector_store %arg14[%swap3A_78, %swap3A_79], %swap3A_82 {strides = array<i32>} : memref<16x128xf32, #tpu.memory_space<vmem>>, vector<1x16xf32>,
    %get3A_83 = arith.index_cast %add3A_43 : i32 to index
    %get3A_84 = arith.constant 64 : index
    %get3A_85 = tpu.vector_load %arg14[%get3A_83, %get3A_84] {strides = array<i32>} : memref<16x128xf32, #tpu.memory_space<vmem>>, vector<1x16xf32>,
    %get3A_86 = vector.shape_cast %get3A_85 : vector<1x16xf32> to vector<16xf32>
    %mul3A_87 = arith.mulf %get3A_86, %gather3A_39 : vector<16xf32>
    %swap3A_88 = arith.index_cast %add3A_43 : i32 to index
    %swap3A_89 = arith.constant 64 : index
    %swap3A_90 = tpu.vector_load %arg14[%swap3A_88, %swap3A_89] {strides = array<i32>} : memref<16x128xf32, #tpu.memory_space<vmem>>, vector<1x16xf32>,
    %swap3A_91 = vector.shape_cast %swap3A_90 : vector<1x16xf32> to vector<16xf32>
    %swap3A_92 = vector.shape_cast %mul3A_87 : vector<16xf32> to vector<1x16xf32>
    tpu.vector_store %arg14[%swap3A_88, %swap3A_89], %swap3A_92 {strides = array<i32>} : memref<16x128xf32, #tpu.memory_space<vmem>>, vector<1x16xf32>,
    %get3A_93 = arith.index_cast %add3A_43 : i32 to index
    %get3A_94 = arith.constant 80 : index
    %get3A_95 = tpu.vector_load %arg14[%get3A_93, %get3A_94] {strides = array<i32>} : memref<16x128xf32, #tpu.memory_space<vmem>>, vector<1x16xf32>,
    %get3A_96 = vector.shape_cast %get3A_95 : vector<1x16xf32> to vector<16xf32>
    %mul3A_97 = arith.mulf %get3A_96, %gather3A_39 : vector<16xf32>
    %swap3A_98 = arith.index_cast %add3A_43 : i32 to index
    %swap3A_99 = arith.constant 80 : index
    %swap3A_100 = tpu.vector_load %arg14[%swap3A_98, %swap3A_99] {strides = array<i32>} : memref<16x128xf32, #tpu.memory_space<vmem>>, vector<1x16xf32>,
    %swap3A_101 = vector.shape_cast %swap3A_100 : vector<1x16xf32> to vector<16xf32>
    %swap3A_102 = vector.shape_cast %mul3A_97 : vector<16xf32> to vector<1x16xf32>
    tpu.vector_store %arg14[%swap3A_98, %swap3A_99], %swap3A_102 {strides = array<i32>} : memref<16x128xf32, #tpu.memory_space<vmem>>, vector<1x16xf32>,
    %get3A_103 = arith.index_cast %add3A_43 : i32 to index
    %get3A_104 = arith.constant 96 : index
    %get3A_105 = tpu.vector_load %arg14[%get3A_103, %get3A_104] {strides = array<i32>} : memref<16x128xf32, #tpu.memory_space<vmem>>, vector<1x16xf32>,
    %get3A_106 = vector.shape_cast %get3A_105 : vector<1x16xf32> to vector<16xf32>
    %mul3A_107 = arith.mulf %get3A_106, %gather3A_39 : vector<16xf32>
    %swap3A_108 = arith.index_cast %add3A_43 : i32 to index
    %swap3A_109 = arith.constant 96 : index
    %swap3A_110 = tpu.vector_load %arg14[%swap3A_108, %swap3A_109] {strides = array<i32>} : memref<16x128xf32, #tpu.memory_space<vmem>>, vector<1x16xf32>,
    %swap3A_111 = vector.shape_cast %swap3A_110 : vector<1x16xf32> to vector<16xf32>
    %swap3A_112 = vector.shape_cast %mul3A_107 : vector<16xf32> to vector<1x16xf32>
    tpu.vector_store %arg14[%swap3A_108, %swap3A_109], %swap3A_112 {strides = array<i32>} : memref<16x128xf32, #tpu.memory_space<vmem>>, vector<1x16xf32>,
    %get3A_113 = arith.index_cast %add3A_43 : i32 to index
    %get3A_114 = arith.constant 112 : index
    %get3A_115 = tpu.vector_load %arg14[%get3A_113, %get3A_114] {strides = array<i32>} : memref<16x128xf32, #tpu.memory_space<vmem>>, vector<1x16xf32>,
    %get3A_116 = vector.shape_cast %get3A_115 : vector<1x16xf32> to vector<16xf32>
    %mul3A_117 = arith.mulf %get3A_116, %gather3A_39 : vector<16xf32>
    %swap3A_118 = arith.index_cast %add3A_43 : i32 to index
    %swap3A_119 = arith.constant 112 : index
    %swap3A_120 = tpu.vector_load %arg14[%swap3A_118, %swap3A_119] {strides = array<i32>} : memref<16x128xf32, #tpu.memory_space<vmem>>, vector<1x16xf32>,
    %swap3A_121 = vector.shape_cast %swap3A_120 : vector<1x16xf32> to vector<16xf32>
    %swap3A_122 = vector.shape_cast %mul3A_117 : vector<16xf32> to vector<1x16xf32>
    tpu.vector_store %arg14[%swap3A_118, %swap3A_119], %swap3A_122 {strides = array<i32>} : memref<16x128xf32, #tpu.memory_space<vmem>>, vector<1x16xf32>,
    %broadcast_in_dim3A_123 = arith.constant 1 : i32
    %broadcast_in_dim3A_124 = vector.broadcast %broadcast_in_dim3A_123 : i32 to vector<16x1xi32>
    %gather3A_125 = vector.shape_cast %broadcast_in_dim3A_124 : vector<16x1xi32> to vector<16xi32>
    %gather3A_126 = tpu.dynamic_gather %get3A_36[%gather3A_125] in [0] : vector<16xf32>, vector<16xi32> -> vector<16xf32>
    %mul3A_127 = arith.constant 16 : i32
    %mul3A_128 = arith.muli %scan3A_32, %mul3A_127 : i32
    %add3A_129 = arith.constant 1 : i32
    %add3A_130 = arith.addi %mul3A_128, %add3A_129 : i32
    %get3A_131 = arith.index_cast %add3A_130 : i32 to index
    %get3A_132 = arith.constant 0 : index
    %get3A_133 = tpu.vector_load %arg14[%get3A_131, %get3A_132] {strides = array<i32>} : memref<16x128xf32, #tpu.memory_space<vmem>>, vector<1x16xf32>,
    %get3A_134 = vector.shape_cast %get3A_133 : vector<1x16xf32> to vector<16xf32>
    %mul3A_135 = arith.mulf %get3A_134, %gather3A_126 : vector<16xf32>
    %swap3A_136 = arith.index_cast %add3A_130 : i32 to index
    %swap3A_137 = arith.constant 0 : index
    %swap3A_138 = tpu.vector_load %arg14[%swap3A_136, %swap3A_137] {strides = array<i32>} : memref<16x128xf32, #tpu.memory_space<vmem>>, vector<1x16xf32>,
    %swap3A_139 = vector.shape_cast %swap3A_138 : vector<1x16xf32> to vector<16xf32>
    %swap3A_140 = vector.shape_cast %mul3A_135 : vector<16xf32> to vector<1x16xf32>
    tpu.vector_store %arg14[%swap3A_136, %swap3A_137], %swap3A_140 {strides = array<i32>} : memref<16x128xf32, #tpu.memory_space<vmem>>, vector<1x16xf32>,
    %get3A_141 = arith.index_cast %add3A_130 : i32 to index
    %get3A_142 = arith.constant 16 : index
    %get3A_143 = tpu.vector_load %arg14[%get3A_141, %get3A_142] {strides = array<i32>} : memref<16x128xf32, #tpu.memory_space<vmem>>, vector<1x16xf32>,
    %get3A_144 = vector.shape_cast %get3A_143 : vector<1x16xf32> to vector<16xf32>
    %mul3A_145 = arith.mulf %get3A_144, %gather3A_126 : vector<16xf32>
    %swap3A_146 = arith.index_cast %add3A_130 : i32 to index
    %swap3A_147 = arith.constant 16 : index
    %swap3A_148 = tpu.vector_load %arg14[%swap3A_146, %swap3A_147] {strides = array<i32>} : memref<16x128xf32, #tpu.memory_space<vmem>>, vector<1x16xf32>,
    %swap3A_149 = vector.shape_cast %swap3A_148 : vector<1x16xf32> to vector<16xf32>
    %swap3A_150 = vector.shape_cast %mul3A_145 : vector<16xf32> to vector<1x16xf32>
    tpu.vector_store %arg14[%swap3A_146, %swap3A_147], %swap3A_150 {strides = array<i32>} : memref<16x128xf32, #tpu.memory_space<vmem>>, vector<1x16xf32>,
    %get3A_151 = arith.index_cast %add3A_130 : i32 to index
    %get3A_152 = arith.constant 32 : index
    %get3A_153 = tpu.vector_load %arg14[%get3A_151, %get3A_152] {strides = array<i32>} : memref<16x128xf32, #tpu.memory_space<vmem>>, vector<1x16xf32>,
    %get3A_154 = vector.shape_cast %get3A_153 : vector<1x16xf32> to vector<16xf32>
    %mul3A_155 = arith.mulf %get3A_154, %gather3A_126 : vector<16xf32>
    %swap3A_156 = arith.index_cast %add3A_130 : i32 to index
    %swap3A_157 = arith.constant 32 : index
    %swap3A_158 = tpu.vector_load %arg14[%swap3A_156, %swap3A_157] {strides = array<i32>} : memref<16x128xf32, #tpu.memory_space<vmem>>, vector<1x16xf32>,
    %swap3A_159 = vector.shape_cast %swap3A_158 : vector<1x16xf32> to vector<16xf32>
    %swap3A_160 = vector.shape_cast %mul3A_155 : vector<16xf32> to vector<1x16xf32>
    tpu.vector_store %arg14[%swap3A_156, %swap3A_157], %swap3A_160 {strides = array<i32>} : memref<16x128xf32, #tpu.memory_space<vmem>>, vector<1x16xf32>,
    %get3A_161 = arith.index_cast %add3A_130 : i32 to index
    %get3A_162 = arith.constant 48 : index
    %get3A_163 = tpu.vector_load %arg14[%get3A_161, %get3A_162] {strides = array<i32>} : memref<16x128xf32, #tpu.memory_space<vmem>>, vector<1x16xf32>,
    %get3A_164 = vector.shape_cast %get3A_163 : vector<1x16xf32> to vector<16xf32>
    %mul3A_165 = arith.mulf %get3A_164, %gather3A_126 : vector<16xf32>
    %swap3A_166 = arith.index_cast %add3A_130 : i32 to index
    %swap3A_167 = arith.constant 48 : index
    %swap3A_168 = tpu.vector_load %arg14[%swap3A_166, %swap3A_167] {strides = array<i32>} : memref<16x128xf32, #tpu.memory_space<vmem>>, vector<1x16xf32>,
    %swap3A_169 = vector.shape_cast %swap3A_168 : vector<1x16xf32> to vector<16xf32>
    %swap3A_170 = vector.shape_cast %mul3A_165 : vector<16xf32> to vector<1x16xf32>
    tpu.vector_store %arg14[%swap3A_166, %swap3A_167], %swap3A_170 {strides = array<i32>} : memref<16x128xf32, #tpu.memory_space<vmem>>, vector<1x16xf32>,
    %get3A_171 = arith.index_cast %add3A_130 : i32 to index
    %get3A_172 = arith.constant 64 : index
    %get3A_173 = tpu.vector_load %arg14[%get3A_171, %get3A_172] {strides = array<i32>} : memref<16x128xf32, #tpu.memory_space<vmem>>, vector<1x16xf32>,
    %get3A_174 = vector.shape_cast %get3A_173 : vector<1x16xf32> to vector<16xf32>
    %mul3A_175 = arith.mulf %get3A_174, %gather3A_126 : vector<16xf32>
    %swap3A_176 = arith.index_cast %add3A_130 : i32 to index
    %swap3A_177 = arith.constant 64 : index
    %swap3A_178 = tpu.vector_load %arg14[%swap3A_176, %swap3A_177] {strides = array<i32>} : memref<16x128xf32, #tpu.memory_space<vmem>>, vector<1x16xf32>,
    %swap3A_179 = vector.shape_cast %swap3A_178 : vector<1x16xf32> to vector<16xf32>
    %swap3A_180 = vector.shape_cast %mul3A_175 : vector<16xf32> to vector<1x16xf32>
    tpu.vector_store %arg14[%swap3A_176, %swap3A_177], %swap3A_180 {strides = array<i32>} : memref<16x128xf32, #tpu.memory_space<vmem>>, vector<1x16xf32>,
    %get3A_181 = arith.index_cast %add3A_130 : i32 to index
    %get3A_182 = arith.constant 80 : index
    %get3A_183 = tpu.vector_load %arg14[%get3A_181, %get3A_182] {strides = array<i32>} : memref<16x128xf32, #tpu.memory_space<vmem>>, vector<1x16xf32>,
    %get3A_184 = vector.shape_cast %get3A_183 : vector<1x16xf32> to vector<16xf32>
    %mul3A_185 = arith.mulf %get3A_184, %gather3A_126 : vector<16xf32>
    %swap3A_186 = arith.index_cast %add3A_130 : i32 to index
    %swap3A_187 = arith.constant 80 : index
    %swap3A_188 = tpu.vector_load %arg14[%swap3A_186, %swap3A_187] {strides = array<i32>} : memref<16x128xf32, #tpu.memory_space<vmem>>, vector<1x16xf32>,
    %swap3A_189 = vector.shape_cast %swap3A_188 : vector<1x16xf32> to vector<16xf32>
    %swap3A_190 = vector.shape_cast %mul3A_185 : vector<16xf32> to vector<1x16xf32>
    tpu.vector_store %arg14[%swap3A_186, %swap3A_187], %swap3A_190 {strides = array<i32>} : memref<16x128xf32, #tpu.memory_space<vmem>>, vector<1x16xf32>,
    %get3A_191 = arith.index_cast %add3A_130 : i32 to index
    %get3A_192 = arith.constant 96 : index
    %get3A_193 = tpu.vector_load %arg14[%get3A_191, %get3A_192] {strides = array<i32>} : memref<16x128xf32, #tpu.memory_space<vmem>>, vector<1x16xf32>,
    %get3A_194 = vector.shape_cast %get3A_193 : vector<1x16xf32> to vector<16xf32>
    %mul3A_195 = arith.mulf %get3A_194, %gather3A_126 : vector<16xf32>
    %swap3A_196 = arith.index_cast %add3A_130 : i32 to index
    %swap3A_197 = arith.constant 96 : index
    %swap3A_198 = tpu.vector_load %arg14[%swap3A_196, %swap3A_197] {strides = array<i32>} : memref<16x128xf32, #tpu.memory_space<vmem>>, vector<1x16xf32>,
    %swap3A_199 = vector.shape_cast %swap3A_198 : vector<1x16xf32> to vector<16xf32>
    %swap3A_200 = vector.shape_cast %mul3A_195 : vector<16xf32> to vector<1x16xf32>
    tpu.vector_store %arg14[%swap3A_196, %swap3A_197], %swap3A_200 {strides = array<i32>} : memref<16x128xf32, #tpu.memory_space<vmem>>, vector<1x16xf32>,
    %get3A_201 = arith.index_cast %add3A_130 : i32 to index
    %get3A_202 = arith.constant 112 : index
    %get3A_203 = tpu.vector_load %arg14[%get3A_201, %get3A_202] {strides = array<i32>} : memref<16x128xf32, #tpu.memory_space<vmem>>, vector<1x16xf32>,
    %get3A_204 = vector.shape_cast %get3A_203 : vector<1x16xf32> to vector<16xf32>
    %mul3A_205 = arith.mulf %get3A_204, %gather3A_126 : vector<16xf32>
    %swap3A_206 = arith.index_cast %add3A_130 : i32 to index
    %swap3A_207 = arith.constant 112 : index
    %swap3A_208 = tpu.vector_load %arg14[%swap3A_206, %swap3A_207] {strides = array<i32>} : memref<16x128xf32, #tpu.memory_space<vmem>>, vector<1x16xf32>,
    %swap3A_209 = vector.shape_cast %swap3A_208 : vector<1x16xf32> to vector<16xf32>
    %swap3A_210 = vector.shape_cast %mul3A_205 : vector<16xf32> to vector<1x16xf32>
    tpu.vector_store %arg14[%swap3A_206, %swap3A_207], %swap3A_210 {strides = array<i32>} : memref<16x128xf32, #tpu.memory_space<vmem>>, vector<1x16xf32>,
    %broadcast_in_dim3A_211 = arith.constant 2 : i32
    %broadcast_in_dim3A_212 = vector.broadcast %broadcast_in_dim3A_211 : i32 to vector<16x1xi32>
    %gather3A_213 = vector.shape_cast %broadcast_in_dim3A_212 : vector<16x1xi32> to vector<16xi32>
    %gather3A_214 = tpu.dynamic_gather %get3A_36[%gather3A_213] in [0] : vector<16xf32>, vector<16xi32> -> vector<16xf32>
    %mul3A_215 = arith.constant 16 : i32
    %mul3A_216 = arith.muli %scan3A_32, %mul3A_215 : i32
    %add3A_217 = arith.constant 2 : i32
    %add3A_218 = arith.addi %mul3A_216, %add3A_217 : i32
    %get3A_219 = arith.index_cast %add3A_218 : i32 to index
    %get3A_220 = arith.constant 0 : index
    %get3A_221 = tpu.vector_load %arg14[%get3A_219, %get3A_220] {strides = array<i32>} : memref<16x128xf32, #tpu.memory_space<vmem>>, vector<1x16xf32>,
    %get3A_222 = vector.shape_cast %get3A_221 : vector<1x16xf32> to vector<16xf32>
    %mul3A_223 = arith.mulf %get3A_222, %gather3A_214 : vector<16xf32>
    %swap3A_224 = arith.index_cast %add3A_218 : i32 to index
    %swap3A_225 = arith.constant 0 : index
    %swap3A_226 = tpu.vector_load %arg14[%swap3A_224, %swap3A_225] {strides = array<i32>} : memref<16x128xf32, #tpu.memory_space<vmem>>, vector<1x16xf32>,
    %swap3A_227 = vector.shape_cast %swap3A_226 : vector<1x16xf32> to vector<16xf32>
    %swap3A_228 = vector.shape_cast %mul3A_223 : vector<16xf32> to vector<1x16xf32>
    tpu.vector_store %arg14[%swap3A_224, %swap3A_225], %swap3A_228 {strides = array<i32>} : memref<16x128xf32, #tpu.memory_space<vmem>>, vector<1x16xf32>,
    %get3A_229 = arith.index_cast %add3A_218 : i32 to index
    %get3A_230 = arith.constant 16 : index
    %get3A_231 = tpu.vector_load %arg14[%get3A_229, %get3A_230] {strides = array<i32>} : memref<16x128xf32, #tpu.memory_space<vmem>>, vector<1x16xf32>,
    %get3A_232 = vector.shape_cast %get3A_231 : vector<1x16xf32> to vector<16xf32>
    %mul3A_233 = arith.mulf %get3A_232, %gather3A_214 : vector<16xf32>
    %swap3A_234 = arith.index_cast %add3A_218 : i32 to index
    %swap3A_235 = arith.constant 16 : index
    %swap3A_236 = tpu.vector_load %arg14[%swap3A_234, %swap3A_235] {strides = array<i32>} : memref<16x128xf32, #tpu.memory_space<vmem>>, vector<1x16xf32>,
    %swap3A_237 = vector.shape_cast %swap3A_236 : vector<1x16xf32> to vector<16xf32>
    %swap3A_238 = vector.shape_cast %mul3A_233 : vector<16xf32> to vector<1x16xf32>
    tpu.vector_store %arg14[%swap3A_234, %swap3A_235], %swap3A_238 {strides = array<i32>} : memref<16x128xf32, #tpu.memory_space<vmem>>, vector<1x16xf32>,
    %get3A_239 = arith.index_cast %add3A_218 : i32 to index
    %get3A_240 = arith.constant 32 : index
    %get3A_241 = tpu.vector_load %arg14[%get3A_239, %get3A_240] {strides = array<i32>} : memref<16x128xf32, #tpu.memory_space<vmem>>, vector<1x16xf32>,
    %get3A_242 = vector.shape_cast %get3A_241 : vector<1x16xf32> to vector<16xf32>
    %mul3A_243 = arith.mulf %get3A_242, %gather3A_214 : vector<16xf32>
    %swap3A_244 = arith.index_cast %add3A_218 : i32 to index
    %swap3A_245 = arith.constant 32 : index
    %swap3A_246 = tpu.vector_load %arg14[%swap3A_244, %swap3A_245] {strides = array<i32>} : memref<16x128xf32, #tpu.memory_space<vmem>>, vector<1x16xf32>,
    %swap3A_247 = vector.shape_cast %swap3A_246 : vector<1x16xf32> to vector<16xf32>
    %swap3A_248 = vector.shape_cast %mul3A_243 : vector<16xf32> to vector<1x16xf32>
    tpu.vector_store %arg14[%swap3A_244, %swap3A_245], %swap3A_248 {strides = array<i32>} : memref<16x128xf32, #tpu.memory_space<vmem>>, vector<1x16xf32>,
    %get3A_249 = arith.index_cast %add3A_218 : i32 to index
    %get3A_250 = arith.constant 48 : index
    %get3A_251 = tpu.vector_load %arg14[%get3A_249, %get3A_250] {strides = array<i32>} : memref<16x128xf32, #tpu.memory_space<vmem>>, vector<1x16xf32>,
    %get3A_252 = vector.shape_cast %get3A_251 : vector<1x16xf32> to vector<16xf32>
    %mul3A_253 = arith.mulf %get3A_252, %gather3A_214 : vector<16xf32>
    %swap3A_254 = arith.index_cast %add3A_218 : i32 to index
    %swap3A_255 = arith.constant 48 : index
    %swap3A_256 = tpu.vector_load %arg14[%swap3A_254, %swap3A_255] {strides = array<i32>} : memref<16x128xf32, #tpu.memory_space<vmem>>, vector<1x16xf32>,
    %swap3A_257 = vector.shape_cast %swap3A_256 : vector<1x16xf32> to vector<16xf32>
    %swap3A_258 = vector.shape_cast %mul3A_253 : vector<16xf32> to vector<1x16xf32>
    tpu.vector_store %arg14[%swap3A_254, %swap3A_255], %swap3A_258 {strides = array<i32>} : memref<16x128xf32, #tpu.memory_space<vmem>>, vector<1x16xf32>,
    %get3A_259 = arith.index_cast %add3A_218 : i32 to index
    %get3A_260 = arith.constant 64 : index
    %get3A_261 = tpu.vector_load %arg14[%get3A_259, %get3A_260] {strides = array<i32>} : memref<16x128xf32, #tpu.memory_space<vmem>>, vector<1x16xf32>,
    %get3A_262 = vector.shape_cast %get3A_261 : vector<1x16xf32> to vector<16xf32>
    %mul3A_263 = arith.mulf %get3A_262, %gather3A_214 : vector<16xf32>
    %swap3A_264 = arith.index_cast %add3A_218 : i32 to index
    %swap3A_265 = arith.constant 64 : index
    %swap3A_266 = tpu.vector_load %arg14[%swap3A_264, %swap3A_265] {strides = array<i32>} : memref<16x128xf32, #tpu.memory_space<vmem>>, vector<1x16xf32>,
    %swap3A_267 = vector.shape_cast %swap3A_266 : vector<1x16xf32> to vector<16xf32>
    %swap3A_268 = vector.shape_cast %mul3A_263 : vector<16xf32> to vector<1x16xf32>
    tpu.vector_store %arg14[%swap3A_264, %swap3A_265], %swap3A_268 {strides = array<i32>} : memref<16x128xf32, #tpu.memory_space<vmem>>, vector<1x16xf32>,
    %get3A_269 = arith.index_cast %add3A_218 : i32 to index
    %get3A_270 = arith.constant 80 : index
    %get3A_271 = tpu.vector_load %arg14[%get3A_269, %get3A_270] {strides = array<i32>} : memref<16x128xf32, #tpu.memory_space<vmem>>, vector<1x16xf32>,
    %get3A_272 = vector.shape_cast %get3A_271 : vector<1x16xf32> to vector<16xf32>
    %mul3A_273 = arith.mulf %get3A_272, %gather3A_214 : vector<16xf32>
    %swap3A_274 = arith.index_cast %add3A_218 : i32 to index
    %swap3A_275 = arith.constant 80 : index
    %swap3A_276 = tpu.vector_load %arg14[%swap3A_274, %swap3A_275] {strides = array<i32>} : memref<16x128xf32, #tpu.memory_space<vmem>>, vector<1x16xf32>,
    %swap3A_277 = vector.shape_cast %swap3A_276 : vector<1x16xf32> to vector<16xf32>
    %swap3A_278 = vector.shape_cast %mul3A_273 : vector<16xf32> to vector<1x16xf32>
    tpu.vector_store %arg14[%swap3A_274, %swap3A_275], %swap3A_278 {strides = array<i32>} : memref<16x128xf32, #tpu.memory_space<vmem>>, vector<1x16xf32>,
    %get3A_279 = arith.index_cast %add3A_218 : i32 to index
    %get3A_280 = arith.constant 96 : index
    %get3A_281 = tpu.vector_load %arg14[%get3A_279, %get3A_280] {strides = array<i32>} : memref<16x128xf32, #tpu.memory_space<vmem>>, vector<1x16xf32>,
    %get3A_282 = vector.shape_cast %get3A_281 : vector<1x16xf32> to vector<16xf32>
    %mul3A_283 = arith.mulf %get3A_282, %gather3A_214 : vector<16xf32>
    %swap3A_284 = arith.index_cast %add3A_218 : i32 to index
    %swap3A_285 = arith.constant 96 : index
    %swap3A_286 = tpu.vector_load %arg14[%swap3A_284, %swap3A_285] {strides = array<i32>} : memref<16x128xf32, #tpu.memory_space<vmem>>, vector<1x16xf32>,
    %swap3A_287 = vector.shape_cast %swap3A_286 : vector<1x16xf32> to vector<16xf32>
    %swap3A_288 = vector.shape_cast %mul3A_283 : vector<16xf32> to vector<1x16xf32>
    tpu.vector_store %arg14[%swap3A_284, %swap3A_285], %swap3A_288 {strides = array<i32>} : memref<16x128xf32, #tpu.memory_space<vmem>>, vector<1x16xf32>,
    %get3A_289 = arith.index_cast %add3A_218 : i32 to index
    %get3A_290 = arith.constant 112 : index
    %get3A_291 = tpu.vector_load %arg14[%get3A_289, %get3A_290] {strides = array<i32>} : memref<16x128xf32, #tpu.memory_space<vmem>>, vector<1x16xf32>,
    %get3A_292 = vector.shape_cast %get3A_291 : vector<1x16xf32> to vector<16xf32>
    %mul3A_293 = arith.mulf %get3A_292, %gather3A_214 : vector<16xf32>
    %swap3A_294 = arith.index_cast %add3A_218 : i32 to index
    %swap3A_295 = arith.constant 112 : index
    %swap3A_296 = tpu.vector_load %arg14[%swap3A_294, %swap3A_295] {strides = array<i32>} : memref<16x128xf32, #tpu.memory_space<vmem>>, vector<1x16xf32>,
    %swap3A_297 = vector.shape_cast %swap3A_296 : vector<1x16xf32> to vector<16xf32>
    %swap3A_298 = vector.shape_cast %mul3A_293 : vector<16xf32> to vector<1x16xf32>
    tpu.vector_store %arg14[%swap3A_294, %swap3A_295], %swap3A_298 {strides = array<i32>} : memref<16x128xf32, #tpu.memory_space<vmem>>, vector<1x16xf32>,
    %broadcast_in_dim3A_299 = arith.constant 3 : i32
    %broadcast_in_dim3A_300 = vector.broadcast %broadcast_in_dim3A_299 : i32 to vector<16x1xi32>
    %gather3A_301 = vector.shape_cast %broadcast_in_dim3A_300 : vector<16x1xi32> to vector<16xi32>
    %gather3A_302 = tpu.dynamic_gather %get3A_36[%gather3A_301] in [0] : vector<16xf32>, vector<16xi32> -> vector<16xf32>
    %mul3A_303 = arith.constant 16 : i32
    %mul3A_304 = arith.muli %scan3A_32, %mul3A_303 : i32
    %add3A_305 = arith.constant 3 : i32
    %add3A_306 = arith.addi %mul3A_304, %add3A_305 : i32
    %get3A_307 = arith.index_cast %add3A_306 : i32 to index
    %get3A_308 = arith.constant 0 : index
    %get3A_309 = tpu.vector_load %arg14[%get3A_307, %get3A_308] {strides = array<i32>} : memref<16x128xf32, #tpu.memory_space<vmem>>, vector<1x16xf32>,
    %get3A_310 = vector.shape_cast %get3A_309 : vector<1x16xf32> to vector<16xf32>
    %mul3A_311 = arith.mulf %get3A_310, %gather3A_302 : vector<16xf32>
    %swap3A_312 = arith.index_cast %add3A_306 : i32 to index
    %swap3A_313 = arith.constant 0 : index
    %swap3A_314 = tpu.vector_load %arg14[%swap3A_312, %swap3A_313] {strides = array<i32>} : memref<16x128xf32, #tpu.memory_space<vmem>>, vector<1x16xf32>,
    %swap3A_315 = vector.shape_cast %swap3A_314 : vector<1x16xf32> to vector<16xf32>
    %swap3A_316 = vector.shape_cast %mul3A_311 : vector<16xf32> to vector<1x16xf32>
    tpu.vector_store %arg14[%swap3A_312, %swap3A_313], %swap3A_316 {strides = array<i32>} : memref<16x128xf32, #tpu.memory_space<vmem>>, vector<1x16xf32>,
    %get3A_317 = arith.index_cast %add3A_306 : i32 to index
    %get3A_318 = arith.constant 16 : index
    %get3A_319 = tpu.vector_load %arg14[%get3A_317, %get3A_318] {strides = array<i32>} : memref<16x128xf32, #tpu.memory_space<vmem>>, vector<1x16xf32>,
    %get3A_320 = vector.shape_cast %get3A_319 : vector<1x16xf32> to vector<16xf32>
    %mul3A_321 = arith.mulf %get3A_320, %gather3A_302 : vector<16xf32>
    %swap3A_322 = arith.index_cast %add3A_306 : i32 to index
    %swap3A_323 = arith.constant 16 : index
    %swap3A_324 = tpu.vector_load %arg14[%swap3A_322, %swap3A_323] {strides = array<i32>} : memref<16x128xf32, #tpu.memory_space<vmem>>, vector<1x16xf32>,
    %swap3A_325 = vector.shape_cast %swap3A_324 : vector<1x16xf32> to vector<16xf32>
    %swap3A_326 = vector.shape_cast %mul3A_321 : vector<16xf32> to vector<1x16xf32>
    tpu.vector_store %arg14[%swap3A_322, %swap3A_323], %swap3A_326 {strides = array<i32>} : memref<16x128xf32, #tpu.memory_space<vmem>>, vector<1x16xf32>,
    %get3A_327 = arith.index_cast %add3A_306 : i32 to index
    %get3A_328 = arith.constant 32 : index
    %get3A_329 = tpu.vector_load %arg14[%get3A_327, %get3A_328] {strides = array<i32>} : memref<16x128xf32, #tpu.memory_space<vmem>>, vector<1x16xf32>,
    %get3A_330 = vector.shape_cast %get3A_329 : vector<1x16xf32> to vector<16xf32>
    %mul3A_331 = arith.mulf %get3A_330, %gather3A_302 : vector<16xf32>
    %swap3A_332 = arith.index_cast %add3A_306 : i32 to index
    %swap3A_333 = arith.constant 32 : index
    %swap3A_334 = tpu.vector_load %arg14[%swap3A_332, %swap3A_333] {strides = array<i32>} : memref<16x128xf32, #tpu.memory_space<vmem>>, vector<1x16xf32>,
    %swap3A_335 = vector.shape_cast %swap3A_334 : vector<1x16xf32> to vector<16xf32>
    %swap3A_336 = vector.shape_cast %mul3A_331 : vector<16xf32> to vector<1x16xf32>
    tpu.vector_store %arg14[%swap3A_332, %swap3A_333], %swap3A_336 {strides = array<i32>} : memref<16x128xf32, #tpu.memory_space<vmem>>, vector<1x16xf32>,
    %get3A_337 = arith.index_cast %add3A_306 : i32 to index
    %get3A_338 = arith.constant 48 : index
    %get3A_339 = tpu.vector_load %arg14[%get3A_337, %get3A_338] {strides = array<i32>} : memref<16x128xf32, #tpu.memory_space<vmem>>, vector<1x16xf32>,
    %get3A_340 = vector.shape_cast %get3A_339 : vector<1x16xf32> to vector<16xf32>
    %mul3A_341 = arith.mulf %get3A_340, %gather3A_302 : vector<16xf32>
    %swap3A_342 = arith.index_cast %add3A_306 : i32 to index
    %swap3A_343 = arith.constant 48 : index
    %swap3A_344 = tpu.vector_load %arg14[%swap3A_342, %swap3A_343] {strides = array<i32>} : memref<16x128xf32, #tpu.memory_space<vmem>>, vector<1x16xf32>,
    %swap3A_345 = vector.shape_cast %swap3A_344 : vector<1x16xf32> to vector<16xf32>
    %swap3A_346 = vector.shape_cast %mul3A_341 : vector<16xf32> to vector<1x16xf32>
    tpu.vector_store %arg14[%swap3A_342, %swap3A_343], %swap3A_346 {strides = array<i32>} : memref<16x128xf32, #tpu.memory_space<vmem>>, vector<1x16xf32>,
    %get3A_347 = arith.index_cast %add3A_306 : i32 to index
    %get3A_348 = arith.constant 64 : index
    %get3A_349 = tpu.vector_load %arg14[%get3A_347, %get3A_348] {strides = array<i32>} : memref<16x128xf32, #tpu.memory_space<vmem>>, vector<1x16xf32>,
    %get3A_350 = vector.shape_cast %get3A_349 : vector<1x16xf32> to vector<16xf32>
    %mul3A_351 = arith.mulf %get3A_350, %gather3A_302 : vector<16xf32>
    %swap3A_352 = arith.index_cast %add3A_306 : i32 to index
    %swap3A_353 = arith.constant 64 : index
    %swap3A_354 = tpu.vector_load %arg14[%swap3A_352, %swap3A_353] {strides = array<i32>} : memref<16x128xf32, #tpu.memory_space<vmem>>, vector<1x16xf32>,
    %swap3A_355 = vector.shape_cast %swap3A_354 : vector<1x16xf32> to vector<16xf32>
    %swap3A_356 = vector.shape_cast %mul3A_351 : vector<16xf32> to vector<1x16xf32>
    tpu.vector_store %arg14[%swap3A_352, %swap3A_353], %swap3A_356 {strides = array<i32>} : memref<16x128xf32, #tpu.memory_space<vmem>>, vector<1x16xf32>,
    %get3A_357 = arith.index_cast %add3A_306 : i32 to index
    %get3A_358 = arith.constant 80 : index
    %get3A_359 = tpu.vector_load %arg14[%get3A_357, %get3A_358] {strides = array<i32>} : memref<16x128xf32, #tpu.memory_space<vmem>>, vector<1x16xf32>,
    %get3A_360 = vector.shape_cast %get3A_359 : vector<1x16xf32> to vector<16xf32>
    %mul3A_361 = arith.mulf %get3A_360, %gather3A_302 : vector<16xf32>
    %swap3A_362 = arith.index_cast %add3A_306 : i32 to index
    %swap3A_363 = arith.constant 80 : index
    %swap3A_364 = tpu.vector_load %arg14[%swap3A_362, %swap3A_363] {strides = array<i32>} : memref<16x128xf32, #tpu.memory_space<vmem>>, vector<1x16xf32>,
    %swap3A_365 = vector.shape_cast %swap3A_364 : vector<1x16xf32> to vector<16xf32>
    %swap3A_366 = vector.shape_cast %mul3A_361 : vector<16xf32> to vector<1x16xf32>
    tpu.vector_store %arg14[%swap3A_362, %swap3A_363], %swap3A_366 {strides = array<i32>} : memref<16x128xf32, #tpu.memory_space<vmem>>, vector<1x16xf32>,
    %get3A_367 = arith.index_cast %add3A_306 : i32 to index
    %get3A_368 = arith.constant 96 : index
    %get3A_369 = tpu.vector_load %arg14[%get3A_367, %get3A_368] {strides = array<i32>} : memref<16x128xf32, #tpu.memory_space<vmem>>, vector<1x16xf32>,
    %get3A_370 = vector.shape_cast %get3A_369 : vector<1x16xf32> to vector<16xf32>
    %mul3A_371 = arith.mulf %get3A_370, %gather3A_302 : vector<16xf32>
    %swap3A_372 = arith.index_cast %add3A_306 : i32 to index
    %swap3A_373 = arith.constant 96 : index
    %swap3A_374 = tpu.vector_load %arg14[%swap3A_372, %swap3A_373] {strides = array<i32>} : memref<16x128xf32, #tpu.memory_space<vmem>>, vector<1x16xf32>,
    %swap3A_375 = vector.shape_cast %swap3A_374 : vector<1x16xf32> to vector<16xf32>
    %swap3A_376 = vector.shape_cast %mul3A_371 : vector<16xf32> to vector<1x16xf32>
    tpu.vector_store %arg14[%swap3A_372, %swap3A_373], %swap3A_376 {strides = array<i32>} : memref<16x128xf32, #tpu.memory_space<vmem>>, vector<1x16xf32>,
    %get3A_377 = arith.index_cast %add3A_306 : i32 to index
    %get3A_378 = arith.constant 112 : index
    %get3A_379 = tpu.vector_load %arg14[%get3A_377, %get3A_378] {strides = array<i32>} : memref<16x128xf32, #tpu.memory_space<vmem>>, vector<1x16xf32>,
    %get3A_380 = vector.shape_cast %get3A_379 : vector<1x16xf32> to vector<16xf32>
    %mul3A_381 = arith.mulf %get3A_380, %gather3A_302 : vector<16xf32>
    %swap3A_382 = arith.index_cast %add3A_306 : i32 to index
    %swap3A_383 = arith.constant 112 : index
    %swap3A_384 = tpu.vector_load %arg14[%swap3A_382, %swap3A_383] {strides = array<i32>} : memref<16x128xf32, #tpu.memory_space<vmem>>, vector<1x16xf32>,
    %swap3A_385 = vector.shape_cast %swap3A_384 : vector<1x16xf32> to vector<16xf32>
    %swap3A_386 = vector.shape_cast %mul3A_381 : vector<16xf32> to vector<1x16xf32>
    tpu.vector_store %arg14[%swap3A_382, %swap3A_383], %swap3A_386 {strides = array<i32>} : memref<16x128xf32, #tpu.memory_space<vmem>>, vector<1x16xf32>,
    %broadcast_in_dim3A_387 = arith.constant 4 : i32
    %broadcast_in_dim3A_388 = vector.broadcast %broadcast_in_dim3A_387 : i32 to vector<16x1xi32>
    %gather3A_389 = vector.shape_cast %broadcast_in_dim3A_388 : vector<16x1xi32> to vector<16xi32>
    %gather3A_390 = tpu.dynamic_gather %get3A_36[%gather3A_389] in [0] : vector<16xf32>, vector<16xi32> -> vector<16xf32>
    %mul3A_391 = arith.constant 16 : i32
    %mul3A_392 = arith.muli %scan3A_32, %mul3A_391 : i32
    %add3A_393 = arith.constant 4 : i32
    %add3A_394 = arith.addi %mul3A_392, %add3A_393 : i32
    %get3A_395 = arith.index_cast %add3A_394 : i32 to index
    %get3A_396 = arith.constant 0 : index
    %get3A_397 = tpu.vector_load %arg14[%get3A_395, %get3A_396] {strides = array<i32>} : memref<16x128xf32, #tpu.memory_space<vmem>>, vector<1x16xf32>,
    %get3A_398 = vector.shape_cast %get3A_397 : vector<1x16xf32> to vector<16xf32>
    %mul3A_399 = arith.mulf %get3A_398, %gather3A_390 : vector<16xf32>
    %swap3A_400 = arith.index_cast %add3A_394 : i32 to index
    %swap3A_401 = arith.constant 0 : index
    %swap3A_402 = tpu.vector_load %arg14[%swap3A_400, %swap3A_401] {strides = array<i32>} : memref<16x128xf32, #tpu.memory_space<vmem>>, vector<1x16xf32>,
    %swap3A_403 = vector.shape_cast %swap3A_402 : vector<1x16xf32> to vector<16xf32>
    %swap3A_404 = vector.shape_cast %mul3A_399 : vector<16xf32> to vector<1x16xf32>
    tpu.vector_store %arg14[%swap3A_400, %swap3A_401], %swap3A_404 {strides = array<i32>} : memref<16x128xf32, #tpu.memory_space<vmem>>, vector<1x16xf32>,
    %get3A_405 = arith.index_cast %add3A_394 : i32 to index
    %get3A_406 = arith.constant 16 : index
    %get3A_407 = tpu.vector_load %arg14[%get3A_405, %get3A_406] {strides = array<i32>} : memref<16x128xf32, #tpu.memory_space<vmem>>, vector<1x16xf32>,
    %get3A_408 = vector.shape_cast %get3A_407 : vector<1x16xf32> to vector<16xf32>
    %mul3A_409 = arith.mulf %get3A_408, %gather3A_390 : vector<16xf32>
    %swap3A_410 = arith.index_cast %add3A_394 : i32 to index
    %swap3A_411 = arith.constant 16 : index
    %swap3A_412 = tpu.vector_load %arg14[%swap3A_410, %swap3A_411] {strides = array<i32>} : memref<16x128xf32, #tpu.memory_space<vmem>>, vector<1x16xf32>,
    %swap3A_413 = vector.shape_cast %swap3A_412 : vector<1x16xf32> to vector<16xf32>
    %swap3A_414 = vector.shape_cast %mul3A_409 : vector<16xf32> to vector<1x16xf32>
    tpu.vector_store %arg14[%swap3A_410, %swap3A_411], %swap3A_414 {strides = array<i32>} : memref<16x128xf32, #tpu.memory_space<vmem>>, vector<1x16xf32>,
    %get3A_415 = arith.index_cast %add3A_394 : i32 to index
    %get3A_416 = arith.constant 32 : index
    %get3A_417 = tpu.vector_load %arg14[%get3A_415, %get3A_416] {strides = array<i32>} : memref<16x128xf32, #tpu.memory_space<vmem>>, vector<1x16xf32>,
    %get3A_418 = vector.shape_cast %get3A_417 : vector<1x16xf32> to vector<16xf32>
    %mul3A_419 = arith.mulf %get3A_418, %gather3A_390 : vector<16xf32>
    %swap3A_420 = arith.index_cast %add3A_394 : i32 to index
    %swap3A_421 = arith.constant 32 : index
    %swap3A_422 = tpu.vector_load %arg14[%swap3A_420, %swap3A_421] {strides = array<i32>} : memref<16x128xf32, #tpu.memory_space<vmem>>, vector<1x16xf32>,
    %swap3A_423 = vector.shape_cast %swap3A_422 : vector<1x16xf32> to vector<16xf32>
    %swap3A_424 = vector.shape_cast %mul3A_419 : vector<16xf32> to vector<1x16xf32>
    tpu.vector_store %arg14[%swap3A_420, %swap3A_421], %swap3A_424 {strides = array<i32>} : memref<16x128xf32, #tpu.memory_space<vmem>>, vector<1x16xf32>,
    %get3A_425 = arith.index_cast %add3A_394 : i32 to index
    %get3A_426 = arith.constant 48 : index
    %get3A_427 = tpu.vector_load %arg14[%get3A_425, %get3A_426] {strides = array<i32>} : memref<16x128xf32, #tpu.memory_space<vmem>>, vector<1x16xf32>,
    %get3A_428 = vector.shape_cast %get3A_427 : vector<1x16xf32> to vector<16xf32>
    %mul3A_429 = arith.mulf %get3A_428, %gather3A_390 : vector<16xf32>
    %swap3A_430 = arith.index_cast %add3A_394 : i32 to index
    %swap3A_431 = arith.constant 48 : index
    %swap3A_432 = tpu.vector_load %arg14[%swap3A_430, %swap3A_431] {strides = array<i32>} : memref<16x128xf32, #tpu.memory_space<vmem>>, vector<1x16xf32>,
    %swap3A_433 = vector.shape_cast %swap3A_432 : vector<1x16xf32> to vector<16xf32>
    %swap3A_434 = vector.shape_cast %mul3A_429 : vector<16xf32> to vector<1x16xf32>
    tpu.vector_store %arg14[%swap3A_430, %swap3A_431], %swap3A_434 {strides = array<i32>} : memref<16x128xf32, #tpu.memory_space<vmem>>, vector<1x16xf32>,
    %get3A_435 = arith.index_cast %add3A_394 : i32 to index
    %get3A_436 = arith.constant 64 : index
    %get3A_437 = tpu.vector_load %arg14[%get3A_435, %get3A_436] {strides = array<i32>} : memref<16x128xf32, #tpu.memory_space<vmem>>, vector<1x16xf32>,
    %get3A_438 = vector.shape_cast %get3A_437 : vector<1x16xf32> to vector<16xf32>
    %mul3A_439 = arith.mulf %get3A_438, %gather3A_390 : vector<16xf32>
    %swap3A_440 = arith.index_cast %add3A_394 : i32 to index
    %swap3A_441 = arith.constant 64 : index
    %swap3A_442 = tpu.vector_load %arg14[%swap3A_440, %swap3A_441] {strides = array<i32>} : memref<16x128xf32, #tpu.memory_space<vmem>>, vector<1x16xf32>,
    %swap3A_443 = vector.shape_cast %swap3A_442 : vector<1x16xf32> to vector<16xf32>
    %swap3A_444 = vector.shape_cast %mul3A_439 : vector<16xf32> to vector<1x16xf32>
    tpu.vector_store %arg14[%swap3A_440, %swap3A_441], %swap3A_444 {strides = array<i32>} : memref<16x128xf32, #tpu.memory_space<vmem>>, vector<1x16xf32>,
    %get3A_445 = arith.index_cast %add3A_394 : i32 to index
    %get3A_446 = arith.constant 80 : index
    %get3A_447 = tpu.vector_load %arg14[%get3A_445, %get3A_446] {strides = array<i32>} : memref<16x128xf32, #tpu.memory_space<vmem>>, vector<1x16xf32>,
    %get3A_448 = vector.shape_cast %get3A_447 : vector<1x16xf32> to vector<16xf32>
    %mul3A_449 = arith.mulf %get3A_448, %gather3A_390 : vector<16xf32>
    %swap3A_450 = arith.index_cast %add3A_394 : i32 to index
    %swap3A_451 = arith.constant 80 : index
    %swap3A_452 = tpu.vector_load %arg14[%swap3A_450, %swap3A_451] {strides = array<i32>} : memref<16x128xf32, #tpu.memory_space<vmem>>, vector<1x16xf32>,
    %swap3A_453 = vector.shape_cast %swap3A_452 : vector<1x16xf32> to vector<16xf32>
    %swap3A_454 = vector.shape_cast %mul3A_449 : vector<16xf32> to vector<1x16xf32>
    tpu.vector_store %arg14[%swap3A_450, %swap3A_451], %swap3A_454 {strides = array<i32>} : memref<16x128xf32, #tpu.memory_space<vmem>>, vector<1x16xf32>,
    %get3A_455 = arith.index_cast %add3A_394 : i32 to index
    %get3A_456 = arith.constant 96 : index
    %get3A_457 = tpu.vector_load %arg14[%get3A_455, %get3A_456] {strides = array<i32>} : memref<16x128xf32, #tpu.memory_space<vmem>>, vector<1x16xf32>,
    %get3A_458 = vector.shape_cast %get3A_457 : vector<1x16xf32> to vector<16xf32>
    %mul3A_459 = arith.mulf %get3A_458, %gather3A_390 : vector<16xf32>
    %swap3A_460 = arith.index_cast %add3A_394 : i32 to index
    %swap3A_461 = arith.constant 96 : index
    %swap3A_462 = tpu.vector_load %arg14[%swap3A_460, %swap3A_461] {strides = array<i32>} : memref<16x128xf32, #tpu.memory_space<vmem>>, vector<1x16xf32>,
    %swap3A_463 = vector.shape_cast %swap3A_462 : vector<1x16xf32> to vector<16xf32>
    %swap3A_464 = vector.shape_cast %mul3A_459 : vector<16xf32> to vector<1x16xf32>
    tpu.vector_store %arg14[%swap3A_460, %swap3A_461], %swap3A_464 {strides = array<i32>} : memref<16x128xf32, #tpu.memory_space<vmem>>, vector<1x16xf32>,
    %get3A_465 = arith.index_cast %add3A_394 : i32 to index
    %get3A_466 = arith.constant 112 : index
    %get3A_467 = tpu.vector_load %arg14[%get3A_465, %get3A_466] {strides = array<i32>} : memref<16x128xf32, #tpu.memory_space<vmem>>, vector<1x16xf32>,
    %get3A_468 = vector.shape_cast %get3A_467 : vector<1x16xf32> to vector<16xf32>
    %mul3A_469 = arith.mulf %get3A_468, %gather3A_390 : vector<16xf32>
    %swap3A_470 = arith.index_cast %add3A_394 : i32 to index
    %swap3A_471 = arith.constant 112 : index
    %swap3A_472 = tpu.vector_load %arg14[%swap3A_470, %swap3A_471] {strides = array<i32>} : memref<16x128xf32, #tpu.memory_space<vmem>>, vector<1x16xf32>,
    %swap3A_473 = vector.shape_cast %swap3A_472 : vector<1x16xf32> to vector<16xf32>
    %swap3A_474 = vector.shape_cast %mul3A_469 : vector<16xf32> to vector<1x16xf32>
    tpu.vector_store %arg14[%swap3A_470, %swap3A_471], %swap3A_474 {strides = array<i32>} : memref<16x128xf32, #tpu.memory_space<vmem>>, vector<1x16xf32>,
    %broadcast_in_dim3A_475 = arith.constant 5 : i32
    %broadcast_in_dim3A_476 = vector.broadcast %broadcast_in_dim3A_475 : i32 to vector<16x1xi32>
    %gather3A_477 = vector.shape_cast %broadcast_in_dim3A_476 : vector<16x1xi32> to vector<16xi32>
    %gather3A_478 = tpu.dynamic_gather %get3A_36[%gather3A_477] in [0] : vector<16xf32>, vector<16xi32> -> vector<16xf32>
    %mul3A_479 = arith.constant 16 : i32
    %mul3A_480 = arith.muli %scan3A_32, %mul3A_479 : i32
    %add3A_481 = arith.constant 5 : i32
    %add3A_482 = arith.addi %mul3A_480, %add3A_481 : i32
    %get3A_483 = arith.index_cast %add3A_482 : i32 to index
    %get3A_484 = arith.constant 0 : index
    %get3A_485 = tpu.vector_load %arg14[%get3A_483, %get3A_484] {strides = array<i32>} : memref<16x128xf32, #tpu.memory_space<vmem>>, vector<1x16xf32>,
    %get3A_486 = vector.shape_cast %get3A_485 : vector<1x16xf32> to vector<16xf32>
    %mul3A_487 = arith.mulf %get3A_486, %gather3A_478 : vector<16xf32>
    %swap3A_488 = arith.index_cast %add3A_482 : i32 to index
    %swap3A_489 = arith.constant 0 : index
    %swap3A_490 = tpu.vector_load %arg14[%swap3A_488, %swap3A_489] {strides = array<i32>} : memref<16x128xf32, #tpu.memory_space<vmem>>, vector<1x16xf32>,
    %swap3A_491 = vector.shape_cast %swap3A_490 : vector<1x16xf32> to vector<16xf32>
    %swap3A_492 = vector.shape_cast %mul3A_487 : vector<16xf32> to vector<1x16xf32>
    tpu.vector_store %arg14[%swap3A_488, %swap3A_489], %swap3A_492 {strides = array<i32>} : memref<16x128xf32, #tpu.memory_space<vmem>>, vector<1x16xf32>,
    %get3A_493 = arith.index_cast %add3A_482 : i32 to index
    %get3A_494 = arith.constant 16 : index
    %get3A_495 = tpu.vector_load %arg14[%get3A_493, %get3A_494] {strides = array<i32>} : memref<16x128xf32, #tpu.memory_space<vmem>>, vector<1x16xf32>,
    %get3A_496 = vector.shape_cast %get3A_495 : vector<1x16xf32> to vector<16xf32>
    %mul3A_497 = arith.mulf %get3A_496, %gather3A_478 : vector<16xf32>
    %swap3A_498 = arith.index_cast %add3A_482 : i32 to index
    %swap3A_499 = arith.constant 16 : index
    %swap3A_500 = tpu.vector_load %arg14[%swap3A_498, %swap3A_499] {strides = array<i32>} : memref<16x128xf32, #tpu.memory_space<vmem>>, vector<1x16xf32>,
    %swap3A_501 = vector.shape_cast %swap3A_500 : vector<1x16xf32> to vector<16xf32>
    %swap3A_502 = vector.shape_cast %mul3A_497 : vector<16xf32> to vector<1x16xf32>
    tpu.vector_store %arg14[%swap3A_498, %swap3A_499], %swap3A_502 {strides = array<i32>} : memref<16x128xf32, #tpu.memory_space<vmem>>, vector<1x16xf32>,
    %get3A_503 = arith.index_cast %add3A_482 : i32 to index
    %get3A_504 = arith.constant 32 : index
    %get3A_505 = tpu.vector_load %arg14[%get3A_503, %get3A_504] {strides = array<i32>} : memref<16x128xf32, #tpu.memory_space<vmem>>, vector<1x16xf32>,
    %get3A_506 = vector.shape_cast %get3A_505 : vector<1x16xf32> to vector<16xf32>
    %mul3A_507 = arith.mulf %get3A_506, %gather3A_478 : vector<16xf32>
    %swap3A_508 = arith.index_cast %add3A_482 : i32 to index
    %swap3A_509 = arith.constant 32 : index
    %swap3A_510 = tpu.vector_load %arg14[%swap3A_508, %swap3A_509] {strides = array<i32>} : memref<16x128xf32, #tpu.memory_space<vmem>>, vector<1x16xf32>,
    %swap3A_511 = vector.shape_cast %swap3A_510 : vector<1x16xf32> to vector<16xf32>
    %swap3A_512 = vector.shape_cast %mul3A_507 : vector<16xf32> to vector<1x16xf32>
    tpu.vector_store %arg14[%swap3A_508, %swap3A_509], %swap3A_512 {strides = array<i32>} : memref<16x128xf32, #tpu.memory_space<vmem>>, vector<1x16xf32>,
    %get3A_513 = arith.index_cast %add3A_482 : i32 to index
    %get3A_514 = arith.constant 48 : index
    %get3A_515 = tpu.vector_load %arg14[%get3A_513, %get3A_514] {strides = array<i32>} : memref<16x128xf32, #tpu.memory_space<vmem>>, vector<1x16xf32>,
    %get3A_516 = vector.shape_cast %get3A_515 : vector<1x16xf32> to vector<16xf32>
    %mul3A_517 = arith.mulf %get3A_516, %gather3A_478 : vector<16xf32>
    %swap3A_518 = arith.index_cast %add3A_482 : i32 to index
    %swap3A_519 = arith.constant 48 : index
    %swap3A_520 = tpu.vector_load %arg14[%swap3A_518, %swap3A_519] {strides = array<i32>} : memref<16x128xf32, #tpu.memory_space<vmem>>, vector<1x16xf32>,
    %swap3A_521 = vector.shape_cast %swap3A_520 : vector<1x16xf32> to vector<16xf32>
    %swap3A_522 = vector.shape_cast %mul3A_517 : vector<16xf32> to vector<1x16xf32>
    tpu.vector_store %arg14[%swap3A_518, %swap3A_519], %swap3A_522 {strides = array<i32>} : memref<16x128xf32, #tpu.memory_space<vmem>>, vector<1x16xf32>,
    %get3A_523 = arith.index_cast %add3A_482 : i32 to index
    %get3A_524 = arith.constant 64 : index
    %get3A_525 = tpu.vector_load %arg14[%get3A_523, %get3A_524] {strides = array<i32>} : memref<16x128xf32, #tpu.memory_space<vmem>>, vector<1x16xf32>,
    %get3A_526 = vector.shape_cast %get3A_525 : vector<1x16xf32> to vector<16xf32>
    %mul3A_527 = arith.mulf %get3A_526, %gather3A_478 : vector<16xf32>
    %swap3A_528 = arith.index_cast %add3A_482 : i32 to index
    %swap3A_529 = arith.constant 64 : index
    %swap3A_530 = tpu.vector_load %arg14[%swap3A_528, %swap3A_529] {strides = array<i32>} : memref<16x128xf32, #tpu.memory_space<vmem>>, vector<1x16xf32>,
    %swap3A_531 = vector.shape_cast %swap3A_530 : vector<1x16xf32> to vector<16xf32>
    %swap3A_532 = vector.shape_cast %mul3A_527 : vector<16xf32> to vector<1x16xf32>
    tpu.vector_store %arg14[%swap3A_528, %swap3A_529], %swap3A_532 {strides = array<i32>} : memref<16x128xf32, #tpu.memory_space<vmem>>, vector<1x16xf32>,
    %get3A_533 = arith.index_cast %add3A_482 : i32 to index
    %get3A_534 = arith.constant 80 : index
    %get3A_535 = tpu.vector_load %arg14[%get3A_533, %get3A_534] {strides = array<i32>} : memref<16x128xf32, #tpu.memory_space<vmem>>, vector<1x16xf32>,
    %get3A_536 = vector.shape_cast %get3A_535 : vector<1x16xf32> to vector<16xf32>
    %mul3A_537 = arith.mulf %get3A_536, %gather3A_478 : vector<16xf32>
    %swap3A_538 = arith.index_cast %add3A_482 : i32 to index
    %swap3A_539 = arith.constant 80 : index
    %swap3A_540 = tpu.vector_load %arg14[%swap3A_538, %swap3A_539] {strides = array<i32>} : memref<16x128xf32, #tpu.memory_space<vmem>>, vector<1x16xf32>,
    %swap3A_541 = vector.shape_cast %swap3A_540 : vector<1x16xf32> to vector<16xf32>
    %swap3A_542 = vector.shape_cast %mul3A_537 : vector<16xf32> to vector<1x16xf32>
    tpu.vector_store %arg14[%swap3A_538, %swap3A_539], %swap3A_542 {strides = array<i32>} : memref<16x128xf32, #tpu.memory_space<vmem>>, vector<1x16xf32>,
    %get3A_543 = arith.index_cast %add3A_482 : i32 to index
    %get3A_544 = arith.constant 96 : index
    %get3A_545 = tpu.vector_load %arg14[%get3A_543, %get3A_544] {strides = array<i32>} : memref<16x128xf32, #tpu.memory_space<vmem>>, vector<1x16xf32>,
    %get3A_546 = vector.shape_cast %get3A_545 : vector<1x16xf32> to vector<16xf32>
    %mul3A_547 = arith.mulf %get3A_546, %gather3A_478 : vector<16xf32>
    %swap3A_548 = arith.index_cast %add3A_482 : i32 to index
    %swap3A_549 = arith.constant 96 : index
    %swap3A_550 = tpu.vector_load %arg14[%swap3A_548, %swap3A_549] {strides = array<i32>} : memref<16x128xf32, #tpu.memory_space<vmem>>, vector<1x16xf32>,
    %swap3A_551 = vector.shape_cast %swap3A_550 : vector<1x16xf32> to vector<16xf32>
    %swap3A_552 = vector.shape_cast %mul3A_547 : vector<16xf32> to vector<1x16xf32>
    tpu.vector_store %arg14[%swap3A_548, %swap3A_549], %swap3A_552 {strides = array<i32>} : memref<16x128xf32, #tpu.memory_space<vmem>>, vector<1x16xf32>,
    %get3A_553 = arith.index_cast %add3A_482 : i32 to index
    %get3A_554 = arith.constant 112 : index
    %get3A_555 = tpu.vector_load %arg14[%get3A_553, %get3A_554] {strides = array<i32>} : memref<16x128xf32, #tpu.memory_space<vmem>>, vector<1x16xf32>,
    %get3A_556 = vector.shape_cast %get3A_555 : vector<1x16xf32> to vector<16xf32>
    %mul3A_557 = arith.mulf %get3A_556, %gather3A_478 : vector<16xf32>
    %swap3A_558 = arith.index_cast %add3A_482 : i32 to index
    %swap3A_559 = arith.constant 112 : index
    %swap3A_560 = tpu.vector_load %arg14[%swap3A_558, %swap3A_559] {strides = array<i32>} : memref<16x128xf32, #tpu.memory_space<vmem>>, vector<1x16xf32>,
    %swap3A_561 = vector.shape_cast %swap3A_560 : vector<1x16xf32> to vector<16xf32>
    %swap3A_562 = vector.shape_cast %mul3A_557 : vector<16xf32> to vector<1x16xf32>
    tpu.vector_store %arg14[%swap3A_558, %swap3A_559], %swap3A_562 {strides = array<i32>} : memref<16x128xf32, #tpu.memory_space<vmem>>, vector<1x16xf32>,
    %broadcast_in_dim3A_563 = arith.constant 6 : i32
    %broadcast_in_dim3A_564 = vector.broadcast %broadcast_in_dim3A_563 : i32 to vector<16x1xi32>
    %gather3A_565 = vector.shape_cast %broadcast_in_dim3A_564 : vector<16x1xi32> to vector<16xi32>
    %gather3A_566 = tpu.dynamic_gather %get3A_36[%gather3A_565] in [0] : vector<16xf32>, vector<16xi32> -> vector<16xf32>
    %mul3A_567 = arith.constant 16 : i32
    %mul3A_568 = arith.muli %scan3A_32, %mul3A_567 : i32
    %add3A_569 = arith.constant 6 : i32
    %add3A_570 = arith.addi %mul3A_568, %add3A_569 : i32
    %get3A_571 = arith.index_cast %add3A_570 : i32 to index
    %get3A_572 = arith.constant 0 : index
    %get3A_573 = tpu.vector_load %arg14[%get3A_571, %get3A_572] {strides = array<i32>} : memref<16x128xf32, #tpu.memory_space<vmem>>, vector<1x16xf32>,
    %get3A_574 = vector.shape_cast %get3A_573 : vector<1x16xf32> to vector<16xf32>
    %mul3A_575 = arith.mulf %get3A_574, %gather3A_566 : vector<16xf32>
    %swap3A_576 = arith.index_cast %add3A_570 : i32 to index
    %swap3A_577 = arith.constant 0 : index
    %swap3A_578 = tpu.vector_load %arg14[%swap3A_576, %swap3A_577] {strides = array<i32>} : memref<16x128xf32, #tpu.memory_space<vmem>>, vector<1x16xf32>,
    %swap3A_579 = vector.shape_cast %swap3A_578 : vector<1x16xf32> to vector<16xf32>
    %swap3A_580 = vector.shape_cast %mul3A_575 : vector<16xf32> to vector<1x16xf32>
    tpu.vector_store %arg14[%swap3A_576, %swap3A_577], %swap3A_580 {strides = array<i32>} : memref<16x128xf32, #tpu.memory_space<vmem>>, vector<1x16xf32>,
    %get3A_581 = arith.index_cast %add3A_570 : i32 to index
    %get3A_582 = arith.constant 16 : index
    %get3A_583 = tpu.vector_load %arg14[%get3A_581, %get3A_582] {strides = array<i32>} : memref<16x128xf32, #tpu.memory_space<vmem>>, vector<1x16xf32>,
    %get3A_584 = vector.shape_cast %get3A_583 : vector<1x16xf32> to vector<16xf32>
    %mul3A_585 = arith.mulf %get3A_584, %gather3A_566 : vector<16xf32>
    %swap3A_586 = arith.index_cast %add3A_570 : i32 to index
    %swap3A_587 = arith.constant 16 : index
    %swap3A_588 = tpu.vector_load %arg14[%swap3A_586, %swap3A_587] {strides = array<i32>} : memref<16x128xf32, #tpu.memory_space<vmem>>, vector<1x16xf32>,
    %swap3A_589 = vector.shape_cast %swap3A_588 : vector<1x16xf32> to vector<16xf32>
    %swap3A_590 = vector.shape_cast %mul3A_585 : vector<16xf32> to vector<1x16xf32>
    tpu.vector_store %arg14[%swap3A_586, %swap3A_587], %swap3A_590 {strides = array<i32>} : memref<16x128xf32, #tpu.memory_space<vmem>>, vector<1x16xf32>,
    %get3A_591 = arith.index_cast %add3A_570 : i32 to index
    %get3A_592 = arith.constant 32 : index
    %get3A_593 = tpu.vector_load %arg14[%get3A_591, %get3A_592] {strides = array<i32>} : memref<16x128xf32, #tpu.memory_space<vmem>>, vector<1x16xf32>,
    %get3A_594 = vector.shape_cast %get3A_593 : vector<1x16xf32> to vector<16xf32>
    %mul3A_595 = arith.mulf %get3A_594, %gather3A_566 : vector<16xf32>
    %swap3A_596 = arith.index_cast %add3A_570 : i32 to index
    %swap3A_597 = arith.constant 32 : index
    %swap3A_598 = tpu.vector_load %arg14[%swap3A_596, %swap3A_597] {strides = array<i32>} : memref<16x128xf32, #tpu.memory_space<vmem>>, vector<1x16xf32>,
    %swap3A_599 = vector.shape_cast %swap3A_598 : vector<1x16xf32> to vector<16xf32>
    %swap3A_600 = vector.shape_cast %mul3A_595 : vector<16xf32> to vector<1x16xf32>
    tpu.vector_store %arg14[%swap3A_596, %swap3A_597], %swap3A_600 {strides = array<i32>} : memref<16x128xf32, #tpu.memory_space<vmem>>, vector<1x16xf32>,
    %get3A_601 = arith.index_cast %add3A_570 : i32 to index
    %get3A_602 = arith.constant 48 : index
    %get3A_603 = tpu.vector_load %arg14[%get3A_601, %get3A_602] {strides = array<i32>} : memref<16x128xf32, #tpu.memory_space<vmem>>, vector<1x16xf32>,
    %get3A_604 = vector.shape_cast %get3A_603 : vector<1x16xf32> to vector<16xf32>
    %mul3A_605 = arith.mulf %get3A_604, %gather3A_566 : vector<16xf32>
    %swap3A_606 = arith.index_cast %add3A_570 : i32 to index
    %swap3A_607 = arith.constant 48 : index
    %swap3A_608 = tpu.vector_load %arg14[%swap3A_606, %swap3A_607] {strides = array<i32>} : memref<16x128xf32, #tpu.memory_space<vmem>>, vector<1x16xf32>,
    %swap3A_609 = vector.shape_cast %swap3A_608 : vector<1x16xf32> to vector<16xf32>
    %swap3A_610 = vector.shape_cast %mul3A_605 : vector<16xf32> to vector<1x16xf32>
    tpu.vector_store %arg14[%swap3A_606, %swap3A_607], %swap3A_610 {strides = array<i32>} : memref<16x128xf32, #tpu.memory_space<vmem>>, vector<1x16xf32>,
    %get3A_611 = arith.index_cast %add3A_570 : i32 to index
    %get3A_612 = arith.constant 64 : index
    %get3A_613 = tpu.vector_load %arg14[%get3A_611, %get3A_612] {strides = array<i32>} : memref<16x128xf32, #tpu.memory_space<vmem>>, vector<1x16xf32>,
    %get3A_614 = vector.shape_cast %get3A_613 : vector<1x16xf32> to vector<16xf32>
    %mul3A_615 = arith.mulf %get3A_614, %gather3A_566 : vector<16xf32>
    %swap3A_616 = arith.index_cast %add3A_570 : i32 to index
    %swap3A_617 = arith.constant 64 : index
    %swap3A_618 = tpu.vector_load %arg14[%swap3A_616, %swap3A_617] {strides = array<i32>} : memref<16x128xf32, #tpu.memory_space<vmem>>, vector<1x16xf32>,
    %swap3A_619 = vector.shape_cast %swap3A_618 : vector<1x16xf32> to vector<16xf32>
    %swap3A_620 = vector.shape_cast %mul3A_615 : vector<16xf32> to vector<1x16xf32>
    tpu.vector_store %arg14[%swap3A_616, %swap3A_617], %swap3A_620 {strides = array<i32>} : memref<16x128xf32, #tpu.memory_space<vmem>>, vector<1x16xf32>,
    %get3A_621 = arith.index_cast %add3A_570 : i32 to index
    %get3A_622 = arith.constant 80 : index
    %get3A_623 = tpu.vector_load %arg14[%get3A_621, %get3A_622] {strides = array<i32>} : memref<16x128xf32, #tpu.memory_space<vmem>>, vector<1x16xf32>,
    %get3A_624 = vector.shape_cast %get3A_623 : vector<1x16xf32> to vector<16xf32>
    %mul3A_625 = arith.mulf %get3A_624, %gather3A_566 : vector<16xf32>
    %swap3A_626 = arith.index_cast %add3A_570 : i32 to index
    %swap3A_627 = arith.constant 80 : index
    %swap3A_628 = tpu.vector_load %arg14[%swap3A_626, %swap3A_627] {strides = array<i32>} : memref<16x128xf32, #tpu.memory_space<vmem>>, vector<1x16xf32>,
    %swap3A_629 = vector.shape_cast %swap3A_628 : vector<1x16xf32> to vector<16xf32>
    %swap3A_630 = vector.shape_cast %mul3A_625 : vector<16xf32> to vector<1x16xf32>
    tpu.vector_store %arg14[%swap3A_626, %swap3A_627], %swap3A_630 {strides = array<i32>} : memref<16x128xf32, #tpu.memory_space<vmem>>, vector<1x16xf32>,
    %get3A_631 = arith.index_cast %add3A_570 : i32 to index
    %get3A_632 = arith.constant 96 : index
    %get3A_633 = tpu.vector_load %arg14[%get3A_631, %get3A_632] {strides = array<i32>} : memref<16x128xf32, #tpu.memory_space<vmem>>, vector<1x16xf32>,
    %get3A_634 = vector.shape_cast %get3A_633 : vector<1x16xf32> to vector<16xf32>
    %mul3A_635 = arith.mulf %get3A_634, %gather3A_566 : vector<16xf32>
    %swap3A_636 = arith.index_cast %add3A_570 : i32 to index
    %swap3A_637 = arith.constant 96 : index
    %swap3A_638 = tpu.vector_load %arg14[%swap3A_636, %swap3A_637] {strides = array<i32>} : memref<16x128xf32, #tpu.memory_space<vmem>>, vector<1x16xf32>,
    %swap3A_639 = vector.shape_cast %swap3A_638 : vector<1x16xf32> to vector<16xf32>
    %swap3A_640 = vector.shape_cast %mul3A_635 : vector<16xf32> to vector<1x16xf32>
    tpu.vector_store %arg14[%swap3A_636, %swap3A_637], %swap3A_640 {strides = array<i32>} : memref<16x128xf32, #tpu.memory_space<vmem>>, vector<1x16xf32>,
    %get3A_641 = arith.index_cast %add3A_570 : i32 to index
    %get3A_642 = arith.constant 112 : index
    %get3A_643 = tpu.vector_load %arg14[%get3A_641, %get3A_642] {strides = array<i32>} : memref<16x128xf32, #tpu.memory_space<vmem>>, vector<1x16xf32>,
    %get3A_644 = vector.shape_cast %get3A_643 : vector<1x16xf32> to vector<16xf32>
    %mul3A_645 = arith.mulf %get3A_644, %gather3A_566 : vector<16xf32>
    %swap3A_646 = arith.index_cast %add3A_570 : i32 to index
    %swap3A_647 = arith.constant 112 : index
    %swap3A_648 = tpu.vector_load %arg14[%swap3A_646, %swap3A_647] {strides = array<i32>} : memref<16x128xf32, #tpu.memory_space<vmem>>, vector<1x16xf32>,
    %swap3A_649 = vector.shape_cast %swap3A_648 : vector<1x16xf32> to vector<16xf32>
    %swap3A_650 = vector.shape_cast %mul3A_645 : vector<16xf32> to vector<1x16xf32>
    tpu.vector_store %arg14[%swap3A_646, %swap3A_647], %swap3A_650 {strides = array<i32>} : memref<16x128xf32, #tpu.memory_space<vmem>>, vector<1x16xf32>,
    %broadcast_in_dim3A_651 = arith.constant 7 : i32
    %broadcast_in_dim3A_652 = vector.broadcast %broadcast_in_dim3A_651 : i32 to vector<16x1xi32>
    %gather3A_653 = vector.shape_cast %broadcast_in_dim3A_652 : vector<16x1xi32> to vector<16xi32>
    %gather3A_654 = tpu.dynamic_gather %get3A_36[%gather3A_653] in [0] : vector<16xf32>, vector<16xi32> -> vector<16xf32>
    %mul3A_655 = arith.constant 16 : i32
    %mul3A_656 = arith.muli %scan3A_32, %mul3A_655 : i32
    %add3A_657 = arith.constant 7 : i32
    %add3A_658 = arith.addi %mul3A_656, %add3A_657 : i32
    %get3A_659 = arith.index_cast %add3A_658 : i32 to index
    %get3A_660 = arith.constant 0 : index
    %get3A_661 = tpu.vector_load %arg14[%get3A_659, %get3A_660] {strides = array<i32>} : memref<16x128xf32, #tpu.memory_space<vmem>>, vector<1x16xf32>,
    %get3A_662 = vector.shape_cast %get3A_661 : vector<1x16xf32> to vector<16xf32>
    %mul3A_663 = arith.mulf %get3A_662, %gather3A_654 : vector<16xf32>
    %swap3A_664 = arith.index_cast %add3A_658 : i32 to index
    %swap3A_665 = arith.constant 0 : index
    %swap3A_666 = tpu.vector_load %arg14[%swap3A_664, %swap3A_665] {strides = array<i32>} : memref<16x128xf32, #tpu.memory_space<vmem>>, vector<1x16xf32>,
    %swap3A_667 = vector.shape_cast %swap3A_666 : vector<1x16xf32> to vector<16xf32>
    %swap3A_668 = vector.shape_cast %mul3A_663 : vector<16xf32> to vector<1x16xf32>
    tpu.vector_store %arg14[%swap3A_664, %swap3A_665], %swap3A_668 {strides = array<i32>} : memref<16x128xf32, #tpu.memory_space<vmem>>, vector<1x16xf32>,
    %get3A_669 = arith.index_cast %add3A_658 : i32 to index
    %get3A_670 = arith.constant 16 : index
    %get3A_671 = tpu.vector_load %arg14[%get3A_669, %get3A_670] {strides = array<i32>} : memref<16x128xf32, #tpu.memory_space<vmem>>, vector<1x16xf32>,
    %get3A_672 = vector.shape_cast %get3A_671 : vector<1x16xf32> to vector<16xf32>
    %mul3A_673 = arith.mulf %get3A_672, %gather3A_654 : vector<16xf32>
    %swap3A_674 = arith.index_cast %add3A_658 : i32 to index
    %swap3A_675 = arith.constant 16 : index
    %swap3A_676 = tpu.vector_load %arg14[%swap3A_674, %swap3A_675] {strides = array<i32>} : memref<16x128xf32, #tpu.memory_space<vmem>>, vector<1x16xf32>,
    %swap3A_677 = vector.shape_cast %swap3A_676 : vector<1x16xf32> to vector<16xf32>
    %swap3A_678 = vector.shape_cast %mul3A_673 : vector<16xf32> to vector<1x16xf32>
    tpu.vector_store %arg14[%swap3A_674, %swap3A_675], %swap3A_678 {strides = array<i32>} : memref<16x128xf32, #tpu.memory_space<vmem>>, vector<1x16xf32>,
    %get3A_679 = arith.index_cast %add3A_658 : i32 to index
    %get3A_680 = arith.constant 32 : index
    %get3A_681 = tpu.vector_load %arg14[%get3A_679, %get3A_680] {strides = array<i32>} : memref<16x128xf32, #tpu.memory_space<vmem>>, vector<1x16xf32>,
    %get3A_682 = vector.shape_cast %get3A_681 : vector<1x16xf32> to vector<16xf32>
    %mul3A_683 = arith.mulf %get3A_682, %gather3A_654 : vector<16xf32>
    %swap3A_684 = arith.index_cast %add3A_658 : i32 to index
    %swap3A_685 = arith.constant 32 : index
    %swap3A_686 = tpu.vector_load %arg14[%swap3A_684, %swap3A_685] {strides = array<i32>} : memref<16x128xf32, #tpu.memory_space<vmem>>, vector<1x16xf32>,
    %swap3A_687 = vector.shape_cast %swap3A_686 : vector<1x16xf32> to vector<16xf32>
    %swap3A_688 = vector.shape_cast %mul3A_683 : vector<16xf32> to vector<1x16xf32>
    tpu.vector_store %arg14[%swap3A_684, %swap3A_685], %swap3A_688 {strides = array<i32>} : memref<16x128xf32, #tpu.memory_space<vmem>>, vector<1x16xf32>,
    %get3A_689 = arith.index_cast %add3A_658 : i32 to index
    %get3A_690 = arith.constant 48 : index
    %get3A_691 = tpu.vector_load %arg14[%get3A_689, %get3A_690] {strides = array<i32>} : memref<16x128xf32, #tpu.memory_space<vmem>>, vector<1x16xf32>,
    %get3A_692 = vector.shape_cast %get3A_691 : vector<1x16xf32> to vector<16xf32>
    %mul3A_693 = arith.mulf %get3A_692, %gather3A_654 : vector<16xf32>
    %swap3A_694 = arith.index_cast %add3A_658 : i32 to index
    %swap3A_695 = arith.constant 48 : index
    %swap3A_696 = tpu.vector_load %arg14[%swap3A_694, %swap3A_695] {strides = array<i32>} : memref<16x128xf32, #tpu.memory_space<vmem>>, vector<1x16xf32>,
    %swap3A_697 = vector.shape_cast %swap3A_696 : vector<1x16xf32> to vector<16xf32>
    %swap3A_698 = vector.shape_cast %mul3A_693 : vector<16xf32> to vector<1x16xf32>
    tpu.vector_store %arg14[%swap3A_694, %swap3A_695], %swap3A_698 {strides = array<i32>} : memref<16x128xf32, #tpu.memory_space<vmem>>, vector<1x16xf32>,
    %get3A_699 = arith.index_cast %add3A_658 : i32 to index
    %get3A_700 = arith.constant 64 : index
    %get3A_701 = tpu.vector_load %arg14[%get3A_699, %get3A_700] {strides = array<i32>} : memref<16x128xf32, #tpu.memory_space<vmem>>, vector<1x16xf32>,
    %get3A_702 = vector.shape_cast %get3A_701 : vector<1x16xf32> to vector<16xf32>
    %mul3A_703 = arith.mulf %get3A_702, %gather3A_654 : vector<16xf32>
    %swap3A_704 = arith.index_cast %add3A_658 : i32 to index
    %swap3A_705 = arith.constant 64 : index
    %swap3A_706 = tpu.vector_load %arg14[%swap3A_704, %swap3A_705] {strides = array<i32>} : memref<16x128xf32, #tpu.memory_space<vmem>>, vector<1x16xf32>,
    %swap3A_707 = vector.shape_cast %swap3A_706 : vector<1x16xf32> to vector<16xf32>
    %swap3A_708 = vector.shape_cast %mul3A_703 : vector<16xf32> to vector<1x16xf32>
    tpu.vector_store %arg14[%swap3A_704, %swap3A_705], %swap3A_708 {strides = array<i32>} : memref<16x128xf32, #tpu.memory_space<vmem>>, vector<1x16xf32>,
    %get3A_709 = arith.index_cast %add3A_658 : i32 to index
    %get3A_710 = arith.constant 80 : index
    %get3A_711 = tpu.vector_load %arg14[%get3A_709, %get3A_710] {strides = array<i32>} : memref<16x128xf32, #tpu.memory_space<vmem>>, vector<1x16xf32>,
    %get3A_712 = vector.shape_cast %get3A_711 : vector<1x16xf32> to vector<16xf32>
    %mul3A_713 = arith.mulf %get3A_712, %gather3A_654 : vector<16xf32>
    %swap3A_714 = arith.index_cast %add3A_658 : i32 to index
    %swap3A_715 = arith.constant 80 : index
    %swap3A_716 = tpu.vector_load %arg14[%swap3A_714, %swap3A_715] {strides = array<i32>} : memref<16x128xf32, #tpu.memory_space<vmem>>, vector<1x16xf32>,
    %swap3A_717 = vector.shape_cast %swap3A_716 : vector<1x16xf32> to vector<16xf32>
    %swap3A_718 = vector.shape_cast %mul3A_713 : vector<16xf32> to vector<1x16xf32>
    tpu.vector_store %arg14[%swap3A_714, %swap3A_715], %swap3A_718 {strides = array<i32>} : memref<16x128xf32, #tpu.memory_space<vmem>>, vector<1x16xf32>,
    %get3A_719 = arith.index_cast %add3A_658 : i32 to index
    %get3A_720 = arith.constant 96 : index
    %get3A_721 = tpu.vector_load %arg14[%get3A_719, %get3A_720] {strides = array<i32>} : memref<16x128xf32, #tpu.memory_space<vmem>>, vector<1x16xf32>,
    %get3A_722 = vector.shape_cast %get3A_721 : vector<1x16xf32> to vector<16xf32>
    %mul3A_723 = arith.mulf %get3A_722, %gather3A_654 : vector<16xf32>
    %swap3A_724 = arith.index_cast %add3A_658 : i32 to index
    %swap3A_725 = arith.constant 96 : index
    %swap3A_726 = tpu.vector_load %arg14[%swap3A_724, %swap3A_725] {strides = array<i32>} : memref<16x128xf32, #tpu.memory_space<vmem>>, vector<1x16xf32>,
    %swap3A_727 = vector.shape_cast %swap3A_726 : vector<1x16xf32> to vector<16xf32>
    %swap3A_728 = vector.shape_cast %mul3A_723 : vector<16xf32> to vector<1x16xf32>
    tpu.vector_store %arg14[%swap3A_724, %swap3A_725], %swap3A_728 {strides = array<i32>} : memref<16x128xf32, #tpu.memory_space<vmem>>, vector<1x16xf32>,
    %get3A_729 = arith.index_cast %add3A_658 : i32 to index
    %get3A_730 = arith.constant 112 : index
    %get3A_731 = tpu.vector_load %arg14[%get3A_729, %get3A_730] {strides = array<i32>} : memref<16x128xf32, #tpu.memory_space<vmem>>, vector<1x16xf32>,
    %get3A_732 = vector.shape_cast %get3A_731 : vector<1x16xf32> to vector<16xf32>
    %mul3A_733 = arith.mulf %get3A_732, %gather3A_654 : vector<16xf32>
    %swap3A_734 = arith.index_cast %add3A_658 : i32 to index
    %swap3A_735 = arith.constant 112 : index
    %swap3A_736 = tpu.vector_load %arg14[%swap3A_734, %swap3A_735] {strides = array<i32>} : memref<16x128xf32, #tpu.memory_space<vmem>>, vector<1x16xf32>,
    %swap3A_737 = vector.shape_cast %swap3A_736 : vector<1x16xf32> to vector<16xf32>
    %swap3A_738 = vector.shape_cast %mul3A_733 : vector<16xf32> to vector<1x16xf32>
    tpu.vector_store %arg14[%swap3A_734, %swap3A_735], %swap3A_738 {strides = array<i32>} : memref<16x128xf32, #tpu.memory_space<vmem>>, vector<1x16xf32>,
    %broadcast_in_dim3A_739 = arith.constant 8 : i32
    %broadcast_in_dim3A_740 = vector.broadcast %broadcast_in_dim3A_739 : i32 to vector<16x1xi32>
    %gather3A_741 = vector.shape_cast %broadcast_in_dim3A_740 : vector<16x1xi32> to vector<16xi32>
    %gather3A_742 = tpu.dynamic_gather %get3A_36[%gather3A_741] in [0] : vector<16xf32>, vector<16xi32> -> vector<16xf32>
    %mul3A_743 = arith.constant 16 : i32
    %mul3A_744 = arith.muli %scan3A_32, %mul3A_743 : i32
    %add3A_745 = arith.constant 8 : i32
    %add3A_746 = arith.addi %mul3A_744, %add3A_745 : i32
    %get3A_747 = arith.index_cast %add3A_746 : i32 to index
    %get3A_748 = arith.constant 0 : index
    %get3A_749 = tpu.vector_load %arg14[%get3A_747, %get3A_748] {strides = array<i32>} : memref<16x128xf32, #tpu.memory_space<vmem>>, vector<1x16xf32>,
    %get3A_750 = vector.shape_cast %get3A_749 : vector<1x16xf32> to vector<16xf32>
    %mul3A_751 = arith.mulf %get3A_750, %gather3A_742 : vector<16xf32>
    %swap3A_752 = arith.index_cast %add3A_746 : i32 to index
    %swap3A_753 = arith.constant 0 : index
    %swap3A_754 = tpu.vector_load %arg14[%swap3A_752, %swap3A_753] {strides = array<i32>} : memref<16x128xf32, #tpu.memory_space<vmem>>, vector<1x16xf32>,
    %swap3A_755 = vector.shape_cast %swap3A_754 : vector<1x16xf32> to vector<16xf32>
    %swap3A_756 = vector.shape_cast %mul3A_751 : vector<16xf32> to vector<1x16xf32>
    tpu.vector_store %arg14[%swap3A_752, %swap3A_753], %swap3A_756 {strides = array<i32>} : memref<16x128xf32, #tpu.memory_space<vmem>>, vector<1x16xf32>,
    %get3A_757 = arith.index_cast %add3A_746 : i32 to index
    %get3A_758 = arith.constant 16 : index
    %get3A_759 = tpu.vector_load %arg14[%get3A_757, %get3A_758] {strides = array<i32>} : memref<16x128xf32, #tpu.memory_space<vmem>>, vector<1x16xf32>,
    %get3A_760 = vector.shape_cast %get3A_759 : vector<1x16xf32> to vector<16xf32>
    %mul3A_761 = arith.mulf %get3A_760, %gather3A_742 : vector<16xf32>
    %swap3A_762 = arith.index_cast %add3A_746 : i32 to index
    %swap3A_763 = arith.constant 16 : index
    %swap3A_764 = tpu.vector_load %arg14[%swap3A_762, %swap3A_763] {strides = array<i32>} : memref<16x128xf32, #tpu.memory_space<vmem>>, vector<1x16xf32>,
    %swap3A_765 = vector.shape_cast %swap3A_764 : vector<1x16xf32> to vector<16xf32>
    %swap3A_766 = vector.shape_cast %mul3A_761 : vector<16xf32> to vector<1x16xf32>
    tpu.vector_store %arg14[%swap3A_762, %swap3A_763], %swap3A_766 {strides = array<i32>} : memref<16x128xf32, #tpu.memory_space<vmem>>, vector<1x16xf32>,
    %get3A_767 = arith.index_cast %add3A_746 : i32 to index
    %get3A_768 = arith.constant 32 : index
    %get3A_769 = tpu.vector_load %arg14[%get3A_767, %get3A_768] {strides = array<i32>} : memref<16x128xf32, #tpu.memory_space<vmem>>, vector<1x16xf32>,
    %get3A_770 = vector.shape_cast %get3A_769 : vector<1x16xf32> to vector<16xf32>
    %mul3A_771 = arith.mulf %get3A_770, %gather3A_742 : vector<16xf32>
    %swap3A_772 = arith.index_cast %add3A_746 : i32 to index
    %swap3A_773 = arith.constant 32 : index
    %swap3A_774 = tpu.vector_load %arg14[%swap3A_772, %swap3A_773] {strides = array<i32>} : memref<16x128xf32, #tpu.memory_space<vmem>>, vector<1x16xf32>,
    %swap3A_775 = vector.shape_cast %swap3A_774 : vector<1x16xf32> to vector<16xf32>
    %swap3A_776 = vector.shape_cast %mul3A_771 : vector<16xf32> to vector<1x16xf32>
    tpu.vector_store %arg14[%swap3A_772, %swap3A_773], %swap3A_776 {strides = array<i32>} : memref<16x128xf32, #tpu.memory_space<vmem>>, vector<1x16xf32>,
    %get3A_777 = arith.index_cast %add3A_746 : i32 to index
    %get3A_778 = arith.constant 48 : index
    %get3A_779 = tpu.vector_load %arg14[%get3A_777, %get3A_778] {strides = array<i32>} : memref<16x128xf32, #tpu.memory_space<vmem>>, vector<1x16xf32>,
    %get3A_780 = vector.shape_cast %get3A_779 : vector<1x16xf32> to vector<16xf32>
    %mul3A_781 = arith.mulf %get3A_780, %gather3A_742 : vector<16xf32>
    %swap3A_782 = arith.index_cast %add3A_746 : i32 to index
    %swap3A_783 = arith.constant 48 : index
    %swap3A_784 = tpu.vector_load %arg14[%swap3A_782, %swap3A_783] {strides = array<i32>} : memref<16x128xf32, #tpu.memory_space<vmem>>, vector<1x16xf32>,
    %swap3A_785 = vector.shape_cast %swap3A_784 : vector<1x16xf32> to vector<16xf32>
    %swap3A_786 = vector.shape_cast %mul3A_781 : vector<16xf32> to vector<1x16xf32>
    tpu.vector_store %arg14[%swap3A_782, %swap3A_783], %swap3A_786 {strides = array<i32>} : memref<16x128xf32, #tpu.memory_space<vmem>>, vector<1x16xf32>,
    %get3A_787 = arith.index_cast %add3A_746 : i32 to index
    %get3A_788 = arith.constant 64 : index
    %get3A_789 = tpu.vector_load %arg14[%get3A_787, %get3A_788] {strides = array<i32>} : memref<16x128xf32, #tpu.memory_space<vmem>>, vector<1x16xf32>,
    %get3A_790 = vector.shape_cast %get3A_789 : vector<1x16xf32> to vector<16xf32>
    %mul3A_791 = arith.mulf %get3A_790, %gather3A_742 : vector<16xf32>
    %swap3A_792 = arith.index_cast %add3A_746 : i32 to index
    %swap3A_793 = arith.constant 64 : index
    %swap3A_794 = tpu.vector_load %arg14[%swap3A_792, %swap3A_793] {strides = array<i32>} : memref<16x128xf32, #tpu.memory_space<vmem>>, vector<1x16xf32>,
    %swap3A_795 = vector.shape_cast %swap3A_794 : vector<1x16xf32> to vector<16xf32>
    %swap3A_796 = vector.shape_cast %mul3A_791 : vector<16xf32> to vector<1x16xf32>
    tpu.vector_store %arg14[%swap3A_792, %swap3A_793], %swap3A_796 {strides = array<i32>} : memref<16x128xf32, #tpu.memory_space<vmem>>, vector<1x16xf32>,
    %get3A_797 = arith.index_cast %add3A_746 : i32 to index
    %get3A_798 = arith.constant 80 : index
    %get3A_799 = tpu.vector_load %arg14[%get3A_797, %get3A_798] {strides = array<i32>} : memref<16x128xf32, #tpu.memory_space<vmem>>, vector<1x16xf32>,
    %get3A_800 = vector.shape_cast %get3A_799 : vector<1x16xf32> to vector<16xf32>
    %mul3A_801 = arith.mulf %get3A_800, %gather3A_742 : vector<16xf32>
    %swap3A_802 = arith.index_cast %add3A_746 : i32 to index
    %swap3A_803 = arith.constant 80 : index
    %swap3A_804 = tpu.vector_load %arg14[%swap3A_802, %swap3A_803] {strides = array<i32>} : memref<16x128xf32, #tpu.memory_space<vmem>>, vector<1x16xf32>,
    %swap3A_805 = vector.shape_cast %swap3A_804 : vector<1x16xf32> to vector<16xf32>
    %swap3A_806 = vector.shape_cast %mul3A_801 : vector<16xf32> to vector<1x16xf32>
    tpu.vector_store %arg14[%swap3A_802, %swap3A_803], %swap3A_806 {strides = array<i32>} : memref<16x128xf32, #tpu.memory_space<vmem>>, vector<1x16xf32>,
    %get3A_807 = arith.index_cast %add3A_746 : i32 to index
    %get3A_808 = arith.constant 96 : index
    %get3A_809 = tpu.vector_load %arg14[%get3A_807, %get3A_808] {strides = array<i32>} : memref<16x128xf32, #tpu.memory_space<vmem>>, vector<1x16xf32>,
    %get3A_810 = vector.shape_cast %get3A_809 : vector<1x16xf32> to vector<16xf32>
    %mul3A_811 = arith.mulf %get3A_810, %gather3A_742 : vector<16xf32>
    %swap3A_812 = arith.index_cast %add3A_746 : i32 to index
    %swap3A_813 = arith.constant 96 : index
    %swap3A_814 = tpu.vector_load %arg14[%swap3A_812, %swap3A_813] {strides = array<i32>} : memref<16x128xf32, #tpu.memory_space<vmem>>, vector<1x16xf32>,
    %swap3A_815 = vector.shape_cast %swap3A_814 : vector<1x16xf32> to vector<16xf32>
    %swap3A_816 = vector.shape_cast %mul3A_811 : vector<16xf32> to vector<1x16xf32>
    tpu.vector_store %arg14[%swap3A_812, %swap3A_813], %swap3A_816 {strides = array<i32>} : memref<16x128xf32, #tpu.memory_space<vmem>>, vector<1x16xf32>,
    %get3A_817 = arith.index_cast %add3A_746 : i32 to index
    %get3A_818 = arith.constant 112 : index
    %get3A_819 = tpu.vector_load %arg14[%get3A_817, %get3A_818] {strides = array<i32>} : memref<16x128xf32, #tpu.memory_space<vmem>>, vector<1x16xf32>,
    %get3A_820 = vector.shape_cast %get3A_819 : vector<1x16xf32> to vector<16xf32>
    %mul3A_821 = arith.mulf %get3A_820, %gather3A_742 : vector<16xf32>
    %swap3A_822 = arith.index_cast %add3A_746 : i32 to index
    %swap3A_823 = arith.constant 112 : index
    %swap3A_824 = tpu.vector_load %arg14[%swap3A_822, %swap3A_823] {strides = array<i32>} : memref<16x128xf32, #tpu.memory_space<vmem>>, vector<1x16xf32>,
    %swap3A_825 = vector.shape_cast %swap3A_824 : vector<1x16xf32> to vector<16xf32>
    %swap3A_826 = vector.shape_cast %mul3A_821 : vector<16xf32> to vector<1x16xf32>
    tpu.vector_store %arg14[%swap3A_822, %swap3A_823], %swap3A_826 {strides = array<i32>} : memref<16x128xf32, #tpu.memory_space<vmem>>, vector<1x16xf32>,
    %broadcast_in_dim3A_827 = arith.constant 9 : i32
    %broadcast_in_dim3A_828 = vector.broadcast %broadcast_in_dim3A_827 : i32 to vector<16x1xi32>
    %gather3A_829 = vector.shape_cast %broadcast_in_dim3A_828 : vector<16x1xi32> to vector<16xi32>
    %gather3A_830 = tpu.dynamic_gather %get3A_36[%gather3A_829] in [0] : vector<16xf32>, vector<16xi32> -> vector<16xf32>
    %mul3A_831 = arith.constant 16 : i32
    %mul3A_832 = arith.muli %scan3A_32, %mul3A_831 : i32
    %add3A_833 = arith.constant 9 : i32
    %add3A_834 = arith.addi %mul3A_832, %add3A_833 : i32
    %get3A_835 = arith.index_cast %add3A_834 : i32 to index
    %get3A_836 = arith.constant 0 : index
    %get3A_837 = tpu.vector_load %arg14[%get3A_835, %get3A_836] {strides = array<i32>} : memref<16x128xf32, #tpu.memory_space<vmem>>, vector<1x16xf32>,
    %get3A_838 = vector.shape_cast %get3A_837 : vector<1x16xf32> to vector<16xf32>
    %mul3A_839 = arith.mulf %get3A_838, %gather3A_830 : vector<16xf32>
    %swap3A_840 = arith.index_cast %add3A_834 : i32 to index
    %swap3A_841 = arith.constant 0 : index
    %swap3A_842 = tpu.vector_load %arg14[%swap3A_840, %swap3A_841] {strides = array<i32>} : memref<16x128xf32, #tpu.memory_space<vmem>>, vector<1x16xf32>,
    %swap3A_843 = vector.shape_cast %swap3A_842 : vector<1x16xf32> to vector<16xf32>
    %swap3A_844 = vector.shape_cast %mul3A_839 : vector<16xf32> to vector<1x16xf32>
    tpu.vector_store %arg14[%swap3A_840, %swap3A_841], %swap3A_844 {strides = array<i32>} : memref<16x128xf32, #tpu.memory_space<vmem>>, vector<1x16xf32>,
    %get3A_845 = arith.index_cast %add3A_834 : i32 to index
    %get3A_846 = arith.constant 16 : index
    %get3A_847 = tpu.vector_load %arg14[%get3A_845, %get3A_846] {strides = array<i32>} : memref<16x128xf32, #tpu.memory_space<vmem>>, vector<1x16xf32>,
    %get3A_848 = vector.shape_cast %get3A_847 : vector<1x16xf32> to vector<16xf32>
    %mul3A_849 = arith.mulf %get3A_848, %gather3A_830 : vector<16xf32>
    %swap3A_850 = arith.index_cast %add3A_834 : i32 to index
    %swap3A_851 = arith.constant 16 : index
    %swap3A_852 = tpu.vector_load %arg14[%swap3A_850, %swap3A_851] {strides = array<i32>} : memref<16x128xf32, #tpu.memory_space<vmem>>, vector<1x16xf32>,
    %swap3A_853 = vector.shape_cast %swap3A_852 : vector<1x16xf32> to vector<16xf32>
    %swap3A_854 = vector.shape_cast %mul3A_849 : vector<16xf32> to vector<1x16xf32>
    tpu.vector_store %arg14[%swap3A_850, %swap3A_851], %swap3A_854 {strides = array<i32>} : memref<16x128xf32, #tpu.memory_space<vmem>>, vector<1x16xf32>,
    %get3A_855 = arith.index_cast %add3A_834 : i32 to index
    %get3A_856 = arith.constant 32 : index
    %get3A_857 = tpu.vector_load %arg14[%get3A_855, %get3A_856] {strides = array<i32>} : memref<16x128xf32, #tpu.memory_space<vmem>>, vector<1x16xf32>,
    %get3A_858 = vector.shape_cast %get3A_857 : vector<1x16xf32> to vector<16xf32>
    %mul3A_859 = arith.mulf %get3A_858, %gather3A_830 : vector<16xf32>
    %swap3A_860 = arith.index_cast %add3A_834 : i32 to index
    %swap3A_861 = arith.constant 32 : index
    %swap3A_862 = tpu.vector_load %arg14[%swap3A_860, %swap3A_861] {strides = array<i32>} : memref<16x128xf32, #tpu.memory_space<vmem>>, vector<1x16xf32>,
    %swap3A_863 = vector.shape_cast %swap3A_862 : vector<1x16xf32> to vector<16xf32>
    %swap3A_864 = vector.shape_cast %mul3A_859 : vector<16xf32> to vector<1x16xf32>
    tpu.vector_store %arg14[%swap3A_860, %swap3A_861], %swap3A_864 {strides = array<i32>} : memref<16x128xf32, #tpu.memory_space<vmem>>, vector<1x16xf32>,
    %get3A_865 = arith.index_cast %add3A_834 : i32 to index
    %get3A_866 = arith.constant 48 : index
    %get3A_867 = tpu.vector_load %arg14[%get3A_865, %get3A_866] {strides = array<i32>} : memref<16x128xf32, #tpu.memory_space<vmem>>, vector<1x16xf32>,
    %get3A_868 = vector.shape_cast %get3A_867 : vector<1x16xf32> to vector<16xf32>
    %mul3A_869 = arith.mulf %get3A_868, %gather3A_830 : vector<16xf32>
    %swap3A_870 = arith.index_cast %add3A_834 : i32 to index
    %swap3A_871 = arith.constant 48 : index
    %swap3A_872 = tpu.vector_load %arg14[%swap3A_870, %swap3A_871] {strides = array<i32>} : memref<16x128xf32, #tpu.memory_space<vmem>>, vector<1x16xf32>,
    %swap3A_873 = vector.shape_cast %swap3A_872 : vector<1x16xf32> to vector<16xf32>
    %swap3A_874 = vector.shape_cast %mul3A_869 : vector<16xf32> to vector<1x16xf32>
    tpu.vector_store %arg14[%swap3A_870, %swap3A_871], %swap3A_874 {strides = array<i32>} : memref<16x128xf32, #tpu.memory_space<vmem>>, vector<1x16xf32>,
    %get3A_875 = arith.index_cast %add3A_834 : i32 to index
    %get3A_876 = arith.constant 64 : index
    %get3A_877 = tpu.vector_load %arg14[%get3A_875, %get3A_876] {strides = array<i32>} : memref<16x128xf32, #tpu.memory_space<vmem>>, vector<1x16xf32>,
    %get3A_878 = vector.shape_cast %get3A_877 : vector<1x16xf32> to vector<16xf32>
    %mul3A_879 = arith.mulf %get3A_878, %gather3A_830 : vector<16xf32>
    %swap3A_880 = arith.index_cast %add3A_834 : i32 to index
    %swap3A_881 = arith.constant 64 : index
    %swap3A_882 = tpu.vector_load %arg14[%swap3A_880, %swap3A_881] {strides = array<i32>} : memref<16x128xf32, #tpu.memory_space<vmem>>, vector<1x16xf32>,
    %swap3A_883 = vector.shape_cast %swap3A_882 : vector<1x16xf32> to vector<16xf32>
    %swap3A_884 = vector.shape_cast %mul3A_879 : vector<16xf32> to vector<1x16xf32>
    tpu.vector_store %arg14[%swap3A_880, %swap3A_881], %swap3A_884 {strides = array<i32>} : memref<16x128xf32, #tpu.memory_space<vmem>>, vector<1x16xf32>,
    %get3A_885 = arith.index_cast %add3A_834 : i32 to index
    %get3A_886 = arith.constant 80 : index
    %get3A_887 = tpu.vector_load %arg14[%get3A_885, %get3A_886] {strides = array<i32>} : memref<16x128xf32, #tpu.memory_space<vmem>>, vector<1x16xf32>,
    %get3A_888 = vector.shape_cast %get3A_887 : vector<1x16xf32> to vector<16xf32>
    %mul3A_889 = arith.mulf %get3A_888, %gather3A_830 : vector<16xf32>
    %swap3A_890 = arith.index_cast %add3A_834 : i32 to index
    %swap3A_891 = arith.constant 80 : index
    %swap3A_892 = tpu.vector_load %arg14[%swap3A_890, %swap3A_891] {strides = array<i32>} : memref<16x128xf32, #tpu.memory_space<vmem>>, vector<1x16xf32>,
    %swap3A_893 = vector.shape_cast %swap3A_892 : vector<1x16xf32> to vector<16xf32>
    %swap3A_894 = vector.shape_cast %mul3A_889 : vector<16xf32> to vector<1x16xf32>
    tpu.vector_store %arg14[%swap3A_890, %swap3A_891], %swap3A_894 {strides = array<i32>} : memref<16x128xf32, #tpu.memory_space<vmem>>, vector<1x16xf32>,
    %get3A_895 = arith.index_cast %add3A_834 : i32 to index
    %get3A_896 = arith.constant 96 : index
    %get3A_897 = tpu.vector_load %arg14[%get3A_895, %get3A_896] {strides = array<i32>} : memref<16x128xf32, #tpu.memory_space<vmem>>, vector<1x16xf32>,
    %get3A_898 = vector.shape_cast %get3A_897 : vector<1x16xf32> to vector<16xf32>
    %mul3A_899 = arith.mulf %get3A_898, %gather3A_830 : vector<16xf32>
    %swap3A_900 = arith.index_cast %add3A_834 : i32 to index
    %swap3A_901 = arith.constant 96 : index
    %swap3A_902 = tpu.vector_load %arg14[%swap3A_900, %swap3A_901] {strides = array<i32>} : memref<16x128xf32, #tpu.memory_space<vmem>>, vector<1x16xf32>,
    %swap3A_903 = vector.shape_cast %swap3A_902 : vector<1x16xf32> to vector<16xf32>
    %swap3A_904 = vector.shape_cast %mul3A_899 : vector<16xf32> to vector<1x16xf32>
    tpu.vector_store %arg14[%swap3A_900, %swap3A_901], %swap3A_904 {strides = array<i32>} : memref<16x128xf32, #tpu.memory_space<vmem>>, vector<1x16xf32>,
    %get3A_905 = arith.index_cast %add3A_834 : i32 to index
    %get3A_906 = arith.constant 112 : index
    %get3A_907 = tpu.vector_load %arg14[%get3A_905, %get3A_906] {strides = array<i32>} : memref<16x128xf32, #tpu.memory_space<vmem>>, vector<1x16xf32>,
    %get3A_908 = vector.shape_cast %get3A_907 : vector<1x16xf32> to vector<16xf32>
    %mul3A_909 = arith.mulf %get3A_908, %gather3A_830 : vector<16xf32>
    %swap3A_910 = arith.index_cast %add3A_834 : i32 to index
    %swap3A_911 = arith.constant 112 : index
    %swap3A_912 = tpu.vector_load %arg14[%swap3A_910, %swap3A_911] {strides = array<i32>} : memref<16x128xf32, #tpu.memory_space<vmem>>, vector<1x16xf32>,
    %swap3A_913 = vector.shape_cast %swap3A_912 : vector<1x16xf32> to vector<16xf32>
    %swap3A_914 = vector.shape_cast %mul3A_909 : vector<16xf32> to vector<1x16xf32>
    tpu.vector_store %arg14[%swap3A_910, %swap3A_911], %swap3A_914 {strides = array<i32>} : memref<16x128xf32, #tpu.memory_space<vmem>>, vector<1x16xf32>,
    %broadcast_in_dim3A_915 = arith.constant 10 : i32
    %broadcast_in_dim3A_916 = vector.broadcast %broadcast_in_dim3A_915 : i32 to vector<16x1xi32>
    %gather3A_917 = vector.shape_cast %broadcast_in_dim3A_916 : vector<16x1xi32> to vector<16xi32>
    %gather3A_918 = tpu.dynamic_gather %get3A_36[%gather3A_917] in [0] : vector<16xf32>, vector<16xi32> -> vector<16xf32>
    %mul3A_919 = arith.constant 16 : i32
    %mul3A_920 = arith.muli %scan3A_32, %mul3A_919 : i32
    %add3A_921 = arith.constant 10 : i32
    %add3A_922 = arith.addi %mul3A_920, %add3A_921 : i32
    %get3A_923 = arith.index_cast %add3A_922 : i32 to index
    %get3A_924 = arith.constant 0 : index
    %get3A_925 = tpu.vector_load %arg14[%get3A_923, %get3A_924] {strides = array<i32>} : memref<16x128xf32, #tpu.memory_space<vmem>>, vector<1x16xf32>,
    %get3A_926 = vector.shape_cast %get3A_925 : vector<1x16xf32> to vector<16xf32>
    %mul3A_927 = arith.mulf %get3A_926, %gather3A_918 : vector<16xf32>
    %swap3A_928 = arith.index_cast %add3A_922 : i32 to index
    %swap3A_929 = arith.constant 0 : index
    %swap3A_930 = tpu.vector_load %arg14[%swap3A_928, %swap3A_929] {strides = array<i32>} : memref<16x128xf32, #tpu.memory_space<vmem>>, vector<1x16xf32>,
    %swap3A_931 = vector.shape_cast %swap3A_930 : vector<1x16xf32> to vector<16xf32>
    %swap3A_932 = vector.shape_cast %mul3A_927 : vector<16xf32> to vector<1x16xf32>
    tpu.vector_store %arg14[%swap3A_928, %swap3A_929], %swap3A_932 {strides = array<i32>} : memref<16x128xf32, #tpu.memory_space<vmem>>, vector<1x16xf32>,
    %get3A_933 = arith.index_cast %add3A_922 : i32 to index
    %get3A_934 = arith.constant 16 : index
    %get3A_935 = tpu.vector_load %arg14[%get3A_933, %get3A_934] {strides = array<i32>} : memref<16x128xf32, #tpu.memory_space<vmem>>, vector<1x16xf32>,
    %get3A_936 = vector.shape_cast %get3A_935 : vector<1x16xf32> to vector<16xf32>
    %mul3A_937 = arith.mulf %get3A_936, %gather3A_918 : vector<16xf32>
    %swap3A_938 = arith.index_cast %add3A_922 : i32 to index
    %swap3A_939 = arith.constant 16 : index
    %swap3A_940 = tpu.vector_load %arg14[%swap3A_938, %swap3A_939] {strides = array<i32>} : memref<16x128xf32, #tpu.memory_space<vmem>>, vector<1x16xf32>,
    %swap3A_941 = vector.shape_cast %swap3A_940 : vector<1x16xf32> to vector<16xf32>
    %swap3A_942 = vector.shape_cast %mul3A_937 : vector<16xf32> to vector<1x16xf32>
    tpu.vector_store %arg14[%swap3A_938, %swap3A_939], %swap3A_942 {strides = array<i32>} : memref<16x128xf32, #tpu.memory_space<vmem>>, vector<1x16xf32>,
    %get3A_943 = arith.index_cast %add3A_922 : i32 to index
    %get3A_944 = arith.constant 32 : index
    %get3A_945 = tpu.vector_load %arg14[%get3A_943, %get3A_944] {strides = array<i32>} : memref<16x128xf32, #tpu.memory_space<vmem>>, vector<1x16xf32>,
    %get3A_946 = vector.shape_cast %get3A_945 : vector<1x16xf32> to vector<16xf32>
    %mul3A_947 = arith.mulf %get3A_946, %gather3A_918 : vector<16xf32>
    %swap3A_948 = arith.index_cast %add3A_922 : i32 to index
    %swap3A_949 = arith.constant 32 : index
    %swap3A_950 = tpu.vector_load %arg14[%swap3A_948, %swap3A_949] {strides = array<i32>} : memref<16x128xf32, #tpu.memory_space<vmem>>, vector<1x16xf32>,
    %swap3A_951 = vector.shape_cast %swap3A_950 : vector<1x16xf32> to vector<16xf32>
    %swap3A_952 = vector.shape_cast %mul3A_947 : vector<16xf32> to vector<1x16xf32>
    tpu.vector_store %arg14[%swap3A_948, %swap3A_949], %swap3A_952 {strides = array<i32>} : memref<16x128xf32, #tpu.memory_space<vmem>>, vector<1x16xf32>,
    %get3A_953 = arith.index_cast %add3A_922 : i32 to index
    %get3A_954 = arith.constant 48 : index
    %get3A_955 = tpu.vector_load %arg14[%get3A_953, %get3A_954] {strides = array<i32>} : memref<16x128xf32, #tpu.memory_space<vmem>>, vector<1x16xf32>,
    %get3A_956 = vector.shape_cast %get3A_955 : vector<1x16xf32> to vector<16xf32>
    %mul3A_957 = arith.mulf %get3A_956, %gather3A_918 : vector<16xf32>
    %swap3A_958 = arith.index_cast %add3A_922 : i32 to index
    %swap3A_959 = arith.constant 48 : index
    %swap3A_960 = tpu.vector_load %arg14[%swap3A_958, %swap3A_959] {strides = array<i32>} : memref<16x128xf32, #tpu.memory_space<vmem>>, vector<1x16xf32>,
    %swap3A_961 = vector.shape_cast %swap3A_960 : vector<1x16xf32> to vector<16xf32>
    %swap3A_962 = vector.shape_cast %mul3A_957 : vector<16xf32> to vector<1x16xf32>
    tpu.vector_store %arg14[%swap3A_958, %swap3A_959], %swap3A_962 {strides = array<i32>} : memref<16x128xf32, #tpu.memory_space<vmem>>, vector<1x16xf32>,
    %get3A_963 = arith.index_cast %add3A_922 : i32 to index
    %get3A_964 = arith.constant 64 : index
    %get3A_965 = tpu.vector_load %arg14[%get3A_963, %get3A_964] {strides = array<i32>} : memref<16x128xf32, #tpu.memory_space<vmem>>, vector<1x16xf32>,
    %get3A_966 = vector.shape_cast %get3A_965 : vector<1x16xf32> to vector<16xf32>
    %mul3A_967 = arith.mulf %get3A_966, %gather3A_918 : vector<16xf32>
    %swap3A_968 = arith.index_cast %add3A_922 : i32 to index
    %swap3A_969 = arith.constant 64 : index
    %swap3A_970 = tpu.vector_load %arg14[%swap3A_968, %swap3A_969] {strides = array<i32>} : memref<16x128xf32, #tpu.memory_space<vmem>>, vector<1x16xf32>,
    %swap3A_971 = vector.shape_cast %swap3A_970 : vector<1x16xf32> to vector<16xf32>
    %swap3A_972 = vector.shape_cast %mul3A_967 : vector<16xf32> to vector<1x16xf32>
    tpu.vector_store %arg14[%swap3A_968, %swap3A_969], %swap3A_972 {strides = array<i32>} : memref<16x128xf32, #tpu.memory_space<vmem>>, vector<1x16xf32>,
    %get3A_973 = arith.index_cast %add3A_922 : i32 to index
    %get3A_974 = arith.constant 80 : index
    %get3A_975 = tpu.vector_load %arg14[%get3A_973, %get3A_974] {strides = array<i32>} : memref<16x128xf32, #tpu.memory_space<vmem>>, vector<1x16xf32>,
    %get3A_976 = vector.shape_cast %get3A_975 : vector<1x16xf32> to vector<16xf32>
    %mul3A_977 = arith.mulf %get3A_976, %gather3A_918 : vector<16xf32>
    %swap3A_978 = arith.index_cast %add3A_922 : i32 to index
    %swap3A_979 = arith.constant 80 : index
    %swap3A_980 = tpu.vector_load %arg14[%swap3A_978, %swap3A_979] {strides = array<i32>} : memref<16x128xf32, #tpu.memory_space<vmem>>, vector<1x16xf32>,
    %swap3A_981 = vector.shape_cast %swap3A_980 : vector<1x16xf32> to vector<16xf32>
    %swap3A_982 = vector.shape_cast %mul3A_977 : vector<16xf32> to vector<1x16xf32>
    tpu.vector_store %arg14[%swap3A_978, %swap3A_979], %swap3A_982 {strides = array<i32>} : memref<16x128xf32, #tpu.memory_space<vmem>>, vector<1x16xf32>,
    %get3A_983 = arith.index_cast %add3A_922 : i32 to index
    %get3A_984 = arith.constant 96 : index
    %get3A_985 = tpu.vector_load %arg14[%get3A_983, %get3A_984] {strides = array<i32>} : memref<16x128xf32, #tpu.memory_space<vmem>>, vector<1x16xf32>,
    %get3A_986 = vector.shape_cast %get3A_985 : vector<1x16xf32> to vector<16xf32>
    %mul3A_987 = arith.mulf %get3A_986, %gather3A_918 : vector<16xf32>
    %swap3A_988 = arith.index_cast %add3A_922 : i32 to index
    %swap3A_989 = arith.constant 96 : index
    %swap3A_990 = tpu.vector_load %arg14[%swap3A_988, %swap3A_989] {strides = array<i32>} : memref<16x128xf32, #tpu.memory_space<vmem>>, vector<1x16xf32>,
    %swap3A_991 = vector.shape_cast %swap3A_990 : vector<1x16xf32> to vector<16xf32>
    %swap3A_992 = vector.shape_cast %mul3A_987 : vector<16xf32> to vector<1x16xf32>
    tpu.vector_store %arg14[%swap3A_988, %swap3A_989], %swap3A_992 {strides = array<i32>} : memref<16x128xf32, #tpu.memory_space<vmem>>, vector<1x16xf32>,
    %get3A_993 = arith.index_cast %add3A_922 : i32 to index
    %get3A_994 = arith.constant 112 : index
    %get3A_995 = tpu.vector_load %arg14[%get3A_993, %get3A_994] {strides = array<i32>} : memref<16x128xf32, #tpu.memory_space<vmem>>, vector<1x16xf32>,
    %get3A_996 = vector.shape_cast %get3A_995 : vector<1x16xf32> to vector<16xf32>
    %mul3A_997 = arith.mulf %get3A_996, %gather3A_918 : vector<16xf32>
    %swap3A_998 = arith.index_cast %add3A_922 : i32 to index
    %swap3A_999 = arith.constant 112 : index
    %swap3A_1000 = tpu.vector_load %arg14[%swap3A_998, %swap3A_999] {strides = array<i32>} : memref<16x128xf32, #tpu.memory_space<vmem>>, vector<1x16xf32>,
    %swap3A_1001 = vector.shape_cast %swap3A_1000 : vector<1x16xf32> to vector<16xf32>
    %swap3A_1002 = vector.shape_cast %mul3A_997 : vector<16xf32> to vector<1x16xf32>
    tpu.vector_store %arg14[%swap3A_998, %swap3A_999], %swap3A_1002 {strides = array<i32>} : memref<16x128xf32, #tpu.memory_space<vmem>>, vector<1x16xf32>,
    %broadcast_in_dim3A_1003 = arith.constant 11 : i32
    %broadcast_in_dim3A_1004 = vector.broadcast %broadcast_in_dim3A_1003 : i32 to vector<16x1xi32>
    %gather3A_1005 = vector.shape_cast %broadcast_in_dim3A_1004 : vector<16x1xi32> to vector<16xi32>
    %gather3A_1006 = tpu.dynamic_gather %get3A_36[%gather3A_1005] in [0] : vector<16xf32>, vector<16xi32> -> vector<16xf32>
    %mul3A_1007 = arith.constant 16 : i32
    %mul3A_1008 = arith.muli %scan3A_32, %mul3A_1007 : i32
    %add3A_1009 = arith.constant 11 : i32
    %add3A_1010 = arith.addi %mul3A_1008, %add3A_1009 : i32
    %get3A_1011 = arith.index_cast %add3A_1010 : i32 to index
    %get3A_1012 = arith.constant 0 : index
    %get3A_1013 = tpu.vector_load %arg14[%get3A_1011, %get3A_1012] {strides = array<i32>} : memref<16x128xf32, #tpu.memory_space<vmem>>, vector<1x16xf32>,
    %get3A_1014 = vector.shape_cast %get3A_1013 : vector<1x16xf32> to vector<16xf32>
    %mul3A_1015 = arith.mulf %get3A_1014, %gather3A_1006 : vector<16xf32>
    %swap3A_1016 = arith.index_cast %add3A_1010 : i32 to index
    %swap3A_1017 = arith.constant 0 : index
    %swap3A_1018 = tpu.vector_load %arg14[%swap3A_1016, %swap3A_1017] {strides = array<i32>} : memref<16x128xf32, #tpu.memory_space<vmem>>, vector<1x16xf32>,
    %swap3A_1019 = vector.shape_cast %swap3A_1018 : vector<1x16xf32> to vector<16xf32>
    %swap3A_1020 = vector.shape_cast %mul3A_1015 : vector<16xf32> to vector<1x16xf32>
    tpu.vector_store %arg14[%swap3A_1016, %swap3A_1017], %swap3A_1020 {strides = array<i32>} : memref<16x128xf32, #tpu.memory_space<vmem>>, vector<1x16xf32>,
    %get3A_1021 = arith.index_cast %add3A_1010 : i32 to index
    %get3A_1022 = arith.constant 16 : index
    %get3A_1023 = tpu.vector_load %arg14[%get3A_1021, %get3A_1022] {strides = array<i32>} : memref<16x128xf32, #tpu.memory_space<vmem>>, vector<1x16xf32>,
    %get3A_1024 = vector.shape_cast %get3A_1023 : vector<1x16xf32> to vector<16xf32>
    %mul3A_1025 = arith.mulf %get3A_1024, %gather3A_1006 : vector<16xf32>
    %swap3A_1026 = arith.index_cast %add3A_1010 : i32 to index
    %swap3A_1027 = arith.constant 16 : index
    %swap3A_1028 = tpu.vector_load %arg14[%swap3A_1026, %swap3A_1027] {strides = array<i32>} : memref<16x128xf32, #tpu.memory_space<vmem>>, vector<1x16xf32>,
    %swap3A_1029 = vector.shape_cast %swap3A_1028 : vector<1x16xf32> to vector<16xf32>
    %swap3A_1030 = vector.shape_cast %mul3A_1025 : vector<16xf32> to vector<1x16xf32>
    tpu.vector_store %arg14[%swap3A_1026, %swap3A_1027], %swap3A_1030 {strides = array<i32>} : memref<16x128xf32, #tpu.memory_space<vmem>>, vector<1x16xf32>,
    %get3A_1031 = arith.index_cast %add3A_1010 : i32 to index
    %get3A_1032 = arith.constant 32 : index
    %get3A_1033 = tpu.vector_load %arg14[%get3A_1031, %get3A_1032] {strides = array<i32>} : memref<16x128xf32, #tpu.memory_space<vmem>>, vector<1x16xf32>,
    %get3A_1034 = vector.shape_cast %get3A_1033 : vector<1x16xf32> to vector<16xf32>
    %mul3A_1035 = arith.mulf %get3A_1034, %gather3A_1006 : vector<16xf32>
    %swap3A_1036 = arith.index_cast %add3A_1010 : i32 to index
    %swap3A_1037 = arith.constant 32 : index
    %swap3A_1038 = tpu.vector_load %arg14[%swap3A_1036, %swap3A_1037] {strides = array<i32>} : memref<16x128xf32, #tpu.memory_space<vmem>>, vector<1x16xf32>,
    %swap3A_1039 = vector.shape_cast %swap3A_1038 : vector<1x16xf32> to vector<16xf32>
    %swap3A_1040 = vector.shape_cast %mul3A_1035 : vector<16xf32> to vector<1x16xf32>
    tpu.vector_store %arg14[%swap3A_1036, %swap3A_1037], %swap3A_1040 {strides = array<i32>} : memref<16x128xf32, #tpu.memory_space<vmem>>, vector<1x16xf32>,
    %get3A_1041 = arith.index_cast %add3A_1010 : i32 to index
    %get3A_1042 = arith.constant 48 : index
    %get3A_1043 = tpu.vector_load %arg14[%get3A_1041, %get3A_1042] {strides = array<i32>} : memref<16x128xf32, #tpu.memory_space<vmem>>, vector<1x16xf32>,
    %get3A_1044 = vector.shape_cast %get3A_1043 : vector<1x16xf32> to vector<16xf32>
    %mul3A_1045 = arith.mulf %get3A_1044, %gather3A_1006 : vector<16xf32>
    %swap3A_1046 = arith.index_cast %add3A_1010 : i32 to index
    %swap3A_1047 = arith.constant 48 : index
    %swap3A_1048 = tpu.vector_load %arg14[%swap3A_1046, %swap3A_1047] {strides = array<i32>} : memref<16x128xf32, #tpu.memory_space<vmem>>, vector<1x16xf32>,
    %swap3A_1049 = vector.shape_cast %swap3A_1048 : vector<1x16xf32> to vector<16xf32>
    %swap3A_1050 = vector.shape_cast %mul3A_1045 : vector<16xf32> to vector<1x16xf32>
    tpu.vector_store %arg14[%swap3A_1046, %swap3A_1047], %swap3A_1050 {strides = array<i32>} : memref<16x128xf32, #tpu.memory_space<vmem>>, vector<1x16xf32>,
    %get3A_1051 = arith.index_cast %add3A_1010 : i32 to index
    %get3A_1052 = arith.constant 64 : index
    %get3A_1053 = tpu.vector_load %arg14[%get3A_1051, %get3A_1052] {strides = array<i32>} : memref<16x128xf32, #tpu.memory_space<vmem>>, vector<1x16xf32>,
    %get3A_1054 = vector.shape_cast %get3A_1053 : vector<1x16xf32> to vector<16xf32>
    %mul3A_1055 = arith.mulf %get3A_1054, %gather3A_1006 : vector<16xf32>
    %swap3A_1056 = arith.index_cast %add3A_1010 : i32 to index
    %swap3A_1057 = arith.constant 64 : index
    %swap3A_1058 = tpu.vector_load %arg14[%swap3A_1056, %swap3A_1057] {strides = array<i32>} : memref<16x128xf32, #tpu.memory_space<vmem>>, vector<1x16xf32>,
    %swap3A_1059 = vector.shape_cast %swap3A_1058 : vector<1x16xf32> to vector<16xf32>
    %swap3A_1060 = vector.shape_cast %mul3A_1055 : vector<16xf32> to vector<1x16xf32>
    tpu.vector_store %arg14[%swap3A_1056, %swap3A_1057], %swap3A_1060 {strides = array<i32>} : memref<16x128xf32, #tpu.memory_space<vmem>>, vector<1x16xf32>,
    %get3A_1061 = arith.index_cast %add3A_1010 : i32 to index
    %get3A_1062 = arith.constant 80 : index
    %get3A_1063 = tpu.vector_load %arg14[%get3A_1061, %get3A_1062] {strides = array<i32>} : memref<16x128xf32, #tpu.memory_space<vmem>>, vector<1x16xf32>,
    %get3A_1064 = vector.shape_cast %get3A_1063 : vector<1x16xf32> to vector<16xf32>
    %mul3A_1065 = arith.mulf %get3A_1064, %gather3A_1006 : vector<16xf32>
    %swap3A_1066 = arith.index_cast %add3A_1010 : i32 to index
    %swap3A_1067 = arith.constant 80 : index
    %swap3A_1068 = tpu.vector_load %arg14[%swap3A_1066, %swap3A_1067] {strides = array<i32>} : memref<16x128xf32, #tpu.memory_space<vmem>>, vector<1x16xf32>,
    %swap3A_1069 = vector.shape_cast %swap3A_1068 : vector<1x16xf32> to vector<16xf32>
    %swap3A_1070 = vector.shape_cast %mul3A_1065 : vector<16xf32> to vector<1x16xf32>
    tpu.vector_store %arg14[%swap3A_1066, %swap3A_1067], %swap3A_1070 {strides = array<i32>} : memref<16x128xf32, #tpu.memory_space<vmem>>, vector<1x16xf32>,
    %get3A_1071 = arith.index_cast %add3A_1010 : i32 to index
    %get3A_1072 = arith.constant 96 : index
    %get3A_1073 = tpu.vector_load %arg14[%get3A_1071, %get3A_1072] {strides = array<i32>} : memref<16x128xf32, #tpu.memory_space<vmem>>, vector<1x16xf32>,
    %get3A_1074 = vector.shape_cast %get3A_1073 : vector<1x16xf32> to vector<16xf32>
    %mul3A_1075 = arith.mulf %get3A_1074, %gather3A_1006 : vector<16xf32>
    %swap3A_1076 = arith.index_cast %add3A_1010 : i32 to index
    %swap3A_1077 = arith.constant 96 : index
    %swap3A_1078 = tpu.vector_load %arg14[%swap3A_1076, %swap3A_1077] {strides = array<i32>} : memref<16x128xf32, #tpu.memory_space<vmem>>, vector<1x16xf32>,
    %swap3A_1079 = vector.shape_cast %swap3A_1078 : vector<1x16xf32> to vector<16xf32>
    %swap3A_1080 = vector.shape_cast %mul3A_1075 : vector<16xf32> to vector<1x16xf32>
    tpu.vector_store %arg14[%swap3A_1076, %swap3A_1077], %swap3A_1080 {strides = array<i32>} : memref<16x128xf32, #tpu.memory_space<vmem>>, vector<1x16xf32>,
    %get3A_1081 = arith.index_cast %add3A_1010 : i32 to index
    %get3A_1082 = arith.constant 112 : index
    %get3A_1083 = tpu.vector_load %arg14[%get3A_1081, %get3A_1082] {strides = array<i32>} : memref<16x128xf32, #tpu.memory_space<vmem>>, vector<1x16xf32>,
    %get3A_1084 = vector.shape_cast %get3A_1083 : vector<1x16xf32> to vector<16xf32>
    %mul3A_1085 = arith.mulf %get3A_1084, %gather3A_1006 : vector<16xf32>
    %swap3A_1086 = arith.index_cast %add3A_1010 : i32 to index
    %swap3A_1087 = arith.constant 112 : index
    %swap3A_1088 = tpu.vector_load %arg14[%swap3A_1086, %swap3A_1087] {strides = array<i32>} : memref<16x128xf32, #tpu.memory_space<vmem>>, vector<1x16xf32>,
    %swap3A_1089 = vector.shape_cast %swap3A_1088 : vector<1x16xf32> to vector<16xf32>
    %swap3A_1090 = vector.shape_cast %mul3A_1085 : vector<16xf32> to vector<1x16xf32>
    tpu.vector_store %arg14[%swap3A_1086, %swap3A_1087], %swap3A_1090 {strides = array<i32>} : memref<16x128xf32, #tpu.memory_space<vmem>>, vector<1x16xf32>,
    %broadcast_in_dim3A_1091 = arith.constant 12 : i32
    %broadcast_in_dim3A_1092 = vector.broadcast %broadcast_in_dim3A_1091 : i32 to vector<16x1xi32>
    %gather3A_1093 = vector.shape_cast %broadcast_in_dim3A_1092 : vector<16x1xi32> to vector<16xi32>
    %gather3A_1094 = tpu.dynamic_gather %get3A_36[%gather3A_1093] in [0] : vector<16xf32>, vector<16xi32> -> vector<16xf32>
    %mul3A_1095 = arith.constant 16 : i32
    %mul3A_1096 = arith.muli %scan3A_32, %mul3A_1095 : i32
    %add3A_1097 = arith.constant 12 : i32
    %add3A_1098 = arith.addi %mul3A_1096, %add3A_1097 : i32
    %get3A_1099 = arith.index_cast %add3A_1098 : i32 to index
    %get3A_1100 = arith.constant 0 : index
    %get3A_1101 = tpu.vector_load %arg14[%get3A_1099, %get3A_1100] {strides = array<i32>} : memref<16x128xf32, #tpu.memory_space<vmem>>, vector<1x16xf32>,
    %get3A_1102 = vector.shape_cast %get3A_1101 : vector<1x16xf32> to vector<16xf32>
    %mul3A_1103 = arith.mulf %get3A_1102, %gather3A_1094 : vector<16xf32>
    %swap3A_1104 = arith.index_cast %add3A_1098 : i32 to index
    %swap3A_1105 = arith.constant 0 : index
    %swap3A_1106 = tpu.vector_load %arg14[%swap3A_1104, %swap3A_1105] {strides = array<i32>} : memref<16x128xf32, #tpu.memory_space<vmem>>, vector<1x16xf32>,
    %swap3A_1107 = vector.shape_cast %swap3A_1106 : vector<1x16xf32> to vector<16xf32>
    %swap3A_1108 = vector.shape_cast %mul3A_1103 : vector<16xf32> to vector<1x16xf32>
    tpu.vector_store %arg14[%swap3A_1104, %swap3A_1105], %swap3A_1108 {strides = array<i32>} : memref<16x128xf32, #tpu.memory_space<vmem>>, vector<1x16xf32>,
    %get3A_1109 = arith.index_cast %add3A_1098 : i32 to index
    %get3A_1110 = arith.constant 16 : index
    %get3A_1111 = tpu.vector_load %arg14[%get3A_1109, %get3A_1110] {strides = array<i32>} : memref<16x128xf32, #tpu.memory_space<vmem>>, vector<1x16xf32>,
    %get3A_1112 = vector.shape_cast %get3A_1111 : vector<1x16xf32> to vector<16xf32>
    %mul3A_1113 = arith.mulf %get3A_1112, %gather3A_1094 : vector<16xf32>
    %swap3A_1114 = arith.index_cast %add3A_1098 : i32 to index
    %swap3A_1115 = arith.constant 16 : index
    %swap3A_1116 = tpu.vector_load %arg14[%swap3A_1114, %swap3A_1115] {strides = array<i32>} : memref<16x128xf32, #tpu.memory_space<vmem>>, vector<1x16xf32>,
    %swap3A_1117 = vector.shape_cast %swap3A_1116 : vector<1x16xf32> to vector<16xf32>
    %swap3A_1118 = vector.shape_cast %mul3A_1113 : vector<16xf32> to vector<1x16xf32>
    tpu.vector_store %arg14[%swap3A_1114, %swap3A_1115], %swap3A_1118 {strides = array<i32>} : memref<16x128xf32, #tpu.memory_space<vmem>>, vector<1x16xf32>,
    %get3A_1119 = arith.index_cast %add3A_1098 : i32 to index
    %get3A_1120 = arith.constant 32 : index
    %get3A_1121 = tpu.vector_load %arg14[%get3A_1119, %get3A_1120] {strides = array<i32>} : memref<16x128xf32, #tpu.memory_space<vmem>>, vector<1x16xf32>,
    %get3A_1122 = vector.shape_cast %get3A_1121 : vector<1x16xf32> to vector<16xf32>
    %mul3A_1123 = arith.mulf %get3A_1122, %gather3A_1094 : vector<16xf32>
    %swap3A_1124 = arith.index_cast %add3A_1098 : i32 to index
    %swap3A_1125 = arith.constant 32 : index
    %swap3A_1126 = tpu.vector_load %arg14[%swap3A_1124, %swap3A_1125] {strides = array<i32>} : memref<16x128xf32, #tpu.memory_space<vmem>>, vector<1x16xf32>,
    %swap3A_1127 = vector.shape_cast %swap3A_1126 : vector<1x16xf32> to vector<16xf32>
    %swap3A_1128 = vector.shape_cast %mul3A_1123 : vector<16xf32> to vector<1x16xf32>
    tpu.vector_store %arg14[%swap3A_1124, %swap3A_1125], %swap3A_1128 {strides = array<i32>} : memref<16x128xf32, #tpu.memory_space<vmem>>, vector<1x16xf32>,
    %get3A_1129 = arith.index_cast %add3A_1098 : i32 to index
    %get3A_1130 = arith.constant 48 : index
    %get3A_1131 = tpu.vector_load %arg14[%get3A_1129, %get3A_1130] {strides = array<i32>} : memref<16x128xf32, #tpu.memory_space<vmem>>, vector<1x16xf32>,
    %get3A_1132 = vector.shape_cast %get3A_1131 : vector<1x16xf32> to vector<16xf32>
    %mul3A_1133 = arith.mulf %get3A_1132, %gather3A_1094 : vector<16xf32>
    %swap3A_1134 = arith.index_cast %add3A_1098 : i32 to index
    %swap3A_1135 = arith.constant 48 : index
    %swap3A_1136 = tpu.vector_load %arg14[%swap3A_1134, %swap3A_1135] {strides = array<i32>} : memref<16x128xf32, #tpu.memory_space<vmem>>, vector<1x16xf32>,
    %swap3A_1137 = vector.shape_cast %swap3A_1136 : vector<1x16xf32> to vector<16xf32>
    %swap3A_1138 = vector.shape_cast %mul3A_1133 : vector<16xf32> to vector<1x16xf32>
    tpu.vector_store %arg14[%swap3A_1134, %swap3A_1135], %swap3A_1138 {strides = array<i32>} : memref<16x128xf32, #tpu.memory_space<vmem>>, vector<1x16xf32>,
    %get3A_1139 = arith.index_cast %add3A_1098 : i32 to index
    %get3A_1140 = arith.constant 64 : index
    %get3A_1141 = tpu.vector_load %arg14[%get3A_1139, %get3A_1140] {strides = array<i32>} : memref<16x128xf32, #tpu.memory_space<vmem>>, vector<1x16xf32>,
    %get3A_1142 = vector.shape_cast %get3A_1141 : vector<1x16xf32> to vector<16xf32>
    %mul3A_1143 = arith.mulf %get3A_1142, %gather3A_1094 : vector<16xf32>
    %swap3A_1144 = arith.index_cast %add3A_1098 : i32 to index
    %swap3A_1145 = arith.constant 64 : index
    %swap3A_1146 = tpu.vector_load %arg14[%swap3A_1144, %swap3A_1145] {strides = array<i32>} : memref<16x128xf32, #tpu.memory_space<vmem>>, vector<1x16xf32>,
    %swap3A_1147 = vector.shape_cast %swap3A_1146 : vector<1x16xf32> to vector<16xf32>
    %swap3A_1148 = vector.shape_cast %mul3A_1143 : vector<16xf32> to vector<1x16xf32>
    tpu.vector_store %arg14[%swap3A_1144, %swap3A_1145], %swap3A_1148 {strides = array<i32>} : memref<16x128xf32, #tpu.memory_space<vmem>>, vector<1x16xf32>,
    %get3A_1149 = arith.index_cast %add3A_1098 : i32 to index
    %get3A_1150 = arith.constant 80 : index
    %get3A_1151 = tpu.vector_load %arg14[%get3A_1149, %get3A_1150] {strides = array<i32>} : memref<16x128xf32, #tpu.memory_space<vmem>>, vector<1x16xf32>,
    %get3A_1152 = vector.shape_cast %get3A_1151 : vector<1x16xf32> to vector<16xf32>
    %mul3A_1153 = arith.mulf %get3A_1152, %gather3A_1094 : vector<16xf32>
    %swap3A_1154 = arith.index_cast %add3A_1098 : i32 to index
    %swap3A_1155 = arith.constant 80 : index
    %swap3A_1156 = tpu.vector_load %arg14[%swap3A_1154, %swap3A_1155] {strides = array<i32>} : memref<16x128xf32, #tpu.memory_space<vmem>>, vector<1x16xf32>,
    %swap3A_1157 = vector.shape_cast %swap3A_1156 : vector<1x16xf32> to vector<16xf32>
    %swap3A_1158 = vector.shape_cast %mul3A_1153 : vector<16xf32> to vector<1x16xf32>
    tpu.vector_store %arg14[%swap3A_1154, %swap3A_1155], %swap3A_1158 {strides = array<i32>} : memref<16x128xf32, #tpu.memory_space<vmem>>, vector<1x16xf32>,
    %get3A_1159 = arith.index_cast %add3A_1098 : i32 to index
    %get3A_1160 = arith.constant 96 : index
    %get3A_1161 = tpu.vector_load %arg14[%get3A_1159, %get3A_1160] {strides = array<i32>} : memref<16x128xf32, #tpu.memory_space<vmem>>, vector<1x16xf32>,
    %get3A_1162 = vector.shape_cast %get3A_1161 : vector<1x16xf32> to vector<16xf32>
    %mul3A_1163 = arith.mulf %get3A_1162, %gather3A_1094 : vector<16xf32>
    %swap3A_1164 = arith.index_cast %add3A_1098 : i32 to index
    %swap3A_1165 = arith.constant 96 : index
    %swap3A_1166 = tpu.vector_load %arg14[%swap3A_1164, %swap3A_1165] {strides = array<i32>} : memref<16x128xf32, #tpu.memory_space<vmem>>, vector<1x16xf32>,
    %swap3A_1167 = vector.shape_cast %swap3A_1166 : vector<1x16xf32> to vector<16xf32>
    %swap3A_1168 = vector.shape_cast %mul3A_1163 : vector<16xf32> to vector<1x16xf32>
    tpu.vector_store %arg14[%swap3A_1164, %swap3A_1165], %swap3A_1168 {strides = array<i32>} : memref<16x128xf32, #tpu.memory_space<vmem>>, vector<1x16xf32>,
    %get3A_1169 = arith.index_cast %add3A_1098 : i32 to index
    %get3A_1170 = arith.constant 112 : index
    %get3A_1171 = tpu.vector_load %arg14[%get3A_1169, %get3A_1170] {strides = array<i32>} : memref<16x128xf32, #tpu.memory_space<vmem>>, vector<1x16xf32>,
    %get3A_1172 = vector.shape_cast %get3A_1171 : vector<1x16xf32> to vector<16xf32>
    %mul3A_1173 = arith.mulf %get3A_1172, %gather3A_1094 : vector<16xf32>
    %swap3A_1174 = arith.index_cast %add3A_1098 : i32 to index
    %swap3A_1175 = arith.constant 112 : index
    %swap3A_1176 = tpu.vector_load %arg14[%swap3A_1174, %swap3A_1175] {strides = array<i32>} : memref<16x128xf32, #tpu.memory_space<vmem>>, vector<1x16xf32>,
    %swap3A_1177 = vector.shape_cast %swap3A_1176 : vector<1x16xf32> to vector<16xf32>
    %swap3A_1178 = vector.shape_cast %mul3A_1173 : vector<16xf32> to vector<1x16xf32>
    tpu.vector_store %arg14[%swap3A_1174, %swap3A_1175], %swap3A_1178 {strides = array<i32>} : memref<16x128xf32, #tpu.memory_space<vmem>>, vector<1x16xf32>,
    %broadcast_in_dim3A_1179 = arith.constant 13 : i32
    %broadcast_in_dim3A_1180 = vector.broadcast %broadcast_in_dim3A_1179 : i32 to vector<16x1xi32>
    %gather3A_1181 = vector.shape_cast %broadcast_in_dim3A_1180 : vector<16x1xi32> to vector<16xi32>
    %gather3A_1182 = tpu.dynamic_gather %get3A_36[%gather3A_1181] in [0] : vector<16xf32>, vector<16xi32> -> vector<16xf32>
    %mul3A_1183 = arith.constant 16 : i32
    %mul3A_1184 = arith.muli %scan3A_32, %mul3A_1183 : i32
    %add3A_1185 = arith.constant 13 : i32
    %add3A_1186 = arith.addi %mul3A_1184, %add3A_1185 : i32
    %get3A_1187 = arith.index_cast %add3A_1186 : i32 to index
    %get3A_1188 = arith.constant 0 : index
    %get3A_1189 = tpu.vector_load %arg14[%get3A_1187, %get3A_1188] {strides = array<i32>} : memref<16x128xf32, #tpu.memory_space<vmem>>, vector<1x16xf32>,
    %get3A_1190 = vector.shape_cast %get3A_1189 : vector<1x16xf32> to vector<16xf32>
    %mul3A_1191 = arith.mulf %get3A_1190, %gather3A_1182 : vector<16xf32>
    %swap3A_1192 = arith.index_cast %add3A_1186 : i32 to index
    %swap3A_1193 = arith.constant 0 : index
    %swap3A_1194 = tpu.vector_load %arg14[%swap3A_1192, %swap3A_1193] {strides = array<i32>} : memref<16x128xf32, #tpu.memory_space<vmem>>, vector<1x16xf32>,
    %swap3A_1195 = vector.shape_cast %swap3A_1194 : vector<1x16xf32> to vector<16xf32>
    %swap3A_1196 = vector.shape_cast %mul3A_1191 : vector<16xf32> to vector<1x16xf32>
    tpu.vector_store %arg14[%swap3A_1192, %swap3A_1193], %swap3A_1196 {strides = array<i32>} : memref<16x128xf32, #tpu.memory_space<vmem>>, vector<1x16xf32>,
    %get3A_1197 = arith.index_cast %add3A_1186 : i32 to index
    %get3A_1198 = arith.constant 16 : index
    %get3A_1199 = tpu.vector_load %arg14[%get3A_1197, %get3A_1198] {strides = array<i32>} : memref<16x128xf32, #tpu.memory_space<vmem>>, vector<1x16xf32>,
    %get3A_1200 = vector.shape_cast %get3A_1199 : vector<1x16xf32> to vector<16xf32>
    %mul3A_1201 = arith.mulf %get3A_1200, %gather3A_1182 : vector<16xf32>
    %swap3A_1202 = arith.index_cast %add3A_1186 : i32 to index
    %swap3A_1203 = arith.constant 16 : index
    %swap3A_1204 = tpu.vector_load %arg14[%swap3A_1202, %swap3A_1203] {strides = array<i32>} : memref<16x128xf32, #tpu.memory_space<vmem>>, vector<1x16xf32>,
    %swap3A_1205 = vector.shape_cast %swap3A_1204 : vector<1x16xf32> to vector<16xf32>
    %swap3A_1206 = vector.shape_cast %mul3A_1201 : vector<16xf32> to vector<1x16xf32>
    tpu.vector_store %arg14[%swap3A_1202, %swap3A_1203], %swap3A_1206 {strides = array<i32>} : memref<16x128xf32, #tpu.memory_space<vmem>>, vector<1x16xf32>,
    %get3A_1207 = arith.index_cast %add3A_1186 : i32 to index
    %get3A_1208 = arith.constant 32 : index
    %get3A_1209 = tpu.vector_load %arg14[%get3A_1207, %get3A_1208] {strides = array<i32>} : memref<16x128xf32, #tpu.memory_space<vmem>>, vector<1x16xf32>,
    %get3A_1210 = vector.shape_cast %get3A_1209 : vector<1x16xf32> to vector<16xf32>
    %mul3A_1211 = arith.mulf %get3A_1210, %gather3A_1182 : vector<16xf32>
    %swap3A_1212 = arith.index_cast %add3A_1186 : i32 to index
    %swap3A_1213 = arith.constant 32 : index
    %swap3A_1214 = tpu.vector_load %arg14[%swap3A_1212, %swap3A_1213] {strides = array<i32>} : memref<16x128xf32, #tpu.memory_space<vmem>>, vector<1x16xf32>,
    %swap3A_1215 = vector.shape_cast %swap3A_1214 : vector<1x16xf32> to vector<16xf32>
    %swap3A_1216 = vector.shape_cast %mul3A_1211 : vector<16xf32> to vector<1x16xf32>
    tpu.vector_store %arg14[%swap3A_1212, %swap3A_1213], %swap3A_1216 {strides = array<i32>} : memref<16x128xf32, #tpu.memory_space<vmem>>, vector<1x16xf32>,
    %get3A_1217 = arith.index_cast %add3A_1186 : i32 to index
    %get3A_1218 = arith.constant 48 : index
    %get3A_1219 = tpu.vector_load %arg14[%get3A_1217, %get3A_1218] {strides = array<i32>} : memref<16x128xf32, #tpu.memory_space<vmem>>, vector<1x16xf32>,
    %get3A_1220 = vector.shape_cast %get3A_1219 : vector<1x16xf32> to vector<16xf32>
    %mul3A_1221 = arith.mulf %get3A_1220, %gather3A_1182 : vector<16xf32>
    %swap3A_1222 = arith.index_cast %add3A_1186 : i32 to index
    %swap3A_1223 = arith.constant 48 : index
    %swap3A_1224 = tpu.vector_load %arg14[%swap3A_1222, %swap3A_1223] {strides = array<i32>} : memref<16x128xf32, #tpu.memory_space<vmem>>, vector<1x16xf32>,
    %swap3A_1225 = vector.shape_cast %swap3A_1224 : vector<1x16xf32> to vector<16xf32>
    %swap3A_1226 = vector.shape_cast %mul3A_1221 : vector<16xf32> to vector<1x16xf32>
    tpu.vector_store %arg14[%swap3A_1222, %swap3A_1223], %swap3A_1226 {strides = array<i32>} : memref<16x128xf32, #tpu.memory_space<vmem>>, vector<1x16xf32>,
    %get3A_1227 = arith.index_cast %add3A_1186 : i32 to index
    %get3A_1228 = arith.constant 64 : index
    %get3A_1229 = tpu.vector_load %arg14[%get3A_1227, %get3A_1228] {strides = array<i32>} : memref<16x128xf32, #tpu.memory_space<vmem>>, vector<1x16xf32>,
    %get3A_1230 = vector.shape_cast %get3A_1229 : vector<1x16xf32> to vector<16xf32>
    %mul3A_1231 = arith.mulf %get3A_1230, %gather3A_1182 : vector<16xf32>
    %swap3A_1232 = arith.index_cast %add3A_1186 : i32 to index
    %swap3A_1233 = arith.constant 64 : index
    %swap3A_1234 = tpu.vector_load %arg14[%swap3A_1232, %swap3A_1233] {strides = array<i32>} : memref<16x128xf32, #tpu.memory_space<vmem>>, vector<1x16xf32>,
    %swap3A_1235 = vector.shape_cast %swap3A_1234 : vector<1x16xf32> to vector<16xf32>
    %swap3A_1236 = vector.shape_cast %mul3A_1231 : vector<16xf32> to vector<1x16xf32>
    tpu.vector_store %arg14[%swap3A_1232, %swap3A_1233], %swap3A_1236 {strides = array<i32>} : memref<16x128xf32, #tpu.memory_space<vmem>>, vector<1x16xf32>,
    %get3A_1237 = arith.index_cast %add3A_1186 : i32 to index
    %get3A_1238 = arith.constant 80 : index
    %get3A_1239 = tpu.vector_load %arg14[%get3A_1237, %get3A_1238] {strides = array<i32>} : memref<16x128xf32, #tpu.memory_space<vmem>>, vector<1x16xf32>,
    %get3A_1240 = vector.shape_cast %get3A_1239 : vector<1x16xf32> to vector<16xf32>
    %mul3A_1241 = arith.mulf %get3A_1240, %gather3A_1182 : vector<16xf32>
    %swap3A_1242 = arith.index_cast %add3A_1186 : i32 to index
    %swap3A_1243 = arith.constant 80 : index
    %swap3A_1244 = tpu.vector_load %arg14[%swap3A_1242, %swap3A_1243] {strides = array<i32>} : memref<16x128xf32, #tpu.memory_space<vmem>>, vector<1x16xf32>,
    %swap3A_1245 = vector.shape_cast %swap3A_1244 : vector<1x16xf32> to vector<16xf32>
    %swap3A_1246 = vector.shape_cast %mul3A_1241 : vector<16xf32> to vector<1x16xf32>
    tpu.vector_store %arg14[%swap3A_1242, %swap3A_1243], %swap3A_1246 {strides = array<i32>} : memref<16x128xf32, #tpu.memory_space<vmem>>, vector<1x16xf32>,
    %get3A_1247 = arith.index_cast %add3A_1186 : i32 to index
    %get3A_1248 = arith.constant 96 : index
    %get3A_1249 = tpu.vector_load %arg14[%get3A_1247, %get3A_1248] {strides = array<i32>} : memref<16x128xf32, #tpu.memory_space<vmem>>, vector<1x16xf32>,
    %get3A_1250 = vector.shape_cast %get3A_1249 : vector<1x16xf32> to vector<16xf32>
    %mul3A_1251 = arith.mulf %get3A_1250, %gather3A_1182 : vector<16xf32>
    %swap3A_1252 = arith.index_cast %add3A_1186 : i32 to index
    %swap3A_1253 = arith.constant 96 : index
    %swap3A_1254 = tpu.vector_load %arg14[%swap3A_1252, %swap3A_1253] {strides = array<i32>} : memref<16x128xf32, #tpu.memory_space<vmem>>, vector<1x16xf32>,
    %swap3A_1255 = vector.shape_cast %swap3A_1254 : vector<1x16xf32> to vector<16xf32>
    %swap3A_1256 = vector.shape_cast %mul3A_1251 : vector<16xf32> to vector<1x16xf32>
    tpu.vector_store %arg14[%swap3A_1252, %swap3A_1253], %swap3A_1256 {strides = array<i32>} : memref<16x128xf32, #tpu.memory_space<vmem>>, vector<1x16xf32>,
    %get3A_1257 = arith.index_cast %add3A_1186 : i32 to index
    %get3A_1258 = arith.constant 112 : index
    %get3A_1259 = tpu.vector_load %arg14[%get3A_1257, %get3A_1258] {strides = array<i32>} : memref<16x128xf32, #tpu.memory_space<vmem>>, vector<1x16xf32>,
    %get3A_1260 = vector.shape_cast %get3A_1259 : vector<1x16xf32> to vector<16xf32>
    %mul3A_1261 = arith.mulf %get3A_1260, %gather3A_1182 : vector<16xf32>
    %swap3A_1262 = arith.index_cast %add3A_1186 : i32 to index
    %swap3A_1263 = arith.constant 112 : index
    %swap3A_1264 = tpu.vector_load %arg14[%swap3A_1262, %swap3A_1263] {strides = array<i32>} : memref<16x128xf32, #tpu.memory_space<vmem>>, vector<1x16xf32>,
    %swap3A_1265 = vector.shape_cast %swap3A_1264 : vector<1x16xf32> to vector<16xf32>
    %swap3A_1266 = vector.shape_cast %mul3A_1261 : vector<16xf32> to vector<1x16xf32>
    tpu.vector_store %arg14[%swap3A_1262, %swap3A_1263], %swap3A_1266 {strides = array<i32>} : memref<16x128xf32, #tpu.memory_space<vmem>>, vector<1x16xf32>,
    %broadcast_in_dim3A_1267 = arith.constant 14 : i32
    %broadcast_in_dim3A_1268 = vector.broadcast %broadcast_in_dim3A_1267 : i32 to vector<16x1xi32>
    %gather3A_1269 = vector.shape_cast %broadcast_in_dim3A_1268 : vector<16x1xi32> to vector<16xi32>
    %gather3A_1270 = tpu.dynamic_gather %get3A_36[%gather3A_1269] in [0] : vector<16xf32>, vector<16xi32> -> vector<16xf32>
    %mul3A_1271 = arith.constant 16 : i32
    %mul3A_1272 = arith.muli %scan3A_32, %mul3A_1271 : i32
    %add3A_1273 = arith.constant 14 : i32
    %add3A_1274 = arith.addi %mul3A_1272, %add3A_1273 : i32
    %get3A_1275 = arith.index_cast %add3A_1274 : i32 to index
    %get3A_1276 = arith.constant 0 : index
    %get3A_1277 = tpu.vector_load %arg14[%get3A_1275, %get3A_1276] {strides = array<i32>} : memref<16x128xf32, #tpu.memory_space<vmem>>, vector<1x16xf32>,
    %get3A_1278 = vector.shape_cast %get3A_1277 : vector<1x16xf32> to vector<16xf32>
    %mul3A_1279 = arith.mulf %get3A_1278, %gather3A_1270 : vector<16xf32>
    %swap3A_1280 = arith.index_cast %add3A_1274 : i32 to index
    %swap3A_1281 = arith.constant 0 : index
    %swap3A_1282 = tpu.vector_load %arg14[%swap3A_1280, %swap3A_1281] {strides = array<i32>} : memref<16x128xf32, #tpu.memory_space<vmem>>, vector<1x16xf32>,
    %swap3A_1283 = vector.shape_cast %swap3A_1282 : vector<1x16xf32> to vector<16xf32>
    %swap3A_1284 = vector.shape_cast %mul3A_1279 : vector<16xf32> to vector<1x16xf32>
    tpu.vector_store %arg14[%swap3A_1280, %swap3A_1281], %swap3A_1284 {strides = array<i32>} : memref<16x128xf32, #tpu.memory_space<vmem>>, vector<1x16xf32>,
    %get3A_1285 = arith.index_cast %add3A_1274 : i32 to index
    %get3A_1286 = arith.constant 16 : index
    %get3A_1287 = tpu.vector_load %arg14[%get3A_1285, %get3A_1286] {strides = array<i32>} : memref<16x128xf32, #tpu.memory_space<vmem>>, vector<1x16xf32>,
    %get3A_1288 = vector.shape_cast %get3A_1287 : vector<1x16xf32> to vector<16xf32>
    %mul3A_1289 = arith.mulf %get3A_1288, %gather3A_1270 : vector<16xf32>
    %swap3A_1290 = arith.index_cast %add3A_1274 : i32 to index
    %swap3A_1291 = arith.constant 16 : index
    %swap3A_1292 = tpu.vector_load %arg14[%swap3A_1290, %swap3A_1291] {strides = array<i32>} : memref<16x128xf32, #tpu.memory_space<vmem>>, vector<1x16xf32>,
    %swap3A_1293 = vector.shape_cast %swap3A_1292 : vector<1x16xf32> to vector<16xf32>
    %swap3A_1294 = vector.shape_cast %mul3A_1289 : vector<16xf32> to vector<1x16xf32>
    tpu.vector_store %arg14[%swap3A_1290, %swap3A_1291], %swap3A_1294 {strides = array<i32>} : memref<16x128xf32, #tpu.memory_space<vmem>>, vector<1x16xf32>,
    %get3A_1295 = arith.index_cast %add3A_1274 : i32 to index
    %get3A_1296 = arith.constant 32 : index
    %get3A_1297 = tpu.vector_load %arg14[%get3A_1295, %get3A_1296] {strides = array<i32>} : memref<16x128xf32, #tpu.memory_space<vmem>>, vector<1x16xf32>,
    %get3A_1298 = vector.shape_cast %get3A_1297 : vector<1x16xf32> to vector<16xf32>
    %mul3A_1299 = arith.mulf %get3A_1298, %gather3A_1270 : vector<16xf32>
    %swap3A_1300 = arith.index_cast %add3A_1274 : i32 to index
    %swap3A_1301 = arith.constant 32 : index
    %swap3A_1302 = tpu.vector_load %arg14[%swap3A_1300, %swap3A_1301] {strides = array<i32>} : memref<16x128xf32, #tpu.memory_space<vmem>>, vector<1x16xf32>,
    %swap3A_1303 = vector.shape_cast %swap3A_1302 : vector<1x16xf32> to vector<16xf32>
    %swap3A_1304 = vector.shape_cast %mul3A_1299 : vector<16xf32> to vector<1x16xf32>
    tpu.vector_store %arg14[%swap3A_1300, %swap3A_1301], %swap3A_1304 {strides = array<i32>} : memref<16x128xf32, #tpu.memory_space<vmem>>, vector<1x16xf32>,
    %get3A_1305 = arith.index_cast %add3A_1274 : i32 to index
    %get3A_1306 = arith.constant 48 : index
    %get3A_1307 = tpu.vector_load %arg14[%get3A_1305, %get3A_1306] {strides = array<i32>} : memref<16x128xf32, #tpu.memory_space<vmem>>, vector<1x16xf32>,
    %get3A_1308 = vector.shape_cast %get3A_1307 : vector<1x16xf32> to vector<16xf32>
    %mul3A_1309 = arith.mulf %get3A_1308, %gather3A_1270 : vector<16xf32>
    %swap3A_1310 = arith.index_cast %add3A_1274 : i32 to index
    %swap3A_1311 = arith.constant 48 : index
    %swap3A_1312 = tpu.vector_load %arg14[%swap3A_1310, %swap3A_1311] {strides = array<i32>} : memref<16x128xf32, #tpu.memory_space<vmem>>, vector<1x16xf32>,
    %swap3A_1313 = vector.shape_cast %swap3A_1312 : vector<1x16xf32> to vector<16xf32>
    %swap3A_1314 = vector.shape_cast %mul3A_1309 : vector<16xf32> to vector<1x16xf32>
    tpu.vector_store %arg14[%swap3A_1310, %swap3A_1311], %swap3A_1314 {strides = array<i32>} : memref<16x128xf32, #tpu.memory_space<vmem>>, vector<1x16xf32>,
    %get3A_1315 = arith.index_cast %add3A_1274 : i32 to index
    %get3A_1316 = arith.constant 64 : index
    %get3A_1317 = tpu.vector_load %arg14[%get3A_1315, %get3A_1316] {strides = array<i32>} : memref<16x128xf32, #tpu.memory_space<vmem>>, vector<1x16xf32>,
    %get3A_1318 = vector.shape_cast %get3A_1317 : vector<1x16xf32> to vector<16xf32>
    %mul3A_1319 = arith.mulf %get3A_1318, %gather3A_1270 : vector<16xf32>
    %swap3A_1320 = arith.index_cast %add3A_1274 : i32 to index
    %swap3A_1321 = arith.constant 64 : index
    %swap3A_1322 = tpu.vector_load %arg14[%swap3A_1320, %swap3A_1321] {strides = array<i32>} : memref<16x128xf32, #tpu.memory_space<vmem>>, vector<1x16xf32>,
    %swap3A_1323 = vector.shape_cast %swap3A_1322 : vector<1x16xf32> to vector<16xf32>
    %swap3A_1324 = vector.shape_cast %mul3A_1319 : vector<16xf32> to vector<1x16xf32>
    tpu.vector_store %arg14[%swap3A_1320, %swap3A_1321], %swap3A_1324 {strides = array<i32>} : memref<16x128xf32, #tpu.memory_space<vmem>>, vector<1x16xf32>,
    %get3A_1325 = arith.index_cast %add3A_1274 : i32 to index
    %get3A_1326 = arith.constant 80 : index
    %get3A_1327 = tpu.vector_load %arg14[%get3A_1325, %get3A_1326] {strides = array<i32>} : memref<16x128xf32, #tpu.memory_space<vmem>>, vector<1x16xf32>,
    %get3A_1328 = vector.shape_cast %get3A_1327 : vector<1x16xf32> to vector<16xf32>
    %mul3A_1329 = arith.mulf %get3A_1328, %gather3A_1270 : vector<16xf32>
    %swap3A_1330 = arith.index_cast %add3A_1274 : i32 to index
    %swap3A_1331 = arith.constant 80 : index
    %swap3A_1332 = tpu.vector_load %arg14[%swap3A_1330, %swap3A_1331] {strides = array<i32>} : memref<16x128xf32, #tpu.memory_space<vmem>>, vector<1x16xf32>,
    %swap3A_1333 = vector.shape_cast %swap3A_1332 : vector<1x16xf32> to vector<16xf32>
    %swap3A_1334 = vector.shape_cast %mul3A_1329 : vector<16xf32> to vector<1x16xf32>
    tpu.vector_store %arg14[%swap3A_1330, %swap3A_1331], %swap3A_1334 {strides = array<i32>} : memref<16x128xf32, #tpu.memory_space<vmem>>, vector<1x16xf32>,
    %get3A_1335 = arith.index_cast %add3A_1274 : i32 to index
    %get3A_1336 = arith.constant 96 : index
    %get3A_1337 = tpu.vector_load %arg14[%get3A_1335, %get3A_1336] {strides = array<i32>} : memref<16x128xf32, #tpu.memory_space<vmem>>, vector<1x16xf32>,
    %get3A_1338 = vector.shape_cast %get3A_1337 : vector<1x16xf32> to vector<16xf32>
    %mul3A_1339 = arith.mulf %get3A_1338, %gather3A_1270 : vector<16xf32>
    %swap3A_1340 = arith.index_cast %add3A_1274 : i32 to index
    %swap3A_1341 = arith.constant 96 : index
    %swap3A_1342 = tpu.vector_load %arg14[%swap3A_1340, %swap3A_1341] {strides = array<i32>} : memref<16x128xf32, #tpu.memory_space<vmem>>, vector<1x16xf32>,
    %swap3A_1343 = vector.shape_cast %swap3A_1342 : vector<1x16xf32> to vector<16xf32>
    %swap3A_1344 = vector.shape_cast %mul3A_1339 : vector<16xf32> to vector<1x16xf32>
    tpu.vector_store %arg14[%swap3A_1340, %swap3A_1341], %swap3A_1344 {strides = array<i32>} : memref<16x128xf32, #tpu.memory_space<vmem>>, vector<1x16xf32>,
    %get3A_1345 = arith.index_cast %add3A_1274 : i32 to index
    %get3A_1346 = arith.constant 112 : index
    %get3A_1347 = tpu.vector_load %arg14[%get3A_1345, %get3A_1346] {strides = array<i32>} : memref<16x128xf32, #tpu.memory_space<vmem>>, vector<1x16xf32>,
    %get3A_1348 = vector.shape_cast %get3A_1347 : vector<1x16xf32> to vector<16xf32>
    %mul3A_1349 = arith.mulf %get3A_1348, %gather3A_1270 : vector<16xf32>
    %swap3A_1350 = arith.index_cast %add3A_1274 : i32 to index
    %swap3A_1351 = arith.constant 112 : index
    %swap3A_1352 = tpu.vector_load %arg14[%swap3A_1350, %swap3A_1351] {strides = array<i32>} : memref<16x128xf32, #tpu.memory_space<vmem>>, vector<1x16xf32>,
    %swap3A_1353 = vector.shape_cast %swap3A_1352 : vector<1x16xf32> to vector<16xf32>
    %swap3A_1354 = vector.shape_cast %mul3A_1349 : vector<16xf32> to vector<1x16xf32>
    tpu.vector_store %arg14[%swap3A_1350, %swap3A_1351], %swap3A_1354 {strides = array<i32>} : memref<16x128xf32, #tpu.memory_space<vmem>>, vector<1x16xf32>,
    %broadcast_in_dim3A_1355 = arith.constant 15 : i32
    %broadcast_in_dim3A_1356 = vector.broadcast %broadcast_in_dim3A_1355 : i32 to vector<16x1xi32>
    %gather3A_1357 = vector.shape_cast %broadcast_in_dim3A_1356 : vector<16x1xi32> to vector<16xi32>
    %gather3A_1358 = tpu.dynamic_gather %get3A_36[%gather3A_1357] in [0] : vector<16xf32>, vector<16xi32> -> vector<16xf32>
    %mul3A_1359 = arith.constant 16 : i32
    %mul3A_1360 = arith.muli %scan3A_32, %mul3A_1359 : i32
    %add3A_1361 = arith.constant 15 : i32
    %add3A_1362 = arith.addi %mul3A_1360, %add3A_1361 : i32
    %get3A_1363 = arith.index_cast %add3A_1362 : i32 to index
    %get3A_1364 = arith.constant 0 : index
    %get3A_1365 = tpu.vector_load %arg14[%get3A_1363, %get3A_1364] {strides = array<i32>} : memref<16x128xf32, #tpu.memory_space<vmem>>, vector<1x16xf32>,
    %get3A_1366 = vector.shape_cast %get3A_1365 : vector<1x16xf32> to vector<16xf32>
    %mul3A_1367 = arith.mulf %get3A_1366, %gather3A_1358 : vector<16xf32>
    %swap3A_1368 = arith.index_cast %add3A_1362 : i32 to index
    %swap3A_1369 = arith.constant 0 : index
    %swap3A_1370 = tpu.vector_load %arg14[%swap3A_1368, %swap3A_1369] {strides = array<i32>} : memref<16x128xf32, #tpu.memory_space<vmem>>, vector<1x16xf32>,
    %swap3A_1371 = vector.shape_cast %swap3A_1370 : vector<1x16xf32> to vector<16xf32>
    %swap3A_1372 = vector.shape_cast %mul3A_1367 : vector<16xf32> to vector<1x16xf32>
    tpu.vector_store %arg14[%swap3A_1368, %swap3A_1369], %swap3A_1372 {strides = array<i32>} : memref<16x128xf32, #tpu.memory_space<vmem>>, vector<1x16xf32>,
    %get3A_1373 = arith.index_cast %add3A_1362 : i32 to index
    %get3A_1374 = arith.constant 16 : index
    %get3A_1375 = tpu.vector_load %arg14[%get3A_1373, %get3A_1374] {strides = array<i32>} : memref<16x128xf32, #tpu.memory_space<vmem>>, vector<1x16xf32>,
    %get3A_1376 = vector.shape_cast %get3A_1375 : vector<1x16xf32> to vector<16xf32>
    %mul3A_1377 = arith.mulf %get3A_1376, %gather3A_1358 : vector<16xf32>
    %swap3A_1378 = arith.index_cast %add3A_1362 : i32 to index
    %swap3A_1379 = arith.constant 16 : index
    %swap3A_1380 = tpu.vector_load %arg14[%swap3A_1378, %swap3A_1379] {strides = array<i32>} : memref<16x128xf32, #tpu.memory_space<vmem>>, vector<1x16xf32>,
    %swap3A_1381 = vector.shape_cast %swap3A_1380 : vector<1x16xf32> to vector<16xf32>
    %swap3A_1382 = vector.shape_cast %mul3A_1377 : vector<16xf32> to vector<1x16xf32>
    tpu.vector_store %arg14[%swap3A_1378, %swap3A_1379], %swap3A_1382 {strides = array<i32>} : memref<16x128xf32, #tpu.memory_space<vmem>>, vector<1x16xf32>,
    %get3A_1383 = arith.index_cast %add3A_1362 : i32 to index
    %get3A_1384 = arith.constant 32 : index
    %get3A_1385 = tpu.vector_load %arg14[%get3A_1383, %get3A_1384] {strides = array<i32>} : memref<16x128xf32, #tpu.memory_space<vmem>>, vector<1x16xf32>,
    %get3A_1386 = vector.shape_cast %get3A_1385 : vector<1x16xf32> to vector<16xf32>
    %mul3A_1387 = arith.mulf %get3A_1386, %gather3A_1358 : vector<16xf32>
    %swap3A_1388 = arith.index_cast %add3A_1362 : i32 to index
    %swap3A_1389 = arith.constant 32 : index
    %swap3A_1390 = tpu.vector_load %arg14[%swap3A_1388, %swap3A_1389] {strides = array<i32>} : memref<16x128xf32, #tpu.memory_space<vmem>>, vector<1x16xf32>,
    %swap3A_1391 = vector.shape_cast %swap3A_1390 : vector<1x16xf32> to vector<16xf32>
    %swap3A_1392 = vector.shape_cast %mul3A_1387 : vector<16xf32> to vector<1x16xf32>
    tpu.vector_store %arg14[%swap3A_1388, %swap3A_1389], %swap3A_1392 {strides = array<i32>} : memref<16x128xf32, #tpu.memory_space<vmem>>, vector<1x16xf32>,
    %get3A_1393 = arith.index_cast %add3A_1362 : i32 to index
    %get3A_1394 = arith.constant 48 : index
    %get3A_1395 = tpu.vector_load %arg14[%get3A_1393, %get3A_1394] {strides = array<i32>} : memref<16x128xf32, #tpu.memory_space<vmem>>, vector<1x16xf32>,
    %get3A_1396 = vector.shape_cast %get3A_1395 : vector<1x16xf32> to vector<16xf32>
    %mul3A_1397 = arith.mulf %get3A_1396, %gather3A_1358 : vector<16xf32>
    %swap3A_1398 = arith.index_cast %add3A_1362 : i32 to index
    %swap3A_1399 = arith.constant 48 : index
    %swap3A_1400 = tpu.vector_load %arg14[%swap3A_1398, %swap3A_1399] {strides = array<i32>} : memref<16x128xf32, #tpu.memory_space<vmem>>, vector<1x16xf32>,
    %swap3A_1401 = vector.shape_cast %swap3A_1400 : vector<1x16xf32> to vector<16xf32>
    %swap3A_1402 = vector.shape_cast %mul3A_1397 : vector<16xf32> to vector<1x16xf32>
    tpu.vector_store %arg14[%swap3A_1398, %swap3A_1399], %swap3A_1402 {strides = array<i32>} : memref<16x128xf32, #tpu.memory_space<vmem>>, vector<1x16xf32>,
    %get3A_1403 = arith.index_cast %add3A_1362 : i32 to index
    %get3A_1404 = arith.constant 64 : index
    %get3A_1405 = tpu.vector_load %arg14[%get3A_1403, %get3A_1404] {strides = array<i32>} : memref<16x128xf32, #tpu.memory_space<vmem>>, vector<1x16xf32>,
    %get3A_1406 = vector.shape_cast %get3A_1405 : vector<1x16xf32> to vector<16xf32>
    %mul3A_1407 = arith.mulf %get3A_1406, %gather3A_1358 : vector<16xf32>
    %swap3A_1408 = arith.index_cast %add3A_1362 : i32 to index
    %swap3A_1409 = arith.constant 64 : index
    %swap3A_1410 = tpu.vector_load %arg14[%swap3A_1408, %swap3A_1409] {strides = array<i32>} : memref<16x128xf32, #tpu.memory_space<vmem>>, vector<1x16xf32>,
    %swap3A_1411 = vector.shape_cast %swap3A_1410 : vector<1x16xf32> to vector<16xf32>
    %swap3A_1412 = vector.shape_cast %mul3A_1407 : vector<16xf32> to vector<1x16xf32>
    tpu.vector_store %arg14[%swap3A_1408, %swap3A_1409], %swap3A_1412 {strides = array<i32>} : memref<16x128xf32, #tpu.memory_space<vmem>>, vector<1x16xf32>,
    %get3A_1413 = arith.index_cast %add3A_1362 : i32 to index
    %get3A_1414 = arith.constant 80 : index
    %get3A_1415 = tpu.vector_load %arg14[%get3A_1413, %get3A_1414] {strides = array<i32>} : memref<16x128xf32, #tpu.memory_space<vmem>>, vector<1x16xf32>,
    %get3A_1416 = vector.shape_cast %get3A_1415 : vector<1x16xf32> to vector<16xf32>
    %mul3A_1417 = arith.mulf %get3A_1416, %gather3A_1358 : vector<16xf32>
    %swap3A_1418 = arith.index_cast %add3A_1362 : i32 to index
    %swap3A_1419 = arith.constant 80 : index
    %swap3A_1420 = tpu.vector_load %arg14[%swap3A_1418, %swap3A_1419] {strides = array<i32>} : memref<16x128xf32, #tpu.memory_space<vmem>>, vector<1x16xf32>,
    %swap3A_1421 = vector.shape_cast %swap3A_1420 : vector<1x16xf32> to vector<16xf32>
    %swap3A_1422 = vector.shape_cast %mul3A_1417 : vector<16xf32> to vector<1x16xf32>
    tpu.vector_store %arg14[%swap3A_1418, %swap3A_1419], %swap3A_1422 {strides = array<i32>} : memref<16x128xf32, #tpu.memory_space<vmem>>, vector<1x16xf32>,
    %get3A_1423 = arith.index_cast %add3A_1362 : i32 to index
    %get3A_1424 = arith.constant 96 : index
    %get3A_1425 = tpu.vector_load %arg14[%get3A_1423, %get3A_1424] {strides = array<i32>} : memref<16x128xf32, #tpu.memory_space<vmem>>, vector<1x16xf32>,
    %get3A_1426 = vector.shape_cast %get3A_1425 : vector<1x16xf32> to vector<16xf32>
    %mul3A_1427 = arith.mulf %get3A_1426, %gather3A_1358 : vector<16xf32>
    %swap3A_1428 = arith.index_cast %add3A_1362 : i32 to index
    %swap3A_1429 = arith.constant 96 : index
    %swap3A_1430 = tpu.vector_load %arg14[%swap3A_1428, %swap3A_1429] {strides = array<i32>} : memref<16x128xf32, #tpu.memory_space<vmem>>, vector<1x16xf32>,
    %swap3A_1431 = vector.shape_cast %swap3A_1430 : vector<1x16xf32> to vector<16xf32>
    %swap3A_1432 = vector.shape_cast %mul3A_1427 : vector<16xf32> to vector<1x16xf32>
    tpu.vector_store %arg14[%swap3A_1428, %swap3A_1429], %swap3A_1432 {strides = array<i32>} : memref<16x128xf32, #tpu.memory_space<vmem>>, vector<1x16xf32>,
    %get3A_1433 = arith.index_cast %add3A_1362 : i32 to index
    %get3A_1434 = arith.constant 112 : index
    %get3A_1435 = tpu.vector_load %arg14[%get3A_1433, %get3A_1434] {strides = array<i32>} : memref<16x128xf32, #tpu.memory_space<vmem>>, vector<1x16xf32>,
    %get3A_1436 = vector.shape_cast %get3A_1435 : vector<1x16xf32> to vector<16xf32>
    %mul3A_1437 = arith.mulf %get3A_1436, %gather3A_1358 : vector<16xf32>
    %swap3A_1438 = arith.index_cast %add3A_1362 : i32 to index
    %swap3A_1439 = arith.constant 112 : index
    %swap3A_1440 = tpu.vector_load %arg14[%swap3A_1438, %swap3A_1439] {strides = array<i32>} : memref<16x128xf32, #tpu.memory_space<vmem>>, vector<1x16xf32>,
    %swap3A_1441 = vector.shape_cast %swap3A_1440 : vector<1x16xf32> to vector<16xf32>
    %swap3A_1442 = vector.shape_cast %mul3A_1437 : vector<16xf32> to vector<1x16xf32>
    tpu.vector_store %arg14[%swap3A_1438, %swap3A_1439], %swap3A_1442 {strides = array<i32>} : memref<16x128xf32, #tpu.memory_space<vmem>>, vector<1x16xf32>,
    %scan3A_1443 = arith.constant 0 : i32
    %scan3A_1444 = arith.constant 1 : i32
    "tpu.region"() ({
      %run_scoped3A = tpu.sem_alloc : memref<!tpu.dma_semaphore, #tpu.memory_space<semaphore_mem>>
      %dma_start3A_1456 = arith.constant 0 : i32
      %dma_start3A_1457 = arith.constant 0 : i32
      %dma_start3A_1458 = tpu.memref_slice %arg15[%dma_start3A_1456, %dma_start3A_1457] : memref<10000x128xf32, #tpu.memory_space<vmem_shared>> -> memref<10000x128xf32, #tpu.memory_space<vmem_shared>>
      tpu.enqueue_indirect_dma source(%arg14 : memref<16x128xf32, #tpu.memory_space<vmem>>) target(%dma_start3A_1458 : memref<10000x128xf32, #tpu.memory_space<vmem_shared>>) offsets(%arg12 : memref<16xi32, #tpu.memory_space<vmem>>) semaphore(%run_scoped3A : memref<!tpu.dma_semaphore, #tpu.memory_space<semaphore_mem>>) {add = true}
      %dma_wait3A_1459 = arith.constant 0 : i32
      %dma_wait3A_1460 = arith.constant 0 : i32
      %dma_wait3A_1461 = tpu.memref_slice %arg15[%dma_wait3A_1459, %dma_wait3A_1460] : memref<10000x128xf32, #tpu.memory_space<vmem_shared>> -> memref<10000x128xf32, #tpu.memory_space<vmem_shared>>
      tpu.wait_indirect_dma semaphore(%run_scoped3A : memref<!tpu.dma_semaphore, #tpu.memory_space<semaphore_mem>>) src(%arg14 : memref<16x128xf32, #tpu.memory_space<vmem>>) dst(%dma_wait3A_1461 : memref<10000x128xf32, #tpu.memory_space<vmem_shared>>)
      tpu.yield
    }) : () -> ()
    %barrier3A_1445 = arith.constant 0 : index
    tpu.barrier barrier_id(%barrier3A_1445)
    %lt3A_1446 = arith.constant 15 : i32
    %lt3A_1447 = arith.cmpi slt, %arg1, %lt3A_1446 : i32
    %convert_element_type3A_1448 = arith.extui %lt3A_1447 : i1 to i32
    %cond3A_1449 = arith.constant 0 : i32
    %cond3A_1450 = arith.cmpi ne, %convert_element_type3A_1448, %cond3A_1449 : i32
    scf.if %cond3A_1450 {
      "tpu.region"() ({
        %run_scoped3A = tpu.sem_alloc : memref<!tpu.dma_semaphore, #tpu.memory_space<semaphore_mem>>
        %dma_start3A_1456 = arith.constant 0 : i32
        %dma_start3A_1457 = tpu.memref_slice %arg6[%arg0, %mul3A_9, %dma_start3A_1456] : memref<2x10000x128xf32, #tpu.memory_space<hbm>> -> memref<1x632x128xf32, #tpu.memory_space<hbm>>
        %dma_start3A_1458 = tpu.memref_squeeze %dma_start3A_1457 : memref<1x632x128xf32, #tpu.memory_space<hbm>> -> memref<632x128xf32, #tpu.memory_space<hbm>>
        %dma_start3A_1459 = arith.constant 0 : i32
        %dma_start3A_1460 = tpu.memref_slice %arg15[%mul3A_9, %dma_start3A_1459] : memref<10000x128xf32, #tpu.memory_space<vmem_shared>> -> memref<632x128xf32, #tpu.memory_space<vmem_shared>>
        tpu.enqueue_dma source(%dma_start3A_1460 : memref<632x128xf32, #tpu.memory_space<vmem_shared>>) target(%dma_start3A_1458 : memref<632x128xf32, #tpu.memory_space<hbm>>) target_semaphore(%run_scoped3A : memref<!tpu.dma_semaphore, #tpu.memory_space<semaphore_mem>>)
        %dma_wait3A_1461 = arith.constant 0 : i32
        %dma_wait3A_1462 = tpu.memref_slice %arg6[%arg0, %mul3A_9, %dma_wait3A_1461] : memref<2x10000x128xf32, #tpu.memory_space<hbm>> -> memref<1x632x128xf32, #tpu.memory_space<hbm>>
        %dma_wait3A_1463 = tpu.memref_squeeze %dma_wait3A_1462 : memref<1x632x128xf32, #tpu.memory_space<hbm>> -> memref<632x128xf32, #tpu.memory_space<hbm>>
        %dma_wait3A_1464 = arith.constant 0 : i32
        %dma_wait3A_1465 = tpu.memref_slice %arg15[%mul3A_9, %dma_wait3A_1464] : memref<10000x128xf32, #tpu.memory_space<vmem_shared>> -> memref<632x128xf32, #tpu.memory_space<vmem_shared>>
        tpu.wait_dma2 semaphore(%run_scoped3A : memref<!tpu.dma_semaphore, #tpu.memory_space<semaphore_mem>>) src(%dma_wait3A_1465 : memref<632x128xf32, #tpu.memory_space<vmem_shared>>) dst(%dma_wait3A_1463 : memref<632x128xf32, #tpu.memory_space<hbm>>)
        tpu.yield
      }) : () -> ()
    } else {
    }
    %eq3A_1451 = arith.constant 15 : i32
    %eq3A_1452 = arith.cmpi eq, %arg1, %eq3A_1451 : i32
    %convert_element_type3A_1453 = arith.extui %eq3A_1452 : i1 to i32
    %cond3A_1454 = arith.constant 0 : i32
    %cond3A_1455 = arith.cmpi ne, %convert_element_type3A_1453, %cond3A_1454 : i32
    scf.if %cond3A_1455 {
      "tpu.region"() ({
        %run_scoped3A = tpu.sem_alloc : memref<!tpu.dma_semaphore, #tpu.memory_space<semaphore_mem>>
        %dma_start3A_1456 = arith.constant 0 : i32
        %dma_start3A_1457 = tpu.memref_slice %arg6[%arg0, %mul3A_9, %dma_start3A_1456] : memref<2x10000x128xf32, #tpu.memory_space<hbm>> -> memref<1x520x128xf32, #tpu.memory_space<hbm>>
        %dma_start3A_1458 = tpu.memref_squeeze %dma_start3A_1457 : memref<1x520x128xf32, #tpu.memory_space<hbm>> -> memref<520x128xf32, #tpu.memory_space<hbm>>
        %dma_start3A_1459 = arith.constant 0 : i32
        %dma_start3A_1460 = tpu.memref_slice %arg15[%mul3A_9, %dma_start3A_1459] : memref<10000x128xf32, #tpu.memory_space<vmem_shared>> -> memref<520x128xf32, #tpu.memory_space<vmem_shared>>
        tpu.enqueue_dma source(%dma_start3A_1460 : memref<520x128xf32, #tpu.memory_space<vmem_shared>>) target(%dma_start3A_1458 : memref<520x128xf32, #tpu.memory_space<hbm>>) target_semaphore(%run_scoped3A : memref<!tpu.dma_semaphore, #tpu.memory_space<semaphore_mem>>)
        %dma_wait3A_1461 = arith.constant 0 : i32
        %dma_wait3A_1462 = tpu.memref_slice %arg6[%arg0, %mul3A_9, %dma_wait3A_1461] : memref<2x10000x128xf32, #tpu.memory_space<hbm>> -> memref<1x520x128xf32, #tpu.memory_space<hbm>>
        %dma_wait3A_1463 = tpu.memref_squeeze %dma_wait3A_1462 : memref<1x520x128xf32, #tpu.memory_space<hbm>> -> memref<520x128xf32, #tpu.memory_space<hbm>>
        %dma_wait3A_1464 = arith.constant 0 : i32
        %dma_wait3A_1465 = tpu.memref_slice %arg15[%mul3A_9, %dma_wait3A_1464] : memref<10000x128xf32, #tpu.memory_space<vmem_shared>> -> memref<520x128xf32, #tpu.memory_space<vmem_shared>>
        tpu.wait_dma2 semaphore(%run_scoped3A : memref<!tpu.dma_semaphore, #tpu.memory_space<semaphore_mem>>) src(%dma_wait3A_1465 : memref<520x128xf32, #tpu.memory_space<vmem_shared>>) dst(%dma_wait3A_1463 : memref<520x128xf32, #tpu.memory_space<hbm>>)
        tpu.yield
      }) : () -> ()
    } else {
    }
    return
  }
}

module attributes {stable_mosaic.version = 14 : i64} {
  func.func @body(%arg0: i32, %arg1: memref<1000x128xf32, #tpu.memory_space<vmem>>, %arg2: memref<1000x128xf32, #tpu.memory_space<vmem>>, %arg3: memref<128x128xf32, #tpu.memory_space<vmem>>, %arg4: memref<1000x128xf32, #tpu.memory_space<vmem>>) attributes {dimension_semantics = [#tpu.dimension_semantics<arbitrary>], iteration_bounds = array<i64: 10>, scalar_prefetch = 0 : i64, scratch_operands = 0 : i64, tpu.core_type = #tpu.core_type<tc>, window_params = [{transform_indices = @transform_0, window_bounds = array<i64: 1000, 128>}, {transform_indices = @transform_1, window_bounds = array<i64: 1000, 128>}, {pipeline_mode = #tpu.pipeline_mode<synchronous>, transform_indices = @transform_2, window_bounds = array<i64: 128, 128>}, {transform_indices = @transform_3, window_bounds = array<i64: 1000, 128>}]} {
    %get3A = arith.constant 0 : index
    %get3A_0 = arith.constant 0 : index
    %get3A_1 = vector.load %arg1[%get3A, %get3A_0] : memref<1000x128xf32, #tpu.memory_space<vmem>>, vector<1000x128xf32>
    %get3A_2 = arith.constant 0 : index
    %get3A_3 = arith.constant 0 : index
    %get3A_4 = vector.load %arg2[%get3A_2, %get3A_3] : memref<1000x128xf32, #tpu.memory_space<vmem>>, vector<1000x128xf32>
    %add3A = arith.addf %get3A_1, %get3A_4 : vector<1000x128xf32>
    %get3A_5 = arith.constant 0 : index
    %get3A_6 = arith.constant 0 : index
    %get3A_7 = vector.load %arg3[%get3A_5, %get3A_6] : memref<128x128xf32, #tpu.memory_space<vmem>>, vector<128x128xf32>
    %dot_general3A = arith.constant dense<0.000000e+00> : vector<1000x128xf32>
    %dot_general3A_8 = tpu.matmul %add3A, %get3A_7, %dot_general3A {dimension_numbers = #tpu.dot_dimension_numbers<[1], [0], [0], [1], [0, 0, 1, 1], [], []>, transpose_lhs_hint = false} : vector<1000x128xf32>, vector<128x128xf32>, vector<1000x128xf32> -> vector<1000x128xf32>
    %max3A = arith.constant 0.000000e+00 : f32
    %max3A_9 = vector.broadcast %max3A : f32 to vector<1000x128xf32>
    %max3A_10 = arith.maximumf %dot_general3A_8, %max3A_9 : vector<1000x128xf32>
    %swap3A = arith.constant 0 : index
    %swap3A_11 = arith.constant 0 : index
    %swap3A_12 = vector.load %arg4[%swap3A, %swap3A_11] : memref<1000x128xf32, #tpu.memory_space<vmem>>, vector<1000x128xf32>
    tpu.vector_store %arg4[%swap3A, %swap3A_11], %max3A_10 {strides = array<i32>} : memref<1000x128xf32, #tpu.memory_space<vmem>>, vector<1000x128xf32>,
    return
  }
  func.func @transform_0(%arg0: i32) -> (i32, i32) {
    %c0_i32 = arith.constant 0 : i32
    %c0_i32_0 = arith.constant 0 : i32
    return %arg0, %c0_i32 : i32, i32
  }
  func.func @transform_1(%arg0: i32) -> (i32, i32) {
    %c0_i32 = arith.constant 0 : i32
    %c0_i32_0 = arith.constant 0 : i32
    return %arg0, %c0_i32 : i32, i32
  }
  func.func @transform_2(%arg0: i32) -> (i32, i32) {
    %c0_i32 = arith.constant 0 : i32
    %c0_i32_0 = arith.constant 0 : i32
    %c0_i32_1 = arith.constant 0 : i32
    return %c0_i32, %c0_i32_0 : i32, i32
  }
  func.func @transform_3(%arg0: i32) -> (i32, i32) {
    %c0_i32 = arith.constant 0 : i32
    %c0_i32_0 = arith.constant 0 : i32
    return %arg0, %c0_i32 : i32, i32
  }
}

</mosaic_0001>

<sc_bundles>
// kernel: kernel.4.cloned.1.call-start
scs
__scs_entry_jumppad:
0x0: {  	(pc) =	sbr.rel $0x88, $3  }
0x1: {  	(tag) =	ssettag $0x0;
	lr =	simm.s32 $0x1  }
0x2: {  	[smem:$0x3F9D] =	sst lr;
	_ =	strace $0xD0000000  }
0x3: {  	_ = 	snop  }
0x4: {  	_ = 	snop  }
0x5: {  	_ = 	snop  }
0x6: {  	_ = 	snop  }
0x7: {  	_ = 	snop  }
__scs_overlays_trampoline_lowered:
0x8: {  	[smem:$0x3FAC] =	sst s0  }
0x9: {  	[smem:$0x3FAD] =	sst s1  }
0xa: {  	[smem:$0x3FAE] =	sst s2  }
0xb: {  	[smem:$0x3FAF] =	sst s3  }
0xc: {  	[smem:$0x3FB0] =	sst s4  }
0xd: {  	[smem:$0x3FB1] =	sst s5  }
0xe: {  	[smem:$0x3FB2] =	sst s6  }
0xf: {  	[smem:$0x3FB3] =	sst s7  }
0x10: {  	[smem:$0x3FB4] =	sst s8  }
0x11: {  	[smem:$0x3FB5] =	sst s9;
	s0 =	simm.s32 @!p0 $0x0  }
0x12: {  	s1 =	sld [smem:$0x3F9B];
	s0 =	simm.s32 @p0 $0x1  }
0x13: {  	[smem:$0x3FB6] =	sst s0;
	s0 =	simm.s32 @!p1 $0x0  }
0x14: {  	s2 =	sld [smem:$0x3F9A];
	s0 =	simm.s32 @p1 $0x1  }
0x15: {  	[smem:$0x3FB7] =	sst s0;
	s0 =	simm.s32 @!p2 $0x0  }
0x16: {  	s3 =	sld [smem:$0x3FDB];
	s0 =	simm.s32 @p2 $0x1  }
0x17: {  	s4 =	simm.s32 $0x1BF5;
	[smem:$0x3FB9] =	sst s0  }
0x18: {  	s0 =	sld [smem:$0x3F9C];
	_ =	swait.ge [sflag:s4], $0x0  }
0x19: {  	s7 =	sld [smem:$0x3F9D]  }
0x1a: {  	s8 =	sadd.s32 $0xFFFFE003, lr  }
0x1b: {  	s9 =	sadd.s32 $0xFFFFFEF7, lr;
	s5 =	simm.s32 $0xFFFFFFFF;
	p2 =	slt.u32 s8, $0xFFFFF086  }
0x1c: {  	p1 =	slt.u32 s9, $0xF7A;
	s5 =	simm.s32 @!p2 $0x0  }
0x1d: {  	s5 =	simm.s32 @p1 $0x1;
	p0 =	seq.s32 s7, s2  }
0x1e: {  	s7 =	smul.u32 @!p0 $0xF7A, s2;
	p2 =	seq.s32 @!p0 s5, $0x0  }
0x1f: {  	s9 =	smul.u32 $0xF7A, s1;
	s8 =	simm.s32 @!p0 $0x1BF5;
	p2 =	por !p2, p0  }
0x20: {  	[sflag:s8] =	ssyncset.s32 @!p0 $0xFFFFF086;
	s6 =	sadd.s32 @!p0 s3, s7;
	s7 =	simm.s32 @!p0 $0x108  }
0x21: {  	s3 =	sadd.s32 s3, s9;
	s6 =	sadd.s32 @!p0 $0x88, s6;
	s7 =	simm.s32 @p2 $0x1082  }
0x22: {  	[simem:s7], [sflag:s8] =	dma.local @!p0 [hbm:s6], $0xF7A  }
0x23: {  	s9 =	sor.u32 $0xD0000000, s2;
	s6 =	simm.s32 $0x108;
	_ =	swait.ge @!p0 [sflag:s8], $0x0  }
0x24: {  	s3 =	sadd.s32 $0x88, s3;
	s6 =	simm.s32 @!p1 $0x1082;
	[sflag:s4] =	ssyncset.s32 $0xFFFFF086  }
0x25: {  	[simem:s6], [sflag:s4] =	dma.local [hbm:s3], $0xF7A  }
0x26: {  	[smem:$0x3F9D] =	sst s1;
	(tag) =	ssettag s2;
	_ =	strace s9  }
0x27: {  	s1 =	sld [smem:$0x3FAD]  }
0x28: {  	s2 =	sld [smem:$0x3FAE]  }
0x29: {  	s4 =	sld [smem:$0x3FB0]  }
0x2a: {  	p0 =	seq.s32 s5, $0x0;
	s5 =	sld [smem:$0x3FB1]  }
0x2b: {  	s6 =	sld [smem:$0x3FB2]  }
0x2c: {  	s7 =	sld [smem:$0x3FB3]  }
0x2d: {  	s3 =	simm.s32 $0x108;
	s8 =	sld [smem:$0x3FB4]  }
0x2e: {  	s3 =	simm.s32 @!p0 $0x1082;
	s9 =	sld [smem:$0x3FB5]  }
0x2f: {  	lr =	sadd.s32 s0, s3;
	s0 =	sld [smem:$0x3FAC]  }
0x30: {  	s3 =	sld [smem:$0x3FAF]  }
0x31: {  	[smem:$0x3FB8] =	sst s10  }
0x32: {  	s10 =	sld [smem:$0x3FB6];
	_ =	sdelay $0x3  }
0x33: {  	p0 =	seq.s32 s10, $0x1;
	s10 =	sld [smem:$0x3FB8];
	_ =	sdelay $0x3  }
0x34: {  	[smem:$0x3FB8] =	sst s10  }
0x35: {  	s10 =	sld [smem:$0x3FB7];
	_ =	sdelay $0x3  }
0x36: {  	p1 =	seq.s32 s10, $0x1;
	s10 =	sld [smem:$0x3FB8];
	_ =	sdelay $0x3  }
0x37: {  	[smem:$0x3FB8] =	sst s10  }
0x38: {  	s10 =	sld [smem:$0x3FB9]  }
0x39: {  	_ = 	snop;
	(pc) =	sbr.ind lr, $3  }
0x3a: {  	_ = 	snop  }
0x3b: {  	_ = 	snop  }
0x3c: {  	p2 =	seq.s32 s10, $0x1;
	s10 =	sld [smem:$0x3FB8]  }
0x3d: {  	_ =	shalt  }
0x3e: {  	_ =	shalt  }
0x3f: {  	_ =	shalt  }
0x40: {  	_ =	shalt  }
0x41: {  	_ =	shalt  }
0x42: {  	_ =	shalt  }
0x43: {  	_ =	shalt  }
0x44: {  	_ =	shalt  }
0x45: {  	_ =	shalt  }
0x46: {  	_ =	shalt  }
0x47: {  	_ =	shalt  }
0x48: {  	_ =	shalt  }
0x49: {  	_ =	shalt  }
0x4a: {  	_ =	shalt  }
0x4b: {  	_ =	shalt  }
0x4c: {  	_ =	shalt  }
0x4d: {  	_ =	shalt  }
0x4e: {  	_ =	shalt  }
0x4f: {  	_ =	shalt  }
0x50: {  	_ =	shalt  }
0x51: {  	_ =	shalt  }
0x52: {  	_ =	shalt  }
0x53: {  	_ =	shalt  }
0x54: {  	_ =	shalt  }
0x55: {  	_ =	shalt  }
0x56: {  	_ =	shalt  }
0x57: {  	_ =	shalt  }
0x58: {  	_ =	shalt  }
0x59: {  	_ =	shalt  }
0x5a: {  	_ =	shalt  }
0x5b: {  	_ =	shalt  }
0x5c: {  	_ =	shalt  }
0x5d: {  	_ =	shalt  }
0x5e: {  	_ =	shalt  }
0x5f: {  	_ =	shalt  }
0x60: {  	_ =	shalt  }
0x61: {  	_ =	shalt  }
0x62: {  	_ =	shalt  }
0x63: {  	_ =	shalt  }
0x64: {  	_ =	shalt  }
0x65: {  	_ =	shalt  }
0x66: {  	_ =	shalt  }
0x67: {  	_ =	shalt  }
0x68: {  	_ =	shalt  }
0x69: {  	_ =	shalt  }
0x6a: {  	_ =	shalt  }
0x6b: {  	_ =	shalt  }
0x6c: {  	_ =	shalt  }
0x6d: {  	_ =	shalt  }
0x6e: {  	_ =	shalt  }
0x6f: {  	_ =	shalt  }
0x70: {  	_ =	shalt  }
0x71: {  	_ =	shalt  }
0x72: {  	_ =	shalt  }
0x73: {  	_ =	shalt  }
0x74: {  	_ =	shalt  }
0x75: {  	_ =	shalt  }
0x76: {  	_ =	shalt  }
0x77: {  	_ =	shalt  }
0x78: {  	_ =	shalt  }
0x79: {  	_ =	shalt  }
0x7a: {  	_ =	shalt  }
0x7b: {  	_ =	shalt  }
0x7c: {  	_ =	shalt  }
0x7d: {  	_ =	shalt  }
0x7e: {  	_ =	shalt  }
0x7f: {  	_ =	shalt  }
0x80: {  	_ =	shalt  }
0x81: {  	_ =	shalt  }
0x82: {  	_ =	shalt  }
0x83: {  	_ =	shalt  }
0x84: {  	_ =	shalt  }
0x85: {  	_ =	shalt  }
0x86: {  	_ =	shalt  }
0x87: {  	_ =	shalt  }
.Lfunc_end0:
.L_simem_size_0:
called_computation_lowered:
.L_overlay_start_0:
0x88: {  	s2 =	sld [smem:$0x3FD9]  }
0x89: {  	s3 =	sld [smem:$0x3FFE];
	_ =	sdelay $0x1  }
0x8a: {  	s1 =	srdreg.scid  }
0x8b: {  	s0 =	sand.u32 $0x1, s1  }
0x8c: {  	s17 =	sshll.u32 s0, $0xA;
	s2 =	sadd.s32 s3, s2  }
0x8d: {  	s2 =	sadd.s32 s2, s17  }
0x8e: {  	[smem:$0x3FC4] =	sst s2  }
0x8f: {  	_ = 	snop  }
0x90: {  	s2 =	sld [smem:$0x3FC9]  }
0x91: {  	s18 =	sld [smem:$0x3FC7]  }
0x92: {  	s4 =	sld [smem:$0x3FD0];
	(tm) =	ssettm $0x1  }
0x93: {  	s5 =	sld [smem:$0x3FFB];
	_ =	sdelay $0x3  }
0x94: {  	_ =	strace s5  }
0x95: {  	s5 =	sld [smem:$0x3FFC];
	_ =	sdelay $0x3  }
0x96: {  	_ =	strace s5  }
0x97: {  	s5 =	sld [smem:$0x3FFD];
	_ =	sdelay $0x3  }
0x98: {  	_ =	strace s5  }
0x99: {  	_ =	strace $0x8FFFFFFF  }
0x9a: {  	s19 =	sld [smem:$0x3FDB];
	_ =	sdelay $0x1  }
0x9b: {  	s6 =	simm.s32 $_scs_section_size  }
0x9c: {  	s7 =	simm.s32 $_size__tile_overlayer_lowered;
	s8 =	simm.s32 $_tile_overlayer_lowered  }
0x9d: {  	s22 =	simm.s32 $0x1BFF;
	s21 =	sshll.u32 s8, $0x1;
	s5 =	sadd.s32 s6, s19  }
0x9e: {  	s9 =	simm.s32 $0x0;
	s20 =	sshll.u32 s7, $0x1;
	s7 =	sadd.s32 s21, s5  }
0x9f: {  	[timem:s9], [sflag:s22] =	dma.local [hbm:s7], s20  }
0xa0: {  	_ =	swait.ge [sflag:s22], s20  }
0xa1: {  	s6 =	ssub.s32 $0x0, s20;
	[sflag:s22] =	ssyncset.done $0x0  }
0xa2: {  	[sflag:s22] =	ssyncadd.s32 s6;
	_ =	sdelay $0x1  }
0xa3: {  	s23 =	simm.s32 $0x1B8B  }
0xa4: {  	_ =	swait.ge [sflag:s23], $0x1  }
0xa5: {  	[sflag:s23] =	ssyncset.done $0x0  }
0xa6: {  	s25 =	simm.s32 $0x1B8E;
	s24 =	sld [smem:$0x3FFE];
	[sflag:s23] =	ssyncadd.s32 $0xFFFFFFFF  }
0xa7: {  	s26 =	simm.s32 $execute0_lowered;
	[smem:$0x3FD2] =	sst s25  }
0xa8: {  	s7 =	sshll.u32 s26, $0x1;
	_ =	strace $0x80000046;
	[dreg:$0x1] =	wrdreg $0xFFFFFFFF  }
0xa9: {  	s28 =	simm.s32 $_size_execute0_lowered;
	s5 =	sadd.s32 s5, s7;
	[dreg:$0x0] =	wrdreg $0x0  }
0xaa: {  	s7 =	sshll.u32 s28, $0x1;
	[dreg:$0x2] =	wrdreg s5  }
0xab: {  	[dreg:$0x3] =	wrdreg s7  }
0xac: {  	[dreg:$0x4] =	wrdreg $0xC0  }
0xad: {  	_ =	task [dreg:s9], $0x5FFFF  }
0xae: {  	[dreg:$0x1] =	wrdreg $0xFFFFFFFF  }
0xaf: {  	[dreg:$0x0] =	wrdreg $0x60  }
0xb0: {  	[dreg:$0x2] =	wrdreg s2  }
0xb1: {  	[dreg:$0x3] =	wrdreg s24  }
0xb2: {  	[dreg:$0x4] =	wrdreg s4  }
0xb3: {  	[dreg:$0x5] =	wrdreg s18  }
0xb4: {  	[dreg:$0x6] =	wrdreg $0x4B000  }
0xb5: {  	[dreg:$0x7] =	wrdreg $0x9  }
0xb6: {  	_ =	task.clear_ibuf [dreg:s9], $0x8FFFF;
	_ =	strace $0x90000046  }
0xb7: {  	s29 =	simm.s32 $0x9;
	_ =	strace $0x80000048  }
0xb8: {  	_ =	swait.ge [sflag:s29], $0x1  }
0xb9: {  	[sflag:s29] =	ssyncadd.s32 $0xFFFFFFFF  }
0xba: {  	_ =	strace $0x90000048  }
0xbb: {  	_ =	sfence  }
0xbc: {  	s30 =	sld [smem:$0x0];
	_ =	sdelay $0x2  }
0xbd: {  	s31 =	sshll.u32 s1, $0xD;
	s1 =	sshrl.u32 s1, $0x2  }
0xbe: {  	s3 =	sand.u32 $0x4000, s31;
	s1 =	sadd.s32 s1, s30  }
0xbf: {  	s0 =	sor.u32 s3, s0;
	s1 =	sshll.u32 s1, $0x11  }
0xc0: {  	s0 =	sor.u32 s1, s0  }
0xc1: {  	s0 =	sadd.s32 $0x8F2B, s0  }
0xc2: {  	[sflag:s0] =	ssyncadd.remote.s32 $0x1  }
0xc3: {  	_ =	sfence.sel $0xFFFF  }
0xc4: {  	[dreg:$0x0] =	wrdreg $0xFFFFFFFF;
	(pc) =	sbr.abs _section_cstart, $3  }
0xc5: {  	[dreg:$0x1] =	wrdreg $0xFFFFFFFF  }
0xc6: {  	_ =	task.clear_ibuf [dreg:s9], $0x2FFFF;
	_ =	strace $0x9FFFFFFF  }
0xc7: {  	(tm) =	ssettm $0x7FFFFFFF  }
tec
execute0_lowered:
.L_overlay_start_1:
0x0: {  	(tag) =	ssettag $0x1  }
0x1: {  	s1 =	rddreg [dreg:$0x0]  }
0x2: {  	s2 =	rddreg [dreg:$0x1]  }
0x3: {  	s3 =	rddreg [dreg:$0x2]  }
0x4: {  	s4 =	rddreg [dreg:$0x3]  }
0x5: {  	s6 =	rddreg [dreg:$0x4];
	s7 =	simm.s32 $0x0;
	s0 =	srdreg.scid  }
0x6: {  	s13 =	stileid.u32;
	s28 =	simm.s32 $0x100;
	s29 =	simm.s32 $0x180  }
0x7: {  	s31 =	simm.s32 $0x4180;
	[smem:$0x7FF] =	sst s7;
	s5 =	smul.u32 $0x4F000, s13  }
0x8: {  	s30 =	simm.s32 $0x1;
	s14 =	sadd.s32 $0x128400, s6;
	s23 =	sadd.s32 $0x12C400, s6  }
0x9: {  	s9 =	sadd.s32 $0x9E00, s2;
	s12 =	sadd.s32 $0x130400, s6;
	s25 =	smul.u32 $0x13C00, s13  }
0xa: {  	s0 =	sand.u32 $0x1, s0;
	s17 =	sadd.s32 $0x134400, s6;
	s18 =	sadd.s32 $0x138400, s6  }
0xb: {  	p0 =	seq.s32 s13, $0xF;
	_ =	strace $0x80000047;
	s8 =	ssub.s32 $0x2, s0  }
0xc: {  	s11 =	sshll.u32 s0, $0x4;
	[dreg:$0xa] =	wrdreg s23;
	s0 =	smul.u32 $0x138800, s0  }
0xd: {  	[dreg:$0xb] =	wrdreg s12;
	s10 =	sshrl.u32 s8, $0x1;
	s5 =	sshrl.u32 s5, $0x2  }
0xe: {  	s11 =	sor.u32 s13, s11;
	s10 =	ssub.s32 s8, s10;
	s8 =	sadd.s32 s5, s6  }
0xf: {  	s11 =	smul.u32 $0x2710, s11;
	s12 =	sadd.s32 s25, s0;
	s5 =	sadd.s32 $0x4000, s8  }
0x10: {  	s0 =	sshrl.u32 s0, $0x3;
	s20 =	sadd.s32 $0x8000, s8;
	[dreg:$0x6] =	wrdreg s5  }
0x11: {  	s25 =	simm.s32 $0x2;
	s21 =	sadd.s32 $0xC000, s8;
	[dreg:$0x7] =	wrdreg s20  }
0x12: {  	v0 =	vimm.f32 $0.0e+00;
	v1 =	vimm.s32 $0x0;
	s22 =	sadd.s32 $0x10000, s8;
	s26 =	sshrl.u32 s12, $0x3;
	[dreg:$0x8] =	wrdreg s21  }
0x13: {  	v2 =	vimm.s32 $0x1;
	v3 =	vimm.s32 $0x2;
	v4 =	vimm.s32 $0x3;
	s0 =	sadd.s32 s9, s0;
	[dreg:$0x9] =	wrdreg s22;
	s24 =	sshrl.u32 s11, $0x3  }
0x14: {  	v5 =	vimm.s32 $0x4;
	v6 =	vimm.s32 $0x5;
	v7 =	vimm.s32 $0x6;
	s22 =	sadd.s32 s9, s26;
	s23 =	sadd.s32 $0x25080, s0;
	s26 =	simm.s32 $0x80  }
0x15: {  	v8 =	vimm.s32 $0x7;
	v9 =	vimm.s32 $0x8;
	v10 =	vimm.s32 $0x9;
	s0 =	simm.s32 $0x4200;
	s9 =	simm.s32 $0x4300;
	s5 =	sadd.s32 $0x4E0, s24  }
0x16: {  	v11 =	vimm.s32 $0xA;
	v12 =	vimm.s32 $0xB;
	v13 =	vimm.s32 $0xC;
	s24 =	smax.u32 s10, $0x1;
	s10 =	simm.s32 $0x0;
	s19 =	sadd.s32 s2, s5  }
0x17: {  	v14 =	vimm.s32 $0xD;
	v15 =	vimm.s32 $0xE;
	v16 =	vimm.s32 $0xF;
	s20 =	sadd.s32 s3, s5;
	s21 =	sadd.s32 s4, s5;
	s5 =	simm.s32 $0x10  }
.LBB2_1:
0x18: {  	s12 =	simm.s32 $0x0;
	s13 =	simm.s32 $0x200  }
.LBB2_2:
0x19: {  	p1 =	sne.s32 s13, $0xFE00;
	[tilespmem:s12+$0x1F0] =	vst v0  }
0x1a: {  	[tilespmem:s12+$0x180] =	vst v0  }
0x1b: {  	[tilespmem:s12+$0x190] =	vst v0  }
.Ltmp0:
0x1c: {  	[tilespmem:s12+$0x1A0] =	vst v0;
	(pc) =	sbr.rel @p1 .LBB2_2-.Ltmp0, $4  }
0x1d: {  	[tilespmem:s12+$0x1B0] =	vst v0  }
0x1e: {  	[tilespmem:s12+$0x1C0] =	vst v0  }
0x1f: {  	[tilespmem:s12+$0x1D0] =	vst v0  }
0x20: {  	[tilespmem:s12+$0x1E0] =	vst v0;
	s12 =	sshra.s32 s13, $0x2;
	s13 =	sadd.s32 $0x200, s13  }
0x21: {  	[tilespmem:s12+$0x1F0] =	vst v0  }
0x22: {  	[tilespmem:s12+$0x180] =	vst v0  }
0x23: {  	[tilespmem:s12+$0x190] =	vst v0  }
0x24: {  	[tilespmem:s12+$0x1A0] =	vst v0  }
0x25: {  	[tilespmem:s12+$0x1B0] =	vst v0  }
0x26: {  	[tilespmem:s12+$0x1C0] =	vst v0  }
0x27: {  	[tilespmem:s12+$0x1D0] =	vst v0  }
0x28: {  	[tilespmem:s12+$0x1E0] =	vst v0;
	s12 =	simm.s32 @p0 $0x180;
	s13 =	simm.s32 @p0 $0x2  }
0x29: {  	[spmem:s14] =	stream.linear.scatter @p0 [tilespmem:s12], [sflag:$0x2], $0x4000, $0x38;
	[tilespmem:$0x18380] =	vst v63  }
0x2a: {  	_ =	swait.ge @p0 [sflag:s13], $0x4000  }
0x2b: {  	[sflag:s13] =	ssyncset.done @p0 $0x0  }
0x2c: {  	s15 =	rddreg [dreg:$0xa];
	[sflag:s13] =	ssyncadd.s32 @p0 $0xFFFFC000  }
0x2d: {  	[spmem:s15] =	stream.linear.scatter @p0 [tilespmem:s12], [sflag:$0x2], $0x4000, $0x38;
	[tilespmem:$0x18380] =	vst v63  }
0x2e: {  	_ =	swait.ge @p0 [sflag:s13], $0x4000  }
0x2f: {  	[sflag:s13] =	ssyncset.done @p0 $0x0  }
0x30: {  	s15 =	rddreg [dreg:$0xb];
	[sflag:s13] =	ssyncadd.s32 @p0 $0xFFFFC000  }
0x31: {  	[spmem:s15] =	stream.linear.scatter @p0 [tilespmem:s12], [sflag:$0x2], $0x4000, $0x38;
	[tilespmem:$0x18380] =	vst v63  }
0x32: {  	_ =	swait.ge @p0 [sflag:s13], $0x4000  }
0x33: {  	[sflag:s13] =	ssyncset.done @p0 $0x0  }
0x34: {  	[sflag:s13] =	ssyncadd.s32 @p0 $0xFFFFC000  }
0x35: {  	[spmem:s17] =	stream.linear.scatter @p0 [tilespmem:s12], [sflag:$0x2], $0x4000, $0x38;
	[tilespmem:$0x18380] =	vst v63  }
0x36: {  	_ =	swait.ge @p0 [sflag:s13], $0x4000  }
0x37: {  	[sflag:s13] =	ssyncset.done @p0 $0x0  }
0x38: {  	[sflag:s13] =	ssyncadd.s32 @p0 $0xFFFFC000  }
0x39: {  	[spmem:s18] =	stream.linear.scatter @p0 [tilespmem:s12], [sflag:$0x2], $0x400, $0x38;
	[tilespmem:$0x18380] =	vst v63  }
0x3a: {  	_ =	swait.ge @p0 [sflag:s13], $0x400  }
0x3b: {  	[sflag:s13] =	ssyncset.done @p0 $0x0  }
0x3c: {  	s12 =	simm.s32 @!p0 $0x180;
	[sflag:s13] =	ssyncadd.s32 @p0 $0xFFFFFC00;
	s13 =	simm.s32 @!p0 $0x2  }
0x3d: {  	[spmem:s8] =	stream.linear.scatter @!p0 [tilespmem:s12], [sflag:$0x2], $0x4000, $0x38;
	[tilespmem:$0x18380] =	vst v63  }
0x3e: {  	_ =	swait.ge @!p0 [sflag:s13], $0x4000  }
0x3f: {  	[sflag:s13] =	ssyncset.done @!p0 $0x0  }
0x40: {  	s15 =	rddreg [dreg:$0x6];
	[sflag:s13] =	ssyncadd.s32 @!p0 $0xFFFFC000  }
0x41: {  	[spmem:s15] =	stream.linear.scatter @!p0 [tilespmem:s12], [sflag:$0x2], $0x4000, $0x38;
	[tilespmem:$0x18380] =	vst v63  }
0x42: {  	_ =	swait.ge @!p0 [sflag:s13], $0x4000  }
0x43: {  	[sflag:s13] =	ssyncset.done @!p0 $0x0  }
0x44: {  	s15 =	rddreg [dreg:$0x7];
	[sflag:s13] =	ssyncadd.s32 @!p0 $0xFFFFC000  }
0x45: {  	[spmem:s15] =	stream.linear.scatter @!p0 [tilespmem:s12], [sflag:$0x2], $0x4000, $0x38;
	[tilespmem:$0x18380] =	vst v63  }
0x46: {  	_ =	swait.ge @!p0 [sflag:s13], $0x4000  }
0x47: {  	[sflag:s13] =	ssyncset.done @!p0 $0x0  }
0x48: {  	s15 =	rddreg [dreg:$0x8];
	[sflag:s13] =	ssyncadd.s32 @!p0 $0xFFFFC000  }
0x49: {  	[spmem:s15] =	stream.linear.scatter @!p0 [tilespmem:s12], [sflag:$0x2], $0x4000, $0x38;
	[tilespmem:$0x18380] =	vst v63  }
0x4a: {  	_ =	swait.ge @!p0 [sflag:s13], $0x4000  }
0x4b: {  	[sflag:s13] =	ssyncset.done @!p0 $0x0  }
0x4c: {  	s15 =	rddreg [dreg:$0x9];
	[sflag:s13] =	ssyncadd.s32 @!p0 $0xFFFFC000  }
0x4d: {  	[spmem:s15] =	stream.linear.scatter @!p0 [tilespmem:s12], [sflag:$0x2], $0x3C00, $0x38;
	[tilespmem:$0x18380] =	vst v63  }
0x4e: {  	_ =	swait.ge @!p0 [sflag:s13], $0x3C00  }
0x4f: {  	[sflag:s13] =	ssyncset.done @!p0 $0x0  }
0x50: {  	[sflag:s13] =	ssyncadd.s32 @!p0 $0xFFFFC400  }
0x51: {  	s12 =	simm.s32 $0x0;
	s13 =	simm.s32 $0x0;
	[bflag:$0x0] =	sbarrier.arrive $0xFFFF  }
.LBB2_4:
0x52: {  	s15 =	sshll.u32 s13, $0x7  }
0x53: {  	s15 =	sadd.s32 s11, s15  }
0x54: {  	s15 =	sshrl.u32 s15, $0x3  }
0x55: {  	s16 =	sadd.s32 s2, s15  }
0x56: {  	[tilespmem:s12], [sflag:$0x2] =	stream.linear.gather [hbm4b:s16+s12], $0x80, $0x38;
	[tilespmem:$0x18380] =	vst v63  }
0x57: {  	_ =	swait.ge [sflag:s25], $0x80  }
0x58: {  	[sflag:s25] =	ssyncset.done $0x0  }
0x59: {  	s16 =	sadd.s32 s3, s15;
	[sflag:s25] =	ssyncadd.s32 $0xFFFFFF80  }
0x5a: {  	[tilespmem:s26], [sflag:$0x2] =	stream.linear.gather [hbm4b:s16+s12], $0x80, $0x38;
	[tilespmem:$0x18380] =	vst v63  }
0x5b: {  	_ =	swait.ge [sflag:s25], $0x80  }
0x5c: {  	[sflag:s25] =	ssyncset.done $0x0  }
0x5d: {  	s15 =	sadd.s32 s4, s15;
	[sflag:s25] =	ssyncadd.s32 $0xFFFFFF80  }
0x5e: {  	[tilespmem:s28], [sflag:$0x2] =	stream.linear.gather [hbm4b:s15+s12], $0x80, $0x38;
	[tilespmem:$0x18380] =	vst v63  }
0x5f: {  	_ =	swait.ge [sflag:s25], $0x80  }
0x60: {  	[sflag:s25] =	ssyncset.done $0x0  }
0x61: {  	[sflag:s25] =	ssyncadd.s32 $0xFFFFFF80  }
0x62: {  	[tilespmem:s29], [sflag:$0x1] =	stream.indirect.gather [hbm4b:s1+s26], $0x80, s12, s26, $0xb8;
	[tilespmem:$0x18380] =	vst v63  }
0x63: {  	_ =	swait.ge [sflag:s30], $0x4000  }
0x64: {  	[sflag:s30] =	ssyncset.done $0x0  }
0x65: {  	s15 =	simm.s32 $0x0;
	[sflag:s30] =	ssyncadd.s32 $0xFFFFC000  }
.LBB2_5:
0x66: {  	s16 =	sshll.u32 s15, $0x4  }
0x67: {  	s16 =	sand.u32 $0x3FFFFFF0, s16  }
0x68: {  	v17 =	vld [tilespmem:s16+$0x100];
	s16 =	sshll.u32 s15, $0xB  }
0x69: {  	s16 =	sand.u32 $0x3FFFF800, s16  }
0x6a: {  	v18 =	vld [tilespmem:s16+$0x180]  }
0x6b: {  	v19 =	vld [tilespmem:s16+$0x190]  }
0x6c: {  	v20 =	vld [tilespmem:s16+$0x1A0]  }
0x6d: {  	v22 =	vld [tilespmem:s16+$0x1B0];
	v21 =	vperm.xlane v17, v1  }
0x6e: {  	v23 =	vld [tilespmem:s16+$0x1C0]  }
0x6f: {  	v24 =	vld [tilespmem:s16+$0x1D0];
	v18 =	vmul.f32 v18, v21  }
0x70: {  	v25 =	vld [tilespmem:s16+$0x1E0];
	v19 =	vmul.f32 v19, v21  }
0x71: {  	v38 =	vld [tilespmem:s16+$0x1F0];
	[tilespmem:s16+$0x180] =	vst v18;
	v18 =	vmul.f32 v20, v21  }
0x72: {  	v39 =	vld [tilespmem:s16+$0x200];
	[tilespmem:s16+$0x190] =	vst v19;
	v19 =	vmul.f32 v22, v21  }
0x73: {  	v40 =	vld [tilespmem:s16+$0x210];
	[tilespmem:s16+$0x1A0] =	vst v18;
	v18 =	vmul.f32 v23, v21  }
0x74: {  	v41 =	vld [tilespmem:s16+$0x220];
	[tilespmem:s16+$0x1B0] =	vst v19;
	v19 =	vmul.f32 v24, v21  }
0x75: {  	v26 =	vld [tilespmem:s16+$0x230];
	v42 =	vperm.xlane v17, v2;
	[tilespmem:s16+$0x1C0] =	vst v18;
	v18 =	vmul.f32 v25, v21  }
0x76: {  	v43 =	vld [tilespmem:s16+$0x240];
	[tilespmem:s16+$0x1D0] =	vst v19;
	v19 =	vmul.f32 v38, v21  }
0x77: {  	v44 =	vld [tilespmem:s16+$0x250];
	[tilespmem:s16+$0x1E0] =	vst v18;
	v18 =	vmul.f32 v39, v42  }
0x78: {  	v45 =	vld [tilespmem:s16+$0x260];
	[tilespmem:s16+$0x1F0] =	vst v19;
	v19 =	vmul.f32 v40, v42  }
0x79: {  	v46 =	vld [tilespmem:s16+$0x270];
	[tilespmem:s16+$0x200] =	vst v18;
	v18 =	vmul.f32 v41, v42  }
0x7a: {  	v47 =	vld [tilespmem:s16+$0x280];
	[tilespmem:s16+$0x210] =	vst v19;
	v19 =	vmul.f32 v26, v42  }
0x7b: {  	v48 =	vld [tilespmem:s16+$0x290];
	[tilespmem:s16+$0x220] =	vst v18;
	v18 =	vmul.f32 v43, v42  }
0x7c: {  	v49 =	vld [tilespmem:s16+$0x2A0];
	[tilespmem:s16+$0x230] =	vst v19;
	v19 =	vmul.f32 v44, v42  }
0x7d: {  	v51 =	vld [tilespmem:s16+$0x2B0];
	v50 =	vperm.xlane v17, v3;
	[tilespmem:s16+$0x240] =	vst v18;
	v18 =	vmul.f32 v45, v42  }
0x7e: {  	v52 =	vld [tilespmem:s16+$0x2C0];
	[tilespmem:s16+$0x250] =	vst v19;
	v19 =	vmul.f32 v46, v42  }
0x7f: {  	v53 =	vld [tilespmem:s16+$0x2D0];
	[tilespmem:s16+$0x260] =	vst v18;
	v18 =	vmul.f32 v47, v50  }
0x80: {  	v54 =	vld [tilespmem:s16+$0x2E0];
	[tilespmem:s16+$0x270] =	vst v19;
	v19 =	vmul.f32 v48, v50  }
0x81: {  	v55 =	vld [tilespmem:s16+$0x2F0];
	[tilespmem:s16+$0x280] =	vst v18;
	v18 =	vmul.f32 v49, v50  }
0x82: {  	v56 =	vld [tilespmem:s16+$0x300];
	[tilespmem:s16+$0x290] =	vst v19;
	v19 =	vmul.f32 v51, v50  }
0x83: {  	v57 =	vld [tilespmem:s16+$0x310];
	[tilespmem:s16+$0x2A0] =	vst v18;
	v18 =	vmul.f32 v52, v50  }
0x84: {  	v58 =	vld [tilespmem:s16+$0x320];
	[tilespmem:s16+$0x2B0] =	vst v19;
	v19 =	vmul.f32 v53, v50  }
0x85: {  	v60 =	vld [tilespmem:s16+$0x330];
	v59 =	vperm.xlane v17, v4;
	[tilespmem:s16+$0x2C0] =	vst v18;
	v18 =	vmul.f32 v54, v50  }
0x86: {  	v61 =	vld [tilespmem:s16+$0x340];
	[tilespmem:s16+$0x2D0] =	vst v19;
	v19 =	vmul.f32 v55, v50  }
0x87: {  	v62 =	vld [tilespmem:s16+$0x350];
	[tilespmem:s16+$0x2E0] =	vst v18;
	v18 =	vmul.f32 v56, v59  }
0x88: {  	v63 =	vld [tilespmem:s16+$0x360];
	[tilespmem:s16+$0x2F0] =	vst v19;
	v19 =	vmul.f32 v57, v59  }
0x89: {  	v28 =	vld [tilespmem:s16+$0x370];
	[tilespmem:s16+$0x300] =	vst v18;
	v18 =	vmul.f32 v58, v59  }
0x8a: {  	v29 =	vld [tilespmem:s16+$0x380];
	[tilespmem:s16+$0x310] =	vst v19;
	v19 =	vmul.f32 v60, v59  }
0x8b: {  	v30 =	vld [tilespmem:s16+$0x390];
	[tilespmem:s16+$0x320] =	vst v18;
	v18 =	vmul.f32 v61, v59  }
0x8c: {  	v31 =	vld [tilespmem:s16+$0x3A0];
	[tilespmem:s16+$0x330] =	vst v19;
	v19 =	vmul.f32 v62, v59  }
0x8d: {  	v33 =	vld [tilespmem:s16+$0x3B0];
	v32 =	vperm.xlane v17, v5;
	[tilespmem:s16+$0x340] =	vst v18;
	v18 =	vmul.f32 v63, v59  }
0x8e: {  	v34 =	vld [tilespmem:s16+$0x3C0];
	[tilespmem:s16+$0x350] =	vst v19;
	v19 =	vmul.f32 v28, v59  }
0x8f: {  	v35 =	vld [tilespmem:s16+$0x3D0];
	[tilespmem:s16+$0x360] =	vst v18;
	v18 =	vmul.f32 v29, v32  }
0x90: {  	v36 =	vld [tilespmem:s16+$0x3E0];
	[tilespmem:s16+$0x370] =	vst v19;
	v19 =	vmul.f32 v30, v32  }
0x91: {  	v37 =	vld [tilespmem:s16+$0x3F0];
	[tilespmem:s16+$0x380] =	vst v18;
	v18 =	vmul.f32 v31, v32  }
0x92: {  	v38 =	vld [tilespmem:s16+$0x400];
	[tilespmem:s16+$0x390] =	vst v19;
	v19 =	vmul.f32 v33, v32  }
0x93: {  	v39 =	vld [tilespmem:s16+$0x410];
	[tilespmem:s16+$0x3A0] =	vst v18;
	v18 =	vmul.f32 v34, v32  }
0x94: {  	v40 =	vld [tilespmem:s16+$0x420];
	[tilespmem:s16+$0x3B0] =	vst v19;
	v19 =	vmul.f32 v35, v32  }
0x95: {  	v41 =	vperm.xlane v17, v6;
	v42 =	vld [tilespmem:s16+$0x430];
	[tilespmem:s16+$0x3C0] =	vst v18;
	v18 =	vmul.f32 v36, v32  }
0x96: {  	v43 =	vld [tilespmem:s16+$0x440];
	[tilespmem:s16+$0x3D0] =	vst v19;
	v19 =	vmul.f32 v37, v32  }
0x97: {  	v44 =	vld [tilespmem:s16+$0x450];
	[tilespmem:s16+$0x3E0] =	vst v18;
	v18 =	vmul.f32 v38, v41  }
0x98: {  	v45 =	vld [tilespmem:s16+$0x460];
	[tilespmem:s16+$0x3F0] =	vst v19;
	v19 =	vmul.f32 v39, v41  }
0x99: {  	v46 =	vld [tilespmem:s16+$0x470];
	[tilespmem:s16+$0x400] =	vst v18;
	v18 =	vmul.f32 v40, v41  }
0x9a: {  	v47 =	vld [tilespmem:s16+$0x480];
	[tilespmem:s16+$0x410] =	vst v19;
	v19 =	vmul.f32 v42, v41  }
0x9b: {  	v48 =	vld [tilespmem:s16+$0x490];
	[tilespmem:s16+$0x420] =	vst v18;
	v18 =	vmul.f32 v43, v41  }
0x9c: {  	v49 =	vld [tilespmem:s16+$0x4A0];
	[tilespmem:s16+$0x430] =	vst v19;
	v19 =	vmul.f32 v44, v41  }
0x9d: {  	v51 =	vld [tilespmem:s16+$0x4B0];
	v50 =	vperm.xlane v17, v7;
	[tilespmem:s16+$0x440] =	vst v18;
	v18 =	vmul.f32 v45, v41  }
0x9e: {  	v52 =	vld [tilespmem:s16+$0x4C0];
	[tilespmem:s16+$0x450] =	vst v19;
	v19 =	vmul.f32 v46, v41  }
0x9f: {  	v53 =	vld [tilespmem:s16+$0x4D0];
	[tilespmem:s16+$0x460] =	vst v18;
	v18 =	vmul.f32 v47, v50  }
0xa0: {  	v54 =	vld [tilespmem:s16+$0x4E0];
	[tilespmem:s16+$0x470] =	vst v19;
	v19 =	vmul.f32 v48, v50  }
0xa1: {  	v55 =	vld [tilespmem:s16+$0x4F0];
	[tilespmem:s16+$0x480] =	vst v18;
	v18 =	vmul.f32 v49, v50  }
0xa2: {  	v56 =	vld [tilespmem:s16+$0x500];
	[tilespmem:s16+$0x490] =	vst v19;
	v19 =	vmul.f32 v51, v50  }
0xa3: {  	v57 =	vld [tilespmem:s16+$0x510];
	[tilespmem:s16+$0x4A0] =	vst v18;
	v18 =	vmul.f32 v52, v50  }
0xa4: {  	v58 =	vld [tilespmem:s16+$0x520];
	[tilespmem:s16+$0x4B0] =	vst v19;
	v19 =	vmul.f32 v53, v50  }
0xa5: {  	v60 =	vld [tilespmem:s16+$0x530];
	v59 =	vperm.xlane v17, v8;
	[tilespmem:s16+$0x4C0] =	vst v18;
	v18 =	vmul.f32 v54, v50  }
0xa6: {  	v61 =	vld [tilespmem:s16+$0x540];
	[tilespmem:s16+$0x4D0] =	vst v19;
	v19 =	vmul.f32 v55, v50  }
0xa7: {  	v62 =	vld [tilespmem:s16+$0x550];
	[tilespmem:s16+$0x4E0] =	vst v18;
	v18 =	vmul.f32 v56, v59  }
0xa8: {  	v63 =	vld [tilespmem:s16+$0x560];
	[tilespmem:s16+$0x4F0] =	vst v19;
	v19 =	vmul.f32 v57, v59  }
0xa9: {  	v28 =	vld [tilespmem:s16+$0x570];
	[tilespmem:s16+$0x500] =	vst v18;
	v18 =	vmul.f32 v58, v59  }
0xaa: {  	v29 =	vld [tilespmem:s16+$0x580];
	[tilespmem:s16+$0x510] =	vst v19;
	v19 =	vmul.f32 v60, v59  }
0xab: {  	v30 =	vld [tilespmem:s16+$0x590];
	[tilespmem:s16+$0x520] =	vst v18;
	v18 =	vmul.f32 v61, v59  }
0xac: {  	v31 =	vld [tilespmem:s16+$0x5A0];
	[tilespmem:s16+$0x530] =	vst v19;
	v19 =	vmul.f32 v62, v59  }
0xad: {  	v33 =	vld [tilespmem:s16+$0x5B0];
	v32 =	vperm.xlane v17, v9;
	[tilespmem:s16+$0x540] =	vst v18;
	v18 =	vmul.f32 v63, v59  }
0xae: {  	v34 =	vld [tilespmem:s16+$0x5C0];
	[tilespmem:s16+$0x550] =	vst v19;
	v19 =	vmul.f32 v28, v59  }
0xaf: {  	v35 =	vld [tilespmem:s16+$0x5D0];
	[tilespmem:s16+$0x560] =	vst v18;
	v18 =	vmul.f32 v29, v32  }
0xb0: {  	v36 =	vld [tilespmem:s16+$0x5E0];
	[tilespmem:s16+$0x570] =	vst v19;
	v19 =	vmul.f32 v30, v32  }
0xb1: {  	v37 =	vld [tilespmem:s16+$0x5F0];
	[tilespmem:s16+$0x580] =	vst v18;
	v18 =	vmul.f32 v31, v32  }
0xb2: {  	v38 =	vld [tilespmem:s16+$0x600];
	[tilespmem:s16+$0x590] =	vst v19;
	v19 =	vmul.f32 v33, v32  }
0xb3: {  	v39 =	vld [tilespmem:s16+$0x610];
	[tilespmem:s16+$0x5A0] =	vst v18;
	v18 =	vmul.f32 v34, v32  }
0xb4: {  	v40 =	vld [tilespmem:s16+$0x620];
	[tilespmem:s16+$0x5B0] =	vst v19;
	v19 =	vmul.f32 v35, v32  }
0xb5: {  	v42 =	vld [tilespmem:s16+$0x630];
	v41 =	vperm.xlane v17, v10;
	[tilespmem:s16+$0x5C0] =	vst v18;
	v18 =	vmul.f32 v36, v32  }
0xb6: {  	v43 =	vld [tilespmem:s16+$0x640];
	[tilespmem:s16+$0x5D0] =	vst v19;
	v19 =	vmul.f32 v37, v32  }
0xb7: {  	v44 =	vld [tilespmem:s16+$0x650];
	[tilespmem:s16+$0x5E0] =	vst v18;
	v18 =	vmul.f32 v38, v41  }
0xb8: {  	v45 =	vld [tilespmem:s16+$0x660];
	[tilespmem:s16+$0x5F0] =	vst v19;
	v19 =	vmul.f32 v39, v41  }
0xb9: {  	v46 =	vld [tilespmem:s16+$0x670];
	[tilespmem:s16+$0x600] =	vst v18;
	v18 =	vmul.f32 v40, v41  }
0xba: {  	v47 =	vld [tilespmem:s16+$0x680];
	[tilespmem:s16+$0x610] =	vst v19;
	v19 =	vmul.f32 v42, v41  }
0xbb: {  	v48 =	vld [tilespmem:s16+$0x690];
	[tilespmem:s16+$0x620] =	vst v18;
	v18 =	vmul.f32 v43, v41  }
0xbc: {  	v49 =	vld [tilespmem:s16+$0x6A0];
	[tilespmem:s16+$0x630] =	vst v19;
	v19 =	vmul.f32 v44, v41  }
0xbd: {  	v51 =	vld [tilespmem:s16+$0x6B0];
	v50 =	vperm.xlane v17, v11;
	[tilespmem:s16+$0x640] =	vst v18;
	v18 =	vmul.f32 v45, v41  }
0xbe: {  	v52 =	vld [tilespmem:s16+$0x6C0];
	[tilespmem:s16+$0x650] =	vst v19;
	v19 =	vmul.f32 v46, v41  }
0xbf: {  	v53 =	vld [tilespmem:s16+$0x6D0];
	[tilespmem:s16+$0x660] =	vst v18;
	v18 =	vmul.f32 v47, v50  }
0xc0: {  	v54 =	vld [tilespmem:s16+$0x6E0];
	[tilespmem:s16+$0x670] =	vst v19;
	v19 =	vmul.f32 v48, v50  }
0xc1: {  	v55 =	vld [tilespmem:s16+$0x6F0];
	[tilespmem:s16+$0x680] =	vst v18;
	v18 =	vmul.f32 v49, v50  }
0xc2: {  	v56 =	vld [tilespmem:s16+$0x700];
	[tilespmem:s16+$0x690] =	vst v19;
	v19 =	vmul.f32 v51, v50  }
0xc3: {  	v57 =	vld [tilespmem:s16+$0x710];
	[tilespmem:s16+$0x6A0] =	vst v18;
	v18 =	vmul.f32 v52, v50  }
0xc4: {  	v58 =	vld [tilespmem:s16+$0x720];
	[tilespmem:s16+$0x6B0] =	vst v19;
	v19 =	vmul.f32 v53, v50  }
0xc5: {  	v60 =	vld [tilespmem:s16+$0x730];
	v59 =	vperm.xlane v17, v12;
	[tilespmem:s16+$0x6C0] =	vst v18;
	v18 =	vmul.f32 v54, v50  }
0xc6: {  	v61 =	vld [tilespmem:s16+$0x740];
	[tilespmem:s16+$0x6D0] =	vst v19;
	v19 =	vmul.f32 v55, v50  }
0xc7: {  	v62 =	vld [tilespmem:s16+$0x750];
	[tilespmem:s16+$0x6E0] =	vst v18;
	v18 =	vmul.f32 v56, v59  }
0xc8: {  	v63 =	vld [tilespmem:s16+$0x760];
	[tilespmem:s16+$0x6F0] =	vst v19;
	v19 =	vmul.f32 v57, v59  }
0xc9: {  	v28 =	vld [tilespmem:s16+$0x770];
	[tilespmem:s16+$0x700] =	vst v18;
	v18 =	vmul.f32 v58, v59  }
0xca: {  	v29 =	vld [tilespmem:s16+$0x780];
	[tilespmem:s16+$0x710] =	vst v19;
	v19 =	vmul.f32 v60, v59  }
0xcb: {  	v30 =	vld [tilespmem:s16+$0x790];
	[tilespmem:s16+$0x720] =	vst v18;
	v18 =	vmul.f32 v61, v59  }
0xcc: {  	v31 =	vld [tilespmem:s16+$0x7A0];
	[tilespmem:s16+$0x730] =	vst v19;
	v19 =	vmul.f32 v62, v59  }
0xcd: {  	v33 =	vld [tilespmem:s16+$0x7B0];
	v32 =	vperm.xlane v17, v13;
	[tilespmem:s16+$0x740] =	vst v18;
	v18 =	vmul.f32 v63, v59  }
0xce: {  	v34 =	vld [tilespmem:s16+$0x7C0];
	[tilespmem:s16+$0x750] =	vst v19;
	v19 =	vmul.f32 v28, v59  }
0xcf: {  	v35 =	vld [tilespmem:s16+$0x7D0];
	[tilespmem:s16+$0x760] =	vst v18;
	v18 =	vmul.f32 v29, v32  }
0xd0: {  	v36 =	vld [tilespmem:s16+$0x7E0];
	[tilespmem:s16+$0x770] =	vst v19;
	v19 =	vmul.f32 v30, v32  }
0xd1: {  	v37 =	vld [tilespmem:s16+$0x7F0];
	[tilespmem:s16+$0x780] =	vst v18;
	v18 =	vmul.f32 v31, v32  }
0xd2: {  	v38 =	vld [tilespmem:s16+$0x800];
	[tilespmem:s16+$0x790] =	vst v19;
	v19 =	vmul.f32 v33, v32  }
0xd3: {  	v39 =	vld [tilespmem:s16+$0x810];
	[tilespmem:s16+$0x7A0] =	vst v18;
	v18 =	vmul.f32 v34, v32  }
0xd4: {  	v40 =	vld [tilespmem:s16+$0x820];
	[tilespmem:s16+$0x7B0] =	vst v19;
	v19 =	vmul.f32 v35, v32  }
0xd5: {  	v42 =	vld [tilespmem:s16+$0x830];
	v41 =	vperm.xlane v17, v14;
	[tilespmem:s16+$0x7C0] =	vst v18;
	v18 =	vmul.f32 v36, v32  }
0xd6: {  	v43 =	vld [tilespmem:s16+$0x840];
	[tilespmem:s16+$0x7D0] =	vst v19;
	v19 =	vmul.f32 v37, v32  }
0xd7: {  	v44 =	vld [tilespmem:s16+$0x850];
	[tilespmem:s16+$0x7E0] =	vst v18;
	v18 =	vmul.f32 v38, v41  }
0xd8: {  	v45 =	vld [tilespmem:s16+$0x860];
	[tilespmem:s16+$0x7F0] =	vst v19;
	v19 =	vmul.f32 v39, v41  }
0xd9: {  	v46 =	vld [tilespmem:s16+$0x870];
	[tilespmem:s16+$0x800] =	vst v18;
	v18 =	vmul.f32 v40, v41  }
0xda: {  	v47 =	vld [tilespmem:s16+$0x880];
	[tilespmem:s16+$0x810] =	vst v19;
	v19 =	vmul.f32 v42, v41  }
0xdb: {  	v48 =	vld [tilespmem:s16+$0x890];
	[tilespmem:s16+$0x820] =	vst v18;
	v18 =	vmul.f32 v43, v41  }
0xdc: {  	v49 =	vld [tilespmem:s16+$0x8A0];
	[tilespmem:s16+$0x830] =	vst v19;
	v19 =	vmul.f32 v44, v41  }
0xdd: {  	v51 =	vld [tilespmem:s16+$0x8B0];
	v50 =	vperm.xlane v17, v15;
	[tilespmem:s16+$0x840] =	vst v18;
	v18 =	vmul.f32 v45, v41  }
0xde: {  	v52 =	vld [tilespmem:s16+$0x8C0];
	[tilespmem:s16+$0x850] =	vst v19;
	v19 =	vmul.f32 v46, v41  }
0xdf: {  	v53 =	vld [tilespmem:s16+$0x8D0];
	[tilespmem:s16+$0x860] =	vst v18;
	v18 =	vmul.f32 v47, v50  }
0xe0: {  	v54 =	vld [tilespmem:s16+$0x8E0];
	[tilespmem:s16+$0x870] =	vst v19;
	v19 =	vmul.f32 v48, v50  }
0xe1: {  	v55 =	vld [tilespmem:s16+$0x8F0];
	[tilespmem:s16+$0x880] =	vst v18;
	v18 =	vmul.f32 v49, v50  }
0xe2: {  	v56 =	vld [tilespmem:s16+$0x900];
	[tilespmem:s16+$0x890] =	vst v19;
	v19 =	vmul.f32 v51, v50  }
0xe3: {  	v57 =	vld [tilespmem:s16+$0x910];
	[tilespmem:s16+$0x8A0] =	vst v18;
	v18 =	vmul.f32 v52, v50  }
0xe4: {  	v58 =	vld [tilespmem:s16+$0x920];
	[tilespmem:s16+$0x8B0] =	vst v19;
	v19 =	vmul.f32 v53, v50  }
0xe5: {  	v17 =	vperm.xlane v17, v16;
	v59 =	vld [tilespmem:s16+$0x930];
	[tilespmem:s16+$0x8C0] =	vst v18;
	v18 =	vmul.f32 v54, v50  }
0xe6: {  	v60 =	vld [tilespmem:s16+$0x940];
	[tilespmem:s16+$0x8D0] =	vst v19;
	v19 =	vmul.f32 v55, v50  }
0xe7: {  	v61 =	vld [tilespmem:s16+$0x950];
	[tilespmem:s16+$0x8E0] =	vst v18;
	v18 =	vmul.f32 v56, v17  }
0xe8: {  	v62 =	vld [tilespmem:s16+$0x960];
	[tilespmem:s16+$0x8F0] =	vst v19;
	v19 =	vmul.f32 v57, v17  }
0xe9: {  	v63 =	vld [tilespmem:s16+$0x970];
	[tilespmem:s16+$0x900] =	vst v18;
	v18 =	vmul.f32 v58, v17  }
0xea: {  	[tilespmem:s16+$0x910] =	vst v19;
	v19 =	vmul.f32 v59, v17  }
0xeb: {  	p1 =	sne.s32 s15, $0x7;
	[tilespmem:s16+$0x920] =	vst v18;
	v18 =	vmul.f32 v60, v17  }
.Ltmp1:
0xec: {  	[tilespmem:s16+$0x930] =	vst v19;
	v19 =	vmul.f32 v61, v17;
	(pc) =	sbr.rel @p1 .LBB2_5-.Ltmp1, $4  }
0xed: {  	[tilespmem:s16+$0x940] =	vst v18;
	v18 =	vmul.f32 v62, v17  }
0xee: {  	[tilespmem:s16+$0x950] =	vst v19;
	v17 =	vmul.f32 v63, v17  }
0xef: {  	[tilespmem:s16+$0x960] =	vst v18  }
0xf0: {  	s15 =	sadd.s32 $0x1, s15;
	[tilespmem:s16+$0x970] =	vst v17  }
0xf1: {  	s13 =	sadd.s32 $0x1, s13  }
0xf2: {  	p1 =	sne.s32 s13, $0x4E  }
.Ltmp2:
0xf3: {  	_ = 	snop;
	(pc) =	sbr.rel @p1 .LBB2_4-.Ltmp2, $4  }
0xf4: {  	[spmem:s6] =	stream.indirect.scatter.add.f32 [tilespmem:s29], [sflag:$0x2], $0x80, s26, s26, $0xb8;
	[tilespmem:$0x18380] =	vst v63  }
0xf5: {  	_ =	swait.ge [sflag:s25], $0x4000  }
0xf6: {  	[sflag:s25] =	ssyncset.done $0x0  }
0xf7: {  	[sflag:s25] =	ssyncadd.s32 $0xFFFFC000  }
0xf8: {  	[tilespmem:s31], [sflag:$0x2] =	stream.linear.gather [hbm4b:s19+s7], $0x10, $0x38;
	[tilespmem:$0x18380] =	vst v63  }
0xf9: {  	_ =	swait.ge [sflag:s25], $0x10  }
0xfa: {  	[sflag:s25] =	ssyncset.done $0x0  }
0xfb: {  	[sflag:s25] =	ssyncadd.s32 $0xFFFFFFF0  }
0xfc: {  	[tilespmem:s0], [sflag:$0x2] =	stream.linear.gather [hbm4b:s20+s7], $0x10, $0x38;
	[tilespmem:$0x18380] =	vst v63  }
0xfd: {  	_ =	swait.ge [sflag:s25], $0x10  }
0xfe: {  	[sflag:s25] =	ssyncset.done $0x0  }
0xff: {  	s12 =	simm.s32 $0x4280;
	[sflag:s25] =	ssyncadd.s32 $0xFFFFFFF0  }
0x100: {  	[tilespmem:s12], [sflag:$0x2] =	stream.linear.gather [hbm4b:s21+s7], $0x10, $0x38;
	[tilespmem:$0x18380] =	vst v63  }
0x101: {  	_ =	swait.ge [sflag:s25], $0x10  }
0x102: {  	[sflag:s25] =	ssyncset.done $0x0  }
0x103: {  	[sflag:s25] =	ssyncadd.s32 $0xFFFFFFF0  }
0x104: {  	[tilespmem:s9], [sflag:$0x1] =	stream.indirect.gather [hbm4b:s1+s5], $0x80, s31, s5, $0xb8;
	[tilespmem:$0x18380] =	vst v63  }
0x105: {  	_ =	swait.ge [sflag:s30], $0x800  }
0x106: {  	[sflag:s30] =	ssyncset.done $0x0  }
0x107: {  	[sflag:s30] =	ssyncadd.s32 $0xFFFFF800  }
0x108: {  	v17 =	vld [tilespmem:$0x4280];
	_ =	sdelay $0x1  }
0x109: {  	v18 =	vld [tilespmem:$0x4300]  }
0x10a: {  	v19 =	vld [tilespmem:$0x4310]  }
0x10b: {  	v20 =	vld [tilespmem:$0x4320]  }
0x10c: {  	v22 =	vld [tilespmem:$0x4330];
	v21 =	vperm.xlane v17, v1  }
0x10d: {  	v23 =	vld [tilespmem:$0x4340]  }
0x10e: {  	v24 =	vld [tilespmem:$0x4350];
	v18 =	vmul.f32 v18, v21  }
0x10f: {  	v25 =	vld [tilespmem:$0x4360];
	v19 =	vmul.f32 v19, v21  }
0x110: {  	v38 =	vld [tilespmem:$0x4370];
	[tilespmem:$0x4300] =	vst v18;
	v18 =	vmul.f32 v20, v21  }
0x111: {  	v39 =	vld [tilespmem:$0x4380];
	[tilespmem:$0x4310] =	vst v19;
	v19 =	vmul.f32 v22, v21  }
0x112: {  	v40 =	vld [tilespmem:$0x4390];
	[tilespmem:$0x4320] =	vst v18;
	v18 =	vmul.f32 v23, v21  }
0x113: {  	v41 =	vld [tilespmem:$0x43A0];
	[tilespmem:$0x4330] =	vst v19;
	v19 =	vmul.f32 v24, v21  }
0x114: {  	v26 =	vld [tilespmem:$0x43B0];
	v42 =	vperm.xlane v17, v2;
	[tilespmem:$0x4340] =	vst v18;
	v18 =	vmul.f32 v25, v21  }
0x115: {  	v43 =	vld [tilespmem:$0x43C0];
	[tilespmem:$0x4350] =	vst v19;
	v19 =	vmul.f32 v38, v21  }
0x116: {  	v44 =	vld [tilespmem:$0x43D0];
	[tilespmem:$0x4360] =	vst v18;
	v18 =	vmul.f32 v39, v42  }
0x117: {  	v45 =	vld [tilespmem:$0x43E0];
	[tilespmem:$0x4370] =	vst v19;
	v19 =	vmul.f32 v40, v42  }
0x118: {  	v46 =	vld [tilespmem:$0x43F0];
	[tilespmem:$0x4380] =	vst v18;
	v18 =	vmul.f32 v41, v42  }
0x119: {  	v47 =	vld [tilespmem:$0x4400];
	[tilespmem:$0x4390] =	vst v19;
	v19 =	vmul.f32 v26, v42  }
0x11a: {  	v48 =	vld [tilespmem:$0x4410];
	[tilespmem:$0x43A0] =	vst v18;
	v18 =	vmul.f32 v43, v42  }
0x11b: {  	v49 =	vld [tilespmem:$0x4420];
	[tilespmem:$0x43B0] =	vst v19;
	v19 =	vmul.f32 v44, v42  }
0x11c: {  	v51 =	vld [tilespmem:$0x4430];
	v50 =	vperm.xlane v17, v3;
	[tilespmem:$0x43C0] =	vst v18;
	v18 =	vmul.f32 v45, v42  }
0x11d: {  	v52 =	vld [tilespmem:$0x4440];
	[tilespmem:$0x43D0] =	vst v19;
	v19 =	vmul.f32 v46, v42  }
0x11e: {  	v53 =	vld [tilespmem:$0x4450];
	[tilespmem:$0x43E0] =	vst v18;
	v18 =	vmul.f32 v47, v50  }
0x11f: {  	v54 =	vld [tilespmem:$0x4460];
	[tilespmem:$0x43F0] =	vst v19;
	v19 =	vmul.f32 v48, v50  }
0x120: {  	v55 =	vld [tilespmem:$0x4470];
	[tilespmem:$0x4400] =	vst v18;
	v18 =	vmul.f32 v49, v50  }
0x121: {  	v56 =	vld [tilespmem:$0x4480];
	[tilespmem:$0x4410] =	vst v19;
	v19 =	vmul.f32 v51, v50  }
0x122: {  	v57 =	vld [tilespmem:$0x4490];
	[tilespmem:$0x4420] =	vst v18;
	v18 =	vmul.f32 v52, v50  }
0x123: {  	v58 =	vld [tilespmem:$0x44A0];
	[tilespmem:$0x4430] =	vst v19;
	v19 =	vmul.f32 v53, v50  }
0x124: {  	v60 =	vld [tilespmem:$0x44B0];
	v59 =	vperm.xlane v17, v4;
	[tilespmem:$0x4440] =	vst v18;
	v18 =	vmul.f32 v54, v50  }
0x125: {  	v61 =	vld [tilespmem:$0x44C0];
	[tilespmem:$0x4450] =	vst v19;
	v19 =	vmul.f32 v55, v50  }
0x126: {  	v62 =	vld [tilespmem:$0x44D0];
	[tilespmem:$0x4460] =	vst v18;
	v18 =	vmul.f32 v56, v59  }
0x127: {  	v63 =	vld [tilespmem:$0x44E0];
	[tilespmem:$0x4470] =	vst v19;
	v19 =	vmul.f32 v57, v59  }
0x128: {  	v28 =	vld [tilespmem:$0x44F0];
	[tilespmem:$0x4480] =	vst v18;
	v18 =	vmul.f32 v58, v59  }
0x129: {  	v29 =	vld [tilespmem:$0x4500];
	[tilespmem:$0x4490] =	vst v19;
	v19 =	vmul.f32 v60, v59  }
0x12a: {  	v30 =	vld [tilespmem:$0x4510];
	[tilespmem:$0x44A0] =	vst v18;
	v18 =	vmul.f32 v61, v59  }
0x12b: {  	v31 =	vld [tilespmem:$0x4520];
	[tilespmem:$0x44B0] =	vst v19;
	v19 =	vmul.f32 v62, v59  }
0x12c: {  	v33 =	vld [tilespmem:$0x4530];
	v32 =	vperm.xlane v17, v5;
	[tilespmem:$0x44C0] =	vst v18;
	v18 =	vmul.f32 v63, v59  }
0x12d: {  	v34 =	vld [tilespmem:$0x4540];
	[tilespmem:$0x44D0] =	vst v19;
	v19 =	vmul.f32 v28, v59  }
0x12e: {  	v35 =	vld [tilespmem:$0x4550];
	[tilespmem:$0x44E0] =	vst v18;
	v18 =	vmul.f32 v29, v32  }
0x12f: {  	v36 =	vld [tilespmem:$0x4560];
	[tilespmem:$0x44F0] =	vst v19;
	v19 =	vmul.f32 v30, v32  }
0x130: {  	v37 =	vld [tilespmem:$0x4570];
	[tilespmem:$0x4500] =	vst v18;
	v18 =	vmul.f32 v31, v32  }
0x131: {  	v38 =	vld [tilespmem:$0x4580];
	[tilespmem:$0x4510] =	vst v19;
	v19 =	vmul.f32 v33, v32  }
0x132: {  	v39 =	vld [tilespmem:$0x4590];
	[tilespmem:$0x4520] =	vst v18;
	v18 =	vmul.f32 v34, v32  }
0x133: {  	v40 =	vld [tilespmem:$0x45A0];
	[tilespmem:$0x4530] =	vst v19;
	v19 =	vmul.f32 v35, v32  }
0x134: {  	v41 =	vperm.xlane v17, v6;
	v42 =	vld [tilespmem:$0x45B0];
	[tilespmem:$0x4540] =	vst v18;
	v18 =	vmul.f32 v36, v32  }
0x135: {  	v43 =	vld [tilespmem:$0x45C0];
	[tilespmem:$0x4550] =	vst v19;
	v19 =	vmul.f32 v37, v32  }
0x136: {  	v44 =	vld [tilespmem:$0x45D0];
	[tilespmem:$0x4560] =	vst v18;
	v18 =	vmul.f32 v38, v41  }
0x137: {  	v45 =	vld [tilespmem:$0x45E0];
	[tilespmem:$0x4570] =	vst v19;
	v19 =	vmul.f32 v39, v41  }
0x138: {  	v46 =	vld [tilespmem:$0x45F0];
	[tilespmem:$0x4580] =	vst v18;
	v18 =	vmul.f32 v40, v41  }
0x139: {  	v47 =	vld [tilespmem:$0x4600];
	[tilespmem:$0x4590] =	vst v19;
	v19 =	vmul.f32 v42, v41  }
0x13a: {  	v48 =	vld [tilespmem:$0x4610];
	[tilespmem:$0x45A0] =	vst v18;
	v18 =	vmul.f32 v43, v41  }
0x13b: {  	v49 =	vld [tilespmem:$0x4620];
	[tilespmem:$0x45B0] =	vst v19;
	v19 =	vmul.f32 v44, v41  }
0x13c: {  	v51 =	vld [tilespmem:$0x4630];
	v50 =	vperm.xlane v17, v7;
	[tilespmem:$0x45C0] =	vst v18;
	v18 =	vmul.f32 v45, v41  }
0x13d: {  	v52 =	vld [tilespmem:$0x4640];
	[tilespmem:$0x45D0] =	vst v19;
	v19 =	vmul.f32 v46, v41  }
0x13e: {  	v53 =	vld [tilespmem:$0x4650];
	[tilespmem:$0x45E0] =	vst v18;
	v18 =	vmul.f32 v47, v50  }
0x13f: {  	v54 =	vld [tilespmem:$0x4660];
	[tilespmem:$0x45F0] =	vst v19;
	v19 =	vmul.f32 v48, v50  }
0x140: {  	v55 =	vld [tilespmem:$0x4670];
	[tilespmem:$0x4600] =	vst v18;
	v18 =	vmul.f32 v49, v50  }
0x141: {  	v56 =	vld [tilespmem:$0x4680];
	[tilespmem:$0x4610] =	vst v19;
	v19 =	vmul.f32 v51, v50  }
0x142: {  	v57 =	vld [tilespmem:$0x4690];
	[tilespmem:$0x4620] =	vst v18;
	v18 =	vmul.f32 v52, v50  }
0x143: {  	v58 =	vld [tilespmem:$0x46A0];
	[tilespmem:$0x4630] =	vst v19;
	v19 =	vmul.f32 v53, v50  }
0x144: {  	v60 =	vld [tilespmem:$0x46B0];
	v59 =	vperm.xlane v17, v8;
	[tilespmem:$0x4640] =	vst v18;
	v18 =	vmul.f32 v54, v50  }
0x145: {  	v61 =	vld [tilespmem:$0x46C0];
	[tilespmem:$0x4650] =	vst v19;
	v19 =	vmul.f32 v55, v50  }
0x146: {  	v62 =	vld [tilespmem:$0x46D0];
	[tilespmem:$0x4660] =	vst v18;
	v18 =	vmul.f32 v56, v59  }
0x147: {  	v63 =	vld [tilespmem:$0x46E0];
	[tilespmem:$0x4670] =	vst v19;
	v19 =	vmul.f32 v57, v59  }
0x148: {  	v28 =	vld [tilespmem:$0x46F0];
	[tilespmem:$0x4680] =	vst v18;
	v18 =	vmul.f32 v58, v59  }
0x149: {  	v29 =	vld [tilespmem:$0x4700];
	[tilespmem:$0x4690] =	vst v19;
	v19 =	vmul.f32 v60, v59  }
0x14a: {  	v30 =	vld [tilespmem:$0x4710];
	[tilespmem:$0x46A0] =	vst v18;
	v18 =	vmul.f32 v61, v59  }
0x14b: {  	v31 =	vld [tilespmem:$0x4720];
	[tilespmem:$0x46B0] =	vst v19;
	v19 =	vmul.f32 v62, v59  }
0x14c: {  	v33 =	vld [tilespmem:$0x4730];
	v32 =	vperm.xlane v17, v9;
	[tilespmem:$0x46C0] =	vst v18;
	v18 =	vmul.f32 v63, v59  }
0x14d: {  	v34 =	vld [tilespmem:$0x4740];
	[tilespmem:$0x46D0] =	vst v19;
	v19 =	vmul.f32 v28, v59  }
0x14e: {  	v35 =	vld [tilespmem:$0x4750];
	[tilespmem:$0x46E0] =	vst v18;
	v18 =	vmul.f32 v29, v32  }
0x14f: {  	v36 =	vld [tilespmem:$0x4760];
	[tilespmem:$0x46F0] =	vst v19;
	v19 =	vmul.f32 v30, v32  }
0x150: {  	v37 =	vld [tilespmem:$0x4770];
	[tilespmem:$0x4700] =	vst v18;
	v18 =	vmul.f32 v31, v32  }
0x151: {  	v38 =	vld [tilespmem:$0x4780];
	[tilespmem:$0x4710] =	vst v19;
	v19 =	vmul.f32 v33, v32  }
0x152: {  	v39 =	vld [tilespmem:$0x4790];
	[tilespmem:$0x4720] =	vst v18;
	v18 =	vmul.f32 v34, v32  }
0x153: {  	v40 =	vld [tilespmem:$0x47A0];
	[tilespmem:$0x4730] =	vst v19;
	v19 =	vmul.f32 v35, v32  }
0x154: {  	v42 =	vld [tilespmem:$0x47B0];
	v41 =	vperm.xlane v17, v10;
	[tilespmem:$0x4740] =	vst v18;
	v18 =	vmul.f32 v36, v32  }
0x155: {  	v43 =	vld [tilespmem:$0x47C0];
	[tilespmem:$0x4750] =	vst v19;
	v19 =	vmul.f32 v37, v32  }
0x156: {  	v44 =	vld [tilespmem:$0x47D0];
	[tilespmem:$0x4760] =	vst v18;
	v18 =	vmul.f32 v38, v41  }
0x157: {  	v45 =	vld [tilespmem:$0x47E0];
	[tilespmem:$0x4770] =	vst v19;
	v19 =	vmul.f32 v39, v41  }
0x158: {  	v46 =	vld [tilespmem:$0x47F0];
	[tilespmem:$0x4780] =	vst v18;
	v18 =	vmul.f32 v40, v41  }
0x159: {  	v47 =	vld [tilespmem:$0x4800];
	[tilespmem:$0x4790] =	vst v19;
	v19 =	vmul.f32 v42, v41  }
0x15a: {  	v48 =	vld [tilespmem:$0x4810];
	[tilespmem:$0x47A0] =	vst v18;
	v18 =	vmul.f32 v43, v41  }
0x15b: {  	v49 =	vld [tilespmem:$0x4820];
	[tilespmem:$0x47B0] =	vst v19;
	v19 =	vmul.f32 v44, v41  }
0x15c: {  	v51 =	vld [tilespmem:$0x4830];
	v50 =	vperm.xlane v17, v11;
	[tilespmem:$0x47C0] =	vst v18;
	v18 =	vmul.f32 v45, v41  }
0x15d: {  	v52 =	vld [tilespmem:$0x4840];
	[tilespmem:$0x47D0] =	vst v19;
	v19 =	vmul.f32 v46, v41  }
0x15e: {  	v53 =	vld [tilespmem:$0x4850];
	[tilespmem:$0x47E0] =	vst v18;
	v18 =	vmul.f32 v47, v50  }
0x15f: {  	v54 =	vld [tilespmem:$0x4860];
	[tilespmem:$0x47F0] =	vst v19;
	v19 =	vmul.f32 v48, v50  }
0x160: {  	v55 =	vld [tilespmem:$0x4870];
	[tilespmem:$0x4800] =	vst v18;
	v18 =	vmul.f32 v49, v50  }
0x161: {  	v56 =	vld [tilespmem:$0x4880];
	[tilespmem:$0x4810] =	vst v19;
	v19 =	vmul.f32 v51, v50  }
0x162: {  	v57 =	vld [tilespmem:$0x4890];
	[tilespmem:$0x4820] =	vst v18;
	v18 =	vmul.f32 v52, v50  }
0x163: {  	v58 =	vld [tilespmem:$0x48A0];
	[tilespmem:$0x4830] =	vst v19;
	v19 =	vmul.f32 v53, v50  }
0x164: {  	v60 =	vld [tilespmem:$0x48B0];
	v59 =	vperm.xlane v17, v12;
	[tilespmem:$0x4840] =	vst v18;
	v18 =	vmul.f32 v54, v50  }
0x165: {  	v61 =	vld [tilespmem:$0x48C0];
	[tilespmem:$0x4850] =	vst v19;
	v19 =	vmul.f32 v55, v50  }
0x166: {  	v62 =	vld [tilespmem:$0x48D0];
	[tilespmem:$0x4860] =	vst v18;
	v18 =	vmul.f32 v56, v59  }
0x167: {  	v63 =	vld [tilespmem:$0x48E0];
	[tilespmem:$0x4870] =	vst v19;
	v19 =	vmul.f32 v57, v59  }
0x168: {  	v28 =	vld [tilespmem:$0x48F0];
	[tilespmem:$0x4880] =	vst v18;
	v18 =	vmul.f32 v58, v59  }
0x169: {  	v29 =	vld [tilespmem:$0x4900];
	[tilespmem:$0x4890] =	vst v19;
	v19 =	vmul.f32 v60, v59  }
0x16a: {  	v30 =	vld [tilespmem:$0x4910];
	[tilespmem:$0x48A0] =	vst v18;
	v18 =	vmul.f32 v61, v59  }
0x16b: {  	v31 =	vld [tilespmem:$0x4920];
	[tilespmem:$0x48B0] =	vst v19;
	v19 =	vmul.f32 v62, v59  }
0x16c: {  	v33 =	vld [tilespmem:$0x4930];
	v32 =	vperm.xlane v17, v13;
	[tilespmem:$0x48C0] =	vst v18;
	v18 =	vmul.f32 v63, v59  }
0x16d: {  	v34 =	vld [tilespmem:$0x4940];
	[tilespmem:$0x48D0] =	vst v19;
	v19 =	vmul.f32 v28, v59  }
0x16e: {  	v35 =	vld [tilespmem:$0x4950];
	[tilespmem:$0x48E0] =	vst v18;
	v18 =	vmul.f32 v29, v32  }
0x16f: {  	v36 =	vld [tilespmem:$0x4960];
	[tilespmem:$0x48F0] =	vst v19;
	v19 =	vmul.f32 v30, v32  }
0x170: {  	v37 =	vld [tilespmem:$0x4970];
	[tilespmem:$0x4900] =	vst v18;
	v18 =	vmul.f32 v31, v32  }
0x171: {  	v38 =	vld [tilespmem:$0x4980];
	[tilespmem:$0x4910] =	vst v19;
	v19 =	vmul.f32 v33, v32  }
0x172: {  	v39 =	vld [tilespmem:$0x4990];
	[tilespmem:$0x4920] =	vst v18;
	v18 =	vmul.f32 v34, v32  }
0x173: {  	v40 =	vld [tilespmem:$0x49A0];
	[tilespmem:$0x4930] =	vst v19;
	v19 =	vmul.f32 v35, v32  }
0x174: {  	v42 =	vld [tilespmem:$0x49B0];
	v41 =	vperm.xlane v17, v14;
	[tilespmem:$0x4940] =	vst v18;
	v18 =	vmul.f32 v36, v32  }
0x175: {  	v43 =	vld [tilespmem:$0x49C0];
	[tilespmem:$0x4950] =	vst v19;
	v19 =	vmul.f32 v37, v32  }
0x176: {  	v44 =	vld [tilespmem:$0x49D0];
	[tilespmem:$0x4960] =	vst v18;
	v18 =	vmul.f32 v38, v41  }
0x177: {  	v45 =	vld [tilespmem:$0x49E0];
	[tilespmem:$0x4970] =	vst v19;
	v19 =	vmul.f32 v39, v41  }
0x178: {  	v46 =	vld [tilespmem:$0x49F0];
	[tilespmem:$0x4980] =	vst v18;
	v18 =	vmul.f32 v40, v41  }
0x179: {  	v47 =	vld [tilespmem:$0x4A00];
	[tilespmem:$0x4990] =	vst v19;
	v19 =	vmul.f32 v42, v41  }
0x17a: {  	v48 =	vld [tilespmem:$0x4A10];
	[tilespmem:$0x49A0] =	vst v18;
	v18 =	vmul.f32 v43, v41  }
0x17b: {  	v49 =	vld [tilespmem:$0x4A20];
	[tilespmem:$0x49B0] =	vst v19;
	v19 =	vmul.f32 v44, v41  }
0x17c: {  	v51 =	vld [tilespmem:$0x4A30];
	v50 =	vperm.xlane v17, v15;
	[tilespmem:$0x49C0] =	vst v18;
	v18 =	vmul.f32 v45, v41  }
0x17d: {  	v52 =	vld [tilespmem:$0x4A40];
	[tilespmem:$0x49D0] =	vst v19;
	v19 =	vmul.f32 v46, v41  }
0x17e: {  	v53 =	vld [tilespmem:$0x4A50];
	[tilespmem:$0x49E0] =	vst v18;
	v18 =	vmul.f32 v47, v50  }
0x17f: {  	v54 =	vld [tilespmem:$0x4A60];
	[tilespmem:$0x49F0] =	vst v19;
	v19 =	vmul.f32 v48, v50  }
0x180: {  	v55 =	vld [tilespmem:$0x4A70];
	[tilespmem:$0x4A00] =	vst v18;
	v18 =	vmul.f32 v49, v50  }
0x181: {  	v56 =	vld [tilespmem:$0x4A80];
	[tilespmem:$0x4A10] =	vst v19;
	v19 =	vmul.f32 v51, v50  }
0x182: {  	v57 =	vld [tilespmem:$0x4A90];
	[tilespmem:$0x4A20] =	vst v18;
	v18 =	vmul.f32 v52, v50  }
0x183: {  	v58 =	vld [tilespmem:$0x4AA0];
	[tilespmem:$0x4A30] =	vst v19;
	v19 =	vmul.f32 v53, v50  }
0x184: {  	v17 =	vperm.xlane v17, v16;
	v59 =	vld [tilespmem:$0x4AB0];
	[tilespmem:$0x4A40] =	vst v18;
	v18 =	vmul.f32 v54, v50  }
0x185: {  	v60 =	vld [tilespmem:$0x4AC0];
	[tilespmem:$0x4A50] =	vst v19;
	v19 =	vmul.f32 v55, v50  }
0x186: {  	v61 =	vld [tilespmem:$0x4AD0];
	[tilespmem:$0x4A60] =	vst v18;
	v18 =	vmul.f32 v56, v17  }
0x187: {  	v62 =	vld [tilespmem:$0x4AE0];
	[tilespmem:$0x4A70] =	vst v19;
	v19 =	vmul.f32 v57, v17  }
0x188: {  	v63 =	vld [tilespmem:$0x4AF0];
	[tilespmem:$0x4A80] =	vst v18;
	v18 =	vmul.f32 v58, v17  }
0x189: {  	[tilespmem:$0x4A90] =	vst v19;
	v19 =	vmul.f32 v59, v17  }
0x18a: {  	[tilespmem:$0x4AA0] =	vst v18;
	v18 =	vmul.f32 v60, v17  }
0x18b: {  	[tilespmem:$0x4AB0] =	vst v19;
	v19 =	vmul.f32 v61, v17  }
0x18c: {  	[tilespmem:$0x4AC0] =	vst v18;
	v18 =	vmul.f32 v62, v17  }
0x18d: {  	[tilespmem:$0x4AD0] =	vst v19;
	v17 =	vmul.f32 v63, v17  }
0x18e: {  	[tilespmem:$0x4AE0] =	vst v18  }
0x18f: {  	[tilespmem:$0x4AF0] =	vst v17  }
0x190: {  	[spmem:s6] =	stream.indirect.scatter.add.f32 [tilespmem:s9], [sflag:$0x2], $0x80, s0, s5, $0xb8;
	[tilespmem:$0x18380] =	vst v63  }
0x191: {  	_ =	swait.ge [sflag:s25], $0x800  }
0x192: {  	[sflag:s25] =	ssyncset.done $0x0  }
0x193: {  	[sflag:s25] =	ssyncadd.s32 $0xFFFFF800  }
0x194: {  	s13 =	simm.s32 @p0 $0x1FC2;
	s12 =	sshrl.u32 @p0 s14, $0x3;
	[bflag:$0x0] =	sbarrier.arrive $0xFFFF  }
0x195: {  	[hbm:s23], [sflag:s13] =	dma.local @p0 [spmem:s12], $0x2080  }
0x196: {  	s12 =	simm.s32 @p0 $0x2  }
0x197: {  	s10 =	sadd.s32 $0x1, s10;
	s13 =	stileid.u32;
	_ =	swait.ge @p0 [sflag:s12], $0x2080  }
0x198: {  	p1 =	sne.s32 s10, s24;
	s13 =	sshll.u32 @!p0 s13, $0x6;
	[sflag:s12] =	ssyncset.done @p0 $0x0  }
0x199: {  	[sflag:s12] =	ssyncadd.s32 @p0 $0xFFFFDF80;
	s12 =	sor.u32 @!p0 $0x1C02, s13;
	s13 =	sshrl.u32 @!p0 s8, $0x3  }
0x19a: {  	[hbm:s22], [sflag:s12] =	dma.local @!p0 [spmem:s13], $0x2780  }
.Ltmp3:
0x19b: {  	_ = 	snop;
	(pc) =	sbr.rel @p1 .LBB2_1-.Ltmp3, $4  }
0x19c: {  	s12 =	simm.s32 @!p0 $0x2  }
0x19d: {  	_ =	swait.ge @!p0 [sflag:s12], $0x2780  }
0x19e: {  	[sflag:s12] =	ssyncset.done @!p0 $0x0  }
0x19f: {  	[sflag:s12] =	ssyncadd.s32 @!p0 $0xFFFFD880  }
0x1a0: {  	_ =	sfence.sel $0x180000  }
0x1a1: {  	[bflag:$0x0] =	sbarrier.arrive $0xFFFF  }
0x1a2: {  	_ =	strace $0x90000047  }
0x1a3: {  	s0 =	stileid.u32;
	[bflag:$0x2] =	sbarrier.arrive $0xFFFF  }
0x1a4: {  	p0 =	sne.s32 s0, $0x0;
	s0 =	rddreg [dreg:$0x5]  }
0x1a5: {  	s0 =	sadd.s32 @!p0 $0x100000, s0  }
0x1a6: {  	[sflag:s0] =	ssyncadd.tile.s32 @!p0 $0x1;
	_ =	shalt  }
.Lfunc_end2:
_tile_overlayer_lowered:
.L_overlay_start_2:
0x1a7: {  	(tag) =	ssettag $0x2  }
0x1a8: {  	s0 =	rddreg [dreg:$0x0];
	s2 =	stileid.u32  }
0x1a9: {  	s1 =	rddreg [dreg:$0x1];
	p0 =	sne.s32 s2, $0x0  }
0x1aa: {  	s3 =	rddreg [dreg:$0x2];
	[bflag:$0x3] =	sbarrier.arrive $0xFFFF;
	s2 =	simm.s32 @!p0 $0x1C02  }
0x1ab: {  	[timem:s3], [sflag:s2] =	dma.local @!p0 [hbm:s0], s1  }
0x1ac: {  	s0 =	simm.s32 @!p0 $0x2  }
0x1ad: {  	_ =	swait.ge @!p0 [sflag:s0], s1  }
0x1ae: {  	s1 =	ssub.s32 @!p0 $0x0, s1;
	[sflag:s0] =	ssyncset.done @!p0 $0x0  }
0x1af: {  	[sflag:s0] =	ssyncadd.s32 @!p0 s1  }
0x1b0: {  	[bflag:$0x3] =	sbarrier.arrive $0xFFFF  }
0x1b1: {  	_ =	shalt  }

</sc_bundles>
